<compile_context>
chip_gen: v7x
topology: tpu7x:2x2x1
jax: 0.10.2.dev20260603
libtpu: 0.0.44.dev20260713+nightly
codegen_flags: <defaults>
</compile_context>

<pallas_src>
import functools

import jax
import jax.numpy as jnp
from jax import lax
from jax.experimental import pallas as pl
from jax.experimental.pallas import tpu as pltpu
from jax.experimental.pallas import tpu_sc as plsc

_R, _C = 200, 16384
_NW = 32
_WC = _C // _NW
_CHR = 40
_NCH = _R // _CHR
_L = 16

_mesh = plsc.VectorSubcoreMesh(core_axis_name="c", subcore_axis_name="s")


@functools.partial(
    pl.kernel,
    mesh=_mesh,
    out_type=jax.ShapeDtypeStruct((_R, _C), jnp.float32),
    scratch_types=[
        pltpu.VMEM((_L,), jnp.float32),
        pltpu.VMEM((_CHR, _WC), jnp.int32),
        pltpu.VMEM((_CHR, _WC), jnp.int32),
        pltpu.VMEM((_CHR, _WC), jnp.int32),
        pltpu.VMEM((_CHR, _WC), jnp.float32),
        pltpu.VMEM((_CHR, _WC), jnp.float32),
        pltpu.VMEM((_CHR, _WC), jnp.float32),
        pltpu.SemaphoreType.DMA,
        pltpu.SemaphoreType.DMA,
        pltpu.SemaphoreType.DMA,
        pltpu.SemaphoreType.DMA,
        pltpu.SemaphoreType.DMA,
        pltpu.SemaphoreType.DMA,
    ],
    compiler_params=pltpu.CompilerParams(use_tc_tiling_on_sc=True),
)
def _select_kernel(in_hbm, a_hbm, out_hbm, a_v, in0, in1, in2, out0, out1,
                   out2, si0, si1, si2, so0, so1, so2):
    wid = lax.axis_index("s") * 2 + lax.axis_index("c")
    base = wid * _WC

    pltpu.sync_copy(a_hbm.at[pl.ds(0, _L)], a_v)
    av = a_v[...]
    a0 = jnp.broadcast_to(av[0], (_L,))
    a1 = jnp.broadcast_to(av[1], (_L,))

    in_bufs, out_bufs = (in0, in1, in2), (out0, out1, out2)
    in_sems, out_sems = (si0, si1, si2), (so0, so1, so2)

    def start_in(ch):
        return pltpu.async_copy(
            in_hbm.at[pl.ds(ch * _CHR, _CHR), pl.ds(base, _WC)],
            in_bufs[ch % 3], in_sems[ch % 3])

    descs_in = [None] * _NCH
    descs_out = [None] * _NCH
    descs_in[0] = start_in(0)
    descs_in[1] = start_in(1)
    for ch in range(_NCH):
        b = ch % 3
        if ch + 2 < _NCH:
            descs_in[ch + 2] = start_in(ch + 2)
        descs_in[ch].wait()
        if ch >= 3:
            descs_out[ch - 3].wait()
        in_v, out_v = in_bufs[b], out_bufs[b]

        @plsc.parallel_loop(0, _CHR, step=1, unroll=1)
        def body(r):
            for c in range(0, _WC, _L):
                x = in_v[r, pl.ds(c, _L)]
                out_v[r, pl.ds(c, _L)] = jnp.where(x > 0, a1, a0)

        descs_out[ch] = pltpu.async_copy(
            out_v, out_hbm.at[pl.ds(ch * _CHR, _CHR), pl.ds(base, _WC)],
            out_sems[b])
    descs_out[_NCH - 3].wait()
    descs_out[_NCH - 2].wait()
    descs_out[_NCH - 1].wait()


def kernel(input_tensor, A):
    return _select_kernel(input_tensor.T, A).T

# --- scband reference (transcript-rebuilt; emitter-appended) ---
"""Pipeline reference for scband-monotonic-module-72988674228816 (READ-ONLY COPY).

The authoritative reference and input builder live on the scoring server;
editing this copy changes nothing except your own understanding.
"""

import jax, jax.numpy as jnp
import numpy as np


def setup_inputs(seed: int = 0) -> dict:
    key = jax.random.key(seed)
    input_tensor = jax.random.randint(key, (16384, 200), 0, 300, dtype=jnp.int32)
    A_np = np.linspace(-50.0, 50.0, 300).astype(np.float32)
    A_np[0] = -100000000.0
    A = jnp.asarray(A_np, dtype=jnp.float32)
    return {"input_tensor": input_tensor, "A": A}


def reference(input_tensor, A):
    # Faithful translation of MonotonicModule.forward:
    # 1) flatten input, 2) clamp all positive indices to 1,
    # 3) index_select from A, 4) reshape back and cast to float32.
    input_flat = input_tensor.reshape(-1)
    input_flat = jnp.where(input_flat > 0, jnp.asarray(1, input_flat.dtype), input_flat)
    output_flat = jnp.take(A, input_flat, axis=0)
    output_tensor = output_flat.reshape(input_tensor.shape).astype(jnp.float32)
    return output_tensor

if __name__ == "__main__":
    import jax
    _d = setup_inputs()
    print(jax.jit(kernel)(*tuple(_d.values())))

</pallas_src>

<mosaic_0001>
#map = affine_map<(d0, d1) -> (0, 0)>
#map1 = affine_map<(d0, d1) -> (0)>
module attributes {stable_mosaic.version = 14 : i64} {
  func.func @_select_kernel(%arg0: i32, %arg1: i32, %arg2: memref<200x16384xi32, #tpu.memory_space<hbm>>, %arg3: memref<300xf32, #tpu.memory_space<hbm>>, %arg4: memref<200x16384xf32, #tpu.memory_space<hbm>>, %arg5: memref<16xf32, #tpu.memory_space<vmem>>, %arg6: memref<40x512xi32, #tpu.memory_space<vmem>>, %arg7: memref<40x512xi32, #tpu.memory_space<vmem>>, %arg8: memref<40x512xi32, #tpu.memory_space<vmem>>, %arg9: memref<40x512xf32, #tpu.memory_space<vmem>>, %arg10: memref<40x512xf32, #tpu.memory_space<vmem>>, %arg11: memref<40x512xf32, #tpu.memory_space<vmem>>, %arg12: memref<!tpu.dma_semaphore, #tpu.memory_space<semaphore_mem>>, %arg13: memref<!tpu.dma_semaphore, #tpu.memory_space<semaphore_mem>>, %arg14: memref<!tpu.dma_semaphore, #tpu.memory_space<semaphore_mem>>, %arg15: memref<!tpu.dma_semaphore, #tpu.memory_space<semaphore_mem>>, %arg16: memref<!tpu.dma_semaphore, #tpu.memory_space<semaphore_mem>>, %arg17: memref<!tpu.dma_semaphore, #tpu.memory_space<semaphore_mem>>) attributes {dimension_semantics = [#tpu.dimension_semantics<core_parallel>, #tpu.dimension_semantics<subcore_parallel>], iteration_bounds = array<i64: 2, 16>, scalar_prefetch = 0 : i64, scratch_operands = 13 : i64, tpu.core_type = #tpu.core_type<sc_vector_subcore>, window_params = [{transform_indices = #map}, {transform_indices = #map1}, {transform_indices = #map}]} {
    %mul3A = arith.constant 2 : i32
    %mul3A_0 = arith.muli %arg1, %mul3A : i32
    %add3A = arith.addi %mul3A_0, %arg0 : i32
    %mul3A_1 = arith.constant 512 : i32
    %mul3A_2 = arith.muli %add3A, %mul3A_1 : i32
    "tpu.region"() ({
      %run_scoped3A = tpu.sem_alloc : memref<!tpu.dma_semaphore, #tpu.memory_space<semaphore_mem>>
      %dma_start3A_100 = arith.constant 0 : i32
      %dma_start3A_101 = tpu.memref_slice %arg3[%dma_start3A_100] : memref<300xf32, #tpu.memory_space<hbm>> -> memref<16xf32, #tpu.memory_space<hbm>>
      %dma_start3A_102 = arith.constant 0 : i32
      %dma_start3A_103 = tpu.memref_slice %arg3[%dma_start3A_102] : memref<300xf32, #tpu.memory_space<hbm>> -> memref<16xf32, #tpu.memory_space<hbm>>
      tpu.enqueue_dma source(%dma_start3A_103 : memref<16xf32, #tpu.memory_space<hbm>>) target(%arg5 : memref<16xf32, #tpu.memory_space<vmem>>) target_semaphore(%run_scoped3A : memref<!tpu.dma_semaphore, #tpu.memory_space<semaphore_mem>>)
      %dma_wait3A_104 = arith.constant 0 : i32
      %dma_wait3A_105 = tpu.memref_slice %arg3[%dma_wait3A_104] : memref<300xf32, #tpu.memory_space<hbm>> -> memref<16xf32, #tpu.memory_space<hbm>>
      %dma_wait3A_106 = arith.constant 0 : i32
      %dma_wait3A_107 = tpu.memref_slice %arg3[%dma_wait3A_106] : memref<300xf32, #tpu.memory_space<hbm>> -> memref<16xf32, #tpu.memory_space<hbm>>
      tpu.wait_dma2 semaphore(%run_scoped3A : memref<!tpu.dma_semaphore, #tpu.memory_space<semaphore_mem>>) src(%dma_wait3A_107 : memref<16xf32, #tpu.memory_space<hbm>>) dst(%arg5 : memref<16xf32, #tpu.memory_space<vmem>>)
      tpu.yield
    }) : () -> ()
    %get3A = arith.constant 0 : index
    %get3A_3 = tpu.vector_load %arg5[%get3A] {strides = array<i32>} : memref<16xf32, #tpu.memory_space<vmem>>, vector<16xf32>,
    %get3A_4 = vector.shape_cast %get3A_3 : vector<16xf32> to vector<16xf32>
    %slice3A = vector.extract_strided_slice %get3A_4 {offsets = [0], sizes = [1], strides = [1]} : vector<16xf32> to vector<1xf32>
    %squeeze3A = vector.extract %slice3A[0] : f32 from vector<1xf32>
    %broadcast_in_dim3A = vector.broadcast %squeeze3A : f32 to vector<16xf32>
    %slice3A_5 = vector.extract_strided_slice %get3A_4 {offsets = [1], sizes = [1], strides = [1]} : vector<16xf32> to vector<1xf32>
    %squeeze3A_6 = vector.extract %slice3A_5[0] : f32 from vector<1xf32>
    %broadcast_in_dim3A_7 = vector.broadcast %squeeze3A_6 : f32 to vector<16xf32>
    %dma_start3A = arith.constant 0 : i32
    %dma_start3A_8 = tpu.memref_slice %arg2[%dma_start3A, %mul3A_2] : memref<200x16384xi32, #tpu.memory_space<hbm>> -> memref<40x512xi32, #tpu.memory_space<hbm>>
    %dma_start3A_9 = arith.constant 0 : i32
    %dma_start3A_10 = tpu.memref_slice %arg2[%dma_start3A_9, %mul3A_2] : memref<200x16384xi32, #tpu.memory_space<hbm>> -> memref<40x512xi32, #tpu.memory_space<hbm>>
    tpu.enqueue_dma source(%dma_start3A_10 : memref<40x512xi32, #tpu.memory_space<hbm>>) target(%arg6 : memref<40x512xi32, #tpu.memory_space<vmem>>) target_semaphore(%arg12 : memref<!tpu.dma_semaphore, #tpu.memory_space<semaphore_mem>>)
    %dma_start3A_11 = arith.constant 40 : i32
    %dma_start3A_12 = tpu.memref_slice %arg2[%dma_start3A_11, %mul3A_2] : memref<200x16384xi32, #tpu.memory_space<hbm>> -> memref<40x512xi32, #tpu.memory_space<hbm>>
    %dma_start3A_13 = arith.constant 40 : i32
    %dma_start3A_14 = tpu.memref_slice %arg2[%dma_start3A_13, %mul3A_2] : memref<200x16384xi32, #tpu.memory_space<hbm>> -> memref<40x512xi32, #tpu.memory_space<hbm>>
    tpu.enqueue_dma source(%dma_start3A_14 : memref<40x512xi32, #tpu.memory_space<hbm>>) target(%arg7 : memref<40x512xi32, #tpu.memory_space<vmem>>) target_semaphore(%arg13 : memref<!tpu.dma_semaphore, #tpu.memory_space<semaphore_mem>>)
    %dma_start3A_15 = arith.constant 80 : i32
    %dma_start3A_16 = tpu.memref_slice %arg2[%dma_start3A_15, %mul3A_2] : memref<200x16384xi32, #tpu.memory_space<hbm>> -> memref<40x512xi32, #tpu.memory_space<hbm>>
    %dma_start3A_17 = arith.constant 80 : i32
    %dma_start3A_18 = tpu.memref_slice %arg2[%dma_start3A_17, %mul3A_2] : memref<200x16384xi32, #tpu.memory_space<hbm>> -> memref<40x512xi32, #tpu.memory_space<hbm>>
    tpu.enqueue_dma source(%dma_start3A_18 : memref<40x512xi32, #tpu.memory_space<hbm>>) target(%arg8 : memref<40x512xi32, #tpu.memory_space<vmem>>) target_semaphore(%arg14 : memref<!tpu.dma_semaphore, #tpu.memory_space<semaphore_mem>>)
    %dma_wait3A = arith.constant 0 : i32
    %dma_wait3A_19 = tpu.memref_slice %arg2[%dma_wait3A, %mul3A_2] : memref<200x16384xi32, #tpu.memory_space<hbm>> -> memref<40x512xi32, #tpu.memory_space<hbm>>
    %dma_wait3A_20 = arith.constant 0 : i32
    %dma_wait3A_21 = tpu.memref_slice %arg2[%dma_wait3A_20, %mul3A_2] : memref<200x16384xi32, #tpu.memory_space<hbm>> -> memref<40x512xi32, #tpu.memory_space<hbm>>
    tpu.wait_dma2 semaphore(%arg12 : memref<!tpu.dma_semaphore, #tpu.memory_space<semaphore_mem>>) src(%dma_wait3A_21 : memref<40x512xi32, #tpu.memory_space<hbm>>) dst(%arg6 : memref<40x512xi32, #tpu.memory_space<vmem>>)
    %parallel_loop3A = arith.constant 0 : i32
    %parallel_loop3A_22 = arith.constant 40 : i32
    %parallel_loop3A_23 = arith.constant 1 : i32
    scf.for %parallel_loop3A_100 = %parallel_loop3A to %parallel_loop3A_22 step %parallel_loop3A_23  : i32 {
      %parallel_loop3A_101 = arith.index_cast %parallel_loop3A_100 : i32 to index
      %parallel_loop3A_102 = arith.constant 0 : index
      %parallel_loop3A_103 = tpu.vector_load %arg6[%parallel_loop3A_101, %parallel_loop3A_102] {strides = array<i32>} : memref<40x512xi32, #tpu.memory_space<vmem>>, vector<1x16xi32>,
      %parallel_loop3A_104 = vector.shape_cast %parallel_loop3A_103 : vector<1x16xi32> to vector<16xi32>
      %parallel_loop3A_105 = arith.constant 0 : i32
      %parallel_loop3A_106 = vector.broadcast %parallel_loop3A_105 : i32 to vector<16xi32>
      %parallel_loop3A_107 = arith.cmpi sgt, %parallel_loop3A_104, %parallel_loop3A_106 : vector<16xi32>
      %parallel_loop3A_108 = arith.select %parallel_loop3A_107, %broadcast_in_dim3A_7, %broadcast_in_dim3A : vector<16xi1>, vector<16xf32>
      %parallel_loop3A_109 = arith.index_cast %parallel_loop3A_100 : i32 to index
      %parallel_loop3A_110 = arith.constant 0 : index
      %parallel_loop3A_111 = tpu.vector_load %arg9[%parallel_loop3A_109, %parallel_loop3A_110] {strides = array<i32>} : memref<40x512xf32, #tpu.memory_space<vmem>>, vector<1x16xf32>,
      %parallel_loop3A_112 = vector.shape_cast %parallel_loop3A_111 : vector<1x16xf32> to vector<16xf32>
      %parallel_loop3A_113 = vector.shape_cast %parallel_loop3A_108 : vector<16xf32> to vector<1x16xf32>
      tpu.vector_store %arg9[%parallel_loop3A_109, %parallel_loop3A_110], %parallel_loop3A_113 {strides = array<i32>} : memref<40x512xf32, #tpu.memory_space<vmem>>, vector<1x16xf32>,
      %parallel_loop3A_114 = arith.index_cast %parallel_loop3A_100 : i32 to index
      %parallel_loop3A_115 = arith.constant 16 : index
      %parallel_loop3A_116 = tpu.vector_load %arg6[%parallel_loop3A_114, %parallel_loop3A_115] {strides = array<i32>} : memref<40x512xi32, #tpu.memory_space<vmem>>, vector<1x16xi32>,
      %parallel_loop3A_117 = vector.shape_cast %parallel_loop3A_116 : vector<1x16xi32> to vector<16xi32>
      %parallel_loop3A_118 = arith.constant 0 : i32
      %parallel_loop3A_119 = vector.broadcast %parallel_loop3A_118 : i32 to vector<16xi32>
      %parallel_loop3A_120 = arith.cmpi sgt, %parallel_loop3A_117, %parallel_loop3A_119 : vector<16xi32>
      %parallel_loop3A_121 = arith.select %parallel_loop3A_120, %broadcast_in_dim3A_7, %broadcast_in_dim3A : vector<16xi1>, vector<16xf32>
      %parallel_loop3A_122 = arith.index_cast %parallel_loop3A_100 : i32 to index
      %parallel_loop3A_123 = arith.constant 16 : index
      %parallel_loop3A_124 = tpu.vector_load %arg9[%parallel_loop3A_122, %parallel_loop3A_123] {strides = array<i32>} : memref<40x512xf32, #tpu.memory_space<vmem>>, vector<1x16xf32>,
      %parallel_loop3A_125 = vector.shape_cast %parallel_loop3A_124 : vector<1x16xf32> to vector<16xf32>
      %parallel_loop3A_126 = vector.shape_cast %parallel_loop3A_121 : vector<16xf32> to vector<1x16xf32>
      tpu.vector_store %arg9[%parallel_loop3A_122, %parallel_loop3A_123], %parallel_loop3A_126 {strides = array<i32>} : memref<40x512xf32, #tpu.memory_space<vmem>>, vector<1x16xf32>,
      %parallel_loop3A_127 = arith.index_cast %parallel_loop3A_100 : i32 to index
      %parallel_loop3A_128 = arith.constant 32 : index
      %parallel_loop3A_129 = tpu.vector_load %arg6[%parallel_loop3A_127, %parallel_loop3A_128] {strides = array<i32>} : memref<40x512xi32, #tpu.memory_space<vmem>>, vector<1x16xi32>,
      %parallel_loop3A_130 = vector.shape_cast %parallel_loop3A_129 : vector<1x16xi32> to vector<16xi32>
      %parallel_loop3A_131 = arith.constant 0 : i32
      %parallel_loop3A_132 = vector.broadcast %parallel_loop3A_131 : i32 to vector<16xi32>
      %parallel_loop3A_133 = arith.cmpi sgt, %parallel_loop3A_130, %parallel_loop3A_132 : vector<16xi32>
      %parallel_loop3A_134 = arith.select %parallel_loop3A_133, %broadcast_in_dim3A_7, %broadcast_in_dim3A : vector<16xi1>, vector<16xf32>
      %parallel_loop3A_135 = arith.index_cast %parallel_loop3A_100 : i32 to index
      %parallel_loop3A_136 = arith.constant 32 : index
      %parallel_loop3A_137 = tpu.vector_load %arg9[%parallel_loop3A_135, %parallel_loop3A_136] {strides = array<i32>} : memref<40x512xf32, #tpu.memory_space<vmem>>, vector<1x16xf32>,
      %parallel_loop3A_138 = vector.shape_cast %parallel_loop3A_137 : vector<1x16xf32> to vector<16xf32>
      %parallel_loop3A_139 = vector.shape_cast %parallel_loop3A_134 : vector<16xf32> to vector<1x16xf32>
      tpu.vector_store %arg9[%parallel_loop3A_135, %parallel_loop3A_136], %parallel_loop3A_139 {strides = array<i32>} : memref<40x512xf32, #tpu.memory_space<vmem>>, vector<1x16xf32>,
      %parallel_loop3A_140 = arith.index_cast %parallel_loop3A_100 : i32 to index
      %parallel_loop3A_141 = arith.constant 48 : index
      %parallel_loop3A_142 = tpu.vector_load %arg6[%parallel_loop3A_140, %parallel_loop3A_141] {strides = array<i32>} : memref<40x512xi32, #tpu.memory_space<vmem>>, vector<1x16xi32>,
      %parallel_loop3A_143 = vector.shape_cast %parallel_loop3A_142 : vector<1x16xi32> to vector<16xi32>
      %parallel_loop3A_144 = arith.constant 0 : i32
      %parallel_loop3A_145 = vector.broadcast %parallel_loop3A_144 : i32 to vector<16xi32>
      %parallel_loop3A_146 = arith.cmpi sgt, %parallel_loop3A_143, %parallel_loop3A_145 : vector<16xi32>
      %parallel_loop3A_147 = arith.select %parallel_loop3A_146, %broadcast_in_dim3A_7, %broadcast_in_dim3A : vector<16xi1>, vector<16xf32>
      %parallel_loop3A_148 = arith.index_cast %parallel_loop3A_100 : i32 to index
      %parallel_loop3A_149 = arith.constant 48 : index
      %parallel_loop3A_150 = tpu.vector_load %arg9[%parallel_loop3A_148, %parallel_loop3A_149] {strides = array<i32>} : memref<40x512xf32, #tpu.memory_space<vmem>>, vector<1x16xf32>,
      %parallel_loop3A_151 = vector.shape_cast %parallel_loop3A_150 : vector<1x16xf32> to vector<16xf32>
      %parallel_loop3A_152 = vector.shape_cast %parallel_loop3A_147 : vector<16xf32> to vector<1x16xf32>
      tpu.vector_store %arg9[%parallel_loop3A_148, %parallel_loop3A_149], %parallel_loop3A_152 {strides = array<i32>} : memref<40x512xf32, #tpu.memory_space<vmem>>, vector<1x16xf32>,
      %parallel_loop3A_153 = arith.index_cast %parallel_loop3A_100 : i32 to index
      %parallel_loop3A_154 = arith.constant 64 : index
      %parallel_loop3A_155 = tpu.vector_load %arg6[%parallel_loop3A_153, %parallel_loop3A_154] {strides = array<i32>} : memref<40x512xi32, #tpu.memory_space<vmem>>, vector<1x16xi32>,
      %parallel_loop3A_156 = vector.shape_cast %parallel_loop3A_155 : vector<1x16xi32> to vector<16xi32>
      %parallel_loop3A_157 = arith.constant 0 : i32
      %parallel_loop3A_158 = vector.broadcast %parallel_loop3A_157 : i32 to vector<16xi32>
      %parallel_loop3A_159 = arith.cmpi sgt, %parallel_loop3A_156, %parallel_loop3A_158 : vector<16xi32>
      %parallel_loop3A_160 = arith.select %parallel_loop3A_159, %broadcast_in_dim3A_7, %broadcast_in_dim3A : vector<16xi1>, vector<16xf32>
      %parallel_loop3A_161 = arith.index_cast %parallel_loop3A_100 : i32 to index
      %parallel_loop3A_162 = arith.constant 64 : index
      %parallel_loop3A_163 = tpu.vector_load %arg9[%parallel_loop3A_161, %parallel_loop3A_162] {strides = array<i32>} : memref<40x512xf32, #tpu.memory_space<vmem>>, vector<1x16xf32>,
      %parallel_loop3A_164 = vector.shape_cast %parallel_loop3A_163 : vector<1x16xf32> to vector<16xf32>
      %parallel_loop3A_165 = vector.shape_cast %parallel_loop3A_160 : vector<16xf32> to vector<1x16xf32>
      tpu.vector_store %arg9[%parallel_loop3A_161, %parallel_loop3A_162], %parallel_loop3A_165 {strides = array<i32>} : memref<40x512xf32, #tpu.memory_space<vmem>>, vector<1x16xf32>,
      %parallel_loop3A_166 = arith.index_cast %parallel_loop3A_100 : i32 to index
      %parallel_loop3A_167 = arith.constant 80 : index
      %parallel_loop3A_168 = tpu.vector_load %arg6[%parallel_loop3A_166, %parallel_loop3A_167] {strides = array<i32>} : memref<40x512xi32, #tpu.memory_space<vmem>>, vector<1x16xi32>,
      %parallel_loop3A_169 = vector.shape_cast %parallel_loop3A_168 : vector<1x16xi32> to vector<16xi32>
      %parallel_loop3A_170 = arith.constant 0 : i32
      %parallel_loop3A_171 = vector.broadcast %parallel_loop3A_170 : i32 to vector<16xi32>
      %parallel_loop3A_172 = arith.cmpi sgt, %parallel_loop3A_169, %parallel_loop3A_171 : vector<16xi32>
      %parallel_loop3A_173 = arith.select %parallel_loop3A_172, %broadcast_in_dim3A_7, %broadcast_in_dim3A : vector<16xi1>, vector<16xf32>
      %parallel_loop3A_174 = arith.index_cast %parallel_loop3A_100 : i32 to index
      %parallel_loop3A_175 = arith.constant 80 : index
      %parallel_loop3A_176 = tpu.vector_load %arg9[%parallel_loop3A_174, %parallel_loop3A_175] {strides = array<i32>} : memref<40x512xf32, #tpu.memory_space<vmem>>, vector<1x16xf32>,
      %parallel_loop3A_177 = vector.shape_cast %parallel_loop3A_176 : vector<1x16xf32> to vector<16xf32>
      %parallel_loop3A_178 = vector.shape_cast %parallel_loop3A_173 : vector<16xf32> to vector<1x16xf32>
      tpu.vector_store %arg9[%parallel_loop3A_174, %parallel_loop3A_175], %parallel_loop3A_178 {strides = array<i32>} : memref<40x512xf32, #tpu.memory_space<vmem>>, vector<1x16xf32>,
      %parallel_loop3A_179 = arith.index_cast %parallel_loop3A_100 : i32 to index
      %parallel_loop3A_180 = arith.constant 96 : index
      %parallel_loop3A_181 = tpu.vector_load %arg6[%parallel_loop3A_179, %parallel_loop3A_180] {strides = array<i32>} : memref<40x512xi32, #tpu.memory_space<vmem>>, vector<1x16xi32>,
      %parallel_loop3A_182 = vector.shape_cast %parallel_loop3A_181 : vector<1x16xi32> to vector<16xi32>
      %parallel_loop3A_183 = arith.constant 0 : i32
      %parallel_loop3A_184 = vector.broadcast %parallel_loop3A_183 : i32 to vector<16xi32>
      %parallel_loop3A_185 = arith.cmpi sgt, %parallel_loop3A_182, %parallel_loop3A_184 : vector<16xi32>
      %parallel_loop3A_186 = arith.select %parallel_loop3A_185, %broadcast_in_dim3A_7, %broadcast_in_dim3A : vector<16xi1>, vector<16xf32>
      %parallel_loop3A_187 = arith.index_cast %parallel_loop3A_100 : i32 to index
      %parallel_loop3A_188 = arith.constant 96 : index
      %parallel_loop3A_189 = tpu.vector_load %arg9[%parallel_loop3A_187, %parallel_loop3A_188] {strides = array<i32>} : memref<40x512xf32, #tpu.memory_space<vmem>>, vector<1x16xf32>,
      %parallel_loop3A_190 = vector.shape_cast %parallel_loop3A_189 : vector<1x16xf32> to vector<16xf32>
      %parallel_loop3A_191 = vector.shape_cast %parallel_loop3A_186 : vector<16xf32> to vector<1x16xf32>
      tpu.vector_store %arg9[%parallel_loop3A_187, %parallel_loop3A_188], %parallel_loop3A_191 {strides = array<i32>} : memref<40x512xf32, #tpu.memory_space<vmem>>, vector<1x16xf32>,
      %parallel_loop3A_192 = arith.index_cast %parallel_loop3A_100 : i32 to index
      %parallel_loop3A_193 = arith.constant 112 : index
      %parallel_loop3A_194 = tpu.vector_load %arg6[%parallel_loop3A_192, %parallel_loop3A_193] {strides = array<i32>} : memref<40x512xi32, #tpu.memory_space<vmem>>, vector<1x16xi32>,
      %parallel_loop3A_195 = vector.shape_cast %parallel_loop3A_194 : vector<1x16xi32> to vector<16xi32>
      %parallel_loop3A_196 = arith.constant 0 : i32
      %parallel_loop3A_197 = vector.broadcast %parallel_loop3A_196 : i32 to vector<16xi32>
      %parallel_loop3A_198 = arith.cmpi sgt, %parallel_loop3A_195, %parallel_loop3A_197 : vector<16xi32>
      %parallel_loop3A_199 = arith.select %parallel_loop3A_198, %broadcast_in_dim3A_7, %broadcast_in_dim3A : vector<16xi1>, vector<16xf32>
      %parallel_loop3A_200 = arith.index_cast %parallel_loop3A_100 : i32 to index
      %parallel_loop3A_201 = arith.constant 112 : index
      %parallel_loop3A_202 = tpu.vector_load %arg9[%parallel_loop3A_200, %parallel_loop3A_201] {strides = array<i32>} : memref<40x512xf32, #tpu.memory_space<vmem>>, vector<1x16xf32>,
      %parallel_loop3A_203 = vector.shape_cast %parallel_loop3A_202 : vector<1x16xf32> to vector<16xf32>
      %parallel_loop3A_204 = vector.shape_cast %parallel_loop3A_199 : vector<16xf32> to vector<1x16xf32>
      tpu.vector_store %arg9[%parallel_loop3A_200, %parallel_loop3A_201], %parallel_loop3A_204 {strides = array<i32>} : memref<40x512xf32, #tpu.memory_space<vmem>>, vector<1x16xf32>,
      %parallel_loop3A_205 = arith.index_cast %parallel_loop3A_100 : i32 to index
      %parallel_loop3A_206 = arith.constant 128 : index
      %parallel_loop3A_207 = tpu.vector_load %arg6[%parallel_loop3A_205, %parallel_loop3A_206] {strides = array<i32>} : memref<40x512xi32, #tpu.memory_space<vmem>>, vector<1x16xi32>,
      %parallel_loop3A_208 = vector.shape_cast %parallel_loop3A_207 : vector<1x16xi32> to vector<16xi32>
      %parallel_loop3A_209 = arith.constant 0 : i32
      %parallel_loop3A_210 = vector.broadcast %parallel_loop3A_209 : i32 to vector<16xi32>
      %parallel_loop3A_211 = arith.cmpi sgt, %parallel_loop3A_208, %parallel_loop3A_210 : vector<16xi32>
      %parallel_loop3A_212 = arith.select %parallel_loop3A_211, %broadcast_in_dim3A_7, %broadcast_in_dim3A : vector<16xi1>, vector<16xf32>
      %parallel_loop3A_213 = arith.index_cast %parallel_loop3A_100 : i32 to index
      %parallel_loop3A_214 = arith.constant 128 : index
      %parallel_loop3A_215 = tpu.vector_load %arg9[%parallel_loop3A_213, %parallel_loop3A_214] {strides = array<i32>} : memref<40x512xf32, #tpu.memory_space<vmem>>, vector<1x16xf32>,
      %parallel_loop3A_216 = vector.shape_cast %parallel_loop3A_215 : vector<1x16xf32> to vector<16xf32>
      %parallel_loop3A_217 = vector.shape_cast %parallel_loop3A_212 : vector<16xf32> to vector<1x16xf32>
      tpu.vector_store %arg9[%parallel_loop3A_213, %parallel_loop3A_214], %parallel_loop3A_217 {strides = array<i32>} : memref<40x512xf32, #tpu.memory_space<vmem>>, vector<1x16xf32>,
      %parallel_loop3A_218 = arith.index_cast %parallel_loop3A_100 : i32 to index
      %parallel_loop3A_219 = arith.constant 144 : index
      %parallel_loop3A_220 = tpu.vector_load %arg6[%parallel_loop3A_218, %parallel_loop3A_219] {strides = array<i32>} : memref<40x512xi32, #tpu.memory_space<vmem>>, vector<1x16xi32>,
      %parallel_loop3A_221 = vector.shape_cast %parallel_loop3A_220 : vector<1x16xi32> to vector<16xi32>
      %parallel_loop3A_222 = arith.constant 0 : i32
      %parallel_loop3A_223 = vector.broadcast %parallel_loop3A_222 : i32 to vector<16xi32>
      %parallel_loop3A_224 = arith.cmpi sgt, %parallel_loop3A_221, %parallel_loop3A_223 : vector<16xi32>
      %parallel_loop3A_225 = arith.select %parallel_loop3A_224, %broadcast_in_dim3A_7, %broadcast_in_dim3A : vector<16xi1>, vector<16xf32>
      %parallel_loop3A_226 = arith.index_cast %parallel_loop3A_100 : i32 to index
      %parallel_loop3A_227 = arith.constant 144 : index
      %parallel_loop3A_228 = tpu.vector_load %arg9[%parallel_loop3A_226, %parallel_loop3A_227] {strides = array<i32>} : memref<40x512xf32, #tpu.memory_space<vmem>>, vector<1x16xf32>,
      %parallel_loop3A_229 = vector.shape_cast %parallel_loop3A_228 : vector<1x16xf32> to vector<16xf32>
      %parallel_loop3A_230 = vector.shape_cast %parallel_loop3A_225 : vector<16xf32> to vector<1x16xf32>
      tpu.vector_store %arg9[%parallel_loop3A_226, %parallel_loop3A_227], %parallel_loop3A_230 {strides = array<i32>} : memref<40x512xf32, #tpu.memory_space<vmem>>, vector<1x16xf32>,
      %parallel_loop3A_231 = arith.index_cast %parallel_loop3A_100 : i32 to index
      %parallel_loop3A_232 = arith.constant 160 : index
      %parallel_loop3A_233 = tpu.vector_load %arg6[%parallel_loop3A_231, %parallel_loop3A_232] {strides = array<i32>} : memref<40x512xi32, #tpu.memory_space<vmem>>, vector<1x16xi32>,
      %parallel_loop3A_234 = vector.shape_cast %parallel_loop3A_233 : vector<1x16xi32> to vector<16xi32>
      %parallel_loop3A_235 = arith.constant 0 : i32
      %parallel_loop3A_236 = vector.broadcast %parallel_loop3A_235 : i32 to vector<16xi32>
      %parallel_loop3A_237 = arith.cmpi sgt, %parallel_loop3A_234, %parallel_loop3A_236 : vector<16xi32>
      %parallel_loop3A_238 = arith.select %parallel_loop3A_237, %broadcast_in_dim3A_7, %broadcast_in_dim3A : vector<16xi1>, vector<16xf32>
      %parallel_loop3A_239 = arith.index_cast %parallel_loop3A_100 : i32 to index
      %parallel_loop3A_240 = arith.constant 160 : index
      %parallel_loop3A_241 = tpu.vector_load %arg9[%parallel_loop3A_239, %parallel_loop3A_240] {strides = array<i32>} : memref<40x512xf32, #tpu.memory_space<vmem>>, vector<1x16xf32>,
      %parallel_loop3A_242 = vector.shape_cast %parallel_loop3A_241 : vector<1x16xf32> to vector<16xf32>
      %parallel_loop3A_243 = vector.shape_cast %parallel_loop3A_238 : vector<16xf32> to vector<1x16xf32>
      tpu.vector_store %arg9[%parallel_loop3A_239, %parallel_loop3A_240], %parallel_loop3A_243 {strides = array<i32>} : memref<40x512xf32, #tpu.memory_space<vmem>>, vector<1x16xf32>,
      %parallel_loop3A_244 = arith.index_cast %parallel_loop3A_100 : i32 to index
      %parallel_loop3A_245 = arith.constant 176 : index
      %parallel_loop3A_246 = tpu.vector_load %arg6[%parallel_loop3A_244, %parallel_loop3A_245] {strides = array<i32>} : memref<40x512xi32, #tpu.memory_space<vmem>>, vector<1x16xi32>,
      %parallel_loop3A_247 = vector.shape_cast %parallel_loop3A_246 : vector<1x16xi32> to vector<16xi32>
      %parallel_loop3A_248 = arith.constant 0 : i32
      %parallel_loop3A_249 = vector.broadcast %parallel_loop3A_248 : i32 to vector<16xi32>
      %parallel_loop3A_250 = arith.cmpi sgt, %parallel_loop3A_247, %parallel_loop3A_249 : vector<16xi32>
      %parallel_loop3A_251 = arith.select %parallel_loop3A_250, %broadcast_in_dim3A_7, %broadcast_in_dim3A : vector<16xi1>, vector<16xf32>
      %parallel_loop3A_252 = arith.index_cast %parallel_loop3A_100 : i32 to index
      %parallel_loop3A_253 = arith.constant 176 : index
      %parallel_loop3A_254 = tpu.vector_load %arg9[%parallel_loop3A_252, %parallel_loop3A_253] {strides = array<i32>} : memref<40x512xf32, #tpu.memory_space<vmem>>, vector<1x16xf32>,
      %parallel_loop3A_255 = vector.shape_cast %parallel_loop3A_254 : vector<1x16xf32> to vector<16xf32>
      %parallel_loop3A_256 = vector.shape_cast %parallel_loop3A_251 : vector<16xf32> to vector<1x16xf32>
      tpu.vector_store %arg9[%parallel_loop3A_252, %parallel_loop3A_253], %parallel_loop3A_256 {strides = array<i32>} : memref<40x512xf32, #tpu.memory_space<vmem>>, vector<1x16xf32>,
      %parallel_loop3A_257 = arith.index_cast %parallel_loop3A_100 : i32 to index
      %parallel_loop3A_258 = arith.constant 192 : index
      %parallel_loop3A_259 = tpu.vector_load %arg6[%parallel_loop3A_257, %parallel_loop3A_258] {strides = array<i32>} : memref<40x512xi32, #tpu.memory_space<vmem>>, vector<1x16xi32>,
      %parallel_loop3A_260 = vector.shape_cast %parallel_loop3A_259 : vector<1x16xi32> to vector<16xi32>
      %parallel_loop3A_261 = arith.constant 0 : i32
      %parallel_loop3A_262 = vector.broadcast %parallel_loop3A_261 : i32 to vector<16xi32>
      %parallel_loop3A_263 = arith.cmpi sgt, %parallel_loop3A_260, %parallel_loop3A_262 : vector<16xi32>
      %parallel_loop3A_264 = arith.select %parallel_loop3A_263, %broadcast_in_dim3A_7, %broadcast_in_dim3A : vector<16xi1>, vector<16xf32>
      %parallel_loop3A_265 = arith.index_cast %parallel_loop3A_100 : i32 to index
      %parallel_loop3A_266 = arith.constant 192 : index
      %parallel_loop3A_267 = tpu.vector_load %arg9[%parallel_loop3A_265, %parallel_loop3A_266] {strides = array<i32>} : memref<40x512xf32, #tpu.memory_space<vmem>>, vector<1x16xf32>,
      %parallel_loop3A_268 = vector.shape_cast %parallel_loop3A_267 : vector<1x16xf32> to vector<16xf32>
      %parallel_loop3A_269 = vector.shape_cast %parallel_loop3A_264 : vector<16xf32> to vector<1x16xf32>
      tpu.vector_store %arg9[%parallel_loop3A_265, %parallel_loop3A_266], %parallel_loop3A_269 {strides = array<i32>} : memref<40x512xf32, #tpu.memory_space<vmem>>, vector<1x16xf32>,
      %parallel_loop3A_270 = arith.index_cast %parallel_loop3A_100 : i32 to index
      %parallel_loop3A_271 = arith.constant 208 : index
      %parallel_loop3A_272 = tpu.vector_load %arg6[%parallel_loop3A_270, %parallel_loop3A_271] {strides = array<i32>} : memref<40x512xi32, #tpu.memory_space<vmem>>, vector<1x16xi32>,
      %parallel_loop3A_273 = vector.shape_cast %parallel_loop3A_272 : vector<1x16xi32> to vector<16xi32>
      %parallel_loop3A_274 = arith.constant 0 : i32
      %parallel_loop3A_275 = vector.broadcast %parallel_loop3A_274 : i32 to vector<16xi32>
      %parallel_loop3A_276 = arith.cmpi sgt, %parallel_loop3A_273, %parallel_loop3A_275 : vector<16xi32>
      %parallel_loop3A_277 = arith.select %parallel_loop3A_276, %broadcast_in_dim3A_7, %broadcast_in_dim3A : vector<16xi1>, vector<16xf32>
      %parallel_loop3A_278 = arith.index_cast %parallel_loop3A_100 : i32 to index
      %parallel_loop3A_279 = arith.constant 208 : index
      %parallel_loop3A_280 = tpu.vector_load %arg9[%parallel_loop3A_278, %parallel_loop3A_279] {strides = array<i32>} : memref<40x512xf32, #tpu.memory_space<vmem>>, vector<1x16xf32>,
      %parallel_loop3A_281 = vector.shape_cast %parallel_loop3A_280 : vector<1x16xf32> to vector<16xf32>
      %parallel_loop3A_282 = vector.shape_cast %parallel_loop3A_277 : vector<16xf32> to vector<1x16xf32>
      tpu.vector_store %arg9[%parallel_loop3A_278, %parallel_loop3A_279], %parallel_loop3A_282 {strides = array<i32>} : memref<40x512xf32, #tpu.memory_space<vmem>>, vector<1x16xf32>,
      %parallel_loop3A_283 = arith.index_cast %parallel_loop3A_100 : i32 to index
      %parallel_loop3A_284 = arith.constant 224 : index
      %parallel_loop3A_285 = tpu.vector_load %arg6[%parallel_loop3A_283, %parallel_loop3A_284] {strides = array<i32>} : memref<40x512xi32, #tpu.memory_space<vmem>>, vector<1x16xi32>,
      %parallel_loop3A_286 = vector.shape_cast %parallel_loop3A_285 : vector<1x16xi32> to vector<16xi32>
      %parallel_loop3A_287 = arith.constant 0 : i32
      %parallel_loop3A_288 = vector.broadcast %parallel_loop3A_287 : i32 to vector<16xi32>
      %parallel_loop3A_289 = arith.cmpi sgt, %parallel_loop3A_286, %parallel_loop3A_288 : vector<16xi32>
      %parallel_loop3A_290 = arith.select %parallel_loop3A_289, %broadcast_in_dim3A_7, %broadcast_in_dim3A : vector<16xi1>, vector<16xf32>
      %parallel_loop3A_291 = arith.index_cast %parallel_loop3A_100 : i32 to index
      %parallel_loop3A_292 = arith.constant 224 : index
      %parallel_loop3A_293 = tpu.vector_load %arg9[%parallel_loop3A_291, %parallel_loop3A_292] {strides = array<i32>} : memref<40x512xf32, #tpu.memory_space<vmem>>, vector<1x16xf32>,
      %parallel_loop3A_294 = vector.shape_cast %parallel_loop3A_293 : vector<1x16xf32> to vector<16xf32>
      %parallel_loop3A_295 = vector.shape_cast %parallel_loop3A_290 : vector<16xf32> to vector<1x16xf32>
      tpu.vector_store %arg9[%parallel_loop3A_291, %parallel_loop3A_292], %parallel_loop3A_295 {strides = array<i32>} : memref<40x512xf32, #tpu.memory_space<vmem>>, vector<1x16xf32>,
      %parallel_loop3A_296 = arith.index_cast %parallel_loop3A_100 : i32 to index
      %parallel_loop3A_297 = arith.constant 240 : index
      %parallel_loop3A_298 = tpu.vector_load %arg6[%parallel_loop3A_296, %parallel_loop3A_297] {strides = array<i32>} : memref<40x512xi32, #tpu.memory_space<vmem>>, vector<1x16xi32>,
      %parallel_loop3A_299 = vector.shape_cast %parallel_loop3A_298 : vector<1x16xi32> to vector<16xi32>
      %parallel_loop3A_300 = arith.constant 0 : i32
      %parallel_loop3A_301 = vector.broadcast %parallel_loop3A_300 : i32 to vector<16xi32>
      %parallel_loop3A_302 = arith.cmpi sgt, %parallel_loop3A_299, %parallel_loop3A_301 : vector<16xi32>
      %parallel_loop3A_303 = arith.select %parallel_loop3A_302, %broadcast_in_dim3A_7, %broadcast_in_dim3A : vector<16xi1>, vector<16xf32>
      %parallel_loop3A_304 = arith.index_cast %parallel_loop3A_100 : i32 to index
      %parallel_loop3A_305 = arith.constant 240 : index
      %parallel_loop3A_306 = tpu.vector_load %arg9[%parallel_loop3A_304, %parallel_loop3A_305] {strides = array<i32>} : memref<40x512xf32, #tpu.memory_space<vmem>>, vector<1x16xf32>,
      %parallel_loop3A_307 = vector.shape_cast %parallel_loop3A_306 : vector<1x16xf32> to vector<16xf32>
      %parallel_loop3A_308 = vector.shape_cast %parallel_loop3A_303 : vector<16xf32> to vector<1x16xf32>
      tpu.vector_store %arg9[%parallel_loop3A_304, %parallel_loop3A_305], %parallel_loop3A_308 {strides = array<i32>} : memref<40x512xf32, #tpu.memory_space<vmem>>, vector<1x16xf32>,
      %parallel_loop3A_309 = arith.index_cast %parallel_loop3A_100 : i32 to index
      %parallel_loop3A_310 = arith.constant 256 : index
      %parallel_loop3A_311 = tpu.vector_load %arg6[%parallel_loop3A_309, %parallel_loop3A_310] {strides = array<i32>} : memref<40x512xi32, #tpu.memory_space<vmem>>, vector<1x16xi32>,
      %parallel_loop3A_312 = vector.shape_cast %parallel_loop3A_311 : vector<1x16xi32> to vector<16xi32>
      %parallel_loop3A_313 = arith.constant 0 : i32
      %parallel_loop3A_314 = vector.broadcast %parallel_loop3A_313 : i32 to vector<16xi32>
      %parallel_loop3A_315 = arith.cmpi sgt, %parallel_loop3A_312, %parallel_loop3A_314 : vector<16xi32>
      %parallel_loop3A_316 = arith.select %parallel_loop3A_315, %broadcast_in_dim3A_7, %broadcast_in_dim3A : vector<16xi1>, vector<16xf32>
      %parallel_loop3A_317 = arith.index_cast %parallel_loop3A_100 : i32 to index
      %parallel_loop3A_318 = arith.constant 256 : index
      %parallel_loop3A_319 = tpu.vector_load %arg9[%parallel_loop3A_317, %parallel_loop3A_318] {strides = array<i32>} : memref<40x512xf32, #tpu.memory_space<vmem>>, vector<1x16xf32>,
      %parallel_loop3A_320 = vector.shape_cast %parallel_loop3A_319 : vector<1x16xf32> to vector<16xf32>
      %parallel_loop3A_321 = vector.shape_cast %parallel_loop3A_316 : vector<16xf32> to vector<1x16xf32>
      tpu.vector_store %arg9[%parallel_loop3A_317, %parallel_loop3A_318], %parallel_loop3A_321 {strides = array<i32>} : memref<40x512xf32, #tpu.memory_space<vmem>>, vector<1x16xf32>,
      %parallel_loop3A_322 = arith.index_cast %parallel_loop3A_100 : i32 to index
      %parallel_loop3A_323 = arith.constant 272 : index
      %parallel_loop3A_324 = tpu.vector_load %arg6[%parallel_loop3A_322, %parallel_loop3A_323] {strides = array<i32>} : memref<40x512xi32, #tpu.memory_space<vmem>>, vector<1x16xi32>,
      %parallel_loop3A_325 = vector.shape_cast %parallel_loop3A_324 : vector<1x16xi32> to vector<16xi32>
      %parallel_loop3A_326 = arith.constant 0 : i32
      %parallel_loop3A_327 = vector.broadcast %parallel_loop3A_326 : i32 to vector<16xi32>
      %parallel_loop3A_328 = arith.cmpi sgt, %parallel_loop3A_325, %parallel_loop3A_327 : vector<16xi32>
      %parallel_loop3A_329 = arith.select %parallel_loop3A_328, %broadcast_in_dim3A_7, %broadcast_in_dim3A : vector<16xi1>, vector<16xf32>
      %parallel_loop3A_330 = arith.index_cast %parallel_loop3A_100 : i32 to index
      %parallel_loop3A_331 = arith.constant 272 : index
      %parallel_loop3A_332 = tpu.vector_load %arg9[%parallel_loop3A_330, %parallel_loop3A_331] {strides = array<i32>} : memref<40x512xf32, #tpu.memory_space<vmem>>, vector<1x16xf32>,
      %parallel_loop3A_333 = vector.shape_cast %parallel_loop3A_332 : vector<1x16xf32> to vector<16xf32>
      %parallel_loop3A_334 = vector.shape_cast %parallel_loop3A_329 : vector<16xf32> to vector<1x16xf32>
      tpu.vector_store %arg9[%parallel_loop3A_330, %parallel_loop3A_331], %parallel_loop3A_334 {strides = array<i32>} : memref<40x512xf32, #tpu.memory_space<vmem>>, vector<1x16xf32>,
      %parallel_loop3A_335 = arith.index_cast %parallel_loop3A_100 : i32 to index
      %parallel_loop3A_336 = arith.constant 288 : index
      %parallel_loop3A_337 = tpu.vector_load %arg6[%parallel_loop3A_335, %parallel_loop3A_336] {strides = array<i32>} : memref<40x512xi32, #tpu.memory_space<vmem>>, vector<1x16xi32>,
      %parallel_loop3A_338 = vector.shape_cast %parallel_loop3A_337 : vector<1x16xi32> to vector<16xi32>
      %parallel_loop3A_339 = arith.constant 0 : i32
      %parallel_loop3A_340 = vector.broadcast %parallel_loop3A_339 : i32 to vector<16xi32>
      %parallel_loop3A_341 = arith.cmpi sgt, %parallel_loop3A_338, %parallel_loop3A_340 : vector<16xi32>
      %parallel_loop3A_342 = arith.select %parallel_loop3A_341, %broadcast_in_dim3A_7, %broadcast_in_dim3A : vector<16xi1>, vector<16xf32>
      %parallel_loop3A_343 = arith.index_cast %parallel_loop3A_100 : i32 to index
      %parallel_loop3A_344 = arith.constant 288 : index
      %parallel_loop3A_345 = tpu.vector_load %arg9[%parallel_loop3A_343, %parallel_loop3A_344] {strides = array<i32>} : memref<40x512xf32, #tpu.memory_space<vmem>>, vector<1x16xf32>,
      %parallel_loop3A_346 = vector.shape_cast %parallel_loop3A_345 : vector<1x16xf32> to vector<16xf32>
      %parallel_loop3A_347 = vector.shape_cast %parallel_loop3A_342 : vector<16xf32> to vector<1x16xf32>
      tpu.vector_store %arg9[%parallel_loop3A_343, %parallel_loop3A_344], %parallel_loop3A_347 {strides = array<i32>} : memref<40x512xf32, #tpu.memory_space<vmem>>, vector<1x16xf32>,
      %parallel_loop3A_348 = arith.index_cast %parallel_loop3A_100 : i32 to index
      %parallel_loop3A_349 = arith.constant 304 : index
      %parallel_loop3A_350 = tpu.vector_load %arg6[%parallel_loop3A_348, %parallel_loop3A_349] {strides = array<i32>} : memref<40x512xi32, #tpu.memory_space<vmem>>, vector<1x16xi32>,
      %parallel_loop3A_351 = vector.shape_cast %parallel_loop3A_350 : vector<1x16xi32> to vector<16xi32>
      %parallel_loop3A_352 = arith.constant 0 : i32
      %parallel_loop3A_353 = vector.broadcast %parallel_loop3A_352 : i32 to vector<16xi32>
      %parallel_loop3A_354 = arith.cmpi sgt, %parallel_loop3A_351, %parallel_loop3A_353 : vector<16xi32>
      %parallel_loop3A_355 = arith.select %parallel_loop3A_354, %broadcast_in_dim3A_7, %broadcast_in_dim3A : vector<16xi1>, vector<16xf32>
      %parallel_loop3A_356 = arith.index_cast %parallel_loop3A_100 : i32 to index
      %parallel_loop3A_357 = arith.constant 304 : index
      %parallel_loop3A_358 = tpu.vector_load %arg9[%parallel_loop3A_356, %parallel_loop3A_357] {strides = array<i32>} : memref<40x512xf32, #tpu.memory_space<vmem>>, vector<1x16xf32>,
      %parallel_loop3A_359 = vector.shape_cast %parallel_loop3A_358 : vector<1x16xf32> to vector<16xf32>
      %parallel_loop3A_360 = vector.shape_cast %parallel_loop3A_355 : vector<16xf32> to vector<1x16xf32>
      tpu.vector_store %arg9[%parallel_loop3A_356, %parallel_loop3A_357], %parallel_loop3A_360 {strides = array<i32>} : memref<40x512xf32, #tpu.memory_space<vmem>>, vector<1x16xf32>,
      %parallel_loop3A_361 = arith.index_cast %parallel_loop3A_100 : i32 to index
      %parallel_loop3A_362 = arith.constant 320 : index
      %parallel_loop3A_363 = tpu.vector_load %arg6[%parallel_loop3A_361, %parallel_loop3A_362] {strides = array<i32>} : memref<40x512xi32, #tpu.memory_space<vmem>>, vector<1x16xi32>,
      %parallel_loop3A_364 = vector.shape_cast %parallel_loop3A_363 : vector<1x16xi32> to vector<16xi32>
      %parallel_loop3A_365 = arith.constant 0 : i32
      %parallel_loop3A_366 = vector.broadcast %parallel_loop3A_365 : i32 to vector<16xi32>
      %parallel_loop3A_367 = arith.cmpi sgt, %parallel_loop3A_364, %parallel_loop3A_366 : vector<16xi32>
      %parallel_loop3A_368 = arith.select %parallel_loop3A_367, %broadcast_in_dim3A_7, %broadcast_in_dim3A : vector<16xi1>, vector<16xf32>
      %parallel_loop3A_369 = arith.index_cast %parallel_loop3A_100 : i32 to index
      %parallel_loop3A_370 = arith.constant 320 : index
      %parallel_loop3A_371 = tpu.vector_load %arg9[%parallel_loop3A_369, %parallel_loop3A_370] {strides = array<i32>} : memref<40x512xf32, #tpu.memory_space<vmem>>, vector<1x16xf32>,
      %parallel_loop3A_372 = vector.shape_cast %parallel_loop3A_371 : vector<1x16xf32> to vector<16xf32>
      %parallel_loop3A_373 = vector.shape_cast %parallel_loop3A_368 : vector<16xf32> to vector<1x16xf32>
      tpu.vector_store %arg9[%parallel_loop3A_369, %parallel_loop3A_370], %parallel_loop3A_373 {strides = array<i32>} : memref<40x512xf32, #tpu.memory_space<vmem>>, vector<1x16xf32>,
      %parallel_loop3A_374 = arith.index_cast %parallel_loop3A_100 : i32 to index
      %parallel_loop3A_375 = arith.constant 336 : index
      %parallel_loop3A_376 = tpu.vector_load %arg6[%parallel_loop3A_374, %parallel_loop3A_375] {strides = array<i32>} : memref<40x512xi32, #tpu.memory_space<vmem>>, vector<1x16xi32>,
      %parallel_loop3A_377 = vector.shape_cast %parallel_loop3A_376 : vector<1x16xi32> to vector<16xi32>
      %parallel_loop3A_378 = arith.constant 0 : i32
      %parallel_loop3A_379 = vector.broadcast %parallel_loop3A_378 : i32 to vector<16xi32>
      %parallel_loop3A_380 = arith.cmpi sgt, %parallel_loop3A_377, %parallel_loop3A_379 : vector<16xi32>
      %parallel_loop3A_381 = arith.select %parallel_loop3A_380, %broadcast_in_dim3A_7, %broadcast_in_dim3A : vector<16xi1>, vector<16xf32>
      %parallel_loop3A_382 = arith.index_cast %parallel_loop3A_100 : i32 to index
      %parallel_loop3A_383 = arith.constant 336 : index
      %parallel_loop3A_384 = tpu.vector_load %arg9[%parallel_loop3A_382, %parallel_loop3A_383] {strides = array<i32>} : memref<40x512xf32, #tpu.memory_space<vmem>>, vector<1x16xf32>,
      %parallel_loop3A_385 = vector.shape_cast %parallel_loop3A_384 : vector<1x16xf32> to vector<16xf32>
      %parallel_loop3A_386 = vector.shape_cast %parallel_loop3A_381 : vector<16xf32> to vector<1x16xf32>
      tpu.vector_store %arg9[%parallel_loop3A_382, %parallel_loop3A_383], %parallel_loop3A_386 {strides = array<i32>} : memref<40x512xf32, #tpu.memory_space<vmem>>, vector<1x16xf32>,
      %parallel_loop3A_387 = arith.index_cast %parallel_loop3A_100 : i32 to index
      %parallel_loop3A_388 = arith.constant 352 : index
      %parallel_loop3A_389 = tpu.vector_load %arg6[%parallel_loop3A_387, %parallel_loop3A_388] {strides = array<i32>} : memref<40x512xi32, #tpu.memory_space<vmem>>, vector<1x16xi32>,
      %parallel_loop3A_390 = vector.shape_cast %parallel_loop3A_389 : vector<1x16xi32> to vector<16xi32>
      %parallel_loop3A_391 = arith.constant 0 : i32
      %parallel_loop3A_392 = vector.broadcast %parallel_loop3A_391 : i32 to vector<16xi32>
      %parallel_loop3A_393 = arith.cmpi sgt, %parallel_loop3A_390, %parallel_loop3A_392 : vector<16xi32>
      %parallel_loop3A_394 = arith.select %parallel_loop3A_393, %broadcast_in_dim3A_7, %broadcast_in_dim3A : vector<16xi1>, vector<16xf32>
      %parallel_loop3A_395 = arith.index_cast %parallel_loop3A_100 : i32 to index
      %parallel_loop3A_396 = arith.constant 352 : index
      %parallel_loop3A_397 = tpu.vector_load %arg9[%parallel_loop3A_395, %parallel_loop3A_396] {strides = array<i32>} : memref<40x512xf32, #tpu.memory_space<vmem>>, vector<1x16xf32>,
      %parallel_loop3A_398 = vector.shape_cast %parallel_loop3A_397 : vector<1x16xf32> to vector<16xf32>
      %parallel_loop3A_399 = vector.shape_cast %parallel_loop3A_394 : vector<16xf32> to vector<1x16xf32>
      tpu.vector_store %arg9[%parallel_loop3A_395, %parallel_loop3A_396], %parallel_loop3A_399 {strides = array<i32>} : memref<40x512xf32, #tpu.memory_space<vmem>>, vector<1x16xf32>,
      %parallel_loop3A_400 = arith.index_cast %parallel_loop3A_100 : i32 to index
      %parallel_loop3A_401 = arith.constant 368 : index
      %parallel_loop3A_402 = tpu.vector_load %arg6[%parallel_loop3A_400, %parallel_loop3A_401] {strides = array<i32>} : memref<40x512xi32, #tpu.memory_space<vmem>>, vector<1x16xi32>,
      %parallel_loop3A_403 = vector.shape_cast %parallel_loop3A_402 : vector<1x16xi32> to vector<16xi32>
      %parallel_loop3A_404 = arith.constant 0 : i32
      %parallel_loop3A_405 = vector.broadcast %parallel_loop3A_404 : i32 to vector<16xi32>
      %parallel_loop3A_406 = arith.cmpi sgt, %parallel_loop3A_403, %parallel_loop3A_405 : vector<16xi32>
      %parallel_loop3A_407 = arith.select %parallel_loop3A_406, %broadcast_in_dim3A_7, %broadcast_in_dim3A : vector<16xi1>, vector<16xf32>
      %parallel_loop3A_408 = arith.index_cast %parallel_loop3A_100 : i32 to index
      %parallel_loop3A_409 = arith.constant 368 : index
      %parallel_loop3A_410 = tpu.vector_load %arg9[%parallel_loop3A_408, %parallel_loop3A_409] {strides = array<i32>} : memref<40x512xf32, #tpu.memory_space<vmem>>, vector<1x16xf32>,
      %parallel_loop3A_411 = vector.shape_cast %parallel_loop3A_410 : vector<1x16xf32> to vector<16xf32>
      %parallel_loop3A_412 = vector.shape_cast %parallel_loop3A_407 : vector<16xf32> to vector<1x16xf32>
      tpu.vector_store %arg9[%parallel_loop3A_408, %parallel_loop3A_409], %parallel_loop3A_412 {strides = array<i32>} : memref<40x512xf32, #tpu.memory_space<vmem>>, vector<1x16xf32>,
      %parallel_loop3A_413 = arith.index_cast %parallel_loop3A_100 : i32 to index
      %parallel_loop3A_414 = arith.constant 384 : index
      %parallel_loop3A_415 = tpu.vector_load %arg6[%parallel_loop3A_413, %parallel_loop3A_414] {strides = array<i32>} : memref<40x512xi32, #tpu.memory_space<vmem>>, vector<1x16xi32>,
      %parallel_loop3A_416 = vector.shape_cast %parallel_loop3A_415 : vector<1x16xi32> to vector<16xi32>
      %parallel_loop3A_417 = arith.constant 0 : i32
      %parallel_loop3A_418 = vector.broadcast %parallel_loop3A_417 : i32 to vector<16xi32>
      %parallel_loop3A_419 = arith.cmpi sgt, %parallel_loop3A_416, %parallel_loop3A_418 : vector<16xi32>
      %parallel_loop3A_420 = arith.select %parallel_loop3A_419, %broadcast_in_dim3A_7, %broadcast_in_dim3A : vector<16xi1>, vector<16xf32>
      %parallel_loop3A_421 = arith.index_cast %parallel_loop3A_100 : i32 to index
      %parallel_loop3A_422 = arith.constant 384 : index
      %parallel_loop3A_423 = tpu.vector_load %arg9[%parallel_loop3A_421, %parallel_loop3A_422] {strides = array<i32>} : memref<40x512xf32, #tpu.memory_space<vmem>>, vector<1x16xf32>,
      %parallel_loop3A_424 = vector.shape_cast %parallel_loop3A_423 : vector<1x16xf32> to vector<16xf32>
      %parallel_loop3A_425 = vector.shape_cast %parallel_loop3A_420 : vector<16xf32> to vector<1x16xf32>
      tpu.vector_store %arg9[%parallel_loop3A_421, %parallel_loop3A_422], %parallel_loop3A_425 {strides = array<i32>} : memref<40x512xf32, #tpu.memory_space<vmem>>, vector<1x16xf32>,
      %parallel_loop3A_426 = arith.index_cast %parallel_loop3A_100 : i32 to index
      %parallel_loop3A_427 = arith.constant 400 : index
      %parallel_loop3A_428 = tpu.vector_load %arg6[%parallel_loop3A_426, %parallel_loop3A_427] {strides = array<i32>} : memref<40x512xi32, #tpu.memory_space<vmem>>, vector<1x16xi32>,
      %parallel_loop3A_429 = vector.shape_cast %parallel_loop3A_428 : vector<1x16xi32> to vector<16xi32>
      %parallel_loop3A_430 = arith.constant 0 : i32
      %parallel_loop3A_431 = vector.broadcast %parallel_loop3A_430 : i32 to vector<16xi32>
      %parallel_loop3A_432 = arith.cmpi sgt, %parallel_loop3A_429, %parallel_loop3A_431 : vector<16xi32>
      %parallel_loop3A_433 = arith.select %parallel_loop3A_432, %broadcast_in_dim3A_7, %broadcast_in_dim3A : vector<16xi1>, vector<16xf32>
      %parallel_loop3A_434 = arith.index_cast %parallel_loop3A_100 : i32 to index
      %parallel_loop3A_435 = arith.constant 400 : index
      %parallel_loop3A_436 = tpu.vector_load %arg9[%parallel_loop3A_434, %parallel_loop3A_435] {strides = array<i32>} : memref<40x512xf32, #tpu.memory_space<vmem>>, vector<1x16xf32>,
      %parallel_loop3A_437 = vector.shape_cast %parallel_loop3A_436 : vector<1x16xf32> to vector<16xf32>
      %parallel_loop3A_438 = vector.shape_cast %parallel_loop3A_433 : vector<16xf32> to vector<1x16xf32>
      tpu.vector_store %arg9[%parallel_loop3A_434, %parallel_loop3A_435], %parallel_loop3A_438 {strides = array<i32>} : memref<40x512xf32, #tpu.memory_space<vmem>>, vector<1x16xf32>,
      %parallel_loop3A_439 = arith.index_cast %parallel_loop3A_100 : i32 to index
      %parallel_loop3A_440 = arith.constant 416 : index
      %parallel_loop3A_441 = tpu.vector_load %arg6[%parallel_loop3A_439, %parallel_loop3A_440] {strides = array<i32>} : memref<40x512xi32, #tpu.memory_space<vmem>>, vector<1x16xi32>,
      %parallel_loop3A_442 = vector.shape_cast %parallel_loop3A_441 : vector<1x16xi32> to vector<16xi32>
      %parallel_loop3A_443 = arith.constant 0 : i32
      %parallel_loop3A_444 = vector.broadcast %parallel_loop3A_443 : i32 to vector<16xi32>
      %parallel_loop3A_445 = arith.cmpi sgt, %parallel_loop3A_442, %parallel_loop3A_444 : vector<16xi32>
      %parallel_loop3A_446 = arith.select %parallel_loop3A_445, %broadcast_in_dim3A_7, %broadcast_in_dim3A : vector<16xi1>, vector<16xf32>
      %parallel_loop3A_447 = arith.index_cast %parallel_loop3A_100 : i32 to index
      %parallel_loop3A_448 = arith.constant 416 : index
      %parallel_loop3A_449 = tpu.vector_load %arg9[%parallel_loop3A_447, %parallel_loop3A_448] {strides = array<i32>} : memref<40x512xf32, #tpu.memory_space<vmem>>, vector<1x16xf32>,
      %parallel_loop3A_450 = vector.shape_cast %parallel_loop3A_449 : vector<1x16xf32> to vector<16xf32>
      %parallel_loop3A_451 = vector.shape_cast %parallel_loop3A_446 : vector<16xf32> to vector<1x16xf32>
      tpu.vector_store %arg9[%parallel_loop3A_447, %parallel_loop3A_448], %parallel_loop3A_451 {strides = array<i32>} : memref<40x512xf32, #tpu.memory_space<vmem>>, vector<1x16xf32>,
      %parallel_loop3A_452 = arith.index_cast %parallel_loop3A_100 : i32 to index
      %parallel_loop3A_453 = arith.constant 432 : index
      %parallel_loop3A_454 = tpu.vector_load %arg6[%parallel_loop3A_452, %parallel_loop3A_453] {strides = array<i32>} : memref<40x512xi32, #tpu.memory_space<vmem>>, vector<1x16xi32>,
      %parallel_loop3A_455 = vector.shape_cast %parallel_loop3A_454 : vector<1x16xi32> to vector<16xi32>
      %parallel_loop3A_456 = arith.constant 0 : i32
      %parallel_loop3A_457 = vector.broadcast %parallel_loop3A_456 : i32 to vector<16xi32>
      %parallel_loop3A_458 = arith.cmpi sgt, %parallel_loop3A_455, %parallel_loop3A_457 : vector<16xi32>
      %parallel_loop3A_459 = arith.select %parallel_loop3A_458, %broadcast_in_dim3A_7, %broadcast_in_dim3A : vector<16xi1>, vector<16xf32>
      %parallel_loop3A_460 = arith.index_cast %parallel_loop3A_100 : i32 to index
      %parallel_loop3A_461 = arith.constant 432 : index
      %parallel_loop3A_462 = tpu.vector_load %arg9[%parallel_loop3A_460, %parallel_loop3A_461] {strides = array<i32>} : memref<40x512xf32, #tpu.memory_space<vmem>>, vector<1x16xf32>,
      %parallel_loop3A_463 = vector.shape_cast %parallel_loop3A_462 : vector<1x16xf32> to vector<16xf32>
      %parallel_loop3A_464 = vector.shape_cast %parallel_loop3A_459 : vector<16xf32> to vector<1x16xf32>
      tpu.vector_store %arg9[%parallel_loop3A_460, %parallel_loop3A_461], %parallel_loop3A_464 {strides = array<i32>} : memref<40x512xf32, #tpu.memory_space<vmem>>, vector<1x16xf32>,
      %parallel_loop3A_465 = arith.index_cast %parallel_loop3A_100 : i32 to index
      %parallel_loop3A_466 = arith.constant 448 : index
      %parallel_loop3A_467 = tpu.vector_load %arg6[%parallel_loop3A_465, %parallel_loop3A_466] {strides = array<i32>} : memref<40x512xi32, #tpu.memory_space<vmem>>, vector<1x16xi32>,
      %parallel_loop3A_468 = vector.shape_cast %parallel_loop3A_467 : vector<1x16xi32> to vector<16xi32>
      %parallel_loop3A_469 = arith.constant 0 : i32
      %parallel_loop3A_470 = vector.broadcast %parallel_loop3A_469 : i32 to vector<16xi32>
      %parallel_loop3A_471 = arith.cmpi sgt, %parallel_loop3A_468, %parallel_loop3A_470 : vector<16xi32>
      %parallel_loop3A_472 = arith.select %parallel_loop3A_471, %broadcast_in_dim3A_7, %broadcast_in_dim3A : vector<16xi1>, vector<16xf32>
      %parallel_loop3A_473 = arith.index_cast %parallel_loop3A_100 : i32 to index
      %parallel_loop3A_474 = arith.constant 448 : index
      %parallel_loop3A_475 = tpu.vector_load %arg9[%parallel_loop3A_473, %parallel_loop3A_474] {strides = array<i32>} : memref<40x512xf32, #tpu.memory_space<vmem>>, vector<1x16xf32>,
      %parallel_loop3A_476 = vector.shape_cast %parallel_loop3A_475 : vector<1x16xf32> to vector<16xf32>
      %parallel_loop3A_477 = vector.shape_cast %parallel_loop3A_472 : vector<16xf32> to vector<1x16xf32>
      tpu.vector_store %arg9[%parallel_loop3A_473, %parallel_loop3A_474], %parallel_loop3A_477 {strides = array<i32>} : memref<40x512xf32, #tpu.memory_space<vmem>>, vector<1x16xf32>,
      %parallel_loop3A_478 = arith.index_cast %parallel_loop3A_100 : i32 to index
      %parallel_loop3A_479 = arith.constant 464 : index
      %parallel_loop3A_480 = tpu.vector_load %arg6[%parallel_loop3A_478, %parallel_loop3A_479] {strides = array<i32>} : memref<40x512xi32, #tpu.memory_space<vmem>>, vector<1x16xi32>,
      %parallel_loop3A_481 = vector.shape_cast %parallel_loop3A_480 : vector<1x16xi32> to vector<16xi32>
      %parallel_loop3A_482 = arith.constant 0 : i32
      %parallel_loop3A_483 = vector.broadcast %parallel_loop3A_482 : i32 to vector<16xi32>
      %parallel_loop3A_484 = arith.cmpi sgt, %parallel_loop3A_481, %parallel_loop3A_483 : vector<16xi32>
      %parallel_loop3A_485 = arith.select %parallel_loop3A_484, %broadcast_in_dim3A_7, %broadcast_in_dim3A : vector<16xi1>, vector<16xf32>
      %parallel_loop3A_486 = arith.index_cast %parallel_loop3A_100 : i32 to index
      %parallel_loop3A_487 = arith.constant 464 : index
      %parallel_loop3A_488 = tpu.vector_load %arg9[%parallel_loop3A_486, %parallel_loop3A_487] {strides = array<i32>} : memref<40x512xf32, #tpu.memory_space<vmem>>, vector<1x16xf32>,
      %parallel_loop3A_489 = vector.shape_cast %parallel_loop3A_488 : vector<1x16xf32> to vector<16xf32>
      %parallel_loop3A_490 = vector.shape_cast %parallel_loop3A_485 : vector<16xf32> to vector<1x16xf32>
      tpu.vector_store %arg9[%parallel_loop3A_486, %parallel_loop3A_487], %parallel_loop3A_490 {strides = array<i32>} : memref<40x512xf32, #tpu.memory_space<vmem>>, vector<1x16xf32>,
      %parallel_loop3A_491 = arith.index_cast %parallel_loop3A_100 : i32 to index
      %parallel_loop3A_492 = arith.constant 480 : index
      %parallel_loop3A_493 = tpu.vector_load %arg6[%parallel_loop3A_491, %parallel_loop3A_492] {strides = array<i32>} : memref<40x512xi32, #tpu.memory_space<vmem>>, vector<1x16xi32>,
      %parallel_loop3A_494 = vector.shape_cast %parallel_loop3A_493 : vector<1x16xi32> to vector<16xi32>
      %parallel_loop3A_495 = arith.constant 0 : i32
      %parallel_loop3A_496 = vector.broadcast %parallel_loop3A_495 : i32 to vector<16xi32>
      %parallel_loop3A_497 = arith.cmpi sgt, %parallel_loop3A_494, %parallel_loop3A_496 : vector<16xi32>
      %parallel_loop3A_498 = arith.select %parallel_loop3A_497, %broadcast_in_dim3A_7, %broadcast_in_dim3A : vector<16xi1>, vector<16xf32>
      %parallel_loop3A_499 = arith.index_cast %parallel_loop3A_100 : i32 to index
      %parallel_loop3A_500 = arith.constant 480 : index
      %parallel_loop3A_501 = tpu.vector_load %arg9[%parallel_loop3A_499, %parallel_loop3A_500] {strides = array<i32>} : memref<40x512xf32, #tpu.memory_space<vmem>>, vector<1x16xf32>,
      %parallel_loop3A_502 = vector.shape_cast %parallel_loop3A_501 : vector<1x16xf32> to vector<16xf32>
      %parallel_loop3A_503 = vector.shape_cast %parallel_loop3A_498 : vector<16xf32> to vector<1x16xf32>
      tpu.vector_store %arg9[%parallel_loop3A_499, %parallel_loop3A_500], %parallel_loop3A_503 {strides = array<i32>} : memref<40x512xf32, #tpu.memory_space<vmem>>, vector<1x16xf32>,
      %parallel_loop3A_504 = arith.index_cast %parallel_loop3A_100 : i32 to index
      %parallel_loop3A_505 = arith.constant 496 : index
      %parallel_loop3A_506 = tpu.vector_load %arg6[%parallel_loop3A_504, %parallel_loop3A_505] {strides = array<i32>} : memref<40x512xi32, #tpu.memory_space<vmem>>, vector<1x16xi32>,
      %parallel_loop3A_507 = vector.shape_cast %parallel_loop3A_506 : vector<1x16xi32> to vector<16xi32>
      %parallel_loop3A_508 = arith.constant 0 : i32
      %parallel_loop3A_509 = vector.broadcast %parallel_loop3A_508 : i32 to vector<16xi32>
      %parallel_loop3A_510 = arith.cmpi sgt, %parallel_loop3A_507, %parallel_loop3A_509 : vector<16xi32>
      %parallel_loop3A_511 = arith.select %parallel_loop3A_510, %broadcast_in_dim3A_7, %broadcast_in_dim3A : vector<16xi1>, vector<16xf32>
      %parallel_loop3A_512 = arith.index_cast %parallel_loop3A_100 : i32 to index
      %parallel_loop3A_513 = arith.constant 496 : index
      %parallel_loop3A_514 = tpu.vector_load %arg9[%parallel_loop3A_512, %parallel_loop3A_513] {strides = array<i32>} : memref<40x512xf32, #tpu.memory_space<vmem>>, vector<1x16xf32>,
      %parallel_loop3A_515 = vector.shape_cast %parallel_loop3A_514 : vector<1x16xf32> to vector<16xf32>
      %parallel_loop3A_516 = vector.shape_cast %parallel_loop3A_511 : vector<16xf32> to vector<1x16xf32>
      tpu.vector_store %arg9[%parallel_loop3A_512, %parallel_loop3A_513], %parallel_loop3A_516 {strides = array<i32>} : memref<40x512xf32, #tpu.memory_space<vmem>>, vector<1x16xf32>,
    } {sc.loop_unroll_factor = 1 : i64, sc.parallel_access}
    %dma_start3A_24 = arith.constant 0 : i32
    %dma_start3A_25 = tpu.memref_slice %arg4[%dma_start3A_24, %mul3A_2] : memref<200x16384xf32, #tpu.memory_space<hbm>> -> memref<40x512xf32, #tpu.memory_space<hbm>>
    %dma_start3A_26 = arith.constant 0 : i32
    %dma_start3A_27 = tpu.memref_slice %arg4[%dma_start3A_26, %mul3A_2] : memref<200x16384xf32, #tpu.memory_space<hbm>> -> memref<40x512xf32, #tpu.memory_space<hbm>>
    tpu.enqueue_dma source(%arg9 : memref<40x512xf32, #tpu.memory_space<vmem>>) target(%dma_start3A_27 : memref<40x512xf32, #tpu.memory_space<hbm>>) target_semaphore(%arg15 : memref<!tpu.dma_semaphore, #tpu.memory_space<semaphore_mem>>)
    %dma_start3A_28 = arith.constant 120 : i32
    %dma_start3A_29 = tpu.memref_slice %arg2[%dma_start3A_28, %mul3A_2] : memref<200x16384xi32, #tpu.memory_space<hbm>> -> memref<40x512xi32, #tpu.memory_space<hbm>>
    %dma_start3A_30 = arith.constant 120 : i32
    %dma_start3A_31 = tpu.memref_slice %arg2[%dma_start3A_30, %mul3A_2] : memref<200x16384xi32, #tpu.memory_space<hbm>> -> memref<40x512xi32, #tpu.memory_space<hbm>>
    tpu.enqueue_dma source(%dma_start3A_31 : memref<40x512xi32, #tpu.memory_space<hbm>>) target(%arg6 : memref<40x512xi32, #tpu.memory_space<vmem>>) target_semaphore(%arg12 : memref<!tpu.dma_semaphore, #tpu.memory_space<semaphore_mem>>)
    %dma_wait3A_32 = arith.constant 40 : i32
    %dma_wait3A_33 = tpu.memref_slice %arg2[%dma_wait3A_32, %mul3A_2] : memref<200x16384xi32, #tpu.memory_space<hbm>> -> memref<40x512xi32, #tpu.memory_space<hbm>>
    %dma_wait3A_34 = arith.constant 40 : i32
    %dma_wait3A_35 = tpu.memref_slice %arg2[%dma_wait3A_34, %mul3A_2] : memref<200x16384xi32, #tpu.memory_space<hbm>> -> memref<40x512xi32, #tpu.memory_space<hbm>>
    tpu.wait_dma2 semaphore(%arg13 : memref<!tpu.dma_semaphore, #tpu.memory_space<semaphore_mem>>) src(%dma_wait3A_35 : memref<40x512xi32, #tpu.memory_space<hbm>>) dst(%arg7 : memref<40x512xi32, #tpu.memory_space<vmem>>)
    %parallel_loop3A_36 = arith.constant 0 : i32
    %parallel_loop3A_37 = arith.constant 40 : i32
    %parallel_loop3A_38 = arith.constant 1 : i32
    scf.for %parallel_loop3A_100 = %parallel_loop3A_36 to %parallel_loop3A_37 step %parallel_loop3A_38  : i32 {
      %parallel_loop3A_101 = arith.index_cast %parallel_loop3A_100 : i32 to index
      %parallel_loop3A_102 = arith.constant 0 : index
      %parallel_loop3A_103 = tpu.vector_load %arg7[%parallel_loop3A_101, %parallel_loop3A_102] {strides = array<i32>} : memref<40x512xi32, #tpu.memory_space<vmem>>, vector<1x16xi32>,
      %parallel_loop3A_104 = vector.shape_cast %parallel_loop3A_103 : vector<1x16xi32> to vector<16xi32>
      %parallel_loop3A_105 = arith.constant 0 : i32
      %parallel_loop3A_106 = vector.broadcast %parallel_loop3A_105 : i32 to vector<16xi32>
      %parallel_loop3A_107 = arith.cmpi sgt, %parallel_loop3A_104, %parallel_loop3A_106 : vector<16xi32>
      %parallel_loop3A_108 = arith.select %parallel_loop3A_107, %broadcast_in_dim3A_7, %broadcast_in_dim3A : vector<16xi1>, vector<16xf32>
      %parallel_loop3A_109 = arith.index_cast %parallel_loop3A_100 : i32 to index
      %parallel_loop3A_110 = arith.constant 0 : index
      %parallel_loop3A_111 = tpu.vector_load %arg10[%parallel_loop3A_109, %parallel_loop3A_110] {strides = array<i32>} : memref<40x512xf32, #tpu.memory_space<vmem>>, vector<1x16xf32>,
      %parallel_loop3A_112 = vector.shape_cast %parallel_loop3A_111 : vector<1x16xf32> to vector<16xf32>
      %parallel_loop3A_113 = vector.shape_cast %parallel_loop3A_108 : vector<16xf32> to vector<1x16xf32>
      tpu.vector_store %arg10[%parallel_loop3A_109, %parallel_loop3A_110], %parallel_loop3A_113 {strides = array<i32>} : memref<40x512xf32, #tpu.memory_space<vmem>>, vector<1x16xf32>,
      %parallel_loop3A_114 = arith.index_cast %parallel_loop3A_100 : i32 to index
      %parallel_loop3A_115 = arith.constant 16 : index
      %parallel_loop3A_116 = tpu.vector_load %arg7[%parallel_loop3A_114, %parallel_loop3A_115] {strides = array<i32>} : memref<40x512xi32, #tpu.memory_space<vmem>>, vector<1x16xi32>,
      %parallel_loop3A_117 = vector.shape_cast %parallel_loop3A_116 : vector<1x16xi32> to vector<16xi32>
      %parallel_loop3A_118 = arith.constant 0 : i32
      %parallel_loop3A_119 = vector.broadcast %parallel_loop3A_118 : i32 to vector<16xi32>
      %parallel_loop3A_120 = arith.cmpi sgt, %parallel_loop3A_117, %parallel_loop3A_119 : vector<16xi32>
      %parallel_loop3A_121 = arith.select %parallel_loop3A_120, %broadcast_in_dim3A_7, %broadcast_in_dim3A : vector<16xi1>, vector<16xf32>
      %parallel_loop3A_122 = arith.index_cast %parallel_loop3A_100 : i32 to index
      %parallel_loop3A_123 = arith.constant 16 : index
      %parallel_loop3A_124 = tpu.vector_load %arg10[%parallel_loop3A_122, %parallel_loop3A_123] {strides = array<i32>} : memref<40x512xf32, #tpu.memory_space<vmem>>, vector<1x16xf32>,
      %parallel_loop3A_125 = vector.shape_cast %parallel_loop3A_124 : vector<1x16xf32> to vector<16xf32>
      %parallel_loop3A_126 = vector.shape_cast %parallel_loop3A_121 : vector<16xf32> to vector<1x16xf32>
      tpu.vector_store %arg10[%parallel_loop3A_122, %parallel_loop3A_123], %parallel_loop3A_126 {strides = array<i32>} : memref<40x512xf32, #tpu.memory_space<vmem>>, vector<1x16xf32>,
      %parallel_loop3A_127 = arith.index_cast %parallel_loop3A_100 : i32 to index
      %parallel_loop3A_128 = arith.constant 32 : index
      %parallel_loop3A_129 = tpu.vector_load %arg7[%parallel_loop3A_127, %parallel_loop3A_128] {strides = array<i32>} : memref<40x512xi32, #tpu.memory_space<vmem>>, vector<1x16xi32>,
      %parallel_loop3A_130 = vector.shape_cast %parallel_loop3A_129 : vector<1x16xi32> to vector<16xi32>
      %parallel_loop3A_131 = arith.constant 0 : i32
      %parallel_loop3A_132 = vector.broadcast %parallel_loop3A_131 : i32 to vector<16xi32>
      %parallel_loop3A_133 = arith.cmpi sgt, %parallel_loop3A_130, %parallel_loop3A_132 : vector<16xi32>
      %parallel_loop3A_134 = arith.select %parallel_loop3A_133, %broadcast_in_dim3A_7, %broadcast_in_dim3A : vector<16xi1>, vector<16xf32>
      %parallel_loop3A_135 = arith.index_cast %parallel_loop3A_100 : i32 to index
      %parallel_loop3A_136 = arith.constant 32 : index
      %parallel_loop3A_137 = tpu.vector_load %arg10[%parallel_loop3A_135, %parallel_loop3A_136] {strides = array<i32>} : memref<40x512xf32, #tpu.memory_space<vmem>>, vector<1x16xf32>,
      %parallel_loop3A_138 = vector.shape_cast %parallel_loop3A_137 : vector<1x16xf32> to vector<16xf32>
      %parallel_loop3A_139 = vector.shape_cast %parallel_loop3A_134 : vector<16xf32> to vector<1x16xf32>
      tpu.vector_store %arg10[%parallel_loop3A_135, %parallel_loop3A_136], %parallel_loop3A_139 {strides = array<i32>} : memref<40x512xf32, #tpu.memory_space<vmem>>, vector<1x16xf32>,
      %parallel_loop3A_140 = arith.index_cast %parallel_loop3A_100 : i32 to index
      %parallel_loop3A_141 = arith.constant 48 : index
      %parallel_loop3A_142 = tpu.vector_load %arg7[%parallel_loop3A_140, %parallel_loop3A_141] {strides = array<i32>} : memref<40x512xi32, #tpu.memory_space<vmem>>, vector<1x16xi32>,
      %parallel_loop3A_143 = vector.shape_cast %parallel_loop3A_142 : vector<1x16xi32> to vector<16xi32>
      %parallel_loop3A_144 = arith.constant 0 : i32
      %parallel_loop3A_145 = vector.broadcast %parallel_loop3A_144 : i32 to vector<16xi32>
      %parallel_loop3A_146 = arith.cmpi sgt, %parallel_loop3A_143, %parallel_loop3A_145 : vector<16xi32>
      %parallel_loop3A_147 = arith.select %parallel_loop3A_146, %broadcast_in_dim3A_7, %broadcast_in_dim3A : vector<16xi1>, vector<16xf32>
      %parallel_loop3A_148 = arith.index_cast %parallel_loop3A_100 : i32 to index
      %parallel_loop3A_149 = arith.constant 48 : index
      %parallel_loop3A_150 = tpu.vector_load %arg10[%parallel_loop3A_148, %parallel_loop3A_149] {strides = array<i32>} : memref<40x512xf32, #tpu.memory_space<vmem>>, vector<1x16xf32>,
      %parallel_loop3A_151 = vector.shape_cast %parallel_loop3A_150 : vector<1x16xf32> to vector<16xf32>
      %parallel_loop3A_152 = vector.shape_cast %parallel_loop3A_147 : vector<16xf32> to vector<1x16xf32>
      tpu.vector_store %arg10[%parallel_loop3A_148, %parallel_loop3A_149], %parallel_loop3A_152 {strides = array<i32>} : memref<40x512xf32, #tpu.memory_space<vmem>>, vector<1x16xf32>,
      %parallel_loop3A_153 = arith.index_cast %parallel_loop3A_100 : i32 to index
      %parallel_loop3A_154 = arith.constant 64 : index
      %parallel_loop3A_155 = tpu.vector_load %arg7[%parallel_loop3A_153, %parallel_loop3A_154] {strides = array<i32>} : memref<40x512xi32, #tpu.memory_space<vmem>>, vector<1x16xi32>,
      %parallel_loop3A_156 = vector.shape_cast %parallel_loop3A_155 : vector<1x16xi32> to vector<16xi32>
      %parallel_loop3A_157 = arith.constant 0 : i32
      %parallel_loop3A_158 = vector.broadcast %parallel_loop3A_157 : i32 to vector<16xi32>
      %parallel_loop3A_159 = arith.cmpi sgt, %parallel_loop3A_156, %parallel_loop3A_158 : vector<16xi32>
      %parallel_loop3A_160 = arith.select %parallel_loop3A_159, %broadcast_in_dim3A_7, %broadcast_in_dim3A : vector<16xi1>, vector<16xf32>
      %parallel_loop3A_161 = arith.index_cast %parallel_loop3A_100 : i32 to index
      %parallel_loop3A_162 = arith.constant 64 : index
      %parallel_loop3A_163 = tpu.vector_load %arg10[%parallel_loop3A_161, %parallel_loop3A_162] {strides = array<i32>} : memref<40x512xf32, #tpu.memory_space<vmem>>, vector<1x16xf32>,
      %parallel_loop3A_164 = vector.shape_cast %parallel_loop3A_163 : vector<1x16xf32> to vector<16xf32>
      %parallel_loop3A_165 = vector.shape_cast %parallel_loop3A_160 : vector<16xf32> to vector<1x16xf32>
      tpu.vector_store %arg10[%parallel_loop3A_161, %parallel_loop3A_162], %parallel_loop3A_165 {strides = array<i32>} : memref<40x512xf32, #tpu.memory_space<vmem>>, vector<1x16xf32>,
      %parallel_loop3A_166 = arith.index_cast %parallel_loop3A_100 : i32 to index
      %parallel_loop3A_167 = arith.constant 80 : index
      %parallel_loop3A_168 = tpu.vector_load %arg7[%parallel_loop3A_166, %parallel_loop3A_167] {strides = array<i32>} : memref<40x512xi32, #tpu.memory_space<vmem>>, vector<1x16xi32>,
      %parallel_loop3A_169 = vector.shape_cast %parallel_loop3A_168 : vector<1x16xi32> to vector<16xi32>
      %parallel_loop3A_170 = arith.constant 0 : i32
      %parallel_loop3A_171 = vector.broadcast %parallel_loop3A_170 : i32 to vector<16xi32>
      %parallel_loop3A_172 = arith.cmpi sgt, %parallel_loop3A_169, %parallel_loop3A_171 : vector<16xi32>
      %parallel_loop3A_173 = arith.select %parallel_loop3A_172, %broadcast_in_dim3A_7, %broadcast_in_dim3A : vector<16xi1>, vector<16xf32>
      %parallel_loop3A_174 = arith.index_cast %parallel_loop3A_100 : i32 to index
      %parallel_loop3A_175 = arith.constant 80 : index
      %parallel_loop3A_176 = tpu.vector_load %arg10[%parallel_loop3A_174, %parallel_loop3A_175] {strides = array<i32>} : memref<40x512xf32, #tpu.memory_space<vmem>>, vector<1x16xf32>,
      %parallel_loop3A_177 = vector.shape_cast %parallel_loop3A_176 : vector<1x16xf32> to vector<16xf32>
      %parallel_loop3A_178 = vector.shape_cast %parallel_loop3A_173 : vector<16xf32> to vector<1x16xf32>
      tpu.vector_store %arg10[%parallel_loop3A_174, %parallel_loop3A_175], %parallel_loop3A_178 {strides = array<i32>} : memref<40x512xf32, #tpu.memory_space<vmem>>, vector<1x16xf32>,
      %parallel_loop3A_179 = arith.index_cast %parallel_loop3A_100 : i32 to index
      %parallel_loop3A_180 = arith.constant 96 : index
      %parallel_loop3A_181 = tpu.vector_load %arg7[%parallel_loop3A_179, %parallel_loop3A_180] {strides = array<i32>} : memref<40x512xi32, #tpu.memory_space<vmem>>, vector<1x16xi32>,
      %parallel_loop3A_182 = vector.shape_cast %parallel_loop3A_181 : vector<1x16xi32> to vector<16xi32>
      %parallel_loop3A_183 = arith.constant 0 : i32
      %parallel_loop3A_184 = vector.broadcast %parallel_loop3A_183 : i32 to vector<16xi32>
      %parallel_loop3A_185 = arith.cmpi sgt, %parallel_loop3A_182, %parallel_loop3A_184 : vector<16xi32>
      %parallel_loop3A_186 = arith.select %parallel_loop3A_185, %broadcast_in_dim3A_7, %broadcast_in_dim3A : vector<16xi1>, vector<16xf32>
      %parallel_loop3A_187 = arith.index_cast %parallel_loop3A_100 : i32 to index
      %parallel_loop3A_188 = arith.constant 96 : index
      %parallel_loop3A_189 = tpu.vector_load %arg10[%parallel_loop3A_187, %parallel_loop3A_188] {strides = array<i32>} : memref<40x512xf32, #tpu.memory_space<vmem>>, vector<1x16xf32>,
      %parallel_loop3A_190 = vector.shape_cast %parallel_loop3A_189 : vector<1x16xf32> to vector<16xf32>
      %parallel_loop3A_191 = vector.shape_cast %parallel_loop3A_186 : vector<16xf32> to vector<1x16xf32>
      tpu.vector_store %arg10[%parallel_loop3A_187, %parallel_loop3A_188], %parallel_loop3A_191 {strides = array<i32>} : memref<40x512xf32, #tpu.memory_space<vmem>>, vector<1x16xf32>,
      %parallel_loop3A_192 = arith.index_cast %parallel_loop3A_100 : i32 to index
      %parallel_loop3A_193 = arith.constant 112 : index
      %parallel_loop3A_194 = tpu.vector_load %arg7[%parallel_loop3A_192, %parallel_loop3A_193] {strides = array<i32>} : memref<40x512xi32, #tpu.memory_space<vmem>>, vector<1x16xi32>,
      %parallel_loop3A_195 = vector.shape_cast %parallel_loop3A_194 : vector<1x16xi32> to vector<16xi32>
      %parallel_loop3A_196 = arith.constant 0 : i32
      %parallel_loop3A_197 = vector.broadcast %parallel_loop3A_196 : i32 to vector<16xi32>
      %parallel_loop3A_198 = arith.cmpi sgt, %parallel_loop3A_195, %parallel_loop3A_197 : vector<16xi32>
      %parallel_loop3A_199 = arith.select %parallel_loop3A_198, %broadcast_in_dim3A_7, %broadcast_in_dim3A : vector<16xi1>, vector<16xf32>
      %parallel_loop3A_200 = arith.index_cast %parallel_loop3A_100 : i32 to index
      %parallel_loop3A_201 = arith.constant 112 : index
      %parallel_loop3A_202 = tpu.vector_load %arg10[%parallel_loop3A_200, %parallel_loop3A_201] {strides = array<i32>} : memref<40x512xf32, #tpu.memory_space<vmem>>, vector<1x16xf32>,
      %parallel_loop3A_203 = vector.shape_cast %parallel_loop3A_202 : vector<1x16xf32> to vector<16xf32>
      %parallel_loop3A_204 = vector.shape_cast %parallel_loop3A_199 : vector<16xf32> to vector<1x16xf32>
      tpu.vector_store %arg10[%parallel_loop3A_200, %parallel_loop3A_201], %parallel_loop3A_204 {strides = array<i32>} : memref<40x512xf32, #tpu.memory_space<vmem>>, vector<1x16xf32>,
      %parallel_loop3A_205 = arith.index_cast %parallel_loop3A_100 : i32 to index
      %parallel_loop3A_206 = arith.constant 128 : index
      %parallel_loop3A_207 = tpu.vector_load %arg7[%parallel_loop3A_205, %parallel_loop3A_206] {strides = array<i32>} : memref<40x512xi32, #tpu.memory_space<vmem>>, vector<1x16xi32>,
      %parallel_loop3A_208 = vector.shape_cast %parallel_loop3A_207 : vector<1x16xi32> to vector<16xi32>
      %parallel_loop3A_209 = arith.constant 0 : i32
      %parallel_loop3A_210 = vector.broadcast %parallel_loop3A_209 : i32 to vector<16xi32>
      %parallel_loop3A_211 = arith.cmpi sgt, %parallel_loop3A_208, %parallel_loop3A_210 : vector<16xi32>
      %parallel_loop3A_212 = arith.select %parallel_loop3A_211, %broadcast_in_dim3A_7, %broadcast_in_dim3A : vector<16xi1>, vector<16xf32>
      %parallel_loop3A_213 = arith.index_cast %parallel_loop3A_100 : i32 to index
      %parallel_loop3A_214 = arith.constant 128 : index
      %parallel_loop3A_215 = tpu.vector_load %arg10[%parallel_loop3A_213, %parallel_loop3A_214] {strides = array<i32>} : memref<40x512xf32, #tpu.memory_space<vmem>>, vector<1x16xf32>,
      %parallel_loop3A_216 = vector.shape_cast %parallel_loop3A_215 : vector<1x16xf32> to vector<16xf32>
      %parallel_loop3A_217 = vector.shape_cast %parallel_loop3A_212 : vector<16xf32> to vector<1x16xf32>
      tpu.vector_store %arg10[%parallel_loop3A_213, %parallel_loop3A_214], %parallel_loop3A_217 {strides = array<i32>} : memref<40x512xf32, #tpu.memory_space<vmem>>, vector<1x16xf32>,
      %parallel_loop3A_218 = arith.index_cast %parallel_loop3A_100 : i32 to index
      %parallel_loop3A_219 = arith.constant 144 : index
      %parallel_loop3A_220 = tpu.vector_load %arg7[%parallel_loop3A_218, %parallel_loop3A_219] {strides = array<i32>} : memref<40x512xi32, #tpu.memory_space<vmem>>, vector<1x16xi32>,
      %parallel_loop3A_221 = vector.shape_cast %parallel_loop3A_220 : vector<1x16xi32> to vector<16xi32>
      %parallel_loop3A_222 = arith.constant 0 : i32
      %parallel_loop3A_223 = vector.broadcast %parallel_loop3A_222 : i32 to vector<16xi32>
      %parallel_loop3A_224 = arith.cmpi sgt, %parallel_loop3A_221, %parallel_loop3A_223 : vector<16xi32>
      %parallel_loop3A_225 = arith.select %parallel_loop3A_224, %broadcast_in_dim3A_7, %broadcast_in_dim3A : vector<16xi1>, vector<16xf32>
      %parallel_loop3A_226 = arith.index_cast %parallel_loop3A_100 : i32 to index
      %parallel_loop3A_227 = arith.constant 144 : index
      %parallel_loop3A_228 = tpu.vector_load %arg10[%parallel_loop3A_226, %parallel_loop3A_227] {strides = array<i32>} : memref<40x512xf32, #tpu.memory_space<vmem>>, vector<1x16xf32>,
      %parallel_loop3A_229 = vector.shape_cast %parallel_loop3A_228 : vector<1x16xf32> to vector<16xf32>
      %parallel_loop3A_230 = vector.shape_cast %parallel_loop3A_225 : vector<16xf32> to vector<1x16xf32>
      tpu.vector_store %arg10[%parallel_loop3A_226, %parallel_loop3A_227], %parallel_loop3A_230 {strides = array<i32>} : memref<40x512xf32, #tpu.memory_space<vmem>>, vector<1x16xf32>,
      %parallel_loop3A_231 = arith.index_cast %parallel_loop3A_100 : i32 to index
      %parallel_loop3A_232 = arith.constant 160 : index
      %parallel_loop3A_233 = tpu.vector_load %arg7[%parallel_loop3A_231, %parallel_loop3A_232] {strides = array<i32>} : memref<40x512xi32, #tpu.memory_space<vmem>>, vector<1x16xi32>,
      %parallel_loop3A_234 = vector.shape_cast %parallel_loop3A_233 : vector<1x16xi32> to vector<16xi32>
      %parallel_loop3A_235 = arith.constant 0 : i32
      %parallel_loop3A_236 = vector.broadcast %parallel_loop3A_235 : i32 to vector<16xi32>
      %parallel_loop3A_237 = arith.cmpi sgt, %parallel_loop3A_234, %parallel_loop3A_236 : vector<16xi32>
      %parallel_loop3A_238 = arith.select %parallel_loop3A_237, %broadcast_in_dim3A_7, %broadcast_in_dim3A : vector<16xi1>, vector<16xf32>
      %parallel_loop3A_239 = arith.index_cast %parallel_loop3A_100 : i32 to index
      %parallel_loop3A_240 = arith.constant 160 : index
      %parallel_loop3A_241 = tpu.vector_load %arg10[%parallel_loop3A_239, %parallel_loop3A_240] {strides = array<i32>} : memref<40x512xf32, #tpu.memory_space<vmem>>, vector<1x16xf32>,
      %parallel_loop3A_242 = vector.shape_cast %parallel_loop3A_241 : vector<1x16xf32> to vector<16xf32>
      %parallel_loop3A_243 = vector.shape_cast %parallel_loop3A_238 : vector<16xf32> to vector<1x16xf32>
      tpu.vector_store %arg10[%parallel_loop3A_239, %parallel_loop3A_240], %parallel_loop3A_243 {strides = array<i32>} : memref<40x512xf32, #tpu.memory_space<vmem>>, vector<1x16xf32>,
      %parallel_loop3A_244 = arith.index_cast %parallel_loop3A_100 : i32 to index
      %parallel_loop3A_245 = arith.constant 176 : index
      %parallel_loop3A_246 = tpu.vector_load %arg7[%parallel_loop3A_244, %parallel_loop3A_245] {strides = array<i32>} : memref<40x512xi32, #tpu.memory_space<vmem>>, vector<1x16xi32>,
      %parallel_loop3A_247 = vector.shape_cast %parallel_loop3A_246 : vector<1x16xi32> to vector<16xi32>
      %parallel_loop3A_248 = arith.constant 0 : i32
      %parallel_loop3A_249 = vector.broadcast %parallel_loop3A_248 : i32 to vector<16xi32>
      %parallel_loop3A_250 = arith.cmpi sgt, %parallel_loop3A_247, %parallel_loop3A_249 : vector<16xi32>
      %parallel_loop3A_251 = arith.select %parallel_loop3A_250, %broadcast_in_dim3A_7, %broadcast_in_dim3A : vector<16xi1>, vector<16xf32>
      %parallel_loop3A_252 = arith.index_cast %parallel_loop3A_100 : i32 to index
      %parallel_loop3A_253 = arith.constant 176 : index
      %parallel_loop3A_254 = tpu.vector_load %arg10[%parallel_loop3A_252, %parallel_loop3A_253] {strides = array<i32>} : memref<40x512xf32, #tpu.memory_space<vmem>>, vector<1x16xf32>,
      %parallel_loop3A_255 = vector.shape_cast %parallel_loop3A_254 : vector<1x16xf32> to vector<16xf32>
      %parallel_loop3A_256 = vector.shape_cast %parallel_loop3A_251 : vector<16xf32> to vector<1x16xf32>
      tpu.vector_store %arg10[%parallel_loop3A_252, %parallel_loop3A_253], %parallel_loop3A_256 {strides = array<i32>} : memref<40x512xf32, #tpu.memory_space<vmem>>, vector<1x16xf32>,
      %parallel_loop3A_257 = arith.index_cast %parallel_loop3A_100 : i32 to index
      %parallel_loop3A_258 = arith.constant 192 : index
      %parallel_loop3A_259 = tpu.vector_load %arg7[%parallel_loop3A_257, %parallel_loop3A_258] {strides = array<i32>} : memref<40x512xi32, #tpu.memory_space<vmem>>, vector<1x16xi32>,
      %parallel_loop3A_260 = vector.shape_cast %parallel_loop3A_259 : vector<1x16xi32> to vector<16xi32>
      %parallel_loop3A_261 = arith.constant 0 : i32
      %parallel_loop3A_262 = vector.broadcast %parallel_loop3A_261 : i32 to vector<16xi32>
      %parallel_loop3A_263 = arith.cmpi sgt, %parallel_loop3A_260, %parallel_loop3A_262 : vector<16xi32>
      %parallel_loop3A_264 = arith.select %parallel_loop3A_263, %broadcast_in_dim3A_7, %broadcast_in_dim3A : vector<16xi1>, vector<16xf32>
      %parallel_loop3A_265 = arith.index_cast %parallel_loop3A_100 : i32 to index
      %parallel_loop3A_266 = arith.constant 192 : index
      %parallel_loop3A_267 = tpu.vector_load %arg10[%parallel_loop3A_265, %parallel_loop3A_266] {strides = array<i32>} : memref<40x512xf32, #tpu.memory_space<vmem>>, vector<1x16xf32>,
      %parallel_loop3A_268 = vector.shape_cast %parallel_loop3A_267 : vector<1x16xf32> to vector<16xf32>
      %parallel_loop3A_269 = vector.shape_cast %parallel_loop3A_264 : vector<16xf32> to vector<1x16xf32>
      tpu.vector_store %arg10[%parallel_loop3A_265, %parallel_loop3A_266], %parallel_loop3A_269 {strides = array<i32>} : memref<40x512xf32, #tpu.memory_space<vmem>>, vector<1x16xf32>,
      %parallel_loop3A_270 = arith.index_cast %parallel_loop3A_100 : i32 to index
      %parallel_loop3A_271 = arith.constant 208 : index
      %parallel_loop3A_272 = tpu.vector_load %arg7[%parallel_loop3A_270, %parallel_loop3A_271] {strides = array<i32>} : memref<40x512xi32, #tpu.memory_space<vmem>>, vector<1x16xi32>,
      %parallel_loop3A_273 = vector.shape_cast %parallel_loop3A_272 : vector<1x16xi32> to vector<16xi32>
      %parallel_loop3A_274 = arith.constant 0 : i32
      %parallel_loop3A_275 = vector.broadcast %parallel_loop3A_274 : i32 to vector<16xi32>
      %parallel_loop3A_276 = arith.cmpi sgt, %parallel_loop3A_273, %parallel_loop3A_275 : vector<16xi32>
      %parallel_loop3A_277 = arith.select %parallel_loop3A_276, %broadcast_in_dim3A_7, %broadcast_in_dim3A : vector<16xi1>, vector<16xf32>
      %parallel_loop3A_278 = arith.index_cast %parallel_loop3A_100 : i32 to index
      %parallel_loop3A_279 = arith.constant 208 : index
      %parallel_loop3A_280 = tpu.vector_load %arg10[%parallel_loop3A_278, %parallel_loop3A_279] {strides = array<i32>} : memref<40x512xf32, #tpu.memory_space<vmem>>, vector<1x16xf32>,
      %parallel_loop3A_281 = vector.shape_cast %parallel_loop3A_280 : vector<1x16xf32> to vector<16xf32>
      %parallel_loop3A_282 = vector.shape_cast %parallel_loop3A_277 : vector<16xf32> to vector<1x16xf32>
      tpu.vector_store %arg10[%parallel_loop3A_278, %parallel_loop3A_279], %parallel_loop3A_282 {strides = array<i32>} : memref<40x512xf32, #tpu.memory_space<vmem>>, vector<1x16xf32>,
      %parallel_loop3A_283 = arith.index_cast %parallel_loop3A_100 : i32 to index
      %parallel_loop3A_284 = arith.constant 224 : index
      %parallel_loop3A_285 = tpu.vector_load %arg7[%parallel_loop3A_283, %parallel_loop3A_284] {strides = array<i32>} : memref<40x512xi32, #tpu.memory_space<vmem>>, vector<1x16xi32>,
      %parallel_loop3A_286 = vector.shape_cast %parallel_loop3A_285 : vector<1x16xi32> to vector<16xi32>
      %parallel_loop3A_287 = arith.constant 0 : i32
      %parallel_loop3A_288 = vector.broadcast %parallel_loop3A_287 : i32 to vector<16xi32>
      %parallel_loop3A_289 = arith.cmpi sgt, %parallel_loop3A_286, %parallel_loop3A_288 : vector<16xi32>
      %parallel_loop3A_290 = arith.select %parallel_loop3A_289, %broadcast_in_dim3A_7, %broadcast_in_dim3A : vector<16xi1>, vector<16xf32>
      %parallel_loop3A_291 = arith.index_cast %parallel_loop3A_100 : i32 to index
      %parallel_loop3A_292 = arith.constant 224 : index
      %parallel_loop3A_293 = tpu.vector_load %arg10[%parallel_loop3A_291, %parallel_loop3A_292] {strides = array<i32>} : memref<40x512xf32, #tpu.memory_space<vmem>>, vector<1x16xf32>,
      %parallel_loop3A_294 = vector.shape_cast %parallel_loop3A_293 : vector<1x16xf32> to vector<16xf32>
      %parallel_loop3A_295 = vector.shape_cast %parallel_loop3A_290 : vector<16xf32> to vector<1x16xf32>
      tpu.vector_store %arg10[%parallel_loop3A_291, %parallel_loop3A_292], %parallel_loop3A_295 {strides = array<i32>} : memref<40x512xf32, #tpu.memory_space<vmem>>, vector<1x16xf32>,
      %parallel_loop3A_296 = arith.index_cast %parallel_loop3A_100 : i32 to index
      %parallel_loop3A_297 = arith.constant 240 : index
      %parallel_loop3A_298 = tpu.vector_load %arg7[%parallel_loop3A_296, %parallel_loop3A_297] {strides = array<i32>} : memref<40x512xi32, #tpu.memory_space<vmem>>, vector<1x16xi32>,
      %parallel_loop3A_299 = vector.shape_cast %parallel_loop3A_298 : vector<1x16xi32> to vector<16xi32>
      %parallel_loop3A_300 = arith.constant 0 : i32
      %parallel_loop3A_301 = vector.broadcast %parallel_loop3A_300 : i32 to vector<16xi32>
      %parallel_loop3A_302 = arith.cmpi sgt, %parallel_loop3A_299, %parallel_loop3A_301 : vector<16xi32>
      %parallel_loop3A_303 = arith.select %parallel_loop3A_302, %broadcast_in_dim3A_7, %broadcast_in_dim3A : vector<16xi1>, vector<16xf32>
      %parallel_loop3A_304 = arith.index_cast %parallel_loop3A_100 : i32 to index
      %parallel_loop3A_305 = arith.constant 240 : index
      %parallel_loop3A_306 = tpu.vector_load %arg10[%parallel_loop3A_304, %parallel_loop3A_305] {strides = array<i32>} : memref<40x512xf32, #tpu.memory_space<vmem>>, vector<1x16xf32>,
      %parallel_loop3A_307 = vector.shape_cast %parallel_loop3A_306 : vector<1x16xf32> to vector<16xf32>
      %parallel_loop3A_308 = vector.shape_cast %parallel_loop3A_303 : vector<16xf32> to vector<1x16xf32>
      tpu.vector_store %arg10[%parallel_loop3A_304, %parallel_loop3A_305], %parallel_loop3A_308 {strides = array<i32>} : memref<40x512xf32, #tpu.memory_space<vmem>>, vector<1x16xf32>,
      %parallel_loop3A_309 = arith.index_cast %parallel_loop3A_100 : i32 to index
      %parallel_loop3A_310 = arith.constant 256 : index
      %parallel_loop3A_311 = tpu.vector_load %arg7[%parallel_loop3A_309, %parallel_loop3A_310] {strides = array<i32>} : memref<40x512xi32, #tpu.memory_space<vmem>>, vector<1x16xi32>,
      %parallel_loop3A_312 = vector.shape_cast %parallel_loop3A_311 : vector<1x16xi32> to vector<16xi32>
      %parallel_loop3A_313 = arith.constant 0 : i32
      %parallel_loop3A_314 = vector.broadcast %parallel_loop3A_313 : i32 to vector<16xi32>
      %parallel_loop3A_315 = arith.cmpi sgt, %parallel_loop3A_312, %parallel_loop3A_314 : vector<16xi32>
      %parallel_loop3A_316 = arith.select %parallel_loop3A_315, %broadcast_in_dim3A_7, %broadcast_in_dim3A : vector<16xi1>, vector<16xf32>
      %parallel_loop3A_317 = arith.index_cast %parallel_loop3A_100 : i32 to index
      %parallel_loop3A_318 = arith.constant 256 : index
      %parallel_loop3A_319 = tpu.vector_load %arg10[%parallel_loop3A_317, %parallel_loop3A_318] {strides = array<i32>} : memref<40x512xf32, #tpu.memory_space<vmem>>, vector<1x16xf32>,
      %parallel_loop3A_320 = vector.shape_cast %parallel_loop3A_319 : vector<1x16xf32> to vector<16xf32>
      %parallel_loop3A_321 = vector.shape_cast %parallel_loop3A_316 : vector<16xf32> to vector<1x16xf32>
      tpu.vector_store %arg10[%parallel_loop3A_317, %parallel_loop3A_318], %parallel_loop3A_321 {strides = array<i32>} : memref<40x512xf32, #tpu.memory_space<vmem>>, vector<1x16xf32>,
      %parallel_loop3A_322 = arith.index_cast %parallel_loop3A_100 : i32 to index
      %parallel_loop3A_323 = arith.constant 272 : index
      %parallel_loop3A_324 = tpu.vector_load %arg7[%parallel_loop3A_322, %parallel_loop3A_323] {strides = array<i32>} : memref<40x512xi32, #tpu.memory_space<vmem>>, vector<1x16xi32>,
      %parallel_loop3A_325 = vector.shape_cast %parallel_loop3A_324 : vector<1x16xi32> to vector<16xi32>
      %parallel_loop3A_326 = arith.constant 0 : i32
      %parallel_loop3A_327 = vector.broadcast %parallel_loop3A_326 : i32 to vector<16xi32>
      %parallel_loop3A_328 = arith.cmpi sgt, %parallel_loop3A_325, %parallel_loop3A_327 : vector<16xi32>
      %parallel_loop3A_329 = arith.select %parallel_loop3A_328, %broadcast_in_dim3A_7, %broadcast_in_dim3A : vector<16xi1>, vector<16xf32>
      %parallel_loop3A_330 = arith.index_cast %parallel_loop3A_100 : i32 to index
      %parallel_loop3A_331 = arith.constant 272 : index
      %parallel_loop3A_332 = tpu.vector_load %arg10[%parallel_loop3A_330, %parallel_loop3A_331] {strides = array<i32>} : memref<40x512xf32, #tpu.memory_space<vmem>>, vector<1x16xf32>,
      %parallel_loop3A_333 = vector.shape_cast %parallel_loop3A_332 : vector<1x16xf32> to vector<16xf32>
      %parallel_loop3A_334 = vector.shape_cast %parallel_loop3A_329 : vector<16xf32> to vector<1x16xf32>
      tpu.vector_store %arg10[%parallel_loop3A_330, %parallel_loop3A_331], %parallel_loop3A_334 {strides = array<i32>} : memref<40x512xf32, #tpu.memory_space<vmem>>, vector<1x16xf32>,
      %parallel_loop3A_335 = arith.index_cast %parallel_loop3A_100 : i32 to index
      %parallel_loop3A_336 = arith.constant 288 : index
      %parallel_loop3A_337 = tpu.vector_load %arg7[%parallel_loop3A_335, %parallel_loop3A_336] {strides = array<i32>} : memref<40x512xi32, #tpu.memory_space<vmem>>, vector<1x16xi32>,
      %parallel_loop3A_338 = vector.shape_cast %parallel_loop3A_337 : vector<1x16xi32> to vector<16xi32>
      %parallel_loop3A_339 = arith.constant 0 : i32
      %parallel_loop3A_340 = vector.broadcast %parallel_loop3A_339 : i32 to vector<16xi32>
      %parallel_loop3A_341 = arith.cmpi sgt, %parallel_loop3A_338, %parallel_loop3A_340 : vector<16xi32>
      %parallel_loop3A_342 = arith.select %parallel_loop3A_341, %broadcast_in_dim3A_7, %broadcast_in_dim3A : vector<16xi1>, vector<16xf32>
      %parallel_loop3A_343 = arith.index_cast %parallel_loop3A_100 : i32 to index
      %parallel_loop3A_344 = arith.constant 288 : index
      %parallel_loop3A_345 = tpu.vector_load %arg10[%parallel_loop3A_343, %parallel_loop3A_344] {strides = array<i32>} : memref<40x512xf32, #tpu.memory_space<vmem>>, vector<1x16xf32>,
      %parallel_loop3A_346 = vector.shape_cast %parallel_loop3A_345 : vector<1x16xf32> to vector<16xf32>
      %parallel_loop3A_347 = vector.shape_cast %parallel_loop3A_342 : vector<16xf32> to vector<1x16xf32>
      tpu.vector_store %arg10[%parallel_loop3A_343, %parallel_loop3A_344], %parallel_loop3A_347 {strides = array<i32>} : memref<40x512xf32, #tpu.memory_space<vmem>>, vector<1x16xf32>,
      %parallel_loop3A_348 = arith.index_cast %parallel_loop3A_100 : i32 to index
      %parallel_loop3A_349 = arith.constant 304 : index
      %parallel_loop3A_350 = tpu.vector_load %arg7[%parallel_loop3A_348, %parallel_loop3A_349] {strides = array<i32>} : memref<40x512xi32, #tpu.memory_space<vmem>>, vector<1x16xi32>,
      %parallel_loop3A_351 = vector.shape_cast %parallel_loop3A_350 : vector<1x16xi32> to vector<16xi32>
      %parallel_loop3A_352 = arith.constant 0 : i32
      %parallel_loop3A_353 = vector.broadcast %parallel_loop3A_352 : i32 to vector<16xi32>
      %parallel_loop3A_354 = arith.cmpi sgt, %parallel_loop3A_351, %parallel_loop3A_353 : vector<16xi32>
      %parallel_loop3A_355 = arith.select %parallel_loop3A_354, %broadcast_in_dim3A_7, %broadcast_in_dim3A : vector<16xi1>, vector<16xf32>
      %parallel_loop3A_356 = arith.index_cast %parallel_loop3A_100 : i32 to index
      %parallel_loop3A_357 = arith.constant 304 : index
      %parallel_loop3A_358 = tpu.vector_load %arg10[%parallel_loop3A_356, %parallel_loop3A_357] {strides = array<i32>} : memref<40x512xf32, #tpu.memory_space<vmem>>, vector<1x16xf32>,
      %parallel_loop3A_359 = vector.shape_cast %parallel_loop3A_358 : vector<1x16xf32> to vector<16xf32>
      %parallel_loop3A_360 = vector.shape_cast %parallel_loop3A_355 : vector<16xf32> to vector<1x16xf32>
      tpu.vector_store %arg10[%parallel_loop3A_356, %parallel_loop3A_357], %parallel_loop3A_360 {strides = array<i32>} : memref<40x512xf32, #tpu.memory_space<vmem>>, vector<1x16xf32>,
      %parallel_loop3A_361 = arith.index_cast %parallel_loop3A_100 : i32 to index
      %parallel_loop3A_362 = arith.constant 320 : index
      %parallel_loop3A_363 = tpu.vector_load %arg7[%parallel_loop3A_361, %parallel_loop3A_362] {strides = array<i32>} : memref<40x512xi32, #tpu.memory_space<vmem>>, vector<1x16xi32>,
      %parallel_loop3A_364 = vector.shape_cast %parallel_loop3A_363 : vector<1x16xi32> to vector<16xi32>
      %parallel_loop3A_365 = arith.constant 0 : i32
      %parallel_loop3A_366 = vector.broadcast %parallel_loop3A_365 : i32 to vector<16xi32>
      %parallel_loop3A_367 = arith.cmpi sgt, %parallel_loop3A_364, %parallel_loop3A_366 : vector<16xi32>
      %parallel_loop3A_368 = arith.select %parallel_loop3A_367, %broadcast_in_dim3A_7, %broadcast_in_dim3A : vector<16xi1>, vector<16xf32>
      %parallel_loop3A_369 = arith.index_cast %parallel_loop3A_100 : i32 to index
      %parallel_loop3A_370 = arith.constant 320 : index
      %parallel_loop3A_371 = tpu.vector_load %arg10[%parallel_loop3A_369, %parallel_loop3A_370] {strides = array<i32>} : memref<40x512xf32, #tpu.memory_space<vmem>>, vector<1x16xf32>,
      %parallel_loop3A_372 = vector.shape_cast %parallel_loop3A_371 : vector<1x16xf32> to vector<16xf32>
      %parallel_loop3A_373 = vector.shape_cast %parallel_loop3A_368 : vector<16xf32> to vector<1x16xf32>
      tpu.vector_store %arg10[%parallel_loop3A_369, %parallel_loop3A_370], %parallel_loop3A_373 {strides = array<i32>} : memref<40x512xf32, #tpu.memory_space<vmem>>, vector<1x16xf32>,
      %parallel_loop3A_374 = arith.index_cast %parallel_loop3A_100 : i32 to index
      %parallel_loop3A_375 = arith.constant 336 : index
      %parallel_loop3A_376 = tpu.vector_load %arg7[%parallel_loop3A_374, %parallel_loop3A_375] {strides = array<i32>} : memref<40x512xi32, #tpu.memory_space<vmem>>, vector<1x16xi32>,
      %parallel_loop3A_377 = vector.shape_cast %parallel_loop3A_376 : vector<1x16xi32> to vector<16xi32>
      %parallel_loop3A_378 = arith.constant 0 : i32
      %parallel_loop3A_379 = vector.broadcast %parallel_loop3A_378 : i32 to vector<16xi32>
      %parallel_loop3A_380 = arith.cmpi sgt, %parallel_loop3A_377, %parallel_loop3A_379 : vector<16xi32>
      %parallel_loop3A_381 = arith.select %parallel_loop3A_380, %broadcast_in_dim3A_7, %broadcast_in_dim3A : vector<16xi1>, vector<16xf32>
      %parallel_loop3A_382 = arith.index_cast %parallel_loop3A_100 : i32 to index
      %parallel_loop3A_383 = arith.constant 336 : index
      %parallel_loop3A_384 = tpu.vector_load %arg10[%parallel_loop3A_382, %parallel_loop3A_383] {strides = array<i32>} : memref<40x512xf32, #tpu.memory_space<vmem>>, vector<1x16xf32>,
      %parallel_loop3A_385 = vector.shape_cast %parallel_loop3A_384 : vector<1x16xf32> to vector<16xf32>
      %parallel_loop3A_386 = vector.shape_cast %parallel_loop3A_381 : vector<16xf32> to vector<1x16xf32>
      tpu.vector_store %arg10[%parallel_loop3A_382, %parallel_loop3A_383], %parallel_loop3A_386 {strides = array<i32>} : memref<40x512xf32, #tpu.memory_space<vmem>>, vector<1x16xf32>,
      %parallel_loop3A_387 = arith.index_cast %parallel_loop3A_100 : i32 to index
      %parallel_loop3A_388 = arith.constant 352 : index
      %parallel_loop3A_389 = tpu.vector_load %arg7[%parallel_loop3A_387, %parallel_loop3A_388] {strides = array<i32>} : memref<40x512xi32, #tpu.memory_space<vmem>>, vector<1x16xi32>,
      %parallel_loop3A_390 = vector.shape_cast %parallel_loop3A_389 : vector<1x16xi32> to vector<16xi32>
      %parallel_loop3A_391 = arith.constant 0 : i32
      %parallel_loop3A_392 = vector.broadcast %parallel_loop3A_391 : i32 to vector<16xi32>
      %parallel_loop3A_393 = arith.cmpi sgt, %parallel_loop3A_390, %parallel_loop3A_392 : vector<16xi32>
      %parallel_loop3A_394 = arith.select %parallel_loop3A_393, %broadcast_in_dim3A_7, %broadcast_in_dim3A : vector<16xi1>, vector<16xf32>
      %parallel_loop3A_395 = arith.index_cast %parallel_loop3A_100 : i32 to index
      %parallel_loop3A_396 = arith.constant 352 : index
      %parallel_loop3A_397 = tpu.vector_load %arg10[%parallel_loop3A_395, %parallel_loop3A_396] {strides = array<i32>} : memref<40x512xf32, #tpu.memory_space<vmem>>, vector<1x16xf32>,
      %parallel_loop3A_398 = vector.shape_cast %parallel_loop3A_397 : vector<1x16xf32> to vector<16xf32>
      %parallel_loop3A_399 = vector.shape_cast %parallel_loop3A_394 : vector<16xf32> to vector<1x16xf32>
      tpu.vector_store %arg10[%parallel_loop3A_395, %parallel_loop3A_396], %parallel_loop3A_399 {strides = array<i32>} : memref<40x512xf32, #tpu.memory_space<vmem>>, vector<1x16xf32>,
      %parallel_loop3A_400 = arith.index_cast %parallel_loop3A_100 : i32 to index
      %parallel_loop3A_401 = arith.constant 368 : index
      %parallel_loop3A_402 = tpu.vector_load %arg7[%parallel_loop3A_400, %parallel_loop3A_401] {strides = array<i32>} : memref<40x512xi32, #tpu.memory_space<vmem>>, vector<1x16xi32>,
      %parallel_loop3A_403 = vector.shape_cast %parallel_loop3A_402 : vector<1x16xi32> to vector<16xi32>
      %parallel_loop3A_404 = arith.constant 0 : i32
      %parallel_loop3A_405 = vector.broadcast %parallel_loop3A_404 : i32 to vector<16xi32>
      %parallel_loop3A_406 = arith.cmpi sgt, %parallel_loop3A_403, %parallel_loop3A_405 : vector<16xi32>
      %parallel_loop3A_407 = arith.select %parallel_loop3A_406, %broadcast_in_dim3A_7, %broadcast_in_dim3A : vector<16xi1>, vector<16xf32>
      %parallel_loop3A_408 = arith.index_cast %parallel_loop3A_100 : i32 to index
      %parallel_loop3A_409 = arith.constant 368 : index
      %parallel_loop3A_410 = tpu.vector_load %arg10[%parallel_loop3A_408, %parallel_loop3A_409] {strides = array<i32>} : memref<40x512xf32, #tpu.memory_space<vmem>>, vector<1x16xf32>,
      %parallel_loop3A_411 = vector.shape_cast %parallel_loop3A_410 : vector<1x16xf32> to vector<16xf32>
      %parallel_loop3A_412 = vector.shape_cast %parallel_loop3A_407 : vector<16xf32> to vector<1x16xf32>
      tpu.vector_store %arg10[%parallel_loop3A_408, %parallel_loop3A_409], %parallel_loop3A_412 {strides = array<i32>} : memref<40x512xf32, #tpu.memory_space<vmem>>, vector<1x16xf32>,
      %parallel_loop3A_413 = arith.index_cast %parallel_loop3A_100 : i32 to index
      %parallel_loop3A_414 = arith.constant 384 : index
      %parallel_loop3A_415 = tpu.vector_load %arg7[%parallel_loop3A_413, %parallel_loop3A_414] {strides = array<i32>} : memref<40x512xi32, #tpu.memory_space<vmem>>, vector<1x16xi32>,
      %parallel_loop3A_416 = vector.shape_cast %parallel_loop3A_415 : vector<1x16xi32> to vector<16xi32>
      %parallel_loop3A_417 = arith.constant 0 : i32
      %parallel_loop3A_418 = vector.broadcast %parallel_loop3A_417 : i32 to vector<16xi32>
      %parallel_loop3A_419 = arith.cmpi sgt, %parallel_loop3A_416, %parallel_loop3A_418 : vector<16xi32>
      %parallel_loop3A_420 = arith.select %parallel_loop3A_419, %broadcast_in_dim3A_7, %broadcast_in_dim3A : vector<16xi1>, vector<16xf32>
      %parallel_loop3A_421 = arith.index_cast %parallel_loop3A_100 : i32 to index
      %parallel_loop3A_422 = arith.constant 384 : index
      %parallel_loop3A_423 = tpu.vector_load %arg10[%parallel_loop3A_421, %parallel_loop3A_422] {strides = array<i32>} : memref<40x512xf32, #tpu.memory_space<vmem>>, vector<1x16xf32>,
      %parallel_loop3A_424 = vector.shape_cast %parallel_loop3A_423 : vector<1x16xf32> to vector<16xf32>
      %parallel_loop3A_425 = vector.shape_cast %parallel_loop3A_420 : vector<16xf32> to vector<1x16xf32>
      tpu.vector_store %arg10[%parallel_loop3A_421, %parallel_loop3A_422], %parallel_loop3A_425 {strides = array<i32>} : memref<40x512xf32, #tpu.memory_space<vmem>>, vector<1x16xf32>,
      %parallel_loop3A_426 = arith.index_cast %parallel_loop3A_100 : i32 to index
      %parallel_loop3A_427 = arith.constant 400 : index
      %parallel_loop3A_428 = tpu.vector_load %arg7[%parallel_loop3A_426, %parallel_loop3A_427] {strides = array<i32>} : memref<40x512xi32, #tpu.memory_space<vmem>>, vector<1x16xi32>,
      %parallel_loop3A_429 = vector.shape_cast %parallel_loop3A_428 : vector<1x16xi32> to vector<16xi32>
      %parallel_loop3A_430 = arith.constant 0 : i32
      %parallel_loop3A_431 = vector.broadcast %parallel_loop3A_430 : i32 to vector<16xi32>
      %parallel_loop3A_432 = arith.cmpi sgt, %parallel_loop3A_429, %parallel_loop3A_431 : vector<16xi32>
      %parallel_loop3A_433 = arith.select %parallel_loop3A_432, %broadcast_in_dim3A_7, %broadcast_in_dim3A : vector<16xi1>, vector<16xf32>
      %parallel_loop3A_434 = arith.index_cast %parallel_loop3A_100 : i32 to index
      %parallel_loop3A_435 = arith.constant 400 : index
      %parallel_loop3A_436 = tpu.vector_load %arg10[%parallel_loop3A_434, %parallel_loop3A_435] {strides = array<i32>} : memref<40x512xf32, #tpu.memory_space<vmem>>, vector<1x16xf32>,
      %parallel_loop3A_437 = vector.shape_cast %parallel_loop3A_436 : vector<1x16xf32> to vector<16xf32>
      %parallel_loop3A_438 = vector.shape_cast %parallel_loop3A_433 : vector<16xf32> to vector<1x16xf32>
      tpu.vector_store %arg10[%parallel_loop3A_434, %parallel_loop3A_435], %parallel_loop3A_438 {strides = array<i32>} : memref<40x512xf32, #tpu.memory_space<vmem>>, vector<1x16xf32>,
      %parallel_loop3A_439 = arith.index_cast %parallel_loop3A_100 : i32 to index
      %parallel_loop3A_440 = arith.constant 416 : index
      %parallel_loop3A_441 = tpu.vector_load %arg7[%parallel_loop3A_439, %parallel_loop3A_440] {strides = array<i32>} : memref<40x512xi32, #tpu.memory_space<vmem>>, vector<1x16xi32>,
      %parallel_loop3A_442 = vector.shape_cast %parallel_loop3A_441 : vector<1x16xi32> to vector<16xi32>
      %parallel_loop3A_443 = arith.constant 0 : i32
      %parallel_loop3A_444 = vector.broadcast %parallel_loop3A_443 : i32 to vector<16xi32>
      %parallel_loop3A_445 = arith.cmpi sgt, %parallel_loop3A_442, %parallel_loop3A_444 : vector<16xi32>
      %parallel_loop3A_446 = arith.select %parallel_loop3A_445, %broadcast_in_dim3A_7, %broadcast_in_dim3A : vector<16xi1>, vector<16xf32>
      %parallel_loop3A_447 = arith.index_cast %parallel_loop3A_100 : i32 to index
      %parallel_loop3A_448 = arith.constant 416 : index
      %parallel_loop3A_449 = tpu.vector_load %arg10[%parallel_loop3A_447, %parallel_loop3A_448] {strides = array<i32>} : memref<40x512xf32, #tpu.memory_space<vmem>>, vector<1x16xf32>,
      %parallel_loop3A_450 = vector.shape_cast %parallel_loop3A_449 : vector<1x16xf32> to vector<16xf32>
      %parallel_loop3A_451 = vector.shape_cast %parallel_loop3A_446 : vector<16xf32> to vector<1x16xf32>
      tpu.vector_store %arg10[%parallel_loop3A_447, %parallel_loop3A_448], %parallel_loop3A_451 {strides = array<i32>} : memref<40x512xf32, #tpu.memory_space<vmem>>, vector<1x16xf32>,
      %parallel_loop3A_452 = arith.index_cast %parallel_loop3A_100 : i32 to index
      %parallel_loop3A_453 = arith.constant 432 : index
      %parallel_loop3A_454 = tpu.vector_load %arg7[%parallel_loop3A_452, %parallel_loop3A_453] {strides = array<i32>} : memref<40x512xi32, #tpu.memory_space<vmem>>, vector<1x16xi32>,
      %parallel_loop3A_455 = vector.shape_cast %parallel_loop3A_454 : vector<1x16xi32> to vector<16xi32>
      %parallel_loop3A_456 = arith.constant 0 : i32
      %parallel_loop3A_457 = vector.broadcast %parallel_loop3A_456 : i32 to vector<16xi32>
      %parallel_loop3A_458 = arith.cmpi sgt, %parallel_loop3A_455, %parallel_loop3A_457 : vector<16xi32>
      %parallel_loop3A_459 = arith.select %parallel_loop3A_458, %broadcast_in_dim3A_7, %broadcast_in_dim3A : vector<16xi1>, vector<16xf32>
      %parallel_loop3A_460 = arith.index_cast %parallel_loop3A_100 : i32 to index
      %parallel_loop3A_461 = arith.constant 432 : index
      %parallel_loop3A_462 = tpu.vector_load %arg10[%parallel_loop3A_460, %parallel_loop3A_461] {strides = array<i32>} : memref<40x512xf32, #tpu.memory_space<vmem>>, vector<1x16xf32>,
      %parallel_loop3A_463 = vector.shape_cast %parallel_loop3A_462 : vector<1x16xf32> to vector<16xf32>
      %parallel_loop3A_464 = vector.shape_cast %parallel_loop3A_459 : vector<16xf32> to vector<1x16xf32>
      tpu.vector_store %arg10[%parallel_loop3A_460, %parallel_loop3A_461], %parallel_loop3A_464 {strides = array<i32>} : memref<40x512xf32, #tpu.memory_space<vmem>>, vector<1x16xf32>,
      %parallel_loop3A_465 = arith.index_cast %parallel_loop3A_100 : i32 to index
      %parallel_loop3A_466 = arith.constant 448 : index
      %parallel_loop3A_467 = tpu.vector_load %arg7[%parallel_loop3A_465, %parallel_loop3A_466] {strides = array<i32>} : memref<40x512xi32, #tpu.memory_space<vmem>>, vector<1x16xi32>,
      %parallel_loop3A_468 = vector.shape_cast %parallel_loop3A_467 : vector<1x16xi32> to vector<16xi32>
      %parallel_loop3A_469 = arith.constant 0 : i32
      %parallel_loop3A_470 = vector.broadcast %parallel_loop3A_469 : i32 to vector<16xi32>
      %parallel_loop3A_471 = arith.cmpi sgt, %parallel_loop3A_468, %parallel_loop3A_470 : vector<16xi32>
      %parallel_loop3A_472 = arith.select %parallel_loop3A_471, %broadcast_in_dim3A_7, %broadcast_in_dim3A : vector<16xi1>, vector<16xf32>
      %parallel_loop3A_473 = arith.index_cast %parallel_loop3A_100 : i32 to index
      %parallel_loop3A_474 = arith.constant 448 : index
      %parallel_loop3A_475 = tpu.vector_load %arg10[%parallel_loop3A_473, %parallel_loop3A_474] {strides = array<i32>} : memref<40x512xf32, #tpu.memory_space<vmem>>, vector<1x16xf32>,
      %parallel_loop3A_476 = vector.shape_cast %parallel_loop3A_475 : vector<1x16xf32> to vector<16xf32>
      %parallel_loop3A_477 = vector.shape_cast %parallel_loop3A_472 : vector<16xf32> to vector<1x16xf32>
      tpu.vector_store %arg10[%parallel_loop3A_473, %parallel_loop3A_474], %parallel_loop3A_477 {strides = array<i32>} : memref<40x512xf32, #tpu.memory_space<vmem>>, vector<1x16xf32>,
      %parallel_loop3A_478 = arith.index_cast %parallel_loop3A_100 : i32 to index
      %parallel_loop3A_479 = arith.constant 464 : index
      %parallel_loop3A_480 = tpu.vector_load %arg7[%parallel_loop3A_478, %parallel_loop3A_479] {strides = array<i32>} : memref<40x512xi32, #tpu.memory_space<vmem>>, vector<1x16xi32>,
      %parallel_loop3A_481 = vector.shape_cast %parallel_loop3A_480 : vector<1x16xi32> to vector<16xi32>
      %parallel_loop3A_482 = arith.constant 0 : i32
      %parallel_loop3A_483 = vector.broadcast %parallel_loop3A_482 : i32 to vector<16xi32>
      %parallel_loop3A_484 = arith.cmpi sgt, %parallel_loop3A_481, %parallel_loop3A_483 : vector<16xi32>
      %parallel_loop3A_485 = arith.select %parallel_loop3A_484, %broadcast_in_dim3A_7, %broadcast_in_dim3A : vector<16xi1>, vector<16xf32>
      %parallel_loop3A_486 = arith.index_cast %parallel_loop3A_100 : i32 to index
      %parallel_loop3A_487 = arith.constant 464 : index
      %parallel_loop3A_488 = tpu.vector_load %arg10[%parallel_loop3A_486, %parallel_loop3A_487] {strides = array<i32>} : memref<40x512xf32, #tpu.memory_space<vmem>>, vector<1x16xf32>,
      %parallel_loop3A_489 = vector.shape_cast %parallel_loop3A_488 : vector<1x16xf32> to vector<16xf32>
      %parallel_loop3A_490 = vector.shape_cast %parallel_loop3A_485 : vector<16xf32> to vector<1x16xf32>
      tpu.vector_store %arg10[%parallel_loop3A_486, %parallel_loop3A_487], %parallel_loop3A_490 {strides = array<i32>} : memref<40x512xf32, #tpu.memory_space<vmem>>, vector<1x16xf32>,
      %parallel_loop3A_491 = arith.index_cast %parallel_loop3A_100 : i32 to index
      %parallel_loop3A_492 = arith.constant 480 : index
      %parallel_loop3A_493 = tpu.vector_load %arg7[%parallel_loop3A_491, %parallel_loop3A_492] {strides = array<i32>} : memref<40x512xi32, #tpu.memory_space<vmem>>, vector<1x16xi32>,
      %parallel_loop3A_494 = vector.shape_cast %parallel_loop3A_493 : vector<1x16xi32> to vector<16xi32>
      %parallel_loop3A_495 = arith.constant 0 : i32
      %parallel_loop3A_496 = vector.broadcast %parallel_loop3A_495 : i32 to vector<16xi32>
      %parallel_loop3A_497 = arith.cmpi sgt, %parallel_loop3A_494, %parallel_loop3A_496 : vector<16xi32>
      %parallel_loop3A_498 = arith.select %parallel_loop3A_497, %broadcast_in_dim3A_7, %broadcast_in_dim3A : vector<16xi1>, vector<16xf32>
      %parallel_loop3A_499 = arith.index_cast %parallel_loop3A_100 : i32 to index
      %parallel_loop3A_500 = arith.constant 480 : index
      %parallel_loop3A_501 = tpu.vector_load %arg10[%parallel_loop3A_499, %parallel_loop3A_500] {strides = array<i32>} : memref<40x512xf32, #tpu.memory_space<vmem>>, vector<1x16xf32>,
      %parallel_loop3A_502 = vector.shape_cast %parallel_loop3A_501 : vector<1x16xf32> to vector<16xf32>
      %parallel_loop3A_503 = vector.shape_cast %parallel_loop3A_498 : vector<16xf32> to vector<1x16xf32>
      tpu.vector_store %arg10[%parallel_loop3A_499, %parallel_loop3A_500], %parallel_loop3A_503 {strides = array<i32>} : memref<40x512xf32, #tpu.memory_space<vmem>>, vector<1x16xf32>,
      %parallel_loop3A_504 = arith.index_cast %parallel_loop3A_100 : i32 to index
      %parallel_loop3A_505 = arith.constant 496 : index
      %parallel_loop3A_506 = tpu.vector_load %arg7[%parallel_loop3A_504, %parallel_loop3A_505] {strides = array<i32>} : memref<40x512xi32, #tpu.memory_space<vmem>>, vector<1x16xi32>,
      %parallel_loop3A_507 = vector.shape_cast %parallel_loop3A_506 : vector<1x16xi32> to vector<16xi32>
      %parallel_loop3A_508 = arith.constant 0 : i32
      %parallel_loop3A_509 = vector.broadcast %parallel_loop3A_508 : i32 to vector<16xi32>
      %parallel_loop3A_510 = arith.cmpi sgt, %parallel_loop3A_507, %parallel_loop3A_509 : vector<16xi32>
      %parallel_loop3A_511 = arith.select %parallel_loop3A_510, %broadcast_in_dim3A_7, %broadcast_in_dim3A : vector<16xi1>, vector<16xf32>
      %parallel_loop3A_512 = arith.index_cast %parallel_loop3A_100 : i32 to index
      %parallel_loop3A_513 = arith.constant 496 : index
      %parallel_loop3A_514 = tpu.vector_load %arg10[%parallel_loop3A_512, %parallel_loop3A_513] {strides = array<i32>} : memref<40x512xf32, #tpu.memory_space<vmem>>, vector<1x16xf32>,
      %parallel_loop3A_515 = vector.shape_cast %parallel_loop3A_514 : vector<1x16xf32> to vector<16xf32>
      %parallel_loop3A_516 = vector.shape_cast %parallel_loop3A_511 : vector<16xf32> to vector<1x16xf32>
      tpu.vector_store %arg10[%parallel_loop3A_512, %parallel_loop3A_513], %parallel_loop3A_516 {strides = array<i32>} : memref<40x512xf32, #tpu.memory_space<vmem>>, vector<1x16xf32>,
    } {sc.loop_unroll_factor = 1 : i64, sc.parallel_access}
    %dma_start3A_39 = arith.constant 40 : i32
    %dma_start3A_40 = tpu.memref_slice %arg4[%dma_start3A_39, %mul3A_2] : memref<200x16384xf32, #tpu.memory_space<hbm>> -> memref<40x512xf32, #tpu.memory_space<hbm>>
    %dma_start3A_41 = arith.constant 40 : i32
    %dma_start3A_42 = tpu.memref_slice %arg4[%dma_start3A_41, %mul3A_2] : memref<200x16384xf32, #tpu.memory_space<hbm>> -> memref<40x512xf32, #tpu.memory_space<hbm>>
    tpu.enqueue_dma source(%arg10 : memref<40x512xf32, #tpu.memory_space<vmem>>) target(%dma_start3A_42 : memref<40x512xf32, #tpu.memory_space<hbm>>) target_semaphore(%arg16 : memref<!tpu.dma_semaphore, #tpu.memory_space<semaphore_mem>>)
    %dma_start3A_43 = arith.constant 160 : i32
    %dma_start3A_44 = tpu.memref_slice %arg2[%dma_start3A_43, %mul3A_2] : memref<200x16384xi32, #tpu.memory_space<hbm>> -> memref<40x512xi32, #tpu.memory_space<hbm>>
    %dma_start3A_45 = arith.constant 160 : i32
    %dma_start3A_46 = tpu.memref_slice %arg2[%dma_start3A_45, %mul3A_2] : memref<200x16384xi32, #tpu.memory_space<hbm>> -> memref<40x512xi32, #tpu.memory_space<hbm>>
    tpu.enqueue_dma source(%dma_start3A_46 : memref<40x512xi32, #tpu.memory_space<hbm>>) target(%arg7 : memref<40x512xi32, #tpu.memory_space<vmem>>) target_semaphore(%arg13 : memref<!tpu.dma_semaphore, #tpu.memory_space<semaphore_mem>>)
    %dma_wait3A_47 = arith.constant 80 : i32
    %dma_wait3A_48 = tpu.memref_slice %arg2[%dma_wait3A_47, %mul3A_2] : memref<200x16384xi32, #tpu.memory_space<hbm>> -> memref<40x512xi32, #tpu.memory_space<hbm>>
    %dma_wait3A_49 = arith.constant 80 : i32
    %dma_wait3A_50 = tpu.memref_slice %arg2[%dma_wait3A_49, %mul3A_2] : memref<200x16384xi32, #tpu.memory_space<hbm>> -> memref<40x512xi32, #tpu.memory_space<hbm>>
    tpu.wait_dma2 semaphore(%arg14 : memref<!tpu.dma_semaphore, #tpu.memory_space<semaphore_mem>>) src(%dma_wait3A_50 : memref<40x512xi32, #tpu.memory_space<hbm>>) dst(%arg8 : memref<40x512xi32, #tpu.memory_space<vmem>>)
    %parallel_loop3A_51 = arith.constant 0 : i32
    %parallel_loop3A_52 = arith.constant 40 : i32
    %parallel_loop3A_53 = arith.constant 1 : i32
    scf.for %parallel_loop3A_100 = %parallel_loop3A_51 to %parallel_loop3A_52 step %parallel_loop3A_53  : i32 {
      %parallel_loop3A_101 = arith.index_cast %parallel_loop3A_100 : i32 to index
      %parallel_loop3A_102 = arith.constant 0 : index
      %parallel_loop3A_103 = tpu.vector_load %arg8[%parallel_loop3A_101, %parallel_loop3A_102] {strides = array<i32>} : memref<40x512xi32, #tpu.memory_space<vmem>>, vector<1x16xi32>,
      %parallel_loop3A_104 = vector.shape_cast %parallel_loop3A_103 : vector<1x16xi32> to vector<16xi32>
      %parallel_loop3A_105 = arith.constant 0 : i32
      %parallel_loop3A_106 = vector.broadcast %parallel_loop3A_105 : i32 to vector<16xi32>
      %parallel_loop3A_107 = arith.cmpi sgt, %parallel_loop3A_104, %parallel_loop3A_106 : vector<16xi32>
      %parallel_loop3A_108 = arith.select %parallel_loop3A_107, %broadcast_in_dim3A_7, %broadcast_in_dim3A : vector<16xi1>, vector<16xf32>
      %parallel_loop3A_109 = arith.index_cast %parallel_loop3A_100 : i32 to index
      %parallel_loop3A_110 = arith.constant 0 : index
      %parallel_loop3A_111 = tpu.vector_load %arg11[%parallel_loop3A_109, %parallel_loop3A_110] {strides = array<i32>} : memref<40x512xf32, #tpu.memory_space<vmem>>, vector<1x16xf32>,
      %parallel_loop3A_112 = vector.shape_cast %parallel_loop3A_111 : vector<1x16xf32> to vector<16xf32>
      %parallel_loop3A_113 = vector.shape_cast %parallel_loop3A_108 : vector<16xf32> to vector<1x16xf32>
      tpu.vector_store %arg11[%parallel_loop3A_109, %parallel_loop3A_110], %parallel_loop3A_113 {strides = array<i32>} : memref<40x512xf32, #tpu.memory_space<vmem>>, vector<1x16xf32>,
      %parallel_loop3A_114 = arith.index_cast %parallel_loop3A_100 : i32 to index
      %parallel_loop3A_115 = arith.constant 16 : index
      %parallel_loop3A_116 = tpu.vector_load %arg8[%parallel_loop3A_114, %parallel_loop3A_115] {strides = array<i32>} : memref<40x512xi32, #tpu.memory_space<vmem>>, vector<1x16xi32>,
      %parallel_loop3A_117 = vector.shape_cast %parallel_loop3A_116 : vector<1x16xi32> to vector<16xi32>
      %parallel_loop3A_118 = arith.constant 0 : i32
      %parallel_loop3A_119 = vector.broadcast %parallel_loop3A_118 : i32 to vector<16xi32>
      %parallel_loop3A_120 = arith.cmpi sgt, %parallel_loop3A_117, %parallel_loop3A_119 : vector<16xi32>
      %parallel_loop3A_121 = arith.select %parallel_loop3A_120, %broadcast_in_dim3A_7, %broadcast_in_dim3A : vector<16xi1>, vector<16xf32>
      %parallel_loop3A_122 = arith.index_cast %parallel_loop3A_100 : i32 to index
      %parallel_loop3A_123 = arith.constant 16 : index
      %parallel_loop3A_124 = tpu.vector_load %arg11[%parallel_loop3A_122, %parallel_loop3A_123] {strides = array<i32>} : memref<40x512xf32, #tpu.memory_space<vmem>>, vector<1x16xf32>,
      %parallel_loop3A_125 = vector.shape_cast %parallel_loop3A_124 : vector<1x16xf32> to vector<16xf32>
      %parallel_loop3A_126 = vector.shape_cast %parallel_loop3A_121 : vector<16xf32> to vector<1x16xf32>
      tpu.vector_store %arg11[%parallel_loop3A_122, %parallel_loop3A_123], %parallel_loop3A_126 {strides = array<i32>} : memref<40x512xf32, #tpu.memory_space<vmem>>, vector<1x16xf32>,
      %parallel_loop3A_127 = arith.index_cast %parallel_loop3A_100 : i32 to index
      %parallel_loop3A_128 = arith.constant 32 : index
      %parallel_loop3A_129 = tpu.vector_load %arg8[%parallel_loop3A_127, %parallel_loop3A_128] {strides = array<i32>} : memref<40x512xi32, #tpu.memory_space<vmem>>, vector<1x16xi32>,
      %parallel_loop3A_130 = vector.shape_cast %parallel_loop3A_129 : vector<1x16xi32> to vector<16xi32>
      %parallel_loop3A_131 = arith.constant 0 : i32
      %parallel_loop3A_132 = vector.broadcast %parallel_loop3A_131 : i32 to vector<16xi32>
      %parallel_loop3A_133 = arith.cmpi sgt, %parallel_loop3A_130, %parallel_loop3A_132 : vector<16xi32>
      %parallel_loop3A_134 = arith.select %parallel_loop3A_133, %broadcast_in_dim3A_7, %broadcast_in_dim3A : vector<16xi1>, vector<16xf32>
      %parallel_loop3A_135 = arith.index_cast %parallel_loop3A_100 : i32 to index
      %parallel_loop3A_136 = arith.constant 32 : index
      %parallel_loop3A_137 = tpu.vector_load %arg11[%parallel_loop3A_135, %parallel_loop3A_136] {strides = array<i32>} : memref<40x512xf32, #tpu.memory_space<vmem>>, vector<1x16xf32>,
      %parallel_loop3A_138 = vector.shape_cast %parallel_loop3A_137 : vector<1x16xf32> to vector<16xf32>
      %parallel_loop3A_139 = vector.shape_cast %parallel_loop3A_134 : vector<16xf32> to vector<1x16xf32>
      tpu.vector_store %arg11[%parallel_loop3A_135, %parallel_loop3A_136], %parallel_loop3A_139 {strides = array<i32>} : memref<40x512xf32, #tpu.memory_space<vmem>>, vector<1x16xf32>,
      %parallel_loop3A_140 = arith.index_cast %parallel_loop3A_100 : i32 to index
      %parallel_loop3A_141 = arith.constant 48 : index
      %parallel_loop3A_142 = tpu.vector_load %arg8[%parallel_loop3A_140, %parallel_loop3A_141] {strides = array<i32>} : memref<40x512xi32, #tpu.memory_space<vmem>>, vector<1x16xi32>,
      %parallel_loop3A_143 = vector.shape_cast %parallel_loop3A_142 : vector<1x16xi32> to vector<16xi32>
      %parallel_loop3A_144 = arith.constant 0 : i32
      %parallel_loop3A_145 = vector.broadcast %parallel_loop3A_144 : i32 to vector<16xi32>
      %parallel_loop3A_146 = arith.cmpi sgt, %parallel_loop3A_143, %parallel_loop3A_145 : vector<16xi32>
      %parallel_loop3A_147 = arith.select %parallel_loop3A_146, %broadcast_in_dim3A_7, %broadcast_in_dim3A : vector<16xi1>, vector<16xf32>
      %parallel_loop3A_148 = arith.index_cast %parallel_loop3A_100 : i32 to index
      %parallel_loop3A_149 = arith.constant 48 : index
      %parallel_loop3A_150 = tpu.vector_load %arg11[%parallel_loop3A_148, %parallel_loop3A_149] {strides = array<i32>} : memref<40x512xf32, #tpu.memory_space<vmem>>, vector<1x16xf32>,
      %parallel_loop3A_151 = vector.shape_cast %parallel_loop3A_150 : vector<1x16xf32> to vector<16xf32>
      %parallel_loop3A_152 = vector.shape_cast %parallel_loop3A_147 : vector<16xf32> to vector<1x16xf32>
      tpu.vector_store %arg11[%parallel_loop3A_148, %parallel_loop3A_149], %parallel_loop3A_152 {strides = array<i32>} : memref<40x512xf32, #tpu.memory_space<vmem>>, vector<1x16xf32>,
      %parallel_loop3A_153 = arith.index_cast %parallel_loop3A_100 : i32 to index
      %parallel_loop3A_154 = arith.constant 64 : index
      %parallel_loop3A_155 = tpu.vector_load %arg8[%parallel_loop3A_153, %parallel_loop3A_154] {strides = array<i32>} : memref<40x512xi32, #tpu.memory_space<vmem>>, vector<1x16xi32>,
      %parallel_loop3A_156 = vector.shape_cast %parallel_loop3A_155 : vector<1x16xi32> to vector<16xi32>
      %parallel_loop3A_157 = arith.constant 0 : i32
      %parallel_loop3A_158 = vector.broadcast %parallel_loop3A_157 : i32 to vector<16xi32>
      %parallel_loop3A_159 = arith.cmpi sgt, %parallel_loop3A_156, %parallel_loop3A_158 : vector<16xi32>
      %parallel_loop3A_160 = arith.select %parallel_loop3A_159, %broadcast_in_dim3A_7, %broadcast_in_dim3A : vector<16xi1>, vector<16xf32>
      %parallel_loop3A_161 = arith.index_cast %parallel_loop3A_100 : i32 to index
      %parallel_loop3A_162 = arith.constant 64 : index
      %parallel_loop3A_163 = tpu.vector_load %arg11[%parallel_loop3A_161, %parallel_loop3A_162] {strides = array<i32>} : memref<40x512xf32, #tpu.memory_space<vmem>>, vector<1x16xf32>,
      %parallel_loop3A_164 = vector.shape_cast %parallel_loop3A_163 : vector<1x16xf32> to vector<16xf32>
      %parallel_loop3A_165 = vector.shape_cast %parallel_loop3A_160 : vector<16xf32> to vector<1x16xf32>
      tpu.vector_store %arg11[%parallel_loop3A_161, %parallel_loop3A_162], %parallel_loop3A_165 {strides = array<i32>} : memref<40x512xf32, #tpu.memory_space<vmem>>, vector<1x16xf32>,
      %parallel_loop3A_166 = arith.index_cast %parallel_loop3A_100 : i32 to index
      %parallel_loop3A_167 = arith.constant 80 : index
      %parallel_loop3A_168 = tpu.vector_load %arg8[%parallel_loop3A_166, %parallel_loop3A_167] {strides = array<i32>} : memref<40x512xi32, #tpu.memory_space<vmem>>, vector<1x16xi32>,
      %parallel_loop3A_169 = vector.shape_cast %parallel_loop3A_168 : vector<1x16xi32> to vector<16xi32>
      %parallel_loop3A_170 = arith.constant 0 : i32
      %parallel_loop3A_171 = vector.broadcast %parallel_loop3A_170 : i32 to vector<16xi32>
      %parallel_loop3A_172 = arith.cmpi sgt, %parallel_loop3A_169, %parallel_loop3A_171 : vector<16xi32>
      %parallel_loop3A_173 = arith.select %parallel_loop3A_172, %broadcast_in_dim3A_7, %broadcast_in_dim3A : vector<16xi1>, vector<16xf32>
      %parallel_loop3A_174 = arith.index_cast %parallel_loop3A_100 : i32 to index
      %parallel_loop3A_175 = arith.constant 80 : index
      %parallel_loop3A_176 = tpu.vector_load %arg11[%parallel_loop3A_174, %parallel_loop3A_175] {strides = array<i32>} : memref<40x512xf32, #tpu.memory_space<vmem>>, vector<1x16xf32>,
      %parallel_loop3A_177 = vector.shape_cast %parallel_loop3A_176 : vector<1x16xf32> to vector<16xf32>
      %parallel_loop3A_178 = vector.shape_cast %parallel_loop3A_173 : vector<16xf32> to vector<1x16xf32>
      tpu.vector_store %arg11[%parallel_loop3A_174, %parallel_loop3A_175], %parallel_loop3A_178 {strides = array<i32>} : memref<40x512xf32, #tpu.memory_space<vmem>>, vector<1x16xf32>,
      %parallel_loop3A_179 = arith.index_cast %parallel_loop3A_100 : i32 to index
      %parallel_loop3A_180 = arith.constant 96 : index
      %parallel_loop3A_181 = tpu.vector_load %arg8[%parallel_loop3A_179, %parallel_loop3A_180] {strides = array<i32>} : memref<40x512xi32, #tpu.memory_space<vmem>>, vector<1x16xi32>,
      %parallel_loop3A_182 = vector.shape_cast %parallel_loop3A_181 : vector<1x16xi32> to vector<16xi32>
      %parallel_loop3A_183 = arith.constant 0 : i32
      %parallel_loop3A_184 = vector.broadcast %parallel_loop3A_183 : i32 to vector<16xi32>
      %parallel_loop3A_185 = arith.cmpi sgt, %parallel_loop3A_182, %parallel_loop3A_184 : vector<16xi32>
      %parallel_loop3A_186 = arith.select %parallel_loop3A_185, %broadcast_in_dim3A_7, %broadcast_in_dim3A : vector<16xi1>, vector<16xf32>
      %parallel_loop3A_187 = arith.index_cast %parallel_loop3A_100 : i32 to index
      %parallel_loop3A_188 = arith.constant 96 : index
      %parallel_loop3A_189 = tpu.vector_load %arg11[%parallel_loop3A_187, %parallel_loop3A_188] {strides = array<i32>} : memref<40x512xf32, #tpu.memory_space<vmem>>, vector<1x16xf32>,
      %parallel_loop3A_190 = vector.shape_cast %parallel_loop3A_189 : vector<1x16xf32> to vector<16xf32>
      %parallel_loop3A_191 = vector.shape_cast %parallel_loop3A_186 : vector<16xf32> to vector<1x16xf32>
      tpu.vector_store %arg11[%parallel_loop3A_187, %parallel_loop3A_188], %parallel_loop3A_191 {strides = array<i32>} : memref<40x512xf32, #tpu.memory_space<vmem>>, vector<1x16xf32>,
      %parallel_loop3A_192 = arith.index_cast %parallel_loop3A_100 : i32 to index
      %parallel_loop3A_193 = arith.constant 112 : index
      %parallel_loop3A_194 = tpu.vector_load %arg8[%parallel_loop3A_192, %parallel_loop3A_193] {strides = array<i32>} : memref<40x512xi32, #tpu.memory_space<vmem>>, vector<1x16xi32>,
      %parallel_loop3A_195 = vector.shape_cast %parallel_loop3A_194 : vector<1x16xi32> to vector<16xi32>
      %parallel_loop3A_196 = arith.constant 0 : i32
      %parallel_loop3A_197 = vector.broadcast %parallel_loop3A_196 : i32 to vector<16xi32>
      %parallel_loop3A_198 = arith.cmpi sgt, %parallel_loop3A_195, %parallel_loop3A_197 : vector<16xi32>
      %parallel_loop3A_199 = arith.select %parallel_loop3A_198, %broadcast_in_dim3A_7, %broadcast_in_dim3A : vector<16xi1>, vector<16xf32>
      %parallel_loop3A_200 = arith.index_cast %parallel_loop3A_100 : i32 to index
      %parallel_loop3A_201 = arith.constant 112 : index
      %parallel_loop3A_202 = tpu.vector_load %arg11[%parallel_loop3A_200, %parallel_loop3A_201] {strides = array<i32>} : memref<40x512xf32, #tpu.memory_space<vmem>>, vector<1x16xf32>,
      %parallel_loop3A_203 = vector.shape_cast %parallel_loop3A_202 : vector<1x16xf32> to vector<16xf32>
      %parallel_loop3A_204 = vector.shape_cast %parallel_loop3A_199 : vector<16xf32> to vector<1x16xf32>
      tpu.vector_store %arg11[%parallel_loop3A_200, %parallel_loop3A_201], %parallel_loop3A_204 {strides = array<i32>} : memref<40x512xf32, #tpu.memory_space<vmem>>, vector<1x16xf32>,
      %parallel_loop3A_205 = arith.index_cast %parallel_loop3A_100 : i32 to index
      %parallel_loop3A_206 = arith.constant 128 : index
      %parallel_loop3A_207 = tpu.vector_load %arg8[%parallel_loop3A_205, %parallel_loop3A_206] {strides = array<i32>} : memref<40x512xi32, #tpu.memory_space<vmem>>, vector<1x16xi32>,
      %parallel_loop3A_208 = vector.shape_cast %parallel_loop3A_207 : vector<1x16xi32> to vector<16xi32>
      %parallel_loop3A_209 = arith.constant 0 : i32
      %parallel_loop3A_210 = vector.broadcast %parallel_loop3A_209 : i32 to vector<16xi32>
      %parallel_loop3A_211 = arith.cmpi sgt, %parallel_loop3A_208, %parallel_loop3A_210 : vector<16xi32>
      %parallel_loop3A_212 = arith.select %parallel_loop3A_211, %broadcast_in_dim3A_7, %broadcast_in_dim3A : vector<16xi1>, vector<16xf32>
      %parallel_loop3A_213 = arith.index_cast %parallel_loop3A_100 : i32 to index
      %parallel_loop3A_214 = arith.constant 128 : index
      %parallel_loop3A_215 = tpu.vector_load %arg11[%parallel_loop3A_213, %parallel_loop3A_214] {strides = array<i32>} : memref<40x512xf32, #tpu.memory_space<vmem>>, vector<1x16xf32>,
      %parallel_loop3A_216 = vector.shape_cast %parallel_loop3A_215 : vector<1x16xf32> to vector<16xf32>
      %parallel_loop3A_217 = vector.shape_cast %parallel_loop3A_212 : vector<16xf32> to vector<1x16xf32>
      tpu.vector_store %arg11[%parallel_loop3A_213, %parallel_loop3A_214], %parallel_loop3A_217 {strides = array<i32>} : memref<40x512xf32, #tpu.memory_space<vmem>>, vector<1x16xf32>,
      %parallel_loop3A_218 = arith.index_cast %parallel_loop3A_100 : i32 to index
      %parallel_loop3A_219 = arith.constant 144 : index
      %parallel_loop3A_220 = tpu.vector_load %arg8[%parallel_loop3A_218, %parallel_loop3A_219] {strides = array<i32>} : memref<40x512xi32, #tpu.memory_space<vmem>>, vector<1x16xi32>,
      %parallel_loop3A_221 = vector.shape_cast %parallel_loop3A_220 : vector<1x16xi32> to vector<16xi32>
      %parallel_loop3A_222 = arith.constant 0 : i32
      %parallel_loop3A_223 = vector.broadcast %parallel_loop3A_222 : i32 to vector<16xi32>
      %parallel_loop3A_224 = arith.cmpi sgt, %parallel_loop3A_221, %parallel_loop3A_223 : vector<16xi32>
      %parallel_loop3A_225 = arith.select %parallel_loop3A_224, %broadcast_in_dim3A_7, %broadcast_in_dim3A : vector<16xi1>, vector<16xf32>
      %parallel_loop3A_226 = arith.index_cast %parallel_loop3A_100 : i32 to index
      %parallel_loop3A_227 = arith.constant 144 : index
      %parallel_loop3A_228 = tpu.vector_load %arg11[%parallel_loop3A_226, %parallel_loop3A_227] {strides = array<i32>} : memref<40x512xf32, #tpu.memory_space<vmem>>, vector<1x16xf32>,
      %parallel_loop3A_229 = vector.shape_cast %parallel_loop3A_228 : vector<1x16xf32> to vector<16xf32>
      %parallel_loop3A_230 = vector.shape_cast %parallel_loop3A_225 : vector<16xf32> to vector<1x16xf32>
      tpu.vector_store %arg11[%parallel_loop3A_226, %parallel_loop3A_227], %parallel_loop3A_230 {strides = array<i32>} : memref<40x512xf32, #tpu.memory_space<vmem>>, vector<1x16xf32>,
      %parallel_loop3A_231 = arith.index_cast %parallel_loop3A_100 : i32 to index
      %parallel_loop3A_232 = arith.constant 160 : index
      %parallel_loop3A_233 = tpu.vector_load %arg8[%parallel_loop3A_231, %parallel_loop3A_232] {strides = array<i32>} : memref<40x512xi32, #tpu.memory_space<vmem>>, vector<1x16xi32>,
      %parallel_loop3A_234 = vector.shape_cast %parallel_loop3A_233 : vector<1x16xi32> to vector<16xi32>
      %parallel_loop3A_235 = arith.constant 0 : i32
      %parallel_loop3A_236 = vector.broadcast %parallel_loop3A_235 : i32 to vector<16xi32>
      %parallel_loop3A_237 = arith.cmpi sgt, %parallel_loop3A_234, %parallel_loop3A_236 : vector<16xi32>
      %parallel_loop3A_238 = arith.select %parallel_loop3A_237, %broadcast_in_dim3A_7, %broadcast_in_dim3A : vector<16xi1>, vector<16xf32>
      %parallel_loop3A_239 = arith.index_cast %parallel_loop3A_100 : i32 to index
      %parallel_loop3A_240 = arith.constant 160 : index
      %parallel_loop3A_241 = tpu.vector_load %arg11[%parallel_loop3A_239, %parallel_loop3A_240] {strides = array<i32>} : memref<40x512xf32, #tpu.memory_space<vmem>>, vector<1x16xf32>,
      %parallel_loop3A_242 = vector.shape_cast %parallel_loop3A_241 : vector<1x16xf32> to vector<16xf32>
      %parallel_loop3A_243 = vector.shape_cast %parallel_loop3A_238 : vector<16xf32> to vector<1x16xf32>
      tpu.vector_store %arg11[%parallel_loop3A_239, %parallel_loop3A_240], %parallel_loop3A_243 {strides = array<i32>} : memref<40x512xf32, #tpu.memory_space<vmem>>, vector<1x16xf32>,
      %parallel_loop3A_244 = arith.index_cast %parallel_loop3A_100 : i32 to index
      %parallel_loop3A_245 = arith.constant 176 : index
      %parallel_loop3A_246 = tpu.vector_load %arg8[%parallel_loop3A_244, %parallel_loop3A_245] {strides = array<i32>} : memref<40x512xi32, #tpu.memory_space<vmem>>, vector<1x16xi32>,
      %parallel_loop3A_247 = vector.shape_cast %parallel_loop3A_246 : vector<1x16xi32> to vector<16xi32>
      %parallel_loop3A_248 = arith.constant 0 : i32
      %parallel_loop3A_249 = vector.broadcast %parallel_loop3A_248 : i32 to vector<16xi32>
      %parallel_loop3A_250 = arith.cmpi sgt, %parallel_loop3A_247, %parallel_loop3A_249 : vector<16xi32>
      %parallel_loop3A_251 = arith.select %parallel_loop3A_250, %broadcast_in_dim3A_7, %broadcast_in_dim3A : vector<16xi1>, vector<16xf32>
      %parallel_loop3A_252 = arith.index_cast %parallel_loop3A_100 : i32 to index
      %parallel_loop3A_253 = arith.constant 176 : index
      %parallel_loop3A_254 = tpu.vector_load %arg11[%parallel_loop3A_252, %parallel_loop3A_253] {strides = array<i32>} : memref<40x512xf32, #tpu.memory_space<vmem>>, vector<1x16xf32>,
      %parallel_loop3A_255 = vector.shape_cast %parallel_loop3A_254 : vector<1x16xf32> to vector<16xf32>
      %parallel_loop3A_256 = vector.shape_cast %parallel_loop3A_251 : vector<16xf32> to vector<1x16xf32>
      tpu.vector_store %arg11[%parallel_loop3A_252, %parallel_loop3A_253], %parallel_loop3A_256 {strides = array<i32>} : memref<40x512xf32, #tpu.memory_space<vmem>>, vector<1x16xf32>,
      %parallel_loop3A_257 = arith.index_cast %parallel_loop3A_100 : i32 to index
      %parallel_loop3A_258 = arith.constant 192 : index
      %parallel_loop3A_259 = tpu.vector_load %arg8[%parallel_loop3A_257, %parallel_loop3A_258] {strides = array<i32>} : memref<40x512xi32, #tpu.memory_space<vmem>>, vector<1x16xi32>,
      %parallel_loop3A_260 = vector.shape_cast %parallel_loop3A_259 : vector<1x16xi32> to vector<16xi32>
      %parallel_loop3A_261 = arith.constant 0 : i32
      %parallel_loop3A_262 = vector.broadcast %parallel_loop3A_261 : i32 to vector<16xi32>
      %parallel_loop3A_263 = arith.cmpi sgt, %parallel_loop3A_260, %parallel_loop3A_262 : vector<16xi32>
      %parallel_loop3A_264 = arith.select %parallel_loop3A_263, %broadcast_in_dim3A_7, %broadcast_in_dim3A : vector<16xi1>, vector<16xf32>
      %parallel_loop3A_265 = arith.index_cast %parallel_loop3A_100 : i32 to index
      %parallel_loop3A_266 = arith.constant 192 : index
      %parallel_loop3A_267 = tpu.vector_load %arg11[%parallel_loop3A_265, %parallel_loop3A_266] {strides = array<i32>} : memref<40x512xf32, #tpu.memory_space<vmem>>, vector<1x16xf32>,
      %parallel_loop3A_268 = vector.shape_cast %parallel_loop3A_267 : vector<1x16xf32> to vector<16xf32>
      %parallel_loop3A_269 = vector.shape_cast %parallel_loop3A_264 : vector<16xf32> to vector<1x16xf32>
      tpu.vector_store %arg11[%parallel_loop3A_265, %parallel_loop3A_266], %parallel_loop3A_269 {strides = array<i32>} : memref<40x512xf32, #tpu.memory_space<vmem>>, vector<1x16xf32>,
      %parallel_loop3A_270 = arith.index_cast %parallel_loop3A_100 : i32 to index
      %parallel_loop3A_271 = arith.constant 208 : index
      %parallel_loop3A_272 = tpu.vector_load %arg8[%parallel_loop3A_270, %parallel_loop3A_271] {strides = array<i32>} : memref<40x512xi32, #tpu.memory_space<vmem>>, vector<1x16xi32>,
      %parallel_loop3A_273 = vector.shape_cast %parallel_loop3A_272 : vector<1x16xi32> to vector<16xi32>
      %parallel_loop3A_274 = arith.constant 0 : i32
      %parallel_loop3A_275 = vector.broadcast %parallel_loop3A_274 : i32 to vector<16xi32>
      %parallel_loop3A_276 = arith.cmpi sgt, %parallel_loop3A_273, %parallel_loop3A_275 : vector<16xi32>
      %parallel_loop3A_277 = arith.select %parallel_loop3A_276, %broadcast_in_dim3A_7, %broadcast_in_dim3A : vector<16xi1>, vector<16xf32>
      %parallel_loop3A_278 = arith.index_cast %parallel_loop3A_100 : i32 to index
      %parallel_loop3A_279 = arith.constant 208 : index
      %parallel_loop3A_280 = tpu.vector_load %arg11[%parallel_loop3A_278, %parallel_loop3A_279] {strides = array<i32>} : memref<40x512xf32, #tpu.memory_space<vmem>>, vector<1x16xf32>,
      %parallel_loop3A_281 = vector.shape_cast %parallel_loop3A_280 : vector<1x16xf32> to vector<16xf32>
      %parallel_loop3A_282 = vector.shape_cast %parallel_loop3A_277 : vector<16xf32> to vector<1x16xf32>
      tpu.vector_store %arg11[%parallel_loop3A_278, %parallel_loop3A_279], %parallel_loop3A_282 {strides = array<i32>} : memref<40x512xf32, #tpu.memory_space<vmem>>, vector<1x16xf32>,
      %parallel_loop3A_283 = arith.index_cast %parallel_loop3A_100 : i32 to index
      %parallel_loop3A_284 = arith.constant 224 : index
      %parallel_loop3A_285 = tpu.vector_load %arg8[%parallel_loop3A_283, %parallel_loop3A_284] {strides = array<i32>} : memref<40x512xi32, #tpu.memory_space<vmem>>, vector<1x16xi32>,
      %parallel_loop3A_286 = vector.shape_cast %parallel_loop3A_285 : vector<1x16xi32> to vector<16xi32>
      %parallel_loop3A_287 = arith.constant 0 : i32
      %parallel_loop3A_288 = vector.broadcast %parallel_loop3A_287 : i32 to vector<16xi32>
      %parallel_loop3A_289 = arith.cmpi sgt, %parallel_loop3A_286, %parallel_loop3A_288 : vector<16xi32>
      %parallel_loop3A_290 = arith.select %parallel_loop3A_289, %broadcast_in_dim3A_7, %broadcast_in_dim3A : vector<16xi1>, vector<16xf32>
      %parallel_loop3A_291 = arith.index_cast %parallel_loop3A_100 : i32 to index
      %parallel_loop3A_292 = arith.constant 224 : index
      %parallel_loop3A_293 = tpu.vector_load %arg11[%parallel_loop3A_291, %parallel_loop3A_292] {strides = array<i32>} : memref<40x512xf32, #tpu.memory_space<vmem>>, vector<1x16xf32>,
      %parallel_loop3A_294 = vector.shape_cast %parallel_loop3A_293 : vector<1x16xf32> to vector<16xf32>
      %parallel_loop3A_295 = vector.shape_cast %parallel_loop3A_290 : vector<16xf32> to vector<1x16xf32>
      tpu.vector_store %arg11[%parallel_loop3A_291, %parallel_loop3A_292], %parallel_loop3A_295 {strides = array<i32>} : memref<40x512xf32, #tpu.memory_space<vmem>>, vector<1x16xf32>,
      %parallel_loop3A_296 = arith.index_cast %parallel_loop3A_100 : i32 to index
      %parallel_loop3A_297 = arith.constant 240 : index
      %parallel_loop3A_298 = tpu.vector_load %arg8[%parallel_loop3A_296, %parallel_loop3A_297] {strides = array<i32>} : memref<40x512xi32, #tpu.memory_space<vmem>>, vector<1x16xi32>,
      %parallel_loop3A_299 = vector.shape_cast %parallel_loop3A_298 : vector<1x16xi32> to vector<16xi32>
      %parallel_loop3A_300 = arith.constant 0 : i32
      %parallel_loop3A_301 = vector.broadcast %parallel_loop3A_300 : i32 to vector<16xi32>
      %parallel_loop3A_302 = arith.cmpi sgt, %parallel_loop3A_299, %parallel_loop3A_301 : vector<16xi32>
      %parallel_loop3A_303 = arith.select %parallel_loop3A_302, %broadcast_in_dim3A_7, %broadcast_in_dim3A : vector<16xi1>, vector<16xf32>
      %parallel_loop3A_304 = arith.index_cast %parallel_loop3A_100 : i32 to index
      %parallel_loop3A_305 = arith.constant 240 : index
      %parallel_loop3A_306 = tpu.vector_load %arg11[%parallel_loop3A_304, %parallel_loop3A_305] {strides = array<i32>} : memref<40x512xf32, #tpu.memory_space<vmem>>, vector<1x16xf32>,
      %parallel_loop3A_307 = vector.shape_cast %parallel_loop3A_306 : vector<1x16xf32> to vector<16xf32>
      %parallel_loop3A_308 = vector.shape_cast %parallel_loop3A_303 : vector<16xf32> to vector<1x16xf32>
      tpu.vector_store %arg11[%parallel_loop3A_304, %parallel_loop3A_305], %parallel_loop3A_308 {strides = array<i32>} : memref<40x512xf32, #tpu.memory_space<vmem>>, vector<1x16xf32>,
      %parallel_loop3A_309 = arith.index_cast %parallel_loop3A_100 : i32 to index
      %parallel_loop3A_310 = arith.constant 256 : index
      %parallel_loop3A_311 = tpu.vector_load %arg8[%parallel_loop3A_309, %parallel_loop3A_310] {strides = array<i32>} : memref<40x512xi32, #tpu.memory_space<vmem>>, vector<1x16xi32>,
      %parallel_loop3A_312 = vector.shape_cast %parallel_loop3A_311 : vector<1x16xi32> to vector<16xi32>
      %parallel_loop3A_313 = arith.constant 0 : i32
      %parallel_loop3A_314 = vector.broadcast %parallel_loop3A_313 : i32 to vector<16xi32>
      %parallel_loop3A_315 = arith.cmpi sgt, %parallel_loop3A_312, %parallel_loop3A_314 : vector<16xi32>
      %parallel_loop3A_316 = arith.select %parallel_loop3A_315, %broadcast_in_dim3A_7, %broadcast_in_dim3A : vector<16xi1>, vector<16xf32>
      %parallel_loop3A_317 = arith.index_cast %parallel_loop3A_100 : i32 to index
      %parallel_loop3A_318 = arith.constant 256 : index
      %parallel_loop3A_319 = tpu.vector_load %arg11[%parallel_loop3A_317, %parallel_loop3A_318] {strides = array<i32>} : memref<40x512xf32, #tpu.memory_space<vmem>>, vector<1x16xf32>,
      %parallel_loop3A_320 = vector.shape_cast %parallel_loop3A_319 : vector<1x16xf32> to vector<16xf32>
      %parallel_loop3A_321 = vector.shape_cast %parallel_loop3A_316 : vector<16xf32> to vector<1x16xf32>
      tpu.vector_store %arg11[%parallel_loop3A_317, %parallel_loop3A_318], %parallel_loop3A_321 {strides = array<i32>} : memref<40x512xf32, #tpu.memory_space<vmem>>, vector<1x16xf32>,
      %parallel_loop3A_322 = arith.index_cast %parallel_loop3A_100 : i32 to index
      %parallel_loop3A_323 = arith.constant 272 : index
      %parallel_loop3A_324 = tpu.vector_load %arg8[%parallel_loop3A_322, %parallel_loop3A_323] {strides = array<i32>} : memref<40x512xi32, #tpu.memory_space<vmem>>, vector<1x16xi32>,
      %parallel_loop3A_325 = vector.shape_cast %parallel_loop3A_324 : vector<1x16xi32> to vector<16xi32>
      %parallel_loop3A_326 = arith.constant 0 : i32
      %parallel_loop3A_327 = vector.broadcast %parallel_loop3A_326 : i32 to vector<16xi32>
      %parallel_loop3A_328 = arith.cmpi sgt, %parallel_loop3A_325, %parallel_loop3A_327 : vector<16xi32>
      %parallel_loop3A_329 = arith.select %parallel_loop3A_328, %broadcast_in_dim3A_7, %broadcast_in_dim3A : vector<16xi1>, vector<16xf32>
      %parallel_loop3A_330 = arith.index_cast %parallel_loop3A_100 : i32 to index
      %parallel_loop3A_331 = arith.constant 272 : index
      %parallel_loop3A_332 = tpu.vector_load %arg11[%parallel_loop3A_330, %parallel_loop3A_331] {strides = array<i32>} : memref<40x512xf32, #tpu.memory_space<vmem>>, vector<1x16xf32>,
      %parallel_loop3A_333 = vector.shape_cast %parallel_loop3A_332 : vector<1x16xf32> to vector<16xf32>
      %parallel_loop3A_334 = vector.shape_cast %parallel_loop3A_329 : vector<16xf32> to vector<1x16xf32>
      tpu.vector_store %arg11[%parallel_loop3A_330, %parallel_loop3A_331], %parallel_loop3A_334 {strides = array<i32>} : memref<40x512xf32, #tpu.memory_space<vmem>>, vector<1x16xf32>,
      %parallel_loop3A_335 = arith.index_cast %parallel_loop3A_100 : i32 to index
      %parallel_loop3A_336 = arith.constant 288 : index
      %parallel_loop3A_337 = tpu.vector_load %arg8[%parallel_loop3A_335, %parallel_loop3A_336] {strides = array<i32>} : memref<40x512xi32, #tpu.memory_space<vmem>>, vector<1x16xi32>,
      %parallel_loop3A_338 = vector.shape_cast %parallel_loop3A_337 : vector<1x16xi32> to vector<16xi32>
      %parallel_loop3A_339 = arith.constant 0 : i32
      %parallel_loop3A_340 = vector.broadcast %parallel_loop3A_339 : i32 to vector<16xi32>
      %parallel_loop3A_341 = arith.cmpi sgt, %parallel_loop3A_338, %parallel_loop3A_340 : vector<16xi32>
      %parallel_loop3A_342 = arith.select %parallel_loop3A_341, %broadcast_in_dim3A_7, %broadcast_in_dim3A : vector<16xi1>, vector<16xf32>
      %parallel_loop3A_343 = arith.index_cast %parallel_loop3A_100 : i32 to index
      %parallel_loop3A_344 = arith.constant 288 : index
      %parallel_loop3A_345 = tpu.vector_load %arg11[%parallel_loop3A_343, %parallel_loop3A_344] {strides = array<i32>} : memref<40x512xf32, #tpu.memory_space<vmem>>, vector<1x16xf32>,
      %parallel_loop3A_346 = vector.shape_cast %parallel_loop3A_345 : vector<1x16xf32> to vector<16xf32>
      %parallel_loop3A_347 = vector.shape_cast %parallel_loop3A_342 : vector<16xf32> to vector<1x16xf32>
      tpu.vector_store %arg11[%parallel_loop3A_343, %parallel_loop3A_344], %parallel_loop3A_347 {strides = array<i32>} : memref<40x512xf32, #tpu.memory_space<vmem>>, vector<1x16xf32>,
      %parallel_loop3A_348 = arith.index_cast %parallel_loop3A_100 : i32 to index
      %parallel_loop3A_349 = arith.constant 304 : index
      %parallel_loop3A_350 = tpu.vector_load %arg8[%parallel_loop3A_348, %parallel_loop3A_349] {strides = array<i32>} : memref<40x512xi32, #tpu.memory_space<vmem>>, vector<1x16xi32>,
      %parallel_loop3A_351 = vector.shape_cast %parallel_loop3A_350 : vector<1x16xi32> to vector<16xi32>
      %parallel_loop3A_352 = arith.constant 0 : i32
      %parallel_loop3A_353 = vector.broadcast %parallel_loop3A_352 : i32 to vector<16xi32>
      %parallel_loop3A_354 = arith.cmpi sgt, %parallel_loop3A_351, %parallel_loop3A_353 : vector<16xi32>
      %parallel_loop3A_355 = arith.select %parallel_loop3A_354, %broadcast_in_dim3A_7, %broadcast_in_dim3A : vector<16xi1>, vector<16xf32>
      %parallel_loop3A_356 = arith.index_cast %parallel_loop3A_100 : i32 to index
      %parallel_loop3A_357 = arith.constant 304 : index
      %parallel_loop3A_358 = tpu.vector_load %arg11[%parallel_loop3A_356, %parallel_loop3A_357] {strides = array<i32>} : memref<40x512xf32, #tpu.memory_space<vmem>>, vector<1x16xf32>,
      %parallel_loop3A_359 = vector.shape_cast %parallel_loop3A_358 : vector<1x16xf32> to vector<16xf32>
      %parallel_loop3A_360 = vector.shape_cast %parallel_loop3A_355 : vector<16xf32> to vector<1x16xf32>
      tpu.vector_store %arg11[%parallel_loop3A_356, %parallel_loop3A_357], %parallel_loop3A_360 {strides = array<i32>} : memref<40x512xf32, #tpu.memory_space<vmem>>, vector<1x16xf32>,
      %parallel_loop3A_361 = arith.index_cast %parallel_loop3A_100 : i32 to index
      %parallel_loop3A_362 = arith.constant 320 : index
      %parallel_loop3A_363 = tpu.vector_load %arg8[%parallel_loop3A_361, %parallel_loop3A_362] {strides = array<i32>} : memref<40x512xi32, #tpu.memory_space<vmem>>, vector<1x16xi32>,
      %parallel_loop3A_364 = vector.shape_cast %parallel_loop3A_363 : vector<1x16xi32> to vector<16xi32>
      %parallel_loop3A_365 = arith.constant 0 : i32
      %parallel_loop3A_366 = vector.broadcast %parallel_loop3A_365 : i32 to vector<16xi32>
      %parallel_loop3A_367 = arith.cmpi sgt, %parallel_loop3A_364, %parallel_loop3A_366 : vector<16xi32>
      %parallel_loop3A_368 = arith.select %parallel_loop3A_367, %broadcast_in_dim3A_7, %broadcast_in_dim3A : vector<16xi1>, vector<16xf32>
      %parallel_loop3A_369 = arith.index_cast %parallel_loop3A_100 : i32 to index
      %parallel_loop3A_370 = arith.constant 320 : index
      %parallel_loop3A_371 = tpu.vector_load %arg11[%parallel_loop3A_369, %parallel_loop3A_370] {strides = array<i32>} : memref<40x512xf32, #tpu.memory_space<vmem>>, vector<1x16xf32>,
      %parallel_loop3A_372 = vector.shape_cast %parallel_loop3A_371 : vector<1x16xf32> to vector<16xf32>
      %parallel_loop3A_373 = vector.shape_cast %parallel_loop3A_368 : vector<16xf32> to vector<1x16xf32>
      tpu.vector_store %arg11[%parallel_loop3A_369, %parallel_loop3A_370], %parallel_loop3A_373 {strides = array<i32>} : memref<40x512xf32, #tpu.memory_space<vmem>>, vector<1x16xf32>,
      %parallel_loop3A_374 = arith.index_cast %parallel_loop3A_100 : i32 to index
      %parallel_loop3A_375 = arith.constant 336 : index
      %parallel_loop3A_376 = tpu.vector_load %arg8[%parallel_loop3A_374, %parallel_loop3A_375] {strides = array<i32>} : memref<40x512xi32, #tpu.memory_space<vmem>>, vector<1x16xi32>,
      %parallel_loop3A_377 = vector.shape_cast %parallel_loop3A_376 : vector<1x16xi32> to vector<16xi32>
      %parallel_loop3A_378 = arith.constant 0 : i32
      %parallel_loop3A_379 = vector.broadcast %parallel_loop3A_378 : i32 to vector<16xi32>
      %parallel_loop3A_380 = arith.cmpi sgt, %parallel_loop3A_377, %parallel_loop3A_379 : vector<16xi32>
      %parallel_loop3A_381 = arith.select %parallel_loop3A_380, %broadcast_in_dim3A_7, %broadcast_in_dim3A : vector<16xi1>, vector<16xf32>
      %parallel_loop3A_382 = arith.index_cast %parallel_loop3A_100 : i32 to index
      %parallel_loop3A_383 = arith.constant 336 : index
      %parallel_loop3A_384 = tpu.vector_load %arg11[%parallel_loop3A_382, %parallel_loop3A_383] {strides = array<i32>} : memref<40x512xf32, #tpu.memory_space<vmem>>, vector<1x16xf32>,
      %parallel_loop3A_385 = vector.shape_cast %parallel_loop3A_384 : vector<1x16xf32> to vector<16xf32>
      %parallel_loop3A_386 = vector.shape_cast %parallel_loop3A_381 : vector<16xf32> to vector<1x16xf32>
      tpu.vector_store %arg11[%parallel_loop3A_382, %parallel_loop3A_383], %parallel_loop3A_386 {strides = array<i32>} : memref<40x512xf32, #tpu.memory_space<vmem>>, vector<1x16xf32>,
      %parallel_loop3A_387 = arith.index_cast %parallel_loop3A_100 : i32 to index
      %parallel_loop3A_388 = arith.constant 352 : index
      %parallel_loop3A_389 = tpu.vector_load %arg8[%parallel_loop3A_387, %parallel_loop3A_388] {strides = array<i32>} : memref<40x512xi32, #tpu.memory_space<vmem>>, vector<1x16xi32>,
      %parallel_loop3A_390 = vector.shape_cast %parallel_loop3A_389 : vector<1x16xi32> to vector<16xi32>
      %parallel_loop3A_391 = arith.constant 0 : i32
      %parallel_loop3A_392 = vector.broadcast %parallel_loop3A_391 : i32 to vector<16xi32>
      %parallel_loop3A_393 = arith.cmpi sgt, %parallel_loop3A_390, %parallel_loop3A_392 : vector<16xi32>
      %parallel_loop3A_394 = arith.select %parallel_loop3A_393, %broadcast_in_dim3A_7, %broadcast_in_dim3A : vector<16xi1>, vector<16xf32>
      %parallel_loop3A_395 = arith.index_cast %parallel_loop3A_100 : i32 to index
      %parallel_loop3A_396 = arith.constant 352 : index
      %parallel_loop3A_397 = tpu.vector_load %arg11[%parallel_loop3A_395, %parallel_loop3A_396] {strides = array<i32>} : memref<40x512xf32, #tpu.memory_space<vmem>>, vector<1x16xf32>,
      %parallel_loop3A_398 = vector.shape_cast %parallel_loop3A_397 : vector<1x16xf32> to vector<16xf32>
      %parallel_loop3A_399 = vector.shape_cast %parallel_loop3A_394 : vector<16xf32> to vector<1x16xf32>
      tpu.vector_store %arg11[%parallel_loop3A_395, %parallel_loop3A_396], %parallel_loop3A_399 {strides = array<i32>} : memref<40x512xf32, #tpu.memory_space<vmem>>, vector<1x16xf32>,
      %parallel_loop3A_400 = arith.index_cast %parallel_loop3A_100 : i32 to index
      %parallel_loop3A_401 = arith.constant 368 : index
      %parallel_loop3A_402 = tpu.vector_load %arg8[%parallel_loop3A_400, %parallel_loop3A_401] {strides = array<i32>} : memref<40x512xi32, #tpu.memory_space<vmem>>, vector<1x16xi32>,
      %parallel_loop3A_403 = vector.shape_cast %parallel_loop3A_402 : vector<1x16xi32> to vector<16xi32>
      %parallel_loop3A_404 = arith.constant 0 : i32
      %parallel_loop3A_405 = vector.broadcast %parallel_loop3A_404 : i32 to vector<16xi32>
      %parallel_loop3A_406 = arith.cmpi sgt, %parallel_loop3A_403, %parallel_loop3A_405 : vector<16xi32>
      %parallel_loop3A_407 = arith.select %parallel_loop3A_406, %broadcast_in_dim3A_7, %broadcast_in_dim3A : vector<16xi1>, vector<16xf32>
      %parallel_loop3A_408 = arith.index_cast %parallel_loop3A_100 : i32 to index
      %parallel_loop3A_409 = arith.constant 368 : index
      %parallel_loop3A_410 = tpu.vector_load %arg11[%parallel_loop3A_408, %parallel_loop3A_409] {strides = array<i32>} : memref<40x512xf32, #tpu.memory_space<vmem>>, vector<1x16xf32>,
      %parallel_loop3A_411 = vector.shape_cast %parallel_loop3A_410 : vector<1x16xf32> to vector<16xf32>
      %parallel_loop3A_412 = vector.shape_cast %parallel_loop3A_407 : vector<16xf32> to vector<1x16xf32>
      tpu.vector_store %arg11[%parallel_loop3A_408, %parallel_loop3A_409], %parallel_loop3A_412 {strides = array<i32>} : memref<40x512xf32, #tpu.memory_space<vmem>>, vector<1x16xf32>,
      %parallel_loop3A_413 = arith.index_cast %parallel_loop3A_100 : i32 to index
      %parallel_loop3A_414 = arith.constant 384 : index
      %parallel_loop3A_415 = tpu.vector_load %arg8[%parallel_loop3A_413, %parallel_loop3A_414] {strides = array<i32>} : memref<40x512xi32, #tpu.memory_space<vmem>>, vector<1x16xi32>,
      %parallel_loop3A_416 = vector.shape_cast %parallel_loop3A_415 : vector<1x16xi32> to vector<16xi32>
      %parallel_loop3A_417 = arith.constant 0 : i32
      %parallel_loop3A_418 = vector.broadcast %parallel_loop3A_417 : i32 to vector<16xi32>
      %parallel_loop3A_419 = arith.cmpi sgt, %parallel_loop3A_416, %parallel_loop3A_418 : vector<16xi32>
      %parallel_loop3A_420 = arith.select %parallel_loop3A_419, %broadcast_in_dim3A_7, %broadcast_in_dim3A : vector<16xi1>, vector<16xf32>
      %parallel_loop3A_421 = arith.index_cast %parallel_loop3A_100 : i32 to index
      %parallel_loop3A_422 = arith.constant 384 : index
      %parallel_loop3A_423 = tpu.vector_load %arg11[%parallel_loop3A_421, %parallel_loop3A_422] {strides = array<i32>} : memref<40x512xf32, #tpu.memory_space<vmem>>, vector<1x16xf32>,
      %parallel_loop3A_424 = vector.shape_cast %parallel_loop3A_423 : vector<1x16xf32> to vector<16xf32>
      %parallel_loop3A_425 = vector.shape_cast %parallel_loop3A_420 : vector<16xf32> to vector<1x16xf32>
      tpu.vector_store %arg11[%parallel_loop3A_421, %parallel_loop3A_422], %parallel_loop3A_425 {strides = array<i32>} : memref<40x512xf32, #tpu.memory_space<vmem>>, vector<1x16xf32>,
      %parallel_loop3A_426 = arith.index_cast %parallel_loop3A_100 : i32 to index
      %parallel_loop3A_427 = arith.constant 400 : index
      %parallel_loop3A_428 = tpu.vector_load %arg8[%parallel_loop3A_426, %parallel_loop3A_427] {strides = array<i32>} : memref<40x512xi32, #tpu.memory_space<vmem>>, vector<1x16xi32>,
      %parallel_loop3A_429 = vector.shape_cast %parallel_loop3A_428 : vector<1x16xi32> to vector<16xi32>
      %parallel_loop3A_430 = arith.constant 0 : i32
      %parallel_loop3A_431 = vector.broadcast %parallel_loop3A_430 : i32 to vector<16xi32>
      %parallel_loop3A_432 = arith.cmpi sgt, %parallel_loop3A_429, %parallel_loop3A_431 : vector<16xi32>
      %parallel_loop3A_433 = arith.select %parallel_loop3A_432, %broadcast_in_dim3A_7, %broadcast_in_dim3A : vector<16xi1>, vector<16xf32>
      %parallel_loop3A_434 = arith.index_cast %parallel_loop3A_100 : i32 to index
      %parallel_loop3A_435 = arith.constant 400 : index
      %parallel_loop3A_436 = tpu.vector_load %arg11[%parallel_loop3A_434, %parallel_loop3A_435] {strides = array<i32>} : memref<40x512xf32, #tpu.memory_space<vmem>>, vector<1x16xf32>,
      %parallel_loop3A_437 = vector.shape_cast %parallel_loop3A_436 : vector<1x16xf32> to vector<16xf32>
      %parallel_loop3A_438 = vector.shape_cast %parallel_loop3A_433 : vector<16xf32> to vector<1x16xf32>
      tpu.vector_store %arg11[%parallel_loop3A_434, %parallel_loop3A_435], %parallel_loop3A_438 {strides = array<i32>} : memref<40x512xf32, #tpu.memory_space<vmem>>, vector<1x16xf32>,
      %parallel_loop3A_439 = arith.index_cast %parallel_loop3A_100 : i32 to index
      %parallel_loop3A_440 = arith.constant 416 : index
      %parallel_loop3A_441 = tpu.vector_load %arg8[%parallel_loop3A_439, %parallel_loop3A_440] {strides = array<i32>} : memref<40x512xi32, #tpu.memory_space<vmem>>, vector<1x16xi32>,
      %parallel_loop3A_442 = vector.shape_cast %parallel_loop3A_441 : vector<1x16xi32> to vector<16xi32>
      %parallel_loop3A_443 = arith.constant 0 : i32
      %parallel_loop3A_444 = vector.broadcast %parallel_loop3A_443 : i32 to vector<16xi32>
      %parallel_loop3A_445 = arith.cmpi sgt, %parallel_loop3A_442, %parallel_loop3A_444 : vector<16xi32>
      %parallel_loop3A_446 = arith.select %parallel_loop3A_445, %broadcast_in_dim3A_7, %broadcast_in_dim3A : vector<16xi1>, vector<16xf32>
      %parallel_loop3A_447 = arith.index_cast %parallel_loop3A_100 : i32 to index
      %parallel_loop3A_448 = arith.constant 416 : index
      %parallel_loop3A_449 = tpu.vector_load %arg11[%parallel_loop3A_447, %parallel_loop3A_448] {strides = array<i32>} : memref<40x512xf32, #tpu.memory_space<vmem>>, vector<1x16xf32>,
      %parallel_loop3A_450 = vector.shape_cast %parallel_loop3A_449 : vector<1x16xf32> to vector<16xf32>
      %parallel_loop3A_451 = vector.shape_cast %parallel_loop3A_446 : vector<16xf32> to vector<1x16xf32>
      tpu.vector_store %arg11[%parallel_loop3A_447, %parallel_loop3A_448], %parallel_loop3A_451 {strides = array<i32>} : memref<40x512xf32, #tpu.memory_space<vmem>>, vector<1x16xf32>,
      %parallel_loop3A_452 = arith.index_cast %parallel_loop3A_100 : i32 to index
      %parallel_loop3A_453 = arith.constant 432 : index
      %parallel_loop3A_454 = tpu.vector_load %arg8[%parallel_loop3A_452, %parallel_loop3A_453] {strides = array<i32>} : memref<40x512xi32, #tpu.memory_space<vmem>>, vector<1x16xi32>,
      %parallel_loop3A_455 = vector.shape_cast %parallel_loop3A_454 : vector<1x16xi32> to vector<16xi32>
      %parallel_loop3A_456 = arith.constant 0 : i32
      %parallel_loop3A_457 = vector.broadcast %parallel_loop3A_456 : i32 to vector<16xi32>
      %parallel_loop3A_458 = arith.cmpi sgt, %parallel_loop3A_455, %parallel_loop3A_457 : vector<16xi32>
      %parallel_loop3A_459 = arith.select %parallel_loop3A_458, %broadcast_in_dim3A_7, %broadcast_in_dim3A : vector<16xi1>, vector<16xf32>
      %parallel_loop3A_460 = arith.index_cast %parallel_loop3A_100 : i32 to index
      %parallel_loop3A_461 = arith.constant 432 : index
      %parallel_loop3A_462 = tpu.vector_load %arg11[%parallel_loop3A_460, %parallel_loop3A_461] {strides = array<i32>} : memref<40x512xf32, #tpu.memory_space<vmem>>, vector<1x16xf32>,
      %parallel_loop3A_463 = vector.shape_cast %parallel_loop3A_462 : vector<1x16xf32> to vector<16xf32>
      %parallel_loop3A_464 = vector.shape_cast %parallel_loop3A_459 : vector<16xf32> to vector<1x16xf32>
      tpu.vector_store %arg11[%parallel_loop3A_460, %parallel_loop3A_461], %parallel_loop3A_464 {strides = array<i32>} : memref<40x512xf32, #tpu.memory_space<vmem>>, vector<1x16xf32>,
      %parallel_loop3A_465 = arith.index_cast %parallel_loop3A_100 : i32 to index
      %parallel_loop3A_466 = arith.constant 448 : index
      %parallel_loop3A_467 = tpu.vector_load %arg8[%parallel_loop3A_465, %parallel_loop3A_466] {strides = array<i32>} : memref<40x512xi32, #tpu.memory_space<vmem>>, vector<1x16xi32>,
      %parallel_loop3A_468 = vector.shape_cast %parallel_loop3A_467 : vector<1x16xi32> to vector<16xi32>
      %parallel_loop3A_469 = arith.constant 0 : i32
      %parallel_loop3A_470 = vector.broadcast %parallel_loop3A_469 : i32 to vector<16xi32>
      %parallel_loop3A_471 = arith.cmpi sgt, %parallel_loop3A_468, %parallel_loop3A_470 : vector<16xi32>
      %parallel_loop3A_472 = arith.select %parallel_loop3A_471, %broadcast_in_dim3A_7, %broadcast_in_dim3A : vector<16xi1>, vector<16xf32>
      %parallel_loop3A_473 = arith.index_cast %parallel_loop3A_100 : i32 to index
      %parallel_loop3A_474 = arith.constant 448 : index
      %parallel_loop3A_475 = tpu.vector_load %arg11[%parallel_loop3A_473, %parallel_loop3A_474] {strides = array<i32>} : memref<40x512xf32, #tpu.memory_space<vmem>>, vector<1x16xf32>,
      %parallel_loop3A_476 = vector.shape_cast %parallel_loop3A_475 : vector<1x16xf32> to vector<16xf32>
      %parallel_loop3A_477 = vector.shape_cast %parallel_loop3A_472 : vector<16xf32> to vector<1x16xf32>
      tpu.vector_store %arg11[%parallel_loop3A_473, %parallel_loop3A_474], %parallel_loop3A_477 {strides = array<i32>} : memref<40x512xf32, #tpu.memory_space<vmem>>, vector<1x16xf32>,
      %parallel_loop3A_478 = arith.index_cast %parallel_loop3A_100 : i32 to index
      %parallel_loop3A_479 = arith.constant 464 : index
      %parallel_loop3A_480 = tpu.vector_load %arg8[%parallel_loop3A_478, %parallel_loop3A_479] {strides = array<i32>} : memref<40x512xi32, #tpu.memory_space<vmem>>, vector<1x16xi32>,
      %parallel_loop3A_481 = vector.shape_cast %parallel_loop3A_480 : vector<1x16xi32> to vector<16xi32>
      %parallel_loop3A_482 = arith.constant 0 : i32
      %parallel_loop3A_483 = vector.broadcast %parallel_loop3A_482 : i32 to vector<16xi32>
      %parallel_loop3A_484 = arith.cmpi sgt, %parallel_loop3A_481, %parallel_loop3A_483 : vector<16xi32>
      %parallel_loop3A_485 = arith.select %parallel_loop3A_484, %broadcast_in_dim3A_7, %broadcast_in_dim3A : vector<16xi1>, vector<16xf32>
      %parallel_loop3A_486 = arith.index_cast %parallel_loop3A_100 : i32 to index
      %parallel_loop3A_487 = arith.constant 464 : index
      %parallel_loop3A_488 = tpu.vector_load %arg11[%parallel_loop3A_486, %parallel_loop3A_487] {strides = array<i32>} : memref<40x512xf32, #tpu.memory_space<vmem>>, vector<1x16xf32>,
      %parallel_loop3A_489 = vector.shape_cast %parallel_loop3A_488 : vector<1x16xf32> to vector<16xf32>
      %parallel_loop3A_490 = vector.shape_cast %parallel_loop3A_485 : vector<16xf32> to vector<1x16xf32>
      tpu.vector_store %arg11[%parallel_loop3A_486, %parallel_loop3A_487], %parallel_loop3A_490 {strides = array<i32>} : memref<40x512xf32, #tpu.memory_space<vmem>>, vector<1x16xf32>,
      %parallel_loop3A_491 = arith.index_cast %parallel_loop3A_100 : i32 to index
      %parallel_loop3A_492 = arith.constant 480 : index
      %parallel_loop3A_493 = tpu.vector_load %arg8[%parallel_loop3A_491, %parallel_loop3A_492] {strides = array<i32>} : memref<40x512xi32, #tpu.memory_space<vmem>>, vector<1x16xi32>,
      %parallel_loop3A_494 = vector.shape_cast %parallel_loop3A_493 : vector<1x16xi32> to vector<16xi32>
      %parallel_loop3A_495 = arith.constant 0 : i32
      %parallel_loop3A_496 = vector.broadcast %parallel_loop3A_495 : i32 to vector<16xi32>
      %parallel_loop3A_497 = arith.cmpi sgt, %parallel_loop3A_494, %parallel_loop3A_496 : vector<16xi32>
      %parallel_loop3A_498 = arith.select %parallel_loop3A_497, %broadcast_in_dim3A_7, %broadcast_in_dim3A : vector<16xi1>, vector<16xf32>
      %parallel_loop3A_499 = arith.index_cast %parallel_loop3A_100 : i32 to index
      %parallel_loop3A_500 = arith.constant 480 : index
      %parallel_loop3A_501 = tpu.vector_load %arg11[%parallel_loop3A_499, %parallel_loop3A_500] {strides = array<i32>} : memref<40x512xf32, #tpu.memory_space<vmem>>, vector<1x16xf32>,
      %parallel_loop3A_502 = vector.shape_cast %parallel_loop3A_501 : vector<1x16xf32> to vector<16xf32>
      %parallel_loop3A_503 = vector.shape_cast %parallel_loop3A_498 : vector<16xf32> to vector<1x16xf32>
      tpu.vector_store %arg11[%parallel_loop3A_499, %parallel_loop3A_500], %parallel_loop3A_503 {strides = array<i32>} : memref<40x512xf32, #tpu.memory_space<vmem>>, vector<1x16xf32>,
      %parallel_loop3A_504 = arith.index_cast %parallel_loop3A_100 : i32 to index
      %parallel_loop3A_505 = arith.constant 496 : index
      %parallel_loop3A_506 = tpu.vector_load %arg8[%parallel_loop3A_504, %parallel_loop3A_505] {strides = array<i32>} : memref<40x512xi32, #tpu.memory_space<vmem>>, vector<1x16xi32>,
      %parallel_loop3A_507 = vector.shape_cast %parallel_loop3A_506 : vector<1x16xi32> to vector<16xi32>
      %parallel_loop3A_508 = arith.constant 0 : i32
      %parallel_loop3A_509 = vector.broadcast %parallel_loop3A_508 : i32 to vector<16xi32>
      %parallel_loop3A_510 = arith.cmpi sgt, %parallel_loop3A_507, %parallel_loop3A_509 : vector<16xi32>
      %parallel_loop3A_511 = arith.select %parallel_loop3A_510, %broadcast_in_dim3A_7, %broadcast_in_dim3A : vector<16xi1>, vector<16xf32>
      %parallel_loop3A_512 = arith.index_cast %parallel_loop3A_100 : i32 to index
      %parallel_loop3A_513 = arith.constant 496 : index
      %parallel_loop3A_514 = tpu.vector_load %arg11[%parallel_loop3A_512, %parallel_loop3A_513] {strides = array<i32>} : memref<40x512xf32, #tpu.memory_space<vmem>>, vector<1x16xf32>,
      %parallel_loop3A_515 = vector.shape_cast %parallel_loop3A_514 : vector<1x16xf32> to vector<16xf32>
      %parallel_loop3A_516 = vector.shape_cast %parallel_loop3A_511 : vector<16xf32> to vector<1x16xf32>
      tpu.vector_store %arg11[%parallel_loop3A_512, %parallel_loop3A_513], %parallel_loop3A_516 {strides = array<i32>} : memref<40x512xf32, #tpu.memory_space<vmem>>, vector<1x16xf32>,
    } {sc.loop_unroll_factor = 1 : i64, sc.parallel_access}
    %dma_start3A_54 = arith.constant 80 : i32
    %dma_start3A_55 = tpu.memref_slice %arg4[%dma_start3A_54, %mul3A_2] : memref<200x16384xf32, #tpu.memory_space<hbm>> -> memref<40x512xf32, #tpu.memory_space<hbm>>
    %dma_start3A_56 = arith.constant 80 : i32
    %dma_start3A_57 = tpu.memref_slice %arg4[%dma_start3A_56, %mul3A_2] : memref<200x16384xf32, #tpu.memory_space<hbm>> -> memref<40x512xf32, #tpu.memory_space<hbm>>
    tpu.enqueue_dma source(%arg11 : memref<40x512xf32, #tpu.memory_space<vmem>>) target(%dma_start3A_57 : memref<40x512xf32, #tpu.memory_space<hbm>>) target_semaphore(%arg17 : memref<!tpu.dma_semaphore, #tpu.memory_space<semaphore_mem>>)
    %dma_wait3A_58 = arith.constant 120 : i32
    %dma_wait3A_59 = tpu.memref_slice %arg2[%dma_wait3A_58, %mul3A_2] : memref<200x16384xi32, #tpu.memory_space<hbm>> -> memref<40x512xi32, #tpu.memory_space<hbm>>
    %dma_wait3A_60 = arith.constant 120 : i32
    %dma_wait3A_61 = tpu.memref_slice %arg2[%dma_wait3A_60, %mul3A_2] : memref<200x16384xi32, #tpu.memory_space<hbm>> -> memref<40x512xi32, #tpu.memory_space<hbm>>
    tpu.wait_dma2 semaphore(%arg12 : memref<!tpu.dma_semaphore, #tpu.memory_space<semaphore_mem>>) src(%dma_wait3A_61 : memref<40x512xi32, #tpu.memory_space<hbm>>) dst(%arg6 : memref<40x512xi32, #tpu.memory_space<vmem>>)
    %dma_wait3A_62 = arith.constant 0 : i32
    %dma_wait3A_63 = tpu.memref_slice %arg4[%dma_wait3A_62, %mul3A_2] : memref<200x16384xf32, #tpu.memory_space<hbm>> -> memref<40x512xf32, #tpu.memory_space<hbm>>
    %dma_wait3A_64 = arith.constant 0 : i32
    %dma_wait3A_65 = tpu.memref_slice %arg4[%dma_wait3A_64, %mul3A_2] : memref<200x16384xf32, #tpu.memory_space<hbm>> -> memref<40x512xf32, #tpu.memory_space<hbm>>
    tpu.wait_dma2 semaphore(%arg15 : memref<!tpu.dma_semaphore, #tpu.memory_space<semaphore_mem>>) src(%arg9 : memref<40x512xf32, #tpu.memory_space<vmem>>) dst(%dma_wait3A_65 : memref<40x512xf32, #tpu.memory_space<hbm>>)
    %parallel_loop3A_66 = arith.constant 0 : i32
    %parallel_loop3A_67 = arith.constant 40 : i32
    %parallel_loop3A_68 = arith.constant 1 : i32
    scf.for %parallel_loop3A_100 = %parallel_loop3A_66 to %parallel_loop3A_67 step %parallel_loop3A_68  : i32 {
      %parallel_loop3A_101 = arith.index_cast %parallel_loop3A_100 : i32 to index
      %parallel_loop3A_102 = arith.constant 0 : index
      %parallel_loop3A_103 = tpu.vector_load %arg6[%parallel_loop3A_101, %parallel_loop3A_102] {strides = array<i32>} : memref<40x512xi32, #tpu.memory_space<vmem>>, vector<1x16xi32>,
      %parallel_loop3A_104 = vector.shape_cast %parallel_loop3A_103 : vector<1x16xi32> to vector<16xi32>
      %parallel_loop3A_105 = arith.constant 0 : i32
      %parallel_loop3A_106 = vector.broadcast %parallel_loop3A_105 : i32 to vector<16xi32>
      %parallel_loop3A_107 = arith.cmpi sgt, %parallel_loop3A_104, %parallel_loop3A_106 : vector<16xi32>
      %parallel_loop3A_108 = arith.select %parallel_loop3A_107, %broadcast_in_dim3A_7, %broadcast_in_dim3A : vector<16xi1>, vector<16xf32>
      %parallel_loop3A_109 = arith.index_cast %parallel_loop3A_100 : i32 to index
      %parallel_loop3A_110 = arith.constant 0 : index
      %parallel_loop3A_111 = tpu.vector_load %arg9[%parallel_loop3A_109, %parallel_loop3A_110] {strides = array<i32>} : memref<40x512xf32, #tpu.memory_space<vmem>>, vector<1x16xf32>,
      %parallel_loop3A_112 = vector.shape_cast %parallel_loop3A_111 : vector<1x16xf32> to vector<16xf32>
      %parallel_loop3A_113 = vector.shape_cast %parallel_loop3A_108 : vector<16xf32> to vector<1x16xf32>
      tpu.vector_store %arg9[%parallel_loop3A_109, %parallel_loop3A_110], %parallel_loop3A_113 {strides = array<i32>} : memref<40x512xf32, #tpu.memory_space<vmem>>, vector<1x16xf32>,
      %parallel_loop3A_114 = arith.index_cast %parallel_loop3A_100 : i32 to index
      %parallel_loop3A_115 = arith.constant 16 : index
      %parallel_loop3A_116 = tpu.vector_load %arg6[%parallel_loop3A_114, %parallel_loop3A_115] {strides = array<i32>} : memref<40x512xi32, #tpu.memory_space<vmem>>, vector<1x16xi32>,
      %parallel_loop3A_117 = vector.shape_cast %parallel_loop3A_116 : vector<1x16xi32> to vector<16xi32>
      %parallel_loop3A_118 = arith.constant 0 : i32
      %parallel_loop3A_119 = vector.broadcast %parallel_loop3A_118 : i32 to vector<16xi32>
      %parallel_loop3A_120 = arith.cmpi sgt, %parallel_loop3A_117, %parallel_loop3A_119 : vector<16xi32>
      %parallel_loop3A_121 = arith.select %parallel_loop3A_120, %broadcast_in_dim3A_7, %broadcast_in_dim3A : vector<16xi1>, vector<16xf32>
      %parallel_loop3A_122 = arith.index_cast %parallel_loop3A_100 : i32 to index
      %parallel_loop3A_123 = arith.constant 16 : index
      %parallel_loop3A_124 = tpu.vector_load %arg9[%parallel_loop3A_122, %parallel_loop3A_123] {strides = array<i32>} : memref<40x512xf32, #tpu.memory_space<vmem>>, vector<1x16xf32>,
      %parallel_loop3A_125 = vector.shape_cast %parallel_loop3A_124 : vector<1x16xf32> to vector<16xf32>
      %parallel_loop3A_126 = vector.shape_cast %parallel_loop3A_121 : vector<16xf32> to vector<1x16xf32>
      tpu.vector_store %arg9[%parallel_loop3A_122, %parallel_loop3A_123], %parallel_loop3A_126 {strides = array<i32>} : memref<40x512xf32, #tpu.memory_space<vmem>>, vector<1x16xf32>,
      %parallel_loop3A_127 = arith.index_cast %parallel_loop3A_100 : i32 to index
      %parallel_loop3A_128 = arith.constant 32 : index
      %parallel_loop3A_129 = tpu.vector_load %arg6[%parallel_loop3A_127, %parallel_loop3A_128] {strides = array<i32>} : memref<40x512xi32, #tpu.memory_space<vmem>>, vector<1x16xi32>,
      %parallel_loop3A_130 = vector.shape_cast %parallel_loop3A_129 : vector<1x16xi32> to vector<16xi32>
      %parallel_loop3A_131 = arith.constant 0 : i32
      %parallel_loop3A_132 = vector.broadcast %parallel_loop3A_131 : i32 to vector<16xi32>
      %parallel_loop3A_133 = arith.cmpi sgt, %parallel_loop3A_130, %parallel_loop3A_132 : vector<16xi32>
      %parallel_loop3A_134 = arith.select %parallel_loop3A_133, %broadcast_in_dim3A_7, %broadcast_in_dim3A : vector<16xi1>, vector<16xf32>
      %parallel_loop3A_135 = arith.index_cast %parallel_loop3A_100 : i32 to index
      %parallel_loop3A_136 = arith.constant 32 : index
      %parallel_loop3A_137 = tpu.vector_load %arg9[%parallel_loop3A_135, %parallel_loop3A_136] {strides = array<i32>} : memref<40x512xf32, #tpu.memory_space<vmem>>, vector<1x16xf32>,
      %parallel_loop3A_138 = vector.shape_cast %parallel_loop3A_137 : vector<1x16xf32> to vector<16xf32>
      %parallel_loop3A_139 = vector.shape_cast %parallel_loop3A_134 : vector<16xf32> to vector<1x16xf32>
      tpu.vector_store %arg9[%parallel_loop3A_135, %parallel_loop3A_136], %parallel_loop3A_139 {strides = array<i32>} : memref<40x512xf32, #tpu.memory_space<vmem>>, vector<1x16xf32>,
      %parallel_loop3A_140 = arith.index_cast %parallel_loop3A_100 : i32 to index
      %parallel_loop3A_141 = arith.constant 48 : index
      %parallel_loop3A_142 = tpu.vector_load %arg6[%parallel_loop3A_140, %parallel_loop3A_141] {strides = array<i32>} : memref<40x512xi32, #tpu.memory_space<vmem>>, vector<1x16xi32>,
      %parallel_loop3A_143 = vector.shape_cast %parallel_loop3A_142 : vector<1x16xi32> to vector<16xi32>
      %parallel_loop3A_144 = arith.constant 0 : i32
      %parallel_loop3A_145 = vector.broadcast %parallel_loop3A_144 : i32 to vector<16xi32>
      %parallel_loop3A_146 = arith.cmpi sgt, %parallel_loop3A_143, %parallel_loop3A_145 : vector<16xi32>
      %parallel_loop3A_147 = arith.select %parallel_loop3A_146, %broadcast_in_dim3A_7, %broadcast_in_dim3A : vector<16xi1>, vector<16xf32>
      %parallel_loop3A_148 = arith.index_cast %parallel_loop3A_100 : i32 to index
      %parallel_loop3A_149 = arith.constant 48 : index
      %parallel_loop3A_150 = tpu.vector_load %arg9[%parallel_loop3A_148, %parallel_loop3A_149] {strides = array<i32>} : memref<40x512xf32, #tpu.memory_space<vmem>>, vector<1x16xf32>,
      %parallel_loop3A_151 = vector.shape_cast %parallel_loop3A_150 : vector<1x16xf32> to vector<16xf32>
      %parallel_loop3A_152 = vector.shape_cast %parallel_loop3A_147 : vector<16xf32> to vector<1x16xf32>
      tpu.vector_store %arg9[%parallel_loop3A_148, %parallel_loop3A_149], %parallel_loop3A_152 {strides = array<i32>} : memref<40x512xf32, #tpu.memory_space<vmem>>, vector<1x16xf32>,
      %parallel_loop3A_153 = arith.index_cast %parallel_loop3A_100 : i32 to index
      %parallel_loop3A_154 = arith.constant 64 : index
      %parallel_loop3A_155 = tpu.vector_load %arg6[%parallel_loop3A_153, %parallel_loop3A_154] {strides = array<i32>} : memref<40x512xi32, #tpu.memory_space<vmem>>, vector<1x16xi32>,
      %parallel_loop3A_156 = vector.shape_cast %parallel_loop3A_155 : vector<1x16xi32> to vector<16xi32>
      %parallel_loop3A_157 = arith.constant 0 : i32
      %parallel_loop3A_158 = vector.broadcast %parallel_loop3A_157 : i32 to vector<16xi32>
      %parallel_loop3A_159 = arith.cmpi sgt, %parallel_loop3A_156, %parallel_loop3A_158 : vector<16xi32>
      %parallel_loop3A_160 = arith.select %parallel_loop3A_159, %broadcast_in_dim3A_7, %broadcast_in_dim3A : vector<16xi1>, vector<16xf32>
      %parallel_loop3A_161 = arith.index_cast %parallel_loop3A_100 : i32 to index
      %parallel_loop3A_162 = arith.constant 64 : index
      %parallel_loop3A_163 = tpu.vector_load %arg9[%parallel_loop3A_161, %parallel_loop3A_162] {strides = array<i32>} : memref<40x512xf32, #tpu.memory_space<vmem>>, vector<1x16xf32>,
      %parallel_loop3A_164 = vector.shape_cast %parallel_loop3A_163 : vector<1x16xf32> to vector<16xf32>
      %parallel_loop3A_165 = vector.shape_cast %parallel_loop3A_160 : vector<16xf32> to vector<1x16xf32>
      tpu.vector_store %arg9[%parallel_loop3A_161, %parallel_loop3A_162], %parallel_loop3A_165 {strides = array<i32>} : memref<40x512xf32, #tpu.memory_space<vmem>>, vector<1x16xf32>,
      %parallel_loop3A_166 = arith.index_cast %parallel_loop3A_100 : i32 to index
      %parallel_loop3A_167 = arith.constant 80 : index
      %parallel_loop3A_168 = tpu.vector_load %arg6[%parallel_loop3A_166, %parallel_loop3A_167] {strides = array<i32>} : memref<40x512xi32, #tpu.memory_space<vmem>>, vector<1x16xi32>,
      %parallel_loop3A_169 = vector.shape_cast %parallel_loop3A_168 : vector<1x16xi32> to vector<16xi32>
      %parallel_loop3A_170 = arith.constant 0 : i32
      %parallel_loop3A_171 = vector.broadcast %parallel_loop3A_170 : i32 to vector<16xi32>
      %parallel_loop3A_172 = arith.cmpi sgt, %parallel_loop3A_169, %parallel_loop3A_171 : vector<16xi32>
      %parallel_loop3A_173 = arith.select %parallel_loop3A_172, %broadcast_in_dim3A_7, %broadcast_in_dim3A : vector<16xi1>, vector<16xf32>
      %parallel_loop3A_174 = arith.index_cast %parallel_loop3A_100 : i32 to index
      %parallel_loop3A_175 = arith.constant 80 : index
      %parallel_loop3A_176 = tpu.vector_load %arg9[%parallel_loop3A_174, %parallel_loop3A_175] {strides = array<i32>} : memref<40x512xf32, #tpu.memory_space<vmem>>, vector<1x16xf32>,
      %parallel_loop3A_177 = vector.shape_cast %parallel_loop3A_176 : vector<1x16xf32> to vector<16xf32>
      %parallel_loop3A_178 = vector.shape_cast %parallel_loop3A_173 : vector<16xf32> to vector<1x16xf32>
      tpu.vector_store %arg9[%parallel_loop3A_174, %parallel_loop3A_175], %parallel_loop3A_178 {strides = array<i32>} : memref<40x512xf32, #tpu.memory_space<vmem>>, vector<1x16xf32>,
      %parallel_loop3A_179 = arith.index_cast %parallel_loop3A_100 : i32 to index
      %parallel_loop3A_180 = arith.constant 96 : index
      %parallel_loop3A_181 = tpu.vector_load %arg6[%parallel_loop3A_179, %parallel_loop3A_180] {strides = array<i32>} : memref<40x512xi32, #tpu.memory_space<vmem>>, vector<1x16xi32>,
      %parallel_loop3A_182 = vector.shape_cast %parallel_loop3A_181 : vector<1x16xi32> to vector<16xi32>
      %parallel_loop3A_183 = arith.constant 0 : i32
      %parallel_loop3A_184 = vector.broadcast %parallel_loop3A_183 : i32 to vector<16xi32>
      %parallel_loop3A_185 = arith.cmpi sgt, %parallel_loop3A_182, %parallel_loop3A_184 : vector<16xi32>
      %parallel_loop3A_186 = arith.select %parallel_loop3A_185, %broadcast_in_dim3A_7, %broadcast_in_dim3A : vector<16xi1>, vector<16xf32>
      %parallel_loop3A_187 = arith.index_cast %parallel_loop3A_100 : i32 to index
      %parallel_loop3A_188 = arith.constant 96 : index
      %parallel_loop3A_189 = tpu.vector_load %arg9[%parallel_loop3A_187, %parallel_loop3A_188] {strides = array<i32>} : memref<40x512xf32, #tpu.memory_space<vmem>>, vector<1x16xf32>,
      %parallel_loop3A_190 = vector.shape_cast %parallel_loop3A_189 : vector<1x16xf32> to vector<16xf32>
      %parallel_loop3A_191 = vector.shape_cast %parallel_loop3A_186 : vector<16xf32> to vector<1x16xf32>
      tpu.vector_store %arg9[%parallel_loop3A_187, %parallel_loop3A_188], %parallel_loop3A_191 {strides = array<i32>} : memref<40x512xf32, #tpu.memory_space<vmem>>, vector<1x16xf32>,
      %parallel_loop3A_192 = arith.index_cast %parallel_loop3A_100 : i32 to index
      %parallel_loop3A_193 = arith.constant 112 : index
      %parallel_loop3A_194 = tpu.vector_load %arg6[%parallel_loop3A_192, %parallel_loop3A_193] {strides = array<i32>} : memref<40x512xi32, #tpu.memory_space<vmem>>, vector<1x16xi32>,
      %parallel_loop3A_195 = vector.shape_cast %parallel_loop3A_194 : vector<1x16xi32> to vector<16xi32>
      %parallel_loop3A_196 = arith.constant 0 : i32
      %parallel_loop3A_197 = vector.broadcast %parallel_loop3A_196 : i32 to vector<16xi32>
      %parallel_loop3A_198 = arith.cmpi sgt, %parallel_loop3A_195, %parallel_loop3A_197 : vector<16xi32>
      %parallel_loop3A_199 = arith.select %parallel_loop3A_198, %broadcast_in_dim3A_7, %broadcast_in_dim3A : vector<16xi1>, vector<16xf32>
      %parallel_loop3A_200 = arith.index_cast %parallel_loop3A_100 : i32 to index
      %parallel_loop3A_201 = arith.constant 112 : index
      %parallel_loop3A_202 = tpu.vector_load %arg9[%parallel_loop3A_200, %parallel_loop3A_201] {strides = array<i32>} : memref<40x512xf32, #tpu.memory_space<vmem>>, vector<1x16xf32>,
      %parallel_loop3A_203 = vector.shape_cast %parallel_loop3A_202 : vector<1x16xf32> to vector<16xf32>
      %parallel_loop3A_204 = vector.shape_cast %parallel_loop3A_199 : vector<16xf32> to vector<1x16xf32>
      tpu.vector_store %arg9[%parallel_loop3A_200, %parallel_loop3A_201], %parallel_loop3A_204 {strides = array<i32>} : memref<40x512xf32, #tpu.memory_space<vmem>>, vector<1x16xf32>,
      %parallel_loop3A_205 = arith.index_cast %parallel_loop3A_100 : i32 to index
      %parallel_loop3A_206 = arith.constant 128 : index
      %parallel_loop3A_207 = tpu.vector_load %arg6[%parallel_loop3A_205, %parallel_loop3A_206] {strides = array<i32>} : memref<40x512xi32, #tpu.memory_space<vmem>>, vector<1x16xi32>,
      %parallel_loop3A_208 = vector.shape_cast %parallel_loop3A_207 : vector<1x16xi32> to vector<16xi32>
      %parallel_loop3A_209 = arith.constant 0 : i32
      %parallel_loop3A_210 = vector.broadcast %parallel_loop3A_209 : i32 to vector<16xi32>
      %parallel_loop3A_211 = arith.cmpi sgt, %parallel_loop3A_208, %parallel_loop3A_210 : vector<16xi32>
      %parallel_loop3A_212 = arith.select %parallel_loop3A_211, %broadcast_in_dim3A_7, %broadcast_in_dim3A : vector<16xi1>, vector<16xf32>
      %parallel_loop3A_213 = arith.index_cast %parallel_loop3A_100 : i32 to index
      %parallel_loop3A_214 = arith.constant 128 : index
      %parallel_loop3A_215 = tpu.vector_load %arg9[%parallel_loop3A_213, %parallel_loop3A_214] {strides = array<i32>} : memref<40x512xf32, #tpu.memory_space<vmem>>, vector<1x16xf32>,
      %parallel_loop3A_216 = vector.shape_cast %parallel_loop3A_215 : vector<1x16xf32> to vector<16xf32>
      %parallel_loop3A_217 = vector.shape_cast %parallel_loop3A_212 : vector<16xf32> to vector<1x16xf32>
      tpu.vector_store %arg9[%parallel_loop3A_213, %parallel_loop3A_214], %parallel_loop3A_217 {strides = array<i32>} : memref<40x512xf32, #tpu.memory_space<vmem>>, vector<1x16xf32>,
      %parallel_loop3A_218 = arith.index_cast %parallel_loop3A_100 : i32 to index
      %parallel_loop3A_219 = arith.constant 144 : index
      %parallel_loop3A_220 = tpu.vector_load %arg6[%parallel_loop3A_218, %parallel_loop3A_219] {strides = array<i32>} : memref<40x512xi32, #tpu.memory_space<vmem>>, vector<1x16xi32>,
      %parallel_loop3A_221 = vector.shape_cast %parallel_loop3A_220 : vector<1x16xi32> to vector<16xi32>
      %parallel_loop3A_222 = arith.constant 0 : i32
      %parallel_loop3A_223 = vector.broadcast %parallel_loop3A_222 : i32 to vector<16xi32>
      %parallel_loop3A_224 = arith.cmpi sgt, %parallel_loop3A_221, %parallel_loop3A_223 : vector<16xi32>
      %parallel_loop3A_225 = arith.select %parallel_loop3A_224, %broadcast_in_dim3A_7, %broadcast_in_dim3A : vector<16xi1>, vector<16xf32>
      %parallel_loop3A_226 = arith.index_cast %parallel_loop3A_100 : i32 to index
      %parallel_loop3A_227 = arith.constant 144 : index
      %parallel_loop3A_228 = tpu.vector_load %arg9[%parallel_loop3A_226, %parallel_loop3A_227] {strides = array<i32>} : memref<40x512xf32, #tpu.memory_space<vmem>>, vector<1x16xf32>,
      %parallel_loop3A_229 = vector.shape_cast %parallel_loop3A_228 : vector<1x16xf32> to vector<16xf32>
      %parallel_loop3A_230 = vector.shape_cast %parallel_loop3A_225 : vector<16xf32> to vector<1x16xf32>
      tpu.vector_store %arg9[%parallel_loop3A_226, %parallel_loop3A_227], %parallel_loop3A_230 {strides = array<i32>} : memref<40x512xf32, #tpu.memory_space<vmem>>, vector<1x16xf32>,
      %parallel_loop3A_231 = arith.index_cast %parallel_loop3A_100 : i32 to index
      %parallel_loop3A_232 = arith.constant 160 : index
      %parallel_loop3A_233 = tpu.vector_load %arg6[%parallel_loop3A_231, %parallel_loop3A_232] {strides = array<i32>} : memref<40x512xi32, #tpu.memory_space<vmem>>, vector<1x16xi32>,
      %parallel_loop3A_234 = vector.shape_cast %parallel_loop3A_233 : vector<1x16xi32> to vector<16xi32>
      %parallel_loop3A_235 = arith.constant 0 : i32
      %parallel_loop3A_236 = vector.broadcast %parallel_loop3A_235 : i32 to vector<16xi32>
      %parallel_loop3A_237 = arith.cmpi sgt, %parallel_loop3A_234, %parallel_loop3A_236 : vector<16xi32>
      %parallel_loop3A_238 = arith.select %parallel_loop3A_237, %broadcast_in_dim3A_7, %broadcast_in_dim3A : vector<16xi1>, vector<16xf32>
      %parallel_loop3A_239 = arith.index_cast %parallel_loop3A_100 : i32 to index
      %parallel_loop3A_240 = arith.constant 160 : index
      %parallel_loop3A_241 = tpu.vector_load %arg9[%parallel_loop3A_239, %parallel_loop3A_240] {strides = array<i32>} : memref<40x512xf32, #tpu.memory_space<vmem>>, vector<1x16xf32>,
      %parallel_loop3A_242 = vector.shape_cast %parallel_loop3A_241 : vector<1x16xf32> to vector<16xf32>
      %parallel_loop3A_243 = vector.shape_cast %parallel_loop3A_238 : vector<16xf32> to vector<1x16xf32>
      tpu.vector_store %arg9[%parallel_loop3A_239, %parallel_loop3A_240], %parallel_loop3A_243 {strides = array<i32>} : memref<40x512xf32, #tpu.memory_space<vmem>>, vector<1x16xf32>,
      %parallel_loop3A_244 = arith.index_cast %parallel_loop3A_100 : i32 to index
      %parallel_loop3A_245 = arith.constant 176 : index
      %parallel_loop3A_246 = tpu.vector_load %arg6[%parallel_loop3A_244, %parallel_loop3A_245] {strides = array<i32>} : memref<40x512xi32, #tpu.memory_space<vmem>>, vector<1x16xi32>,
      %parallel_loop3A_247 = vector.shape_cast %parallel_loop3A_246 : vector<1x16xi32> to vector<16xi32>
      %parallel_loop3A_248 = arith.constant 0 : i32
      %parallel_loop3A_249 = vector.broadcast %parallel_loop3A_248 : i32 to vector<16xi32>
      %parallel_loop3A_250 = arith.cmpi sgt, %parallel_loop3A_247, %parallel_loop3A_249 : vector<16xi32>
      %parallel_loop3A_251 = arith.select %parallel_loop3A_250, %broadcast_in_dim3A_7, %broadcast_in_dim3A : vector<16xi1>, vector<16xf32>
      %parallel_loop3A_252 = arith.index_cast %parallel_loop3A_100 : i32 to index
      %parallel_loop3A_253 = arith.constant 176 : index
      %parallel_loop3A_254 = tpu.vector_load %arg9[%parallel_loop3A_252, %parallel_loop3A_253] {strides = array<i32>} : memref<40x512xf32, #tpu.memory_space<vmem>>, vector<1x16xf32>,
      %parallel_loop3A_255 = vector.shape_cast %parallel_loop3A_254 : vector<1x16xf32> to vector<16xf32>
      %parallel_loop3A_256 = vector.shape_cast %parallel_loop3A_251 : vector<16xf32> to vector<1x16xf32>
      tpu.vector_store %arg9[%parallel_loop3A_252, %parallel_loop3A_253], %parallel_loop3A_256 {strides = array<i32>} : memref<40x512xf32, #tpu.memory_space<vmem>>, vector<1x16xf32>,
      %parallel_loop3A_257 = arith.index_cast %parallel_loop3A_100 : i32 to index
      %parallel_loop3A_258 = arith.constant 192 : index
      %parallel_loop3A_259 = tpu.vector_load %arg6[%parallel_loop3A_257, %parallel_loop3A_258] {strides = array<i32>} : memref<40x512xi32, #tpu.memory_space<vmem>>, vector<1x16xi32>,
      %parallel_loop3A_260 = vector.shape_cast %parallel_loop3A_259 : vector<1x16xi32> to vector<16xi32>
      %parallel_loop3A_261 = arith.constant 0 : i32
      %parallel_loop3A_262 = vector.broadcast %parallel_loop3A_261 : i32 to vector<16xi32>
      %parallel_loop3A_263 = arith.cmpi sgt, %parallel_loop3A_260, %parallel_loop3A_262 : vector<16xi32>
      %parallel_loop3A_264 = arith.select %parallel_loop3A_263, %broadcast_in_dim3A_7, %broadcast_in_dim3A : vector<16xi1>, vector<16xf32>
      %parallel_loop3A_265 = arith.index_cast %parallel_loop3A_100 : i32 to index
      %parallel_loop3A_266 = arith.constant 192 : index
      %parallel_loop3A_267 = tpu.vector_load %arg9[%parallel_loop3A_265, %parallel_loop3A_266] {strides = array<i32>} : memref<40x512xf32, #tpu.memory_space<vmem>>, vector<1x16xf32>,
      %parallel_loop3A_268 = vector.shape_cast %parallel_loop3A_267 : vector<1x16xf32> to vector<16xf32>
      %parallel_loop3A_269 = vector.shape_cast %parallel_loop3A_264 : vector<16xf32> to vector<1x16xf32>
      tpu.vector_store %arg9[%parallel_loop3A_265, %parallel_loop3A_266], %parallel_loop3A_269 {strides = array<i32>} : memref<40x512xf32, #tpu.memory_space<vmem>>, vector<1x16xf32>,
      %parallel_loop3A_270 = arith.index_cast %parallel_loop3A_100 : i32 to index
      %parallel_loop3A_271 = arith.constant 208 : index
      %parallel_loop3A_272 = tpu.vector_load %arg6[%parallel_loop3A_270, %parallel_loop3A_271] {strides = array<i32>} : memref<40x512xi32, #tpu.memory_space<vmem>>, vector<1x16xi32>,
      %parallel_loop3A_273 = vector.shape_cast %parallel_loop3A_272 : vector<1x16xi32> to vector<16xi32>
      %parallel_loop3A_274 = arith.constant 0 : i32
      %parallel_loop3A_275 = vector.broadcast %parallel_loop3A_274 : i32 to vector<16xi32>
      %parallel_loop3A_276 = arith.cmpi sgt, %parallel_loop3A_273, %parallel_loop3A_275 : vector<16xi32>
      %parallel_loop3A_277 = arith.select %parallel_loop3A_276, %broadcast_in_dim3A_7, %broadcast_in_dim3A : vector<16xi1>, vector<16xf32>
      %parallel_loop3A_278 = arith.index_cast %parallel_loop3A_100 : i32 to index
      %parallel_loop3A_279 = arith.constant 208 : index
      %parallel_loop3A_280 = tpu.vector_load %arg9[%parallel_loop3A_278, %parallel_loop3A_279] {strides = array<i32>} : memref<40x512xf32, #tpu.memory_space<vmem>>, vector<1x16xf32>,
      %parallel_loop3A_281 = vector.shape_cast %parallel_loop3A_280 : vector<1x16xf32> to vector<16xf32>
      %parallel_loop3A_282 = vector.shape_cast %parallel_loop3A_277 : vector<16xf32> to vector<1x16xf32>
      tpu.vector_store %arg9[%parallel_loop3A_278, %parallel_loop3A_279], %parallel_loop3A_282 {strides = array<i32>} : memref<40x512xf32, #tpu.memory_space<vmem>>, vector<1x16xf32>,
      %parallel_loop3A_283 = arith.index_cast %parallel_loop3A_100 : i32 to index
      %parallel_loop3A_284 = arith.constant 224 : index
      %parallel_loop3A_285 = tpu.vector_load %arg6[%parallel_loop3A_283, %parallel_loop3A_284] {strides = array<i32>} : memref<40x512xi32, #tpu.memory_space<vmem>>, vector<1x16xi32>,
      %parallel_loop3A_286 = vector.shape_cast %parallel_loop3A_285 : vector<1x16xi32> to vector<16xi32>
      %parallel_loop3A_287 = arith.constant 0 : i32
      %parallel_loop3A_288 = vector.broadcast %parallel_loop3A_287 : i32 to vector<16xi32>
      %parallel_loop3A_289 = arith.cmpi sgt, %parallel_loop3A_286, %parallel_loop3A_288 : vector<16xi32>
      %parallel_loop3A_290 = arith.select %parallel_loop3A_289, %broadcast_in_dim3A_7, %broadcast_in_dim3A : vector<16xi1>, vector<16xf32>
      %parallel_loop3A_291 = arith.index_cast %parallel_loop3A_100 : i32 to index
      %parallel_loop3A_292 = arith.constant 224 : index
      %parallel_loop3A_293 = tpu.vector_load %arg9[%parallel_loop3A_291, %parallel_loop3A_292] {strides = array<i32>} : memref<40x512xf32, #tpu.memory_space<vmem>>, vector<1x16xf32>,
      %parallel_loop3A_294 = vector.shape_cast %parallel_loop3A_293 : vector<1x16xf32> to vector<16xf32>
      %parallel_loop3A_295 = vector.shape_cast %parallel_loop3A_290 : vector<16xf32> to vector<1x16xf32>
      tpu.vector_store %arg9[%parallel_loop3A_291, %parallel_loop3A_292], %parallel_loop3A_295 {strides = array<i32>} : memref<40x512xf32, #tpu.memory_space<vmem>>, vector<1x16xf32>,
      %parallel_loop3A_296 = arith.index_cast %parallel_loop3A_100 : i32 to index
      %parallel_loop3A_297 = arith.constant 240 : index
      %parallel_loop3A_298 = tpu.vector_load %arg6[%parallel_loop3A_296, %parallel_loop3A_297] {strides = array<i32>} : memref<40x512xi32, #tpu.memory_space<vmem>>, vector<1x16xi32>,
      %parallel_loop3A_299 = vector.shape_cast %parallel_loop3A_298 : vector<1x16xi32> to vector<16xi32>
      %parallel_loop3A_300 = arith.constant 0 : i32
      %parallel_loop3A_301 = vector.broadcast %parallel_loop3A_300 : i32 to vector<16xi32>
      %parallel_loop3A_302 = arith.cmpi sgt, %parallel_loop3A_299, %parallel_loop3A_301 : vector<16xi32>
      %parallel_loop3A_303 = arith.select %parallel_loop3A_302, %broadcast_in_dim3A_7, %broadcast_in_dim3A : vector<16xi1>, vector<16xf32>
      %parallel_loop3A_304 = arith.index_cast %parallel_loop3A_100 : i32 to index
      %parallel_loop3A_305 = arith.constant 240 : index
      %parallel_loop3A_306 = tpu.vector_load %arg9[%parallel_loop3A_304, %parallel_loop3A_305] {strides = array<i32>} : memref<40x512xf32, #tpu.memory_space<vmem>>, vector<1x16xf32>,
      %parallel_loop3A_307 = vector.shape_cast %parallel_loop3A_306 : vector<1x16xf32> to vector<16xf32>
      %parallel_loop3A_308 = vector.shape_cast %parallel_loop3A_303 : vector<16xf32> to vector<1x16xf32>
      tpu.vector_store %arg9[%parallel_loop3A_304, %parallel_loop3A_305], %parallel_loop3A_308 {strides = array<i32>} : memref<40x512xf32, #tpu.memory_space<vmem>>, vector<1x16xf32>,
      %parallel_loop3A_309 = arith.index_cast %parallel_loop3A_100 : i32 to index
      %parallel_loop3A_310 = arith.constant 256 : index
      %parallel_loop3A_311 = tpu.vector_load %arg6[%parallel_loop3A_309, %parallel_loop3A_310] {strides = array<i32>} : memref<40x512xi32, #tpu.memory_space<vmem>>, vector<1x16xi32>,
      %parallel_loop3A_312 = vector.shape_cast %parallel_loop3A_311 : vector<1x16xi32> to vector<16xi32>
      %parallel_loop3A_313 = arith.constant 0 : i32
      %parallel_loop3A_314 = vector.broadcast %parallel_loop3A_313 : i32 to vector<16xi32>
      %parallel_loop3A_315 = arith.cmpi sgt, %parallel_loop3A_312, %parallel_loop3A_314 : vector<16xi32>
      %parallel_loop3A_316 = arith.select %parallel_loop3A_315, %broadcast_in_dim3A_7, %broadcast_in_dim3A : vector<16xi1>, vector<16xf32>
      %parallel_loop3A_317 = arith.index_cast %parallel_loop3A_100 : i32 to index
      %parallel_loop3A_318 = arith.constant 256 : index
      %parallel_loop3A_319 = tpu.vector_load %arg9[%parallel_loop3A_317, %parallel_loop3A_318] {strides = array<i32>} : memref<40x512xf32, #tpu.memory_space<vmem>>, vector<1x16xf32>,
      %parallel_loop3A_320 = vector.shape_cast %parallel_loop3A_319 : vector<1x16xf32> to vector<16xf32>
      %parallel_loop3A_321 = vector.shape_cast %parallel_loop3A_316 : vector<16xf32> to vector<1x16xf32>
      tpu.vector_store %arg9[%parallel_loop3A_317, %parallel_loop3A_318], %parallel_loop3A_321 {strides = array<i32>} : memref<40x512xf32, #tpu.memory_space<vmem>>, vector<1x16xf32>,
      %parallel_loop3A_322 = arith.index_cast %parallel_loop3A_100 : i32 to index
      %parallel_loop3A_323 = arith.constant 272 : index
      %parallel_loop3A_324 = tpu.vector_load %arg6[%parallel_loop3A_322, %parallel_loop3A_323] {strides = array<i32>} : memref<40x512xi32, #tpu.memory_space<vmem>>, vector<1x16xi32>,
      %parallel_loop3A_325 = vector.shape_cast %parallel_loop3A_324 : vector<1x16xi32> to vector<16xi32>
      %parallel_loop3A_326 = arith.constant 0 : i32
      %parallel_loop3A_327 = vector.broadcast %parallel_loop3A_326 : i32 to vector<16xi32>
      %parallel_loop3A_328 = arith.cmpi sgt, %parallel_loop3A_325, %parallel_loop3A_327 : vector<16xi32>
      %parallel_loop3A_329 = arith.select %parallel_loop3A_328, %broadcast_in_dim3A_7, %broadcast_in_dim3A : vector<16xi1>, vector<16xf32>
      %parallel_loop3A_330 = arith.index_cast %parallel_loop3A_100 : i32 to index
      %parallel_loop3A_331 = arith.constant 272 : index
      %parallel_loop3A_332 = tpu.vector_load %arg9[%parallel_loop3A_330, %parallel_loop3A_331] {strides = array<i32>} : memref<40x512xf32, #tpu.memory_space<vmem>>, vector<1x16xf32>,
      %parallel_loop3A_333 = vector.shape_cast %parallel_loop3A_332 : vector<1x16xf32> to vector<16xf32>
      %parallel_loop3A_334 = vector.shape_cast %parallel_loop3A_329 : vector<16xf32> to vector<1x16xf32>
      tpu.vector_store %arg9[%parallel_loop3A_330, %parallel_loop3A_331], %parallel_loop3A_334 {strides = array<i32>} : memref<40x512xf32, #tpu.memory_space<vmem>>, vector<1x16xf32>,
      %parallel_loop3A_335 = arith.index_cast %parallel_loop3A_100 : i32 to index
      %parallel_loop3A_336 = arith.constant 288 : index
      %parallel_loop3A_337 = tpu.vector_load %arg6[%parallel_loop3A_335, %parallel_loop3A_336] {strides = array<i32>} : memref<40x512xi32, #tpu.memory_space<vmem>>, vector<1x16xi32>,
      %parallel_loop3A_338 = vector.shape_cast %parallel_loop3A_337 : vector<1x16xi32> to vector<16xi32>
      %parallel_loop3A_339 = arith.constant 0 : i32
      %parallel_loop3A_340 = vector.broadcast %parallel_loop3A_339 : i32 to vector<16xi32>
      %parallel_loop3A_341 = arith.cmpi sgt, %parallel_loop3A_338, %parallel_loop3A_340 : vector<16xi32>
      %parallel_loop3A_342 = arith.select %parallel_loop3A_341, %broadcast_in_dim3A_7, %broadcast_in_dim3A : vector<16xi1>, vector<16xf32>
      %parallel_loop3A_343 = arith.index_cast %parallel_loop3A_100 : i32 to index
      %parallel_loop3A_344 = arith.constant 288 : index
      %parallel_loop3A_345 = tpu.vector_load %arg9[%parallel_loop3A_343, %parallel_loop3A_344] {strides = array<i32>} : memref<40x512xf32, #tpu.memory_space<vmem>>, vector<1x16xf32>,
      %parallel_loop3A_346 = vector.shape_cast %parallel_loop3A_345 : vector<1x16xf32> to vector<16xf32>
      %parallel_loop3A_347 = vector.shape_cast %parallel_loop3A_342 : vector<16xf32> to vector<1x16xf32>
      tpu.vector_store %arg9[%parallel_loop3A_343, %parallel_loop3A_344], %parallel_loop3A_347 {strides = array<i32>} : memref<40x512xf32, #tpu.memory_space<vmem>>, vector<1x16xf32>,
      %parallel_loop3A_348 = arith.index_cast %parallel_loop3A_100 : i32 to index
      %parallel_loop3A_349 = arith.constant 304 : index
      %parallel_loop3A_350 = tpu.vector_load %arg6[%parallel_loop3A_348, %parallel_loop3A_349] {strides = array<i32>} : memref<40x512xi32, #tpu.memory_space<vmem>>, vector<1x16xi32>,
      %parallel_loop3A_351 = vector.shape_cast %parallel_loop3A_350 : vector<1x16xi32> to vector<16xi32>
      %parallel_loop3A_352 = arith.constant 0 : i32
      %parallel_loop3A_353 = vector.broadcast %parallel_loop3A_352 : i32 to vector<16xi32>
      %parallel_loop3A_354 = arith.cmpi sgt, %parallel_loop3A_351, %parallel_loop3A_353 : vector<16xi32>
      %parallel_loop3A_355 = arith.select %parallel_loop3A_354, %broadcast_in_dim3A_7, %broadcast_in_dim3A : vector<16xi1>, vector<16xf32>
      %parallel_loop3A_356 = arith.index_cast %parallel_loop3A_100 : i32 to index
      %parallel_loop3A_357 = arith.constant 304 : index
      %parallel_loop3A_358 = tpu.vector_load %arg9[%parallel_loop3A_356, %parallel_loop3A_357] {strides = array<i32>} : memref<40x512xf32, #tpu.memory_space<vmem>>, vector<1x16xf32>,
      %parallel_loop3A_359 = vector.shape_cast %parallel_loop3A_358 : vector<1x16xf32> to vector<16xf32>
      %parallel_loop3A_360 = vector.shape_cast %parallel_loop3A_355 : vector<16xf32> to vector<1x16xf32>
      tpu.vector_store %arg9[%parallel_loop3A_356, %parallel_loop3A_357], %parallel_loop3A_360 {strides = array<i32>} : memref<40x512xf32, #tpu.memory_space<vmem>>, vector<1x16xf32>,
      %parallel_loop3A_361 = arith.index_cast %parallel_loop3A_100 : i32 to index
      %parallel_loop3A_362 = arith.constant 320 : index
      %parallel_loop3A_363 = tpu.vector_load %arg6[%parallel_loop3A_361, %parallel_loop3A_362] {strides = array<i32>} : memref<40x512xi32, #tpu.memory_space<vmem>>, vector<1x16xi32>,
      %parallel_loop3A_364 = vector.shape_cast %parallel_loop3A_363 : vector<1x16xi32> to vector<16xi32>
      %parallel_loop3A_365 = arith.constant 0 : i32
      %parallel_loop3A_366 = vector.broadcast %parallel_loop3A_365 : i32 to vector<16xi32>
      %parallel_loop3A_367 = arith.cmpi sgt, %parallel_loop3A_364, %parallel_loop3A_366 : vector<16xi32>
      %parallel_loop3A_368 = arith.select %parallel_loop3A_367, %broadcast_in_dim3A_7, %broadcast_in_dim3A : vector<16xi1>, vector<16xf32>
      %parallel_loop3A_369 = arith.index_cast %parallel_loop3A_100 : i32 to index
      %parallel_loop3A_370 = arith.constant 320 : index
      %parallel_loop3A_371 = tpu.vector_load %arg9[%parallel_loop3A_369, %parallel_loop3A_370] {strides = array<i32>} : memref<40x512xf32, #tpu.memory_space<vmem>>, vector<1x16xf32>,
      %parallel_loop3A_372 = vector.shape_cast %parallel_loop3A_371 : vector<1x16xf32> to vector<16xf32>
      %parallel_loop3A_373 = vector.shape_cast %parallel_loop3A_368 : vector<16xf32> to vector<1x16xf32>
      tpu.vector_store %arg9[%parallel_loop3A_369, %parallel_loop3A_370], %parallel_loop3A_373 {strides = array<i32>} : memref<40x512xf32, #tpu.memory_space<vmem>>, vector<1x16xf32>,
      %parallel_loop3A_374 = arith.index_cast %parallel_loop3A_100 : i32 to index
      %parallel_loop3A_375 = arith.constant 336 : index
      %parallel_loop3A_376 = tpu.vector_load %arg6[%parallel_loop3A_374, %parallel_loop3A_375] {strides = array<i32>} : memref<40x512xi32, #tpu.memory_space<vmem>>, vector<1x16xi32>,
      %parallel_loop3A_377 = vector.shape_cast %parallel_loop3A_376 : vector<1x16xi32> to vector<16xi32>
      %parallel_loop3A_378 = arith.constant 0 : i32
      %parallel_loop3A_379 = vector.broadcast %parallel_loop3A_378 : i32 to vector<16xi32>
      %parallel_loop3A_380 = arith.cmpi sgt, %parallel_loop3A_377, %parallel_loop3A_379 : vector<16xi32>
      %parallel_loop3A_381 = arith.select %parallel_loop3A_380, %broadcast_in_dim3A_7, %broadcast_in_dim3A : vector<16xi1>, vector<16xf32>
      %parallel_loop3A_382 = arith.index_cast %parallel_loop3A_100 : i32 to index
      %parallel_loop3A_383 = arith.constant 336 : index
      %parallel_loop3A_384 = tpu.vector_load %arg9[%parallel_loop3A_382, %parallel_loop3A_383] {strides = array<i32>} : memref<40x512xf32, #tpu.memory_space<vmem>>, vector<1x16xf32>,
      %parallel_loop3A_385 = vector.shape_cast %parallel_loop3A_384 : vector<1x16xf32> to vector<16xf32>
      %parallel_loop3A_386 = vector.shape_cast %parallel_loop3A_381 : vector<16xf32> to vector<1x16xf32>
      tpu.vector_store %arg9[%parallel_loop3A_382, %parallel_loop3A_383], %parallel_loop3A_386 {strides = array<i32>} : memref<40x512xf32, #tpu.memory_space<vmem>>, vector<1x16xf32>,
      %parallel_loop3A_387 = arith.index_cast %parallel_loop3A_100 : i32 to index
      %parallel_loop3A_388 = arith.constant 352 : index
      %parallel_loop3A_389 = tpu.vector_load %arg6[%parallel_loop3A_387, %parallel_loop3A_388] {strides = array<i32>} : memref<40x512xi32, #tpu.memory_space<vmem>>, vector<1x16xi32>,
      %parallel_loop3A_390 = vector.shape_cast %parallel_loop3A_389 : vector<1x16xi32> to vector<16xi32>
      %parallel_loop3A_391 = arith.constant 0 : i32
      %parallel_loop3A_392 = vector.broadcast %parallel_loop3A_391 : i32 to vector<16xi32>
      %parallel_loop3A_393 = arith.cmpi sgt, %parallel_loop3A_390, %parallel_loop3A_392 : vector<16xi32>
      %parallel_loop3A_394 = arith.select %parallel_loop3A_393, %broadcast_in_dim3A_7, %broadcast_in_dim3A : vector<16xi1>, vector<16xf32>
      %parallel_loop3A_395 = arith.index_cast %parallel_loop3A_100 : i32 to index
      %parallel_loop3A_396 = arith.constant 352 : index
      %parallel_loop3A_397 = tpu.vector_load %arg9[%parallel_loop3A_395, %parallel_loop3A_396] {strides = array<i32>} : memref<40x512xf32, #tpu.memory_space<vmem>>, vector<1x16xf32>,
      %parallel_loop3A_398 = vector.shape_cast %parallel_loop3A_397 : vector<1x16xf32> to vector<16xf32>
      %parallel_loop3A_399 = vector.shape_cast %parallel_loop3A_394 : vector<16xf32> to vector<1x16xf32>
      tpu.vector_store %arg9[%parallel_loop3A_395, %parallel_loop3A_396], %parallel_loop3A_399 {strides = array<i32>} : memref<40x512xf32, #tpu.memory_space<vmem>>, vector<1x16xf32>,
      %parallel_loop3A_400 = arith.index_cast %parallel_loop3A_100 : i32 to index
      %parallel_loop3A_401 = arith.constant 368 : index
      %parallel_loop3A_402 = tpu.vector_load %arg6[%parallel_loop3A_400, %parallel_loop3A_401] {strides = array<i32>} : memref<40x512xi32, #tpu.memory_space<vmem>>, vector<1x16xi32>,
      %parallel_loop3A_403 = vector.shape_cast %parallel_loop3A_402 : vector<1x16xi32> to vector<16xi32>
      %parallel_loop3A_404 = arith.constant 0 : i32
      %parallel_loop3A_405 = vector.broadcast %parallel_loop3A_404 : i32 to vector<16xi32>
      %parallel_loop3A_406 = arith.cmpi sgt, %parallel_loop3A_403, %parallel_loop3A_405 : vector<16xi32>
      %parallel_loop3A_407 = arith.select %parallel_loop3A_406, %broadcast_in_dim3A_7, %broadcast_in_dim3A : vector<16xi1>, vector<16xf32>
      %parallel_loop3A_408 = arith.index_cast %parallel_loop3A_100 : i32 to index
      %parallel_loop3A_409 = arith.constant 368 : index
      %parallel_loop3A_410 = tpu.vector_load %arg9[%parallel_loop3A_408, %parallel_loop3A_409] {strides = array<i32>} : memref<40x512xf32, #tpu.memory_space<vmem>>, vector<1x16xf32>,
      %parallel_loop3A_411 = vector.shape_cast %parallel_loop3A_410 : vector<1x16xf32> to vector<16xf32>
      %parallel_loop3A_412 = vector.shape_cast %parallel_loop3A_407 : vector<16xf32> to vector<1x16xf32>
      tpu.vector_store %arg9[%parallel_loop3A_408, %parallel_loop3A_409], %parallel_loop3A_412 {strides = array<i32>} : memref<40x512xf32, #tpu.memory_space<vmem>>, vector<1x16xf32>,
      %parallel_loop3A_413 = arith.index_cast %parallel_loop3A_100 : i32 to index
      %parallel_loop3A_414 = arith.constant 384 : index
      %parallel_loop3A_415 = tpu.vector_load %arg6[%parallel_loop3A_413, %parallel_loop3A_414] {strides = array<i32>} : memref<40x512xi32, #tpu.memory_space<vmem>>, vector<1x16xi32>,
      %parallel_loop3A_416 = vector.shape_cast %parallel_loop3A_415 : vector<1x16xi32> to vector<16xi32>
      %parallel_loop3A_417 = arith.constant 0 : i32
      %parallel_loop3A_418 = vector.broadcast %parallel_loop3A_417 : i32 to vector<16xi32>
      %parallel_loop3A_419 = arith.cmpi sgt, %parallel_loop3A_416, %parallel_loop3A_418 : vector<16xi32>
      %parallel_loop3A_420 = arith.select %parallel_loop3A_419, %broadcast_in_dim3A_7, %broadcast_in_dim3A : vector<16xi1>, vector<16xf32>
      %parallel_loop3A_421 = arith.index_cast %parallel_loop3A_100 : i32 to index
      %parallel_loop3A_422 = arith.constant 384 : index
      %parallel_loop3A_423 = tpu.vector_load %arg9[%parallel_loop3A_421, %parallel_loop3A_422] {strides = array<i32>} : memref<40x512xf32, #tpu.memory_space<vmem>>, vector<1x16xf32>,
      %parallel_loop3A_424 = vector.shape_cast %parallel_loop3A_423 : vector<1x16xf32> to vector<16xf32>
      %parallel_loop3A_425 = vector.shape_cast %parallel_loop3A_420 : vector<16xf32> to vector<1x16xf32>
      tpu.vector_store %arg9[%parallel_loop3A_421, %parallel_loop3A_422], %parallel_loop3A_425 {strides = array<i32>} : memref<40x512xf32, #tpu.memory_space<vmem>>, vector<1x16xf32>,
      %parallel_loop3A_426 = arith.index_cast %parallel_loop3A_100 : i32 to index
      %parallel_loop3A_427 = arith.constant 400 : index
      %parallel_loop3A_428 = tpu.vector_load %arg6[%parallel_loop3A_426, %parallel_loop3A_427] {strides = array<i32>} : memref<40x512xi32, #tpu.memory_space<vmem>>, vector<1x16xi32>,
      %parallel_loop3A_429 = vector.shape_cast %parallel_loop3A_428 : vector<1x16xi32> to vector<16xi32>
      %parallel_loop3A_430 = arith.constant 0 : i32
      %parallel_loop3A_431 = vector.broadcast %parallel_loop3A_430 : i32 to vector<16xi32>
      %parallel_loop3A_432 = arith.cmpi sgt, %parallel_loop3A_429, %parallel_loop3A_431 : vector<16xi32>
      %parallel_loop3A_433 = arith.select %parallel_loop3A_432, %broadcast_in_dim3A_7, %broadcast_in_dim3A : vector<16xi1>, vector<16xf32>
      %parallel_loop3A_434 = arith.index_cast %parallel_loop3A_100 : i32 to index
      %parallel_loop3A_435 = arith.constant 400 : index
      %parallel_loop3A_436 = tpu.vector_load %arg9[%parallel_loop3A_434, %parallel_loop3A_435] {strides = array<i32>} : memref<40x512xf32, #tpu.memory_space<vmem>>, vector<1x16xf32>,
      %parallel_loop3A_437 = vector.shape_cast %parallel_loop3A_436 : vector<1x16xf32> to vector<16xf32>
      %parallel_loop3A_438 = vector.shape_cast %parallel_loop3A_433 : vector<16xf32> to vector<1x16xf32>
      tpu.vector_store %arg9[%parallel_loop3A_434, %parallel_loop3A_435], %parallel_loop3A_438 {strides = array<i32>} : memref<40x512xf32, #tpu.memory_space<vmem>>, vector<1x16xf32>,
      %parallel_loop3A_439 = arith.index_cast %parallel_loop3A_100 : i32 to index
      %parallel_loop3A_440 = arith.constant 416 : index
      %parallel_loop3A_441 = tpu.vector_load %arg6[%parallel_loop3A_439, %parallel_loop3A_440] {strides = array<i32>} : memref<40x512xi32, #tpu.memory_space<vmem>>, vector<1x16xi32>,
      %parallel_loop3A_442 = vector.shape_cast %parallel_loop3A_441 : vector<1x16xi32> to vector<16xi32>
      %parallel_loop3A_443 = arith.constant 0 : i32
      %parallel_loop3A_444 = vector.broadcast %parallel_loop3A_443 : i32 to vector<16xi32>
      %parallel_loop3A_445 = arith.cmpi sgt, %parallel_loop3A_442, %parallel_loop3A_444 : vector<16xi32>
      %parallel_loop3A_446 = arith.select %parallel_loop3A_445, %broadcast_in_dim3A_7, %broadcast_in_dim3A : vector<16xi1>, vector<16xf32>
      %parallel_loop3A_447 = arith.index_cast %parallel_loop3A_100 : i32 to index
      %parallel_loop3A_448 = arith.constant 416 : index
      %parallel_loop3A_449 = tpu.vector_load %arg9[%parallel_loop3A_447, %parallel_loop3A_448] {strides = array<i32>} : memref<40x512xf32, #tpu.memory_space<vmem>>, vector<1x16xf32>,
      %parallel_loop3A_450 = vector.shape_cast %parallel_loop3A_449 : vector<1x16xf32> to vector<16xf32>
      %parallel_loop3A_451 = vector.shape_cast %parallel_loop3A_446 : vector<16xf32> to vector<1x16xf32>
      tpu.vector_store %arg9[%parallel_loop3A_447, %parallel_loop3A_448], %parallel_loop3A_451 {strides = array<i32>} : memref<40x512xf32, #tpu.memory_space<vmem>>, vector<1x16xf32>,
      %parallel_loop3A_452 = arith.index_cast %parallel_loop3A_100 : i32 to index
      %parallel_loop3A_453 = arith.constant 432 : index
      %parallel_loop3A_454 = tpu.vector_load %arg6[%parallel_loop3A_452, %parallel_loop3A_453] {strides = array<i32>} : memref<40x512xi32, #tpu.memory_space<vmem>>, vector<1x16xi32>,
      %parallel_loop3A_455 = vector.shape_cast %parallel_loop3A_454 : vector<1x16xi32> to vector<16xi32>
      %parallel_loop3A_456 = arith.constant 0 : i32
      %parallel_loop3A_457 = vector.broadcast %parallel_loop3A_456 : i32 to vector<16xi32>
      %parallel_loop3A_458 = arith.cmpi sgt, %parallel_loop3A_455, %parallel_loop3A_457 : vector<16xi32>
      %parallel_loop3A_459 = arith.select %parallel_loop3A_458, %broadcast_in_dim3A_7, %broadcast_in_dim3A : vector<16xi1>, vector<16xf32>
      %parallel_loop3A_460 = arith.index_cast %parallel_loop3A_100 : i32 to index
      %parallel_loop3A_461 = arith.constant 432 : index
      %parallel_loop3A_462 = tpu.vector_load %arg9[%parallel_loop3A_460, %parallel_loop3A_461] {strides = array<i32>} : memref<40x512xf32, #tpu.memory_space<vmem>>, vector<1x16xf32>,
      %parallel_loop3A_463 = vector.shape_cast %parallel_loop3A_462 : vector<1x16xf32> to vector<16xf32>
      %parallel_loop3A_464 = vector.shape_cast %parallel_loop3A_459 : vector<16xf32> to vector<1x16xf32>
      tpu.vector_store %arg9[%parallel_loop3A_460, %parallel_loop3A_461], %parallel_loop3A_464 {strides = array<i32>} : memref<40x512xf32, #tpu.memory_space<vmem>>, vector<1x16xf32>,
      %parallel_loop3A_465 = arith.index_cast %parallel_loop3A_100 : i32 to index
      %parallel_loop3A_466 = arith.constant 448 : index
      %parallel_loop3A_467 = tpu.vector_load %arg6[%parallel_loop3A_465, %parallel_loop3A_466] {strides = array<i32>} : memref<40x512xi32, #tpu.memory_space<vmem>>, vector<1x16xi32>,
      %parallel_loop3A_468 = vector.shape_cast %parallel_loop3A_467 : vector<1x16xi32> to vector<16xi32>
      %parallel_loop3A_469 = arith.constant 0 : i32
      %parallel_loop3A_470 = vector.broadcast %parallel_loop3A_469 : i32 to vector<16xi32>
      %parallel_loop3A_471 = arith.cmpi sgt, %parallel_loop3A_468, %parallel_loop3A_470 : vector<16xi32>
      %parallel_loop3A_472 = arith.select %parallel_loop3A_471, %broadcast_in_dim3A_7, %broadcast_in_dim3A : vector<16xi1>, vector<16xf32>
      %parallel_loop3A_473 = arith.index_cast %parallel_loop3A_100 : i32 to index
      %parallel_loop3A_474 = arith.constant 448 : index
      %parallel_loop3A_475 = tpu.vector_load %arg9[%parallel_loop3A_473, %parallel_loop3A_474] {strides = array<i32>} : memref<40x512xf32, #tpu.memory_space<vmem>>, vector<1x16xf32>,
      %parallel_loop3A_476 = vector.shape_cast %parallel_loop3A_475 : vector<1x16xf32> to vector<16xf32>
      %parallel_loop3A_477 = vector.shape_cast %parallel_loop3A_472 : vector<16xf32> to vector<1x16xf32>
      tpu.vector_store %arg9[%parallel_loop3A_473, %parallel_loop3A_474], %parallel_loop3A_477 {strides = array<i32>} : memref<40x512xf32, #tpu.memory_space<vmem>>, vector<1x16xf32>,
      %parallel_loop3A_478 = arith.index_cast %parallel_loop3A_100 : i32 to index
      %parallel_loop3A_479 = arith.constant 464 : index
      %parallel_loop3A_480 = tpu.vector_load %arg6[%parallel_loop3A_478, %parallel_loop3A_479] {strides = array<i32>} : memref<40x512xi32, #tpu.memory_space<vmem>>, vector<1x16xi32>,
      %parallel_loop3A_481 = vector.shape_cast %parallel_loop3A_480 : vector<1x16xi32> to vector<16xi32>
      %parallel_loop3A_482 = arith.constant 0 : i32
      %parallel_loop3A_483 = vector.broadcast %parallel_loop3A_482 : i32 to vector<16xi32>
      %parallel_loop3A_484 = arith.cmpi sgt, %parallel_loop3A_481, %parallel_loop3A_483 : vector<16xi32>
      %parallel_loop3A_485 = arith.select %parallel_loop3A_484, %broadcast_in_dim3A_7, %broadcast_in_dim3A : vector<16xi1>, vector<16xf32>
      %parallel_loop3A_486 = arith.index_cast %parallel_loop3A_100 : i32 to index
      %parallel_loop3A_487 = arith.constant 464 : index
      %parallel_loop3A_488 = tpu.vector_load %arg9[%parallel_loop3A_486, %parallel_loop3A_487] {strides = array<i32>} : memref<40x512xf32, #tpu.memory_space<vmem>>, vector<1x16xf32>,
      %parallel_loop3A_489 = vector.shape_cast %parallel_loop3A_488 : vector<1x16xf32> to vector<16xf32>
      %parallel_loop3A_490 = vector.shape_cast %parallel_loop3A_485 : vector<16xf32> to vector<1x16xf32>
      tpu.vector_store %arg9[%parallel_loop3A_486, %parallel_loop3A_487], %parallel_loop3A_490 {strides = array<i32>} : memref<40x512xf32, #tpu.memory_space<vmem>>, vector<1x16xf32>,
      %parallel_loop3A_491 = arith.index_cast %parallel_loop3A_100 : i32 to index
      %parallel_loop3A_492 = arith.constant 480 : index
      %parallel_loop3A_493 = tpu.vector_load %arg6[%parallel_loop3A_491, %parallel_loop3A_492] {strides = array<i32>} : memref<40x512xi32, #tpu.memory_space<vmem>>, vector<1x16xi32>,
      %parallel_loop3A_494 = vector.shape_cast %parallel_loop3A_493 : vector<1x16xi32> to vector<16xi32>
      %parallel_loop3A_495 = arith.constant 0 : i32
      %parallel_loop3A_496 = vector.broadcast %parallel_loop3A_495 : i32 to vector<16xi32>
      %parallel_loop3A_497 = arith.cmpi sgt, %parallel_loop3A_494, %parallel_loop3A_496 : vector<16xi32>
      %parallel_loop3A_498 = arith.select %parallel_loop3A_497, %broadcast_in_dim3A_7, %broadcast_in_dim3A : vector<16xi1>, vector<16xf32>
      %parallel_loop3A_499 = arith.index_cast %parallel_loop3A_100 : i32 to index
      %parallel_loop3A_500 = arith.constant 480 : index
      %parallel_loop3A_501 = tpu.vector_load %arg9[%parallel_loop3A_499, %parallel_loop3A_500] {strides = array<i32>} : memref<40x512xf32, #tpu.memory_space<vmem>>, vector<1x16xf32>,
      %parallel_loop3A_502 = vector.shape_cast %parallel_loop3A_501 : vector<1x16xf32> to vector<16xf32>
      %parallel_loop3A_503 = vector.shape_cast %parallel_loop3A_498 : vector<16xf32> to vector<1x16xf32>
      tpu.vector_store %arg9[%parallel_loop3A_499, %parallel_loop3A_500], %parallel_loop3A_503 {strides = array<i32>} : memref<40x512xf32, #tpu.memory_space<vmem>>, vector<1x16xf32>,
      %parallel_loop3A_504 = arith.index_cast %parallel_loop3A_100 : i32 to index
      %parallel_loop3A_505 = arith.constant 496 : index
      %parallel_loop3A_506 = tpu.vector_load %arg6[%parallel_loop3A_504, %parallel_loop3A_505] {strides = array<i32>} : memref<40x512xi32, #tpu.memory_space<vmem>>, vector<1x16xi32>,
      %parallel_loop3A_507 = vector.shape_cast %parallel_loop3A_506 : vector<1x16xi32> to vector<16xi32>
      %parallel_loop3A_508 = arith.constant 0 : i32
      %parallel_loop3A_509 = vector.broadcast %parallel_loop3A_508 : i32 to vector<16xi32>
      %parallel_loop3A_510 = arith.cmpi sgt, %parallel_loop3A_507, %parallel_loop3A_509 : vector<16xi32>
      %parallel_loop3A_511 = arith.select %parallel_loop3A_510, %broadcast_in_dim3A_7, %broadcast_in_dim3A : vector<16xi1>, vector<16xf32>
      %parallel_loop3A_512 = arith.index_cast %parallel_loop3A_100 : i32 to index
      %parallel_loop3A_513 = arith.constant 496 : index
      %parallel_loop3A_514 = tpu.vector_load %arg9[%parallel_loop3A_512, %parallel_loop3A_513] {strides = array<i32>} : memref<40x512xf32, #tpu.memory_space<vmem>>, vector<1x16xf32>,
      %parallel_loop3A_515 = vector.shape_cast %parallel_loop3A_514 : vector<1x16xf32> to vector<16xf32>
      %parallel_loop3A_516 = vector.shape_cast %parallel_loop3A_511 : vector<16xf32> to vector<1x16xf32>
      tpu.vector_store %arg9[%parallel_loop3A_512, %parallel_loop3A_513], %parallel_loop3A_516 {strides = array<i32>} : memref<40x512xf32, #tpu.memory_space<vmem>>, vector<1x16xf32>,
    } {sc.loop_unroll_factor = 1 : i64, sc.parallel_access}
    %dma_start3A_69 = arith.constant 120 : i32
    %dma_start3A_70 = tpu.memref_slice %arg4[%dma_start3A_69, %mul3A_2] : memref<200x16384xf32, #tpu.memory_space<hbm>> -> memref<40x512xf32, #tpu.memory_space<hbm>>
    %dma_start3A_71 = arith.constant 120 : i32
    %dma_start3A_72 = tpu.memref_slice %arg4[%dma_start3A_71, %mul3A_2] : memref<200x16384xf32, #tpu.memory_space<hbm>> -> memref<40x512xf32, #tpu.memory_space<hbm>>
    tpu.enqueue_dma source(%arg9 : memref<40x512xf32, #tpu.memory_space<vmem>>) target(%dma_start3A_72 : memref<40x512xf32, #tpu.memory_space<hbm>>) target_semaphore(%arg15 : memref<!tpu.dma_semaphore, #tpu.memory_space<semaphore_mem>>)
    %dma_wait3A_73 = arith.constant 160 : i32
    %dma_wait3A_74 = tpu.memref_slice %arg2[%dma_wait3A_73, %mul3A_2] : memref<200x16384xi32, #tpu.memory_space<hbm>> -> memref<40x512xi32, #tpu.memory_space<hbm>>
    %dma_wait3A_75 = arith.constant 160 : i32
    %dma_wait3A_76 = tpu.memref_slice %arg2[%dma_wait3A_75, %mul3A_2] : memref<200x16384xi32, #tpu.memory_space<hbm>> -> memref<40x512xi32, #tpu.memory_space<hbm>>
    tpu.wait_dma2 semaphore(%arg13 : memref<!tpu.dma_semaphore, #tpu.memory_space<semaphore_mem>>) src(%dma_wait3A_76 : memref<40x512xi32, #tpu.memory_space<hbm>>) dst(%arg7 : memref<40x512xi32, #tpu.memory_space<vmem>>)
    %dma_wait3A_77 = arith.constant 40 : i32
    %dma_wait3A_78 = tpu.memref_slice %arg4[%dma_wait3A_77, %mul3A_2] : memref<200x16384xf32, #tpu.memory_space<hbm>> -> memref<40x512xf32, #tpu.memory_space<hbm>>
    %dma_wait3A_79 = arith.constant 40 : i32
    %dma_wait3A_80 = tpu.memref_slice %arg4[%dma_wait3A_79, %mul3A_2] : memref<200x16384xf32, #tpu.memory_space<hbm>> -> memref<40x512xf32, #tpu.memory_space<hbm>>
    tpu.wait_dma2 semaphore(%arg16 : memref<!tpu.dma_semaphore, #tpu.memory_space<semaphore_mem>>) src(%arg10 : memref<40x512xf32, #tpu.memory_space<vmem>>) dst(%dma_wait3A_80 : memref<40x512xf32, #tpu.memory_space<hbm>>)
    %parallel_loop3A_81 = arith.constant 0 : i32
    %parallel_loop3A_82 = arith.constant 40 : i32
    %parallel_loop3A_83 = arith.constant 1 : i32
    scf.for %parallel_loop3A_100 = %parallel_loop3A_81 to %parallel_loop3A_82 step %parallel_loop3A_83  : i32 {
      %parallel_loop3A_101 = arith.index_cast %parallel_loop3A_100 : i32 to index
      %parallel_loop3A_102 = arith.constant 0 : index
      %parallel_loop3A_103 = tpu.vector_load %arg7[%parallel_loop3A_101, %parallel_loop3A_102] {strides = array<i32>} : memref<40x512xi32, #tpu.memory_space<vmem>>, vector<1x16xi32>,
      %parallel_loop3A_104 = vector.shape_cast %parallel_loop3A_103 : vector<1x16xi32> to vector<16xi32>
      %parallel_loop3A_105 = arith.constant 0 : i32
      %parallel_loop3A_106 = vector.broadcast %parallel_loop3A_105 : i32 to vector<16xi32>
      %parallel_loop3A_107 = arith.cmpi sgt, %parallel_loop3A_104, %parallel_loop3A_106 : vector<16xi32>
      %parallel_loop3A_108 = arith.select %parallel_loop3A_107, %broadcast_in_dim3A_7, %broadcast_in_dim3A : vector<16xi1>, vector<16xf32>
      %parallel_loop3A_109 = arith.index_cast %parallel_loop3A_100 : i32 to index
      %parallel_loop3A_110 = arith.constant 0 : index
      %parallel_loop3A_111 = tpu.vector_load %arg10[%parallel_loop3A_109, %parallel_loop3A_110] {strides = array<i32>} : memref<40x512xf32, #tpu.memory_space<vmem>>, vector<1x16xf32>,
      %parallel_loop3A_112 = vector.shape_cast %parallel_loop3A_111 : vector<1x16xf32> to vector<16xf32>
      %parallel_loop3A_113 = vector.shape_cast %parallel_loop3A_108 : vector<16xf32> to vector<1x16xf32>
      tpu.vector_store %arg10[%parallel_loop3A_109, %parallel_loop3A_110], %parallel_loop3A_113 {strides = array<i32>} : memref<40x512xf32, #tpu.memory_space<vmem>>, vector<1x16xf32>,
      %parallel_loop3A_114 = arith.index_cast %parallel_loop3A_100 : i32 to index
      %parallel_loop3A_115 = arith.constant 16 : index
      %parallel_loop3A_116 = tpu.vector_load %arg7[%parallel_loop3A_114, %parallel_loop3A_115] {strides = array<i32>} : memref<40x512xi32, #tpu.memory_space<vmem>>, vector<1x16xi32>,
      %parallel_loop3A_117 = vector.shape_cast %parallel_loop3A_116 : vector<1x16xi32> to vector<16xi32>
      %parallel_loop3A_118 = arith.constant 0 : i32
      %parallel_loop3A_119 = vector.broadcast %parallel_loop3A_118 : i32 to vector<16xi32>
      %parallel_loop3A_120 = arith.cmpi sgt, %parallel_loop3A_117, %parallel_loop3A_119 : vector<16xi32>
      %parallel_loop3A_121 = arith.select %parallel_loop3A_120, %broadcast_in_dim3A_7, %broadcast_in_dim3A : vector<16xi1>, vector<16xf32>
      %parallel_loop3A_122 = arith.index_cast %parallel_loop3A_100 : i32 to index
      %parallel_loop3A_123 = arith.constant 16 : index
      %parallel_loop3A_124 = tpu.vector_load %arg10[%parallel_loop3A_122, %parallel_loop3A_123] {strides = array<i32>} : memref<40x512xf32, #tpu.memory_space<vmem>>, vector<1x16xf32>,
      %parallel_loop3A_125 = vector.shape_cast %parallel_loop3A_124 : vector<1x16xf32> to vector<16xf32>
      %parallel_loop3A_126 = vector.shape_cast %parallel_loop3A_121 : vector<16xf32> to vector<1x16xf32>
      tpu.vector_store %arg10[%parallel_loop3A_122, %parallel_loop3A_123], %parallel_loop3A_126 {strides = array<i32>} : memref<40x512xf32, #tpu.memory_space<vmem>>, vector<1x16xf32>,
      %parallel_loop3A_127 = arith.index_cast %parallel_loop3A_100 : i32 to index
      %parallel_loop3A_128 = arith.constant 32 : index
      %parallel_loop3A_129 = tpu.vector_load %arg7[%parallel_loop3A_127, %parallel_loop3A_128] {strides = array<i32>} : memref<40x512xi32, #tpu.memory_space<vmem>>, vector<1x16xi32>,
      %parallel_loop3A_130 = vector.shape_cast %parallel_loop3A_129 : vector<1x16xi32> to vector<16xi32>
      %parallel_loop3A_131 = arith.constant 0 : i32
      %parallel_loop3A_132 = vector.broadcast %parallel_loop3A_131 : i32 to vector<16xi32>
      %parallel_loop3A_133 = arith.cmpi sgt, %parallel_loop3A_130, %parallel_loop3A_132 : vector<16xi32>
      %parallel_loop3A_134 = arith.select %parallel_loop3A_133, %broadcast_in_dim3A_7, %broadcast_in_dim3A : vector<16xi1>, vector<16xf32>
      %parallel_loop3A_135 = arith.index_cast %parallel_loop3A_100 : i32 to index
      %parallel_loop3A_136 = arith.constant 32 : index
      %parallel_loop3A_137 = tpu.vector_load %arg10[%parallel_loop3A_135, %parallel_loop3A_136] {strides = array<i32>} : memref<40x512xf32, #tpu.memory_space<vmem>>, vector<1x16xf32>,
      %parallel_loop3A_138 = vector.shape_cast %parallel_loop3A_137 : vector<1x16xf32> to vector<16xf32>
      %parallel_loop3A_139 = vector.shape_cast %parallel_loop3A_134 : vector<16xf32> to vector<1x16xf32>
      tpu.vector_store %arg10[%parallel_loop3A_135, %parallel_loop3A_136], %parallel_loop3A_139 {strides = array<i32>} : memref<40x512xf32, #tpu.memory_space<vmem>>, vector<1x16xf32>,
      %parallel_loop3A_140 = arith.index_cast %parallel_loop3A_100 : i32 to index
      %parallel_loop3A_141 = arith.constant 48 : index
      %parallel_loop3A_142 = tpu.vector_load %arg7[%parallel_loop3A_140, %parallel_loop3A_141] {strides = array<i32>} : memref<40x512xi32, #tpu.memory_space<vmem>>, vector<1x16xi32>,
      %parallel_loop3A_143 = vector.shape_cast %parallel_loop3A_142 : vector<1x16xi32> to vector<16xi32>
      %parallel_loop3A_144 = arith.constant 0 : i32
      %parallel_loop3A_145 = vector.broadcast %parallel_loop3A_144 : i32 to vector<16xi32>
      %parallel_loop3A_146 = arith.cmpi sgt, %parallel_loop3A_143, %parallel_loop3A_145 : vector<16xi32>
      %parallel_loop3A_147 = arith.select %parallel_loop3A_146, %broadcast_in_dim3A_7, %broadcast_in_dim3A : vector<16xi1>, vector<16xf32>
      %parallel_loop3A_148 = arith.index_cast %parallel_loop3A_100 : i32 to index
      %parallel_loop3A_149 = arith.constant 48 : index
      %parallel_loop3A_150 = tpu.vector_load %arg10[%parallel_loop3A_148, %parallel_loop3A_149] {strides = array<i32>} : memref<40x512xf32, #tpu.memory_space<vmem>>, vector<1x16xf32>,
      %parallel_loop3A_151 = vector.shape_cast %parallel_loop3A_150 : vector<1x16xf32> to vector<16xf32>
      %parallel_loop3A_152 = vector.shape_cast %parallel_loop3A_147 : vector<16xf32> to vector<1x16xf32>
      tpu.vector_store %arg10[%parallel_loop3A_148, %parallel_loop3A_149], %parallel_loop3A_152 {strides = array<i32>} : memref<40x512xf32, #tpu.memory_space<vmem>>, vector<1x16xf32>,
      %parallel_loop3A_153 = arith.index_cast %parallel_loop3A_100 : i32 to index
      %parallel_loop3A_154 = arith.constant 64 : index
      %parallel_loop3A_155 = tpu.vector_load %arg7[%parallel_loop3A_153, %parallel_loop3A_154] {strides = array<i32>} : memref<40x512xi32, #tpu.memory_space<vmem>>, vector<1x16xi32>,
      %parallel_loop3A_156 = vector.shape_cast %parallel_loop3A_155 : vector<1x16xi32> to vector<16xi32>
      %parallel_loop3A_157 = arith.constant 0 : i32
      %parallel_loop3A_158 = vector.broadcast %parallel_loop3A_157 : i32 to vector<16xi32>
      %parallel_loop3A_159 = arith.cmpi sgt, %parallel_loop3A_156, %parallel_loop3A_158 : vector<16xi32>
      %parallel_loop3A_160 = arith.select %parallel_loop3A_159, %broadcast_in_dim3A_7, %broadcast_in_dim3A : vector<16xi1>, vector<16xf32>
      %parallel_loop3A_161 = arith.index_cast %parallel_loop3A_100 : i32 to index
      %parallel_loop3A_162 = arith.constant 64 : index
      %parallel_loop3A_163 = tpu.vector_load %arg10[%parallel_loop3A_161, %parallel_loop3A_162] {strides = array<i32>} : memref<40x512xf32, #tpu.memory_space<vmem>>, vector<1x16xf32>,
      %parallel_loop3A_164 = vector.shape_cast %parallel_loop3A_163 : vector<1x16xf32> to vector<16xf32>
      %parallel_loop3A_165 = vector.shape_cast %parallel_loop3A_160 : vector<16xf32> to vector<1x16xf32>
      tpu.vector_store %arg10[%parallel_loop3A_161, %parallel_loop3A_162], %parallel_loop3A_165 {strides = array<i32>} : memref<40x512xf32, #tpu.memory_space<vmem>>, vector<1x16xf32>,
      %parallel_loop3A_166 = arith.index_cast %parallel_loop3A_100 : i32 to index
      %parallel_loop3A_167 = arith.constant 80 : index
      %parallel_loop3A_168 = tpu.vector_load %arg7[%parallel_loop3A_166, %parallel_loop3A_167] {strides = array<i32>} : memref<40x512xi32, #tpu.memory_space<vmem>>, vector<1x16xi32>,
      %parallel_loop3A_169 = vector.shape_cast %parallel_loop3A_168 : vector<1x16xi32> to vector<16xi32>
      %parallel_loop3A_170 = arith.constant 0 : i32
      %parallel_loop3A_171 = vector.broadcast %parallel_loop3A_170 : i32 to vector<16xi32>
      %parallel_loop3A_172 = arith.cmpi sgt, %parallel_loop3A_169, %parallel_loop3A_171 : vector<16xi32>
      %parallel_loop3A_173 = arith.select %parallel_loop3A_172, %broadcast_in_dim3A_7, %broadcast_in_dim3A : vector<16xi1>, vector<16xf32>
      %parallel_loop3A_174 = arith.index_cast %parallel_loop3A_100 : i32 to index
      %parallel_loop3A_175 = arith.constant 80 : index
      %parallel_loop3A_176 = tpu.vector_load %arg10[%parallel_loop3A_174, %parallel_loop3A_175] {strides = array<i32>} : memref<40x512xf32, #tpu.memory_space<vmem>>, vector<1x16xf32>,
      %parallel_loop3A_177 = vector.shape_cast %parallel_loop3A_176 : vector<1x16xf32> to vector<16xf32>
      %parallel_loop3A_178 = vector.shape_cast %parallel_loop3A_173 : vector<16xf32> to vector<1x16xf32>
      tpu.vector_store %arg10[%parallel_loop3A_174, %parallel_loop3A_175], %parallel_loop3A_178 {strides = array<i32>} : memref<40x512xf32, #tpu.memory_space<vmem>>, vector<1x16xf32>,
      %parallel_loop3A_179 = arith.index_cast %parallel_loop3A_100 : i32 to index
      %parallel_loop3A_180 = arith.constant 96 : index
      %parallel_loop3A_181 = tpu.vector_load %arg7[%parallel_loop3A_179, %parallel_loop3A_180] {strides = array<i32>} : memref<40x512xi32, #tpu.memory_space<vmem>>, vector<1x16xi32>,
      %parallel_loop3A_182 = vector.shape_cast %parallel_loop3A_181 : vector<1x16xi32> to vector<16xi32>
      %parallel_loop3A_183 = arith.constant 0 : i32
      %parallel_loop3A_184 = vector.broadcast %parallel_loop3A_183 : i32 to vector<16xi32>
      %parallel_loop3A_185 = arith.cmpi sgt, %parallel_loop3A_182, %parallel_loop3A_184 : vector<16xi32>
      %parallel_loop3A_186 = arith.select %parallel_loop3A_185, %broadcast_in_dim3A_7, %broadcast_in_dim3A : vector<16xi1>, vector<16xf32>
      %parallel_loop3A_187 = arith.index_cast %parallel_loop3A_100 : i32 to index
      %parallel_loop3A_188 = arith.constant 96 : index
      %parallel_loop3A_189 = tpu.vector_load %arg10[%parallel_loop3A_187, %parallel_loop3A_188] {strides = array<i32>} : memref<40x512xf32, #tpu.memory_space<vmem>>, vector<1x16xf32>,
      %parallel_loop3A_190 = vector.shape_cast %parallel_loop3A_189 : vector<1x16xf32> to vector<16xf32>
      %parallel_loop3A_191 = vector.shape_cast %parallel_loop3A_186 : vector<16xf32> to vector<1x16xf32>
      tpu.vector_store %arg10[%parallel_loop3A_187, %parallel_loop3A_188], %parallel_loop3A_191 {strides = array<i32>} : memref<40x512xf32, #tpu.memory_space<vmem>>, vector<1x16xf32>,
      %parallel_loop3A_192 = arith.index_cast %parallel_loop3A_100 : i32 to index
      %parallel_loop3A_193 = arith.constant 112 : index
      %parallel_loop3A_194 = tpu.vector_load %arg7[%parallel_loop3A_192, %parallel_loop3A_193] {strides = array<i32>} : memref<40x512xi32, #tpu.memory_space<vmem>>, vector<1x16xi32>,
      %parallel_loop3A_195 = vector.shape_cast %parallel_loop3A_194 : vector<1x16xi32> to vector<16xi32>
      %parallel_loop3A_196 = arith.constant 0 : i32
      %parallel_loop3A_197 = vector.broadcast %parallel_loop3A_196 : i32 to vector<16xi32>
      %parallel_loop3A_198 = arith.cmpi sgt, %parallel_loop3A_195, %parallel_loop3A_197 : vector<16xi32>
      %parallel_loop3A_199 = arith.select %parallel_loop3A_198, %broadcast_in_dim3A_7, %broadcast_in_dim3A : vector<16xi1>, vector<16xf32>
      %parallel_loop3A_200 = arith.index_cast %parallel_loop3A_100 : i32 to index
      %parallel_loop3A_201 = arith.constant 112 : index
      %parallel_loop3A_202 = tpu.vector_load %arg10[%parallel_loop3A_200, %parallel_loop3A_201] {strides = array<i32>} : memref<40x512xf32, #tpu.memory_space<vmem>>, vector<1x16xf32>,
      %parallel_loop3A_203 = vector.shape_cast %parallel_loop3A_202 : vector<1x16xf32> to vector<16xf32>
      %parallel_loop3A_204 = vector.shape_cast %parallel_loop3A_199 : vector<16xf32> to vector<1x16xf32>
      tpu.vector_store %arg10[%parallel_loop3A_200, %parallel_loop3A_201], %parallel_loop3A_204 {strides = array<i32>} : memref<40x512xf32, #tpu.memory_space<vmem>>, vector<1x16xf32>,
      %parallel_loop3A_205 = arith.index_cast %parallel_loop3A_100 : i32 to index
      %parallel_loop3A_206 = arith.constant 128 : index
      %parallel_loop3A_207 = tpu.vector_load %arg7[%parallel_loop3A_205, %parallel_loop3A_206] {strides = array<i32>} : memref<40x512xi32, #tpu.memory_space<vmem>>, vector<1x16xi32>,
      %parallel_loop3A_208 = vector.shape_cast %parallel_loop3A_207 : vector<1x16xi32> to vector<16xi32>
      %parallel_loop3A_209 = arith.constant 0 : i32
      %parallel_loop3A_210 = vector.broadcast %parallel_loop3A_209 : i32 to vector<16xi32>
      %parallel_loop3A_211 = arith.cmpi sgt, %parallel_loop3A_208, %parallel_loop3A_210 : vector<16xi32>
      %parallel_loop3A_212 = arith.select %parallel_loop3A_211, %broadcast_in_dim3A_7, %broadcast_in_dim3A : vector<16xi1>, vector<16xf32>
      %parallel_loop3A_213 = arith.index_cast %parallel_loop3A_100 : i32 to index
      %parallel_loop3A_214 = arith.constant 128 : index
      %parallel_loop3A_215 = tpu.vector_load %arg10[%parallel_loop3A_213, %parallel_loop3A_214] {strides = array<i32>} : memref<40x512xf32, #tpu.memory_space<vmem>>, vector<1x16xf32>,
      %parallel_loop3A_216 = vector.shape_cast %parallel_loop3A_215 : vector<1x16xf32> to vector<16xf32>
      %parallel_loop3A_217 = vector.shape_cast %parallel_loop3A_212 : vector<16xf32> to vector<1x16xf32>
      tpu.vector_store %arg10[%parallel_loop3A_213, %parallel_loop3A_214], %parallel_loop3A_217 {strides = array<i32>} : memref<40x512xf32, #tpu.memory_space<vmem>>, vector<1x16xf32>,
      %parallel_loop3A_218 = arith.index_cast %parallel_loop3A_100 : i32 to index
      %parallel_loop3A_219 = arith.constant 144 : index
      %parallel_loop3A_220 = tpu.vector_load %arg7[%parallel_loop3A_218, %parallel_loop3A_219] {strides = array<i32>} : memref<40x512xi32, #tpu.memory_space<vmem>>, vector<1x16xi32>,
      %parallel_loop3A_221 = vector.shape_cast %parallel_loop3A_220 : vector<1x16xi32> to vector<16xi32>
      %parallel_loop3A_222 = arith.constant 0 : i32
      %parallel_loop3A_223 = vector.broadcast %parallel_loop3A_222 : i32 to vector<16xi32>
      %parallel_loop3A_224 = arith.cmpi sgt, %parallel_loop3A_221, %parallel_loop3A_223 : vector<16xi32>
      %parallel_loop3A_225 = arith.select %parallel_loop3A_224, %broadcast_in_dim3A_7, %broadcast_in_dim3A : vector<16xi1>, vector<16xf32>
      %parallel_loop3A_226 = arith.index_cast %parallel_loop3A_100 : i32 to index
      %parallel_loop3A_227 = arith.constant 144 : index
      %parallel_loop3A_228 = tpu.vector_load %arg10[%parallel_loop3A_226, %parallel_loop3A_227] {strides = array<i32>} : memref<40x512xf32, #tpu.memory_space<vmem>>, vector<1x16xf32>,
      %parallel_loop3A_229 = vector.shape_cast %parallel_loop3A_228 : vector<1x16xf32> to vector<16xf32>
      %parallel_loop3A_230 = vector.shape_cast %parallel_loop3A_225 : vector<16xf32> to vector<1x16xf32>
      tpu.vector_store %arg10[%parallel_loop3A_226, %parallel_loop3A_227], %parallel_loop3A_230 {strides = array<i32>} : memref<40x512xf32, #tpu.memory_space<vmem>>, vector<1x16xf32>,
      %parallel_loop3A_231 = arith.index_cast %parallel_loop3A_100 : i32 to index
      %parallel_loop3A_232 = arith.constant 160 : index
      %parallel_loop3A_233 = tpu.vector_load %arg7[%parallel_loop3A_231, %parallel_loop3A_232] {strides = array<i32>} : memref<40x512xi32, #tpu.memory_space<vmem>>, vector<1x16xi32>,
      %parallel_loop3A_234 = vector.shape_cast %parallel_loop3A_233 : vector<1x16xi32> to vector<16xi32>
      %parallel_loop3A_235 = arith.constant 0 : i32
      %parallel_loop3A_236 = vector.broadcast %parallel_loop3A_235 : i32 to vector<16xi32>
      %parallel_loop3A_237 = arith.cmpi sgt, %parallel_loop3A_234, %parallel_loop3A_236 : vector<16xi32>
      %parallel_loop3A_238 = arith.select %parallel_loop3A_237, %broadcast_in_dim3A_7, %broadcast_in_dim3A : vector<16xi1>, vector<16xf32>
      %parallel_loop3A_239 = arith.index_cast %parallel_loop3A_100 : i32 to index
      %parallel_loop3A_240 = arith.constant 160 : index
      %parallel_loop3A_241 = tpu.vector_load %arg10[%parallel_loop3A_239, %parallel_loop3A_240] {strides = array<i32>} : memref<40x512xf32, #tpu.memory_space<vmem>>, vector<1x16xf32>,
      %parallel_loop3A_242 = vector.shape_cast %parallel_loop3A_241 : vector<1x16xf32> to vector<16xf32>
      %parallel_loop3A_243 = vector.shape_cast %parallel_loop3A_238 : vector<16xf32> to vector<1x16xf32>
      tpu.vector_store %arg10[%parallel_loop3A_239, %parallel_loop3A_240], %parallel_loop3A_243 {strides = array<i32>} : memref<40x512xf32, #tpu.memory_space<vmem>>, vector<1x16xf32>,
      %parallel_loop3A_244 = arith.index_cast %parallel_loop3A_100 : i32 to index
      %parallel_loop3A_245 = arith.constant 176 : index
      %parallel_loop3A_246 = tpu.vector_load %arg7[%parallel_loop3A_244, %parallel_loop3A_245] {strides = array<i32>} : memref<40x512xi32, #tpu.memory_space<vmem>>, vector<1x16xi32>,
      %parallel_loop3A_247 = vector.shape_cast %parallel_loop3A_246 : vector<1x16xi32> to vector<16xi32>
      %parallel_loop3A_248 = arith.constant 0 : i32
      %parallel_loop3A_249 = vector.broadcast %parallel_loop3A_248 : i32 to vector<16xi32>
      %parallel_loop3A_250 = arith.cmpi sgt, %parallel_loop3A_247, %parallel_loop3A_249 : vector<16xi32>
      %parallel_loop3A_251 = arith.select %parallel_loop3A_250, %broadcast_in_dim3A_7, %broadcast_in_dim3A : vector<16xi1>, vector<16xf32>
      %parallel_loop3A_252 = arith.index_cast %parallel_loop3A_100 : i32 to index
      %parallel_loop3A_253 = arith.constant 176 : index
      %parallel_loop3A_254 = tpu.vector_load %arg10[%parallel_loop3A_252, %parallel_loop3A_253] {strides = array<i32>} : memref<40x512xf32, #tpu.memory_space<vmem>>, vector<1x16xf32>,
      %parallel_loop3A_255 = vector.shape_cast %parallel_loop3A_254 : vector<1x16xf32> to vector<16xf32>
      %parallel_loop3A_256 = vector.shape_cast %parallel_loop3A_251 : vector<16xf32> to vector<1x16xf32>
      tpu.vector_store %arg10[%parallel_loop3A_252, %parallel_loop3A_253], %parallel_loop3A_256 {strides = array<i32>} : memref<40x512xf32, #tpu.memory_space<vmem>>, vector<1x16xf32>,
      %parallel_loop3A_257 = arith.index_cast %parallel_loop3A_100 : i32 to index
      %parallel_loop3A_258 = arith.constant 192 : index
      %parallel_loop3A_259 = tpu.vector_load %arg7[%parallel_loop3A_257, %parallel_loop3A_258] {strides = array<i32>} : memref<40x512xi32, #tpu.memory_space<vmem>>, vector<1x16xi32>,
      %parallel_loop3A_260 = vector.shape_cast %parallel_loop3A_259 : vector<1x16xi32> to vector<16xi32>
      %parallel_loop3A_261 = arith.constant 0 : i32
      %parallel_loop3A_262 = vector.broadcast %parallel_loop3A_261 : i32 to vector<16xi32>
      %parallel_loop3A_263 = arith.cmpi sgt, %parallel_loop3A_260, %parallel_loop3A_262 : vector<16xi32>
      %parallel_loop3A_264 = arith.select %parallel_loop3A_263, %broadcast_in_dim3A_7, %broadcast_in_dim3A : vector<16xi1>, vector<16xf32>
      %parallel_loop3A_265 = arith.index_cast %parallel_loop3A_100 : i32 to index
      %parallel_loop3A_266 = arith.constant 192 : index
      %parallel_loop3A_267 = tpu.vector_load %arg10[%parallel_loop3A_265, %parallel_loop3A_266] {strides = array<i32>} : memref<40x512xf32, #tpu.memory_space<vmem>>, vector<1x16xf32>,
      %parallel_loop3A_268 = vector.shape_cast %parallel_loop3A_267 : vector<1x16xf32> to vector<16xf32>
      %parallel_loop3A_269 = vector.shape_cast %parallel_loop3A_264 : vector<16xf32> to vector<1x16xf32>
      tpu.vector_store %arg10[%parallel_loop3A_265, %parallel_loop3A_266], %parallel_loop3A_269 {strides = array<i32>} : memref<40x512xf32, #tpu.memory_space<vmem>>, vector<1x16xf32>,
      %parallel_loop3A_270 = arith.index_cast %parallel_loop3A_100 : i32 to index
      %parallel_loop3A_271 = arith.constant 208 : index
      %parallel_loop3A_272 = tpu.vector_load %arg7[%parallel_loop3A_270, %parallel_loop3A_271] {strides = array<i32>} : memref<40x512xi32, #tpu.memory_space<vmem>>, vector<1x16xi32>,
      %parallel_loop3A_273 = vector.shape_cast %parallel_loop3A_272 : vector<1x16xi32> to vector<16xi32>
      %parallel_loop3A_274 = arith.constant 0 : i32
      %parallel_loop3A_275 = vector.broadcast %parallel_loop3A_274 : i32 to vector<16xi32>
      %parallel_loop3A_276 = arith.cmpi sgt, %parallel_loop3A_273, %parallel_loop3A_275 : vector<16xi32>
      %parallel_loop3A_277 = arith.select %parallel_loop3A_276, %broadcast_in_dim3A_7, %broadcast_in_dim3A : vector<16xi1>, vector<16xf32>
      %parallel_loop3A_278 = arith.index_cast %parallel_loop3A_100 : i32 to index
      %parallel_loop3A_279 = arith.constant 208 : index
      %parallel_loop3A_280 = tpu.vector_load %arg10[%parallel_loop3A_278, %parallel_loop3A_279] {strides = array<i32>} : memref<40x512xf32, #tpu.memory_space<vmem>>, vector<1x16xf32>,
      %parallel_loop3A_281 = vector.shape_cast %parallel_loop3A_280 : vector<1x16xf32> to vector<16xf32>
      %parallel_loop3A_282 = vector.shape_cast %parallel_loop3A_277 : vector<16xf32> to vector<1x16xf32>
      tpu.vector_store %arg10[%parallel_loop3A_278, %parallel_loop3A_279], %parallel_loop3A_282 {strides = array<i32>} : memref<40x512xf32, #tpu.memory_space<vmem>>, vector<1x16xf32>,
      %parallel_loop3A_283 = arith.index_cast %parallel_loop3A_100 : i32 to index
      %parallel_loop3A_284 = arith.constant 224 : index
      %parallel_loop3A_285 = tpu.vector_load %arg7[%parallel_loop3A_283, %parallel_loop3A_284] {strides = array<i32>} : memref<40x512xi32, #tpu.memory_space<vmem>>, vector<1x16xi32>,
      %parallel_loop3A_286 = vector.shape_cast %parallel_loop3A_285 : vector<1x16xi32> to vector<16xi32>
      %parallel_loop3A_287 = arith.constant 0 : i32
      %parallel_loop3A_288 = vector.broadcast %parallel_loop3A_287 : i32 to vector<16xi32>
      %parallel_loop3A_289 = arith.cmpi sgt, %parallel_loop3A_286, %parallel_loop3A_288 : vector<16xi32>
      %parallel_loop3A_290 = arith.select %parallel_loop3A_289, %broadcast_in_dim3A_7, %broadcast_in_dim3A : vector<16xi1>, vector<16xf32>
      %parallel_loop3A_291 = arith.index_cast %parallel_loop3A_100 : i32 to index
      %parallel_loop3A_292 = arith.constant 224 : index
      %parallel_loop3A_293 = tpu.vector_load %arg10[%parallel_loop3A_291, %parallel_loop3A_292] {strides = array<i32>} : memref<40x512xf32, #tpu.memory_space<vmem>>, vector<1x16xf32>,
      %parallel_loop3A_294 = vector.shape_cast %parallel_loop3A_293 : vector<1x16xf32> to vector<16xf32>
      %parallel_loop3A_295 = vector.shape_cast %parallel_loop3A_290 : vector<16xf32> to vector<1x16xf32>
      tpu.vector_store %arg10[%parallel_loop3A_291, %parallel_loop3A_292], %parallel_loop3A_295 {strides = array<i32>} : memref<40x512xf32, #tpu.memory_space<vmem>>, vector<1x16xf32>,
      %parallel_loop3A_296 = arith.index_cast %parallel_loop3A_100 : i32 to index
      %parallel_loop3A_297 = arith.constant 240 : index
      %parallel_loop3A_298 = tpu.vector_load %arg7[%parallel_loop3A_296, %parallel_loop3A_297] {strides = array<i32>} : memref<40x512xi32, #tpu.memory_space<vmem>>, vector<1x16xi32>,
      %parallel_loop3A_299 = vector.shape_cast %parallel_loop3A_298 : vector<1x16xi32> to vector<16xi32>
      %parallel_loop3A_300 = arith.constant 0 : i32
      %parallel_loop3A_301 = vector.broadcast %parallel_loop3A_300 : i32 to vector<16xi32>
      %parallel_loop3A_302 = arith.cmpi sgt, %parallel_loop3A_299, %parallel_loop3A_301 : vector<16xi32>
      %parallel_loop3A_303 = arith.select %parallel_loop3A_302, %broadcast_in_dim3A_7, %broadcast_in_dim3A : vector<16xi1>, vector<16xf32>
      %parallel_loop3A_304 = arith.index_cast %parallel_loop3A_100 : i32 to index
      %parallel_loop3A_305 = arith.constant 240 : index
      %parallel_loop3A_306 = tpu.vector_load %arg10[%parallel_loop3A_304, %parallel_loop3A_305] {strides = array<i32>} : memref<40x512xf32, #tpu.memory_space<vmem>>, vector<1x16xf32>,
      %parallel_loop3A_307 = vector.shape_cast %parallel_loop3A_306 : vector<1x16xf32> to vector<16xf32>
      %parallel_loop3A_308 = vector.shape_cast %parallel_loop3A_303 : vector<16xf32> to vector<1x16xf32>
      tpu.vector_store %arg10[%parallel_loop3A_304, %parallel_loop3A_305], %parallel_loop3A_308 {strides = array<i32>} : memref<40x512xf32, #tpu.memory_space<vmem>>, vector<1x16xf32>,
      %parallel_loop3A_309 = arith.index_cast %parallel_loop3A_100 : i32 to index
      %parallel_loop3A_310 = arith.constant 256 : index
      %parallel_loop3A_311 = tpu.vector_load %arg7[%parallel_loop3A_309, %parallel_loop3A_310] {strides = array<i32>} : memref<40x512xi32, #tpu.memory_space<vmem>>, vector<1x16xi32>,
      %parallel_loop3A_312 = vector.shape_cast %parallel_loop3A_311 : vector<1x16xi32> to vector<16xi32>
      %parallel_loop3A_313 = arith.constant 0 : i32
      %parallel_loop3A_314 = vector.broadcast %parallel_loop3A_313 : i32 to vector<16xi32>
      %parallel_loop3A_315 = arith.cmpi sgt, %parallel_loop3A_312, %parallel_loop3A_314 : vector<16xi32>
      %parallel_loop3A_316 = arith.select %parallel_loop3A_315, %broadcast_in_dim3A_7, %broadcast_in_dim3A : vector<16xi1>, vector<16xf32>
      %parallel_loop3A_317 = arith.index_cast %parallel_loop3A_100 : i32 to index
      %parallel_loop3A_318 = arith.constant 256 : index
      %parallel_loop3A_319 = tpu.vector_load %arg10[%parallel_loop3A_317, %parallel_loop3A_318] {strides = array<i32>} : memref<40x512xf32, #tpu.memory_space<vmem>>, vector<1x16xf32>,
      %parallel_loop3A_320 = vector.shape_cast %parallel_loop3A_319 : vector<1x16xf32> to vector<16xf32>
      %parallel_loop3A_321 = vector.shape_cast %parallel_loop3A_316 : vector<16xf32> to vector<1x16xf32>
      tpu.vector_store %arg10[%parallel_loop3A_317, %parallel_loop3A_318], %parallel_loop3A_321 {strides = array<i32>} : memref<40x512xf32, #tpu.memory_space<vmem>>, vector<1x16xf32>,
      %parallel_loop3A_322 = arith.index_cast %parallel_loop3A_100 : i32 to index
      %parallel_loop3A_323 = arith.constant 272 : index
      %parallel_loop3A_324 = tpu.vector_load %arg7[%parallel_loop3A_322, %parallel_loop3A_323] {strides = array<i32>} : memref<40x512xi32, #tpu.memory_space<vmem>>, vector<1x16xi32>,
      %parallel_loop3A_325 = vector.shape_cast %parallel_loop3A_324 : vector<1x16xi32> to vector<16xi32>
      %parallel_loop3A_326 = arith.constant 0 : i32
      %parallel_loop3A_327 = vector.broadcast %parallel_loop3A_326 : i32 to vector<16xi32>
      %parallel_loop3A_328 = arith.cmpi sgt, %parallel_loop3A_325, %parallel_loop3A_327 : vector<16xi32>
      %parallel_loop3A_329 = arith.select %parallel_loop3A_328, %broadcast_in_dim3A_7, %broadcast_in_dim3A : vector<16xi1>, vector<16xf32>
      %parallel_loop3A_330 = arith.index_cast %parallel_loop3A_100 : i32 to index
      %parallel_loop3A_331 = arith.constant 272 : index
      %parallel_loop3A_332 = tpu.vector_load %arg10[%parallel_loop3A_330, %parallel_loop3A_331] {strides = array<i32>} : memref<40x512xf32, #tpu.memory_space<vmem>>, vector<1x16xf32>,
      %parallel_loop3A_333 = vector.shape_cast %parallel_loop3A_332 : vector<1x16xf32> to vector<16xf32>
      %parallel_loop3A_334 = vector.shape_cast %parallel_loop3A_329 : vector<16xf32> to vector<1x16xf32>
      tpu.vector_store %arg10[%parallel_loop3A_330, %parallel_loop3A_331], %parallel_loop3A_334 {strides = array<i32>} : memref<40x512xf32, #tpu.memory_space<vmem>>, vector<1x16xf32>,
      %parallel_loop3A_335 = arith.index_cast %parallel_loop3A_100 : i32 to index
      %parallel_loop3A_336 = arith.constant 288 : index
      %parallel_loop3A_337 = tpu.vector_load %arg7[%parallel_loop3A_335, %parallel_loop3A_336] {strides = array<i32>} : memref<40x512xi32, #tpu.memory_space<vmem>>, vector<1x16xi32>,
      %parallel_loop3A_338 = vector.shape_cast %parallel_loop3A_337 : vector<1x16xi32> to vector<16xi32>
      %parallel_loop3A_339 = arith.constant 0 : i32
      %parallel_loop3A_340 = vector.broadcast %parallel_loop3A_339 : i32 to vector<16xi32>
      %parallel_loop3A_341 = arith.cmpi sgt, %parallel_loop3A_338, %parallel_loop3A_340 : vector<16xi32>
      %parallel_loop3A_342 = arith.select %parallel_loop3A_341, %broadcast_in_dim3A_7, %broadcast_in_dim3A : vector<16xi1>, vector<16xf32>
      %parallel_loop3A_343 = arith.index_cast %parallel_loop3A_100 : i32 to index
      %parallel_loop3A_344 = arith.constant 288 : index
      %parallel_loop3A_345 = tpu.vector_load %arg10[%parallel_loop3A_343, %parallel_loop3A_344] {strides = array<i32>} : memref<40x512xf32, #tpu.memory_space<vmem>>, vector<1x16xf32>,
      %parallel_loop3A_346 = vector.shape_cast %parallel_loop3A_345 : vector<1x16xf32> to vector<16xf32>
      %parallel_loop3A_347 = vector.shape_cast %parallel_loop3A_342 : vector<16xf32> to vector<1x16xf32>
      tpu.vector_store %arg10[%parallel_loop3A_343, %parallel_loop3A_344], %parallel_loop3A_347 {strides = array<i32>} : memref<40x512xf32, #tpu.memory_space<vmem>>, vector<1x16xf32>,
      %parallel_loop3A_348 = arith.index_cast %parallel_loop3A_100 : i32 to index
      %parallel_loop3A_349 = arith.constant 304 : index
      %parallel_loop3A_350 = tpu.vector_load %arg7[%parallel_loop3A_348, %parallel_loop3A_349] {strides = array<i32>} : memref<40x512xi32, #tpu.memory_space<vmem>>, vector<1x16xi32>,
      %parallel_loop3A_351 = vector.shape_cast %parallel_loop3A_350 : vector<1x16xi32> to vector<16xi32>
      %parallel_loop3A_352 = arith.constant 0 : i32
      %parallel_loop3A_353 = vector.broadcast %parallel_loop3A_352 : i32 to vector<16xi32>
      %parallel_loop3A_354 = arith.cmpi sgt, %parallel_loop3A_351, %parallel_loop3A_353 : vector<16xi32>
      %parallel_loop3A_355 = arith.select %parallel_loop3A_354, %broadcast_in_dim3A_7, %broadcast_in_dim3A : vector<16xi1>, vector<16xf32>
      %parallel_loop3A_356 = arith.index_cast %parallel_loop3A_100 : i32 to index
      %parallel_loop3A_357 = arith.constant 304 : index
      %parallel_loop3A_358 = tpu.vector_load %arg10[%parallel_loop3A_356, %parallel_loop3A_357] {strides = array<i32>} : memref<40x512xf32, #tpu.memory_space<vmem>>, vector<1x16xf32>,
      %parallel_loop3A_359 = vector.shape_cast %parallel_loop3A_358 : vector<1x16xf32> to vector<16xf32>
      %parallel_loop3A_360 = vector.shape_cast %parallel_loop3A_355 : vector<16xf32> to vector<1x16xf32>
      tpu.vector_store %arg10[%parallel_loop3A_356, %parallel_loop3A_357], %parallel_loop3A_360 {strides = array<i32>} : memref<40x512xf32, #tpu.memory_space<vmem>>, vector<1x16xf32>,
      %parallel_loop3A_361 = arith.index_cast %parallel_loop3A_100 : i32 to index
      %parallel_loop3A_362 = arith.constant 320 : index
      %parallel_loop3A_363 = tpu.vector_load %arg7[%parallel_loop3A_361, %parallel_loop3A_362] {strides = array<i32>} : memref<40x512xi32, #tpu.memory_space<vmem>>, vector<1x16xi32>,
      %parallel_loop3A_364 = vector.shape_cast %parallel_loop3A_363 : vector<1x16xi32> to vector<16xi32>
      %parallel_loop3A_365 = arith.constant 0 : i32
      %parallel_loop3A_366 = vector.broadcast %parallel_loop3A_365 : i32 to vector<16xi32>
      %parallel_loop3A_367 = arith.cmpi sgt, %parallel_loop3A_364, %parallel_loop3A_366 : vector<16xi32>
      %parallel_loop3A_368 = arith.select %parallel_loop3A_367, %broadcast_in_dim3A_7, %broadcast_in_dim3A : vector<16xi1>, vector<16xf32>
      %parallel_loop3A_369 = arith.index_cast %parallel_loop3A_100 : i32 to index
      %parallel_loop3A_370 = arith.constant 320 : index
      %parallel_loop3A_371 = tpu.vector_load %arg10[%parallel_loop3A_369, %parallel_loop3A_370] {strides = array<i32>} : memref<40x512xf32, #tpu.memory_space<vmem>>, vector<1x16xf32>,
      %parallel_loop3A_372 = vector.shape_cast %parallel_loop3A_371 : vector<1x16xf32> to vector<16xf32>
      %parallel_loop3A_373 = vector.shape_cast %parallel_loop3A_368 : vector<16xf32> to vector<1x16xf32>
      tpu.vector_store %arg10[%parallel_loop3A_369, %parallel_loop3A_370], %parallel_loop3A_373 {strides = array<i32>} : memref<40x512xf32, #tpu.memory_space<vmem>>, vector<1x16xf32>,
      %parallel_loop3A_374 = arith.index_cast %parallel_loop3A_100 : i32 to index
      %parallel_loop3A_375 = arith.constant 336 : index
      %parallel_loop3A_376 = tpu.vector_load %arg7[%parallel_loop3A_374, %parallel_loop3A_375] {strides = array<i32>} : memref<40x512xi32, #tpu.memory_space<vmem>>, vector<1x16xi32>,
      %parallel_loop3A_377 = vector.shape_cast %parallel_loop3A_376 : vector<1x16xi32> to vector<16xi32>
      %parallel_loop3A_378 = arith.constant 0 : i32
      %parallel_loop3A_379 = vector.broadcast %parallel_loop3A_378 : i32 to vector<16xi32>
      %parallel_loop3A_380 = arith.cmpi sgt, %parallel_loop3A_377, %parallel_loop3A_379 : vector<16xi32>
      %parallel_loop3A_381 = arith.select %parallel_loop3A_380, %broadcast_in_dim3A_7, %broadcast_in_dim3A : vector<16xi1>, vector<16xf32>
      %parallel_loop3A_382 = arith.index_cast %parallel_loop3A_100 : i32 to index
      %parallel_loop3A_383 = arith.constant 336 : index
      %parallel_loop3A_384 = tpu.vector_load %arg10[%parallel_loop3A_382, %parallel_loop3A_383] {strides = array<i32>} : memref<40x512xf32, #tpu.memory_space<vmem>>, vector<1x16xf32>,
      %parallel_loop3A_385 = vector.shape_cast %parallel_loop3A_384 : vector<1x16xf32> to vector<16xf32>
      %parallel_loop3A_386 = vector.shape_cast %parallel_loop3A_381 : vector<16xf32> to vector<1x16xf32>
      tpu.vector_store %arg10[%parallel_loop3A_382, %parallel_loop3A_383], %parallel_loop3A_386 {strides = array<i32>} : memref<40x512xf32, #tpu.memory_space<vmem>>, vector<1x16xf32>,
      %parallel_loop3A_387 = arith.index_cast %parallel_loop3A_100 : i32 to index
      %parallel_loop3A_388 = arith.constant 352 : index
      %parallel_loop3A_389 = tpu.vector_load %arg7[%parallel_loop3A_387, %parallel_loop3A_388] {strides = array<i32>} : memref<40x512xi32, #tpu.memory_space<vmem>>, vector<1x16xi32>,
      %parallel_loop3A_390 = vector.shape_cast %parallel_loop3A_389 : vector<1x16xi32> to vector<16xi32>
      %parallel_loop3A_391 = arith.constant 0 : i32
      %parallel_loop3A_392 = vector.broadcast %parallel_loop3A_391 : i32 to vector<16xi32>
      %parallel_loop3A_393 = arith.cmpi sgt, %parallel_loop3A_390, %parallel_loop3A_392 : vector<16xi32>
      %parallel_loop3A_394 = arith.select %parallel_loop3A_393, %broadcast_in_dim3A_7, %broadcast_in_dim3A : vector<16xi1>, vector<16xf32>
      %parallel_loop3A_395 = arith.index_cast %parallel_loop3A_100 : i32 to index
      %parallel_loop3A_396 = arith.constant 352 : index
      %parallel_loop3A_397 = tpu.vector_load %arg10[%parallel_loop3A_395, %parallel_loop3A_396] {strides = array<i32>} : memref<40x512xf32, #tpu.memory_space<vmem>>, vector<1x16xf32>,
      %parallel_loop3A_398 = vector.shape_cast %parallel_loop3A_397 : vector<1x16xf32> to vector<16xf32>
      %parallel_loop3A_399 = vector.shape_cast %parallel_loop3A_394 : vector<16xf32> to vector<1x16xf32>
      tpu.vector_store %arg10[%parallel_loop3A_395, %parallel_loop3A_396], %parallel_loop3A_399 {strides = array<i32>} : memref<40x512xf32, #tpu.memory_space<vmem>>, vector<1x16xf32>,
      %parallel_loop3A_400 = arith.index_cast %parallel_loop3A_100 : i32 to index
      %parallel_loop3A_401 = arith.constant 368 : index
      %parallel_loop3A_402 = tpu.vector_load %arg7[%parallel_loop3A_400, %parallel_loop3A_401] {strides = array<i32>} : memref<40x512xi32, #tpu.memory_space<vmem>>, vector<1x16xi32>,
      %parallel_loop3A_403 = vector.shape_cast %parallel_loop3A_402 : vector<1x16xi32> to vector<16xi32>
      %parallel_loop3A_404 = arith.constant 0 : i32
      %parallel_loop3A_405 = vector.broadcast %parallel_loop3A_404 : i32 to vector<16xi32>
      %parallel_loop3A_406 = arith.cmpi sgt, %parallel_loop3A_403, %parallel_loop3A_405 : vector<16xi32>
      %parallel_loop3A_407 = arith.select %parallel_loop3A_406, %broadcast_in_dim3A_7, %broadcast_in_dim3A : vector<16xi1>, vector<16xf32>
      %parallel_loop3A_408 = arith.index_cast %parallel_loop3A_100 : i32 to index
      %parallel_loop3A_409 = arith.constant 368 : index
      %parallel_loop3A_410 = tpu.vector_load %arg10[%parallel_loop3A_408, %parallel_loop3A_409] {strides = array<i32>} : memref<40x512xf32, #tpu.memory_space<vmem>>, vector<1x16xf32>,
      %parallel_loop3A_411 = vector.shape_cast %parallel_loop3A_410 : vector<1x16xf32> to vector<16xf32>
      %parallel_loop3A_412 = vector.shape_cast %parallel_loop3A_407 : vector<16xf32> to vector<1x16xf32>
      tpu.vector_store %arg10[%parallel_loop3A_408, %parallel_loop3A_409], %parallel_loop3A_412 {strides = array<i32>} : memref<40x512xf32, #tpu.memory_space<vmem>>, vector<1x16xf32>,
      %parallel_loop3A_413 = arith.index_cast %parallel_loop3A_100 : i32 to index
      %parallel_loop3A_414 = arith.constant 384 : index
      %parallel_loop3A_415 = tpu.vector_load %arg7[%parallel_loop3A_413, %parallel_loop3A_414] {strides = array<i32>} : memref<40x512xi32, #tpu.memory_space<vmem>>, vector<1x16xi32>,
      %parallel_loop3A_416 = vector.shape_cast %parallel_loop3A_415 : vector<1x16xi32> to vector<16xi32>
      %parallel_loop3A_417 = arith.constant 0 : i32
      %parallel_loop3A_418 = vector.broadcast %parallel_loop3A_417 : i32 to vector<16xi32>
      %parallel_loop3A_419 = arith.cmpi sgt, %parallel_loop3A_416, %parallel_loop3A_418 : vector<16xi32>
      %parallel_loop3A_420 = arith.select %parallel_loop3A_419, %broadcast_in_dim3A_7, %broadcast_in_dim3A : vector<16xi1>, vector<16xf32>
      %parallel_loop3A_421 = arith.index_cast %parallel_loop3A_100 : i32 to index
      %parallel_loop3A_422 = arith.constant 384 : index
      %parallel_loop3A_423 = tpu.vector_load %arg10[%parallel_loop3A_421, %parallel_loop3A_422] {strides = array<i32>} : memref<40x512xf32, #tpu.memory_space<vmem>>, vector<1x16xf32>,
      %parallel_loop3A_424 = vector.shape_cast %parallel_loop3A_423 : vector<1x16xf32> to vector<16xf32>
      %parallel_loop3A_425 = vector.shape_cast %parallel_loop3A_420 : vector<16xf32> to vector<1x16xf32>
      tpu.vector_store %arg10[%parallel_loop3A_421, %parallel_loop3A_422], %parallel_loop3A_425 {strides = array<i32>} : memref<40x512xf32, #tpu.memory_space<vmem>>, vector<1x16xf32>,
      %parallel_loop3A_426 = arith.index_cast %parallel_loop3A_100 : i32 to index
      %parallel_loop3A_427 = arith.constant 400 : index
      %parallel_loop3A_428 = tpu.vector_load %arg7[%parallel_loop3A_426, %parallel_loop3A_427] {strides = array<i32>} : memref<40x512xi32, #tpu.memory_space<vmem>>, vector<1x16xi32>,
      %parallel_loop3A_429 = vector.shape_cast %parallel_loop3A_428 : vector<1x16xi32> to vector<16xi32>
      %parallel_loop3A_430 = arith.constant 0 : i32
      %parallel_loop3A_431 = vector.broadcast %parallel_loop3A_430 : i32 to vector<16xi32>
      %parallel_loop3A_432 = arith.cmpi sgt, %parallel_loop3A_429, %parallel_loop3A_431 : vector<16xi32>
      %parallel_loop3A_433 = arith.select %parallel_loop3A_432, %broadcast_in_dim3A_7, %broadcast_in_dim3A : vector<16xi1>, vector<16xf32>
      %parallel_loop3A_434 = arith.index_cast %parallel_loop3A_100 : i32 to index
      %parallel_loop3A_435 = arith.constant 400 : index
      %parallel_loop3A_436 = tpu.vector_load %arg10[%parallel_loop3A_434, %parallel_loop3A_435] {strides = array<i32>} : memref<40x512xf32, #tpu.memory_space<vmem>>, vector<1x16xf32>,
      %parallel_loop3A_437 = vector.shape_cast %parallel_loop3A_436 : vector<1x16xf32> to vector<16xf32>
      %parallel_loop3A_438 = vector.shape_cast %parallel_loop3A_433 : vector<16xf32> to vector<1x16xf32>
      tpu.vector_store %arg10[%parallel_loop3A_434, %parallel_loop3A_435], %parallel_loop3A_438 {strides = array<i32>} : memref<40x512xf32, #tpu.memory_space<vmem>>, vector<1x16xf32>,
      %parallel_loop3A_439 = arith.index_cast %parallel_loop3A_100 : i32 to index
      %parallel_loop3A_440 = arith.constant 416 : index
      %parallel_loop3A_441 = tpu.vector_load %arg7[%parallel_loop3A_439, %parallel_loop3A_440] {strides = array<i32>} : memref<40x512xi32, #tpu.memory_space<vmem>>, vector<1x16xi32>,
      %parallel_loop3A_442 = vector.shape_cast %parallel_loop3A_441 : vector<1x16xi32> to vector<16xi32>
      %parallel_loop3A_443 = arith.constant 0 : i32
      %parallel_loop3A_444 = vector.broadcast %parallel_loop3A_443 : i32 to vector<16xi32>
      %parallel_loop3A_445 = arith.cmpi sgt, %parallel_loop3A_442, %parallel_loop3A_444 : vector<16xi32>
      %parallel_loop3A_446 = arith.select %parallel_loop3A_445, %broadcast_in_dim3A_7, %broadcast_in_dim3A : vector<16xi1>, vector<16xf32>
      %parallel_loop3A_447 = arith.index_cast %parallel_loop3A_100 : i32 to index
      %parallel_loop3A_448 = arith.constant 416 : index
      %parallel_loop3A_449 = tpu.vector_load %arg10[%parallel_loop3A_447, %parallel_loop3A_448] {strides = array<i32>} : memref<40x512xf32, #tpu.memory_space<vmem>>, vector<1x16xf32>,
      %parallel_loop3A_450 = vector.shape_cast %parallel_loop3A_449 : vector<1x16xf32> to vector<16xf32>
      %parallel_loop3A_451 = vector.shape_cast %parallel_loop3A_446 : vector<16xf32> to vector<1x16xf32>
      tpu.vector_store %arg10[%parallel_loop3A_447, %parallel_loop3A_448], %parallel_loop3A_451 {strides = array<i32>} : memref<40x512xf32, #tpu.memory_space<vmem>>, vector<1x16xf32>,
      %parallel_loop3A_452 = arith.index_cast %parallel_loop3A_100 : i32 to index
      %parallel_loop3A_453 = arith.constant 432 : index
      %parallel_loop3A_454 = tpu.vector_load %arg7[%parallel_loop3A_452, %parallel_loop3A_453] {strides = array<i32>} : memref<40x512xi32, #tpu.memory_space<vmem>>, vector<1x16xi32>,
      %parallel_loop3A_455 = vector.shape_cast %parallel_loop3A_454 : vector<1x16xi32> to vector<16xi32>
      %parallel_loop3A_456 = arith.constant 0 : i32
      %parallel_loop3A_457 = vector.broadcast %parallel_loop3A_456 : i32 to vector<16xi32>
      %parallel_loop3A_458 = arith.cmpi sgt, %parallel_loop3A_455, %parallel_loop3A_457 : vector<16xi32>
      %parallel_loop3A_459 = arith.select %parallel_loop3A_458, %broadcast_in_dim3A_7, %broadcast_in_dim3A : vector<16xi1>, vector<16xf32>
      %parallel_loop3A_460 = arith.index_cast %parallel_loop3A_100 : i32 to index
      %parallel_loop3A_461 = arith.constant 432 : index
      %parallel_loop3A_462 = tpu.vector_load %arg10[%parallel_loop3A_460, %parallel_loop3A_461] {strides = array<i32>} : memref<40x512xf32, #tpu.memory_space<vmem>>, vector<1x16xf32>,
      %parallel_loop3A_463 = vector.shape_cast %parallel_loop3A_462 : vector<1x16xf32> to vector<16xf32>
      %parallel_loop3A_464 = vector.shape_cast %parallel_loop3A_459 : vector<16xf32> to vector<1x16xf32>
      tpu.vector_store %arg10[%parallel_loop3A_460, %parallel_loop3A_461], %parallel_loop3A_464 {strides = array<i32>} : memref<40x512xf32, #tpu.memory_space<vmem>>, vector<1x16xf32>,
      %parallel_loop3A_465 = arith.index_cast %parallel_loop3A_100 : i32 to index
      %parallel_loop3A_466 = arith.constant 448 : index
      %parallel_loop3A_467 = tpu.vector_load %arg7[%parallel_loop3A_465, %parallel_loop3A_466] {strides = array<i32>} : memref<40x512xi32, #tpu.memory_space<vmem>>, vector<1x16xi32>,
      %parallel_loop3A_468 = vector.shape_cast %parallel_loop3A_467 : vector<1x16xi32> to vector<16xi32>
      %parallel_loop3A_469 = arith.constant 0 : i32
      %parallel_loop3A_470 = vector.broadcast %parallel_loop3A_469 : i32 to vector<16xi32>
      %parallel_loop3A_471 = arith.cmpi sgt, %parallel_loop3A_468, %parallel_loop3A_470 : vector<16xi32>
      %parallel_loop3A_472 = arith.select %parallel_loop3A_471, %broadcast_in_dim3A_7, %broadcast_in_dim3A : vector<16xi1>, vector<16xf32>
      %parallel_loop3A_473 = arith.index_cast %parallel_loop3A_100 : i32 to index
      %parallel_loop3A_474 = arith.constant 448 : index
      %parallel_loop3A_475 = tpu.vector_load %arg10[%parallel_loop3A_473, %parallel_loop3A_474] {strides = array<i32>} : memref<40x512xf32, #tpu.memory_space<vmem>>, vector<1x16xf32>,
      %parallel_loop3A_476 = vector.shape_cast %parallel_loop3A_475 : vector<1x16xf32> to vector<16xf32>
      %parallel_loop3A_477 = vector.shape_cast %parallel_loop3A_472 : vector<16xf32> to vector<1x16xf32>
      tpu.vector_store %arg10[%parallel_loop3A_473, %parallel_loop3A_474], %parallel_loop3A_477 {strides = array<i32>} : memref<40x512xf32, #tpu.memory_space<vmem>>, vector<1x16xf32>,
      %parallel_loop3A_478 = arith.index_cast %parallel_loop3A_100 : i32 to index
      %parallel_loop3A_479 = arith.constant 464 : index
      %parallel_loop3A_480 = tpu.vector_load %arg7[%parallel_loop3A_478, %parallel_loop3A_479] {strides = array<i32>} : memref<40x512xi32, #tpu.memory_space<vmem>>, vector<1x16xi32>,
      %parallel_loop3A_481 = vector.shape_cast %parallel_loop3A_480 : vector<1x16xi32> to vector<16xi32>
      %parallel_loop3A_482 = arith.constant 0 : i32
      %parallel_loop3A_483 = vector.broadcast %parallel_loop3A_482 : i32 to vector<16xi32>
      %parallel_loop3A_484 = arith.cmpi sgt, %parallel_loop3A_481, %parallel_loop3A_483 : vector<16xi32>
      %parallel_loop3A_485 = arith.select %parallel_loop3A_484, %broadcast_in_dim3A_7, %broadcast_in_dim3A : vector<16xi1>, vector<16xf32>
      %parallel_loop3A_486 = arith.index_cast %parallel_loop3A_100 : i32 to index
      %parallel_loop3A_487 = arith.constant 464 : index
      %parallel_loop3A_488 = tpu.vector_load %arg10[%parallel_loop3A_486, %parallel_loop3A_487] {strides = array<i32>} : memref<40x512xf32, #tpu.memory_space<vmem>>, vector<1x16xf32>,
      %parallel_loop3A_489 = vector.shape_cast %parallel_loop3A_488 : vector<1x16xf32> to vector<16xf32>
      %parallel_loop3A_490 = vector.shape_cast %parallel_loop3A_485 : vector<16xf32> to vector<1x16xf32>
      tpu.vector_store %arg10[%parallel_loop3A_486, %parallel_loop3A_487], %parallel_loop3A_490 {strides = array<i32>} : memref<40x512xf32, #tpu.memory_space<vmem>>, vector<1x16xf32>,
      %parallel_loop3A_491 = arith.index_cast %parallel_loop3A_100 : i32 to index
      %parallel_loop3A_492 = arith.constant 480 : index
      %parallel_loop3A_493 = tpu.vector_load %arg7[%parallel_loop3A_491, %parallel_loop3A_492] {strides = array<i32>} : memref<40x512xi32, #tpu.memory_space<vmem>>, vector<1x16xi32>,
      %parallel_loop3A_494 = vector.shape_cast %parallel_loop3A_493 : vector<1x16xi32> to vector<16xi32>
      %parallel_loop3A_495 = arith.constant 0 : i32
      %parallel_loop3A_496 = vector.broadcast %parallel_loop3A_495 : i32 to vector<16xi32>
      %parallel_loop3A_497 = arith.cmpi sgt, %parallel_loop3A_494, %parallel_loop3A_496 : vector<16xi32>
      %parallel_loop3A_498 = arith.select %parallel_loop3A_497, %broadcast_in_dim3A_7, %broadcast_in_dim3A : vector<16xi1>, vector<16xf32>
      %parallel_loop3A_499 = arith.index_cast %parallel_loop3A_100 : i32 to index
      %parallel_loop3A_500 = arith.constant 480 : index
      %parallel_loop3A_501 = tpu.vector_load %arg10[%parallel_loop3A_499, %parallel_loop3A_500] {strides = array<i32>} : memref<40x512xf32, #tpu.memory_space<vmem>>, vector<1x16xf32>,
      %parallel_loop3A_502 = vector.shape_cast %parallel_loop3A_501 : vector<1x16xf32> to vector<16xf32>
      %parallel_loop3A_503 = vector.shape_cast %parallel_loop3A_498 : vector<16xf32> to vector<1x16xf32>
      tpu.vector_store %arg10[%parallel_loop3A_499, %parallel_loop3A_500], %parallel_loop3A_503 {strides = array<i32>} : memref<40x512xf32, #tpu.memory_space<vmem>>, vector<1x16xf32>,
      %parallel_loop3A_504 = arith.index_cast %parallel_loop3A_100 : i32 to index
      %parallel_loop3A_505 = arith.constant 496 : index
      %parallel_loop3A_506 = tpu.vector_load %arg7[%parallel_loop3A_504, %parallel_loop3A_505] {strides = array<i32>} : memref<40x512xi32, #tpu.memory_space<vmem>>, vector<1x16xi32>,
      %parallel_loop3A_507 = vector.shape_cast %parallel_loop3A_506 : vector<1x16xi32> to vector<16xi32>
      %parallel_loop3A_508 = arith.constant 0 : i32
      %parallel_loop3A_509 = vector.broadcast %parallel_loop3A_508 : i32 to vector<16xi32>
      %parallel_loop3A_510 = arith.cmpi sgt, %parallel_loop3A_507, %parallel_loop3A_509 : vector<16xi32>
      %parallel_loop3A_511 = arith.select %parallel_loop3A_510, %broadcast_in_dim3A_7, %broadcast_in_dim3A : vector<16xi1>, vector<16xf32>
      %parallel_loop3A_512 = arith.index_cast %parallel_loop3A_100 : i32 to index
      %parallel_loop3A_513 = arith.constant 496 : index
      %parallel_loop3A_514 = tpu.vector_load %arg10[%parallel_loop3A_512, %parallel_loop3A_513] {strides = array<i32>} : memref<40x512xf32, #tpu.memory_space<vmem>>, vector<1x16xf32>,
      %parallel_loop3A_515 = vector.shape_cast %parallel_loop3A_514 : vector<1x16xf32> to vector<16xf32>
      %parallel_loop3A_516 = vector.shape_cast %parallel_loop3A_511 : vector<16xf32> to vector<1x16xf32>
      tpu.vector_store %arg10[%parallel_loop3A_512, %parallel_loop3A_513], %parallel_loop3A_516 {strides = array<i32>} : memref<40x512xf32, #tpu.memory_space<vmem>>, vector<1x16xf32>,
    } {sc.loop_unroll_factor = 1 : i64, sc.parallel_access}
    %dma_start3A_84 = arith.constant 160 : i32
    %dma_start3A_85 = tpu.memref_slice %arg4[%dma_start3A_84, %mul3A_2] : memref<200x16384xf32, #tpu.memory_space<hbm>> -> memref<40x512xf32, #tpu.memory_space<hbm>>
    %dma_start3A_86 = arith.constant 160 : i32
    %dma_start3A_87 = tpu.memref_slice %arg4[%dma_start3A_86, %mul3A_2] : memref<200x16384xf32, #tpu.memory_space<hbm>> -> memref<40x512xf32, #tpu.memory_space<hbm>>
    tpu.enqueue_dma source(%arg10 : memref<40x512xf32, #tpu.memory_space<vmem>>) target(%dma_start3A_87 : memref<40x512xf32, #tpu.memory_space<hbm>>) target_semaphore(%arg16 : memref<!tpu.dma_semaphore, #tpu.memory_space<semaphore_mem>>)
    %dma_wait3A_88 = arith.constant 80 : i32
    %dma_wait3A_89 = tpu.memref_slice %arg4[%dma_wait3A_88, %mul3A_2] : memref<200x16384xf32, #tpu.memory_space<hbm>> -> memref<40x512xf32, #tpu.memory_space<hbm>>
    %dma_wait3A_90 = arith.constant 80 : i32
    %dma_wait3A_91 = tpu.memref_slice %arg4[%dma_wait3A_90, %mul3A_2] : memref<200x16384xf32, #tpu.memory_space<hbm>> -> memref<40x512xf32, #tpu.memory_space<hbm>>
    tpu.wait_dma2 semaphore(%arg17 : memref<!tpu.dma_semaphore, #tpu.memory_space<semaphore_mem>>) src(%arg11 : memref<40x512xf32, #tpu.memory_space<vmem>>) dst(%dma_wait3A_91 : memref<40x512xf32, #tpu.memory_space<hbm>>)
    %dma_wait3A_92 = arith.constant 120 : i32
    %dma_wait3A_93 = tpu.memref_slice %arg4[%dma_wait3A_92, %mul3A_2] : memref<200x16384xf32, #tpu.memory_space<hbm>> -> memref<40x512xf32, #tpu.memory_space<hbm>>
    %dma_wait3A_94 = arith.constant 120 : i32
    %dma_wait3A_95 = tpu.memref_slice %arg4[%dma_wait3A_94, %mul3A_2] : memref<200x16384xf32, #tpu.memory_space<hbm>> -> memref<40x512xf32, #tpu.memory_space<hbm>>
    tpu.wait_dma2 semaphore(%arg15 : memref<!tpu.dma_semaphore, #tpu.memory_space<semaphore_mem>>) src(%arg9 : memref<40x512xf32, #tpu.memory_space<vmem>>) dst(%dma_wait3A_95 : memref<40x512xf32, #tpu.memory_space<hbm>>)
    %dma_wait3A_96 = arith.constant 160 : i32
    %dma_wait3A_97 = tpu.memref_slice %arg4[%dma_wait3A_96, %mul3A_2] : memref<200x16384xf32, #tpu.memory_space<hbm>> -> memref<40x512xf32, #tpu.memory_space<hbm>>
    %dma_wait3A_98 = arith.constant 160 : i32
    %dma_wait3A_99 = tpu.memref_slice %arg4[%dma_wait3A_98, %mul3A_2] : memref<200x16384xf32, #tpu.memory_space<hbm>> -> memref<40x512xf32, #tpu.memory_space<hbm>>
    tpu.wait_dma2 semaphore(%arg16 : memref<!tpu.dma_semaphore, #tpu.memory_space<semaphore_mem>>) src(%arg10 : memref<40x512xf32, #tpu.memory_space<vmem>>) dst(%dma_wait3A_99 : memref<40x512xf32, #tpu.memory_space<hbm>>)
    return
  }
}

</mosaic_0001>

<sc_bundles>
// kernel: kernel.3.cloned.1.call-start
scs
__scs_entry_jumppad:
0x0: {  	(pc) =	sbr.rel $0x88, $3  }
0x1: {  	(tag) =	ssettag $0x0;
	lr =	simm.s32 $0x1  }
0x2: {  	[smem:$0x3F9F] =	sst lr;
	_ =	strace $0xD0000000  }
0x3: {  	_ = 	snop  }
0x4: {  	_ = 	snop  }
0x5: {  	_ = 	snop  }
0x6: {  	_ = 	snop  }
0x7: {  	_ = 	snop  }
__scs_overlays_trampoline_lowered:
0x8: {  	[smem:$0x3FAE] =	sst s0  }
0x9: {  	[smem:$0x3FAF] =	sst s1  }
0xa: {  	[smem:$0x3FB0] =	sst s2  }
0xb: {  	[smem:$0x3FB1] =	sst s3  }
0xc: {  	[smem:$0x3FB2] =	sst s4  }
0xd: {  	[smem:$0x3FB3] =	sst s5  }
0xe: {  	[smem:$0x3FB4] =	sst s6  }
0xf: {  	[smem:$0x3FB5] =	sst s7  }
0x10: {  	[smem:$0x3FB6] =	sst s8  }
0x11: {  	[smem:$0x3FB7] =	sst s9;
	s0 =	simm.s32 @!p0 $0x0  }
0x12: {  	s1 =	sld [smem:$0x3F9D];
	s0 =	simm.s32 @p0 $0x1  }
0x13: {  	[smem:$0x3FB8] =	sst s0;
	s0 =	simm.s32 @!p1 $0x0  }
0x14: {  	s2 =	sld [smem:$0x3F9C];
	s0 =	simm.s32 @p1 $0x1  }
0x15: {  	[smem:$0x3FB9] =	sst s0;
	s0 =	simm.s32 @!p2 $0x0  }
0x16: {  	s3 =	sld [smem:$0x3FDB];
	s0 =	simm.s32 @p2 $0x1  }
0x17: {  	s4 =	simm.s32 $0x1BF5;
	[smem:$0x3FBB] =	sst s0  }
0x18: {  	s0 =	sld [smem:$0x3F9E];
	_ =	swait.ge [sflag:s4], $0x0  }
0x19: {  	s7 =	sld [smem:$0x3F9F]  }
0x1a: {  	s8 =	sadd.s32 $0xFFFFE003, lr  }
0x1b: {  	s9 =	sadd.s32 $0xFFFFFEF7, lr;
	s5 =	simm.s32 $0xFFFFFFFF;
	p2 =	slt.u32 s8, $0xFFFFF086  }
0x1c: {  	p1 =	slt.u32 s9, $0xF7A;
	s5 =	simm.s32 @!p2 $0x0  }
0x1d: {  	s5 =	simm.s32 @p1 $0x1;
	p0 =	seq.s32 s7, s2  }
0x1e: {  	s7 =	smul.u32 @!p0 $0xF7A, s2;
	p2 =	seq.s32 @!p0 s5, $0x0  }
0x1f: {  	s9 =	smul.u32 $0xF7A, s1;
	s8 =	simm.s32 @!p0 $0x1BF5;
	p2 =	por !p2, p0  }
0x20: {  	[sflag:s8] =	ssyncset.s32 @!p0 $0xFFFFF086;
	s6 =	sadd.s32 @!p0 s3, s7;
	s7 =	simm.s32 @!p0 $0x108  }
0x21: {  	s3 =	sadd.s32 s3, s9;
	s6 =	sadd.s32 @!p0 $0x88, s6;
	s7 =	simm.s32 @p2 $0x1082  }
0x22: {  	[simem:s7], [sflag:s8] =	dma.local @!p0 [hbm:s6], $0xF7A  }
0x23: {  	s9 =	sor.u32 $0xD0000000, s2;
	s6 =	simm.s32 $0x108;
	_ =	swait.ge @!p0 [sflag:s8], $0x0  }
0x24: {  	s3 =	sadd.s32 $0x88, s3;
	s6 =	simm.s32 @!p1 $0x1082;
	[sflag:s4] =	ssyncset.s32 $0xFFFFF086  }
0x25: {  	[simem:s6], [sflag:s4] =	dma.local [hbm:s3], $0xF7A  }
0x26: {  	[smem:$0x3F9F] =	sst s1;
	(tag) =	ssettag s2;
	_ =	strace s9  }
0x27: {  	s1 =	sld [smem:$0x3FAF]  }
0x28: {  	s2 =	sld [smem:$0x3FB0]  }
0x29: {  	s4 =	sld [smem:$0x3FB2]  }
0x2a: {  	p0 =	seq.s32 s5, $0x0;
	s5 =	sld [smem:$0x3FB3]  }
0x2b: {  	s6 =	sld [smem:$0x3FB4]  }
0x2c: {  	s7 =	sld [smem:$0x3FB5]  }
0x2d: {  	s3 =	simm.s32 $0x108;
	s8 =	sld [smem:$0x3FB6]  }
0x2e: {  	s3 =	simm.s32 @!p0 $0x1082;
	s9 =	sld [smem:$0x3FB7]  }
0x2f: {  	lr =	sadd.s32 s0, s3;
	s0 =	sld [smem:$0x3FAE]  }
0x30: {  	s3 =	sld [smem:$0x3FB1]  }
0x31: {  	[smem:$0x3FBA] =	sst s10  }
0x32: {  	s10 =	sld [smem:$0x3FB8];
	_ =	sdelay $0x3  }
0x33: {  	p0 =	seq.s32 s10, $0x1;
	s10 =	sld [smem:$0x3FBA];
	_ =	sdelay $0x3  }
0x34: {  	[smem:$0x3FBA] =	sst s10  }
0x35: {  	s10 =	sld [smem:$0x3FB9];
	_ =	sdelay $0x3  }
0x36: {  	p1 =	seq.s32 s10, $0x1;
	s10 =	sld [smem:$0x3FBA];
	_ =	sdelay $0x3  }
0x37: {  	[smem:$0x3FBA] =	sst s10  }
0x38: {  	s10 =	sld [smem:$0x3FBB]  }
0x39: {  	_ = 	snop;
	(pc) =	sbr.ind lr, $3  }
0x3a: {  	_ = 	snop  }
0x3b: {  	_ = 	snop  }
0x3c: {  	p2 =	seq.s32 s10, $0x1;
	s10 =	sld [smem:$0x3FBA]  }
0x3d: {  	_ =	shalt  }
0x3e: {  	_ =	shalt  }
0x3f: {  	_ =	shalt  }
0x40: {  	_ =	shalt  }
0x41: {  	_ =	shalt  }
0x42: {  	_ =	shalt  }
0x43: {  	_ =	shalt  }
0x44: {  	_ =	shalt  }
0x45: {  	_ =	shalt  }
0x46: {  	_ =	shalt  }
0x47: {  	_ =	shalt  }
0x48: {  	_ =	shalt  }
0x49: {  	_ =	shalt  }
0x4a: {  	_ =	shalt  }
0x4b: {  	_ =	shalt  }
0x4c: {  	_ =	shalt  }
0x4d: {  	_ =	shalt  }
0x4e: {  	_ =	shalt  }
0x4f: {  	_ =	shalt  }
0x50: {  	_ =	shalt  }
0x51: {  	_ =	shalt  }
0x52: {  	_ =	shalt  }
0x53: {  	_ =	shalt  }
0x54: {  	_ =	shalt  }
0x55: {  	_ =	shalt  }
0x56: {  	_ =	shalt  }
0x57: {  	_ =	shalt  }
0x58: {  	_ =	shalt  }
0x59: {  	_ =	shalt  }
0x5a: {  	_ =	shalt  }
0x5b: {  	_ =	shalt  }
0x5c: {  	_ =	shalt  }
0x5d: {  	_ =	shalt  }
0x5e: {  	_ =	shalt  }
0x5f: {  	_ =	shalt  }
0x60: {  	_ =	shalt  }
0x61: {  	_ =	shalt  }
0x62: {  	_ =	shalt  }
0x63: {  	_ =	shalt  }
0x64: {  	_ =	shalt  }
0x65: {  	_ =	shalt  }
0x66: {  	_ =	shalt  }
0x67: {  	_ =	shalt  }
0x68: {  	_ =	shalt  }
0x69: {  	_ =	shalt  }
0x6a: {  	_ =	shalt  }
0x6b: {  	_ =	shalt  }
0x6c: {  	_ =	shalt  }
0x6d: {  	_ =	shalt  }
0x6e: {  	_ =	shalt  }
0x6f: {  	_ =	shalt  }
0x70: {  	_ =	shalt  }
0x71: {  	_ =	shalt  }
0x72: {  	_ =	shalt  }
0x73: {  	_ =	shalt  }
0x74: {  	_ =	shalt  }
0x75: {  	_ =	shalt  }
0x76: {  	_ =	shalt  }
0x77: {  	_ =	shalt  }
0x78: {  	_ =	shalt  }
0x79: {  	_ =	shalt  }
0x7a: {  	_ =	shalt  }
0x7b: {  	_ =	shalt  }
0x7c: {  	_ =	shalt  }
0x7d: {  	_ =	shalt  }
0x7e: {  	_ =	shalt  }
0x7f: {  	_ =	shalt  }
0x80: {  	_ =	shalt  }
0x81: {  	_ =	shalt  }
0x82: {  	_ =	shalt  }
0x83: {  	_ =	shalt  }
0x84: {  	_ =	shalt  }
0x85: {  	_ =	shalt  }
0x86: {  	_ =	shalt  }
0x87: {  	_ =	shalt  }
.Lfunc_end0:
.L_simem_size_0:
called_computation_lowered:
.L_overlay_start_0:
0x88: {  	s2 =	sld [smem:$0x3FD9]  }
0x89: {  	s3 =	sld [smem:$0x3FFE];
	_ =	sdelay $0x1  }
0x8a: {  	s1 =	srdreg.scid  }
0x8b: {  	s0 =	sand.u32 $0x1, s1  }
0x8c: {  	s18 =	sshll.u32 s0, $0xA;
	s2 =	sadd.s32 s3, s2  }
0x8d: {  	s2 =	sadd.s32 s2, s18  }
0x8e: {  	[smem:$0x3FC6] =	sst s2  }
0x8f: {  	_ = 	snop  }
0x90: {  	s2 =	sld [smem:$0x3FC9]  }
0x91: {  	s19 =	sld [smem:$0x3FC8]  }
0x92: {  	s4 =	sld [smem:$0x3FD0];
	(tm) =	ssettm $0x1  }
0x93: {  	s5 =	sld [smem:$0x3FFB];
	_ =	sdelay $0x3  }
0x94: {  	_ =	strace s5  }
0x95: {  	s5 =	sld [smem:$0x3FFC];
	_ =	sdelay $0x3  }
0x96: {  	_ =	strace s5  }
0x97: {  	s5 =	sld [smem:$0x3FFD];
	_ =	sdelay $0x3  }
0x98: {  	_ =	strace s5  }
0x99: {  	_ =	strace $0x8FFFFFFF  }
0x9a: {  	s20 =	sld [smem:$0x3FDB];
	_ =	sdelay $0x1  }
0x9b: {  	s6 =	simm.s32 $_scs_section_size  }
0x9c: {  	s7 =	simm.s32 $_size__tile_overlayer_lowered;
	s8 =	simm.s32 $_tile_overlayer_lowered  }
0x9d: {  	s23 =	simm.s32 $0x1BFF;
	s22 =	sshll.u32 s8, $0x1;
	s5 =	sadd.s32 s6, s20  }
0x9e: {  	s9 =	simm.s32 $0x0;
	s21 =	sshll.u32 s7, $0x1;
	s7 =	sadd.s32 s22, s5  }
0x9f: {  	[timem:s9], [sflag:s23] =	dma.local [hbm:s7], s21  }
0xa0: {  	_ =	swait.ge [sflag:s23], s21  }
0xa1: {  	s6 =	ssub.s32 $0x0, s21;
	[sflag:s23] =	ssyncset.done $0x0  }
0xa2: {  	[sflag:s23] =	ssyncadd.s32 s6;
	_ =	sdelay $0x1  }
0xa3: {  	s24 =	simm.s32 $0x1B8B  }
0xa4: {  	_ =	swait.ge [sflag:s24], $0x1  }
0xa5: {  	[sflag:s24] =	ssyncset.done $0x0  }
0xa6: {  	s25 =	simm.s32 $0x1B8E;
	[sflag:s24] =	ssyncadd.s32 $0xFFFFFFFF  }
0xa7: {  	s26 =	simm.s32 $execute0_lowered;
	[smem:$0x3FD2] =	sst s25  }
0xa8: {  	s6 =	sshll.u32 s26, $0x1;
	_ =	strace $0x80000046;
	[dreg:$0x1] =	wrdreg $0xFFFFFFFF  }
0xa9: {  	s28 =	simm.s32 $_size_execute0_lowered;
	s5 =	sadd.s32 s5, s6;
	[dreg:$0x0] =	wrdreg $0x0  }
0xaa: {  	s6 =	sshll.u32 s28, $0x1;
	[dreg:$0x2] =	wrdreg s5  }
0xab: {  	[dreg:$0x3] =	wrdreg s6  }
0xac: {  	[dreg:$0x4] =	wrdreg $0xC0  }
0xad: {  	_ =	task [dreg:s9], $0x5FFFF  }
0xae: {  	[dreg:$0x1] =	wrdreg $0xFFFFFFFF  }
0xaf: {  	[dreg:$0x0] =	wrdreg $0x60  }
0xb0: {  	[dreg:$0x2] =	wrdreg s2  }
0xb1: {  	[dreg:$0x3] =	wrdreg s19  }
0xb2: {  	[dreg:$0x4] =	wrdreg s4  }
0xb3: {  	[dreg:$0x5] =	wrdreg $0x9  }
0xb4: {  	_ =	task.clear_ibuf [dreg:s9], $0x6FFFF;
	_ =	strace $0x90000046  }
0xb5: {  	s29 =	simm.s32 $0x9;
	_ =	strace $0x80000048  }
0xb6: {  	_ =	swait.ge [sflag:s29], $0x1  }
0xb7: {  	[sflag:s29] =	ssyncadd.s32 $0xFFFFFFFF  }
0xb8: {  	_ =	strace $0x90000048  }
0xb9: {  	_ =	sfence  }
0xba: {  	s30 =	sld [smem:$0x0];
	_ =	sdelay $0x2  }
0xbb: {  	s31 =	sshll.u32 s1, $0xD;
	s1 =	sshrl.u32 s1, $0x2  }
0xbc: {  	s3 =	sand.u32 $0x4000, s31;
	s1 =	sadd.s32 s1, s30  }
0xbd: {  	s0 =	sor.u32 s3, s0;
	s1 =	sshll.u32 s1, $0x11  }
0xbe: {  	s0 =	sor.u32 s1, s0  }
0xbf: {  	s0 =	sadd.s32 $0x8F2B, s0  }
0xc0: {  	[sflag:s0] =	ssyncadd.remote.s32 $0x1  }
0xc1: {  	_ =	sfence.sel $0xFFFF  }
0xc2: {  	[dreg:$0x0] =	wrdreg $0xFFFFFFFF;
	(pc) =	sbr.abs _section_cstart, $3  }
0xc3: {  	[dreg:$0x1] =	wrdreg $0xFFFFFFFF  }
0xc4: {  	_ =	task.clear_ibuf [dreg:s9], $0x2FFFF;
	_ =	strace $0x9FFFFFFF  }
0xc5: {  	(tm) =	ssettm $0x7FFFFFFF  }
tec
execute0_lowered:
.L_overlay_start_1:
0x0: {  	(tag) =	ssettag $0x1  }
0x1: {  	s0 =	rddreg [dreg:$0x0]  }
0x2: {  	s1 =	rddreg [dreg:$0x2];
	s2 =	srdreg.scid;
	s3 =	simm.s32 $0x0  }
0x3: {  	s5 =	stileid.u32;
	s15 =	simm.s32 $0x7;
	s16 =	simm.s32 $0x1000  }
0x4: {  	s17 =	simm.s32 $0x20000;
	s18 =	simm.s32 $0x80;
	s19 =	simm.s32 $0x5080  }
0x5: {  	s21 =	simm.s32 $0x1;
	s22 =	simm.s32 $0xF080;
	s23 =	simm.s32 $0x2  }
0x6: {  	s24 =	simm.s32 $0x14080;
	s25 =	simm.s32 $0x3;
	s28 =	simm.s32 $0x4  }
0x7: {  	s29 =	simm.s32 $0x5;
	s30 =	simm.s32 $0x6;
	s2 =	sand.u32 $0x1, s2  }
0x8: {  	s31 =	simm.s32 $0x0;
	s5 =	sshll.u32 s5, $0xA;
	s4 =	ssub.s32 $0x2, s2  }
0x9: {  	[smem:$0x7FF] =	sst s3;
	s2 =	sshll.u32 s2, $0x9;
	s6 =	sshrl.u32 s4, $0x1  }
0xa: {  	_ =	strace $0x80000047;
	s2 =	sor.u32 s2, s5;
	s14 =	ssub.s32 s4, s6  }
0xb: {  	s9 =	sor.u32 $0x14000, s2;
	s4 =	sadd.s32 s0, s2;
	s11 =	sor.u32 $0x28000, s2  }
0xc: {  	s7 =	sadd.s32 s1, s2;
	s12 =	sor.u32 $0x3C000, s2;
	s2 =	sor.u32 $0x50000, s2  }
0xd: {  	s5 =	sadd.s32 s0, s9;
	s6 =	sadd.s32 s0, s11;
	s8 =	sadd.s32 s0, s12  }
0xe: {  	s9 =	sadd.s32 s1, s9;
	s10 =	sadd.s32 s0, s2;
	s11 =	sadd.s32 s1, s11  }
0xf: {  	s12 =	sadd.s32 s1, s12;
	s13 =	sadd.s32 s1, s2;
	s14 =	smax.u32 s14, $0x1  }
.LBB2_1:
0x10: {  	s0 =	rddreg [dreg:$0x1]  }
0x11: {  	[tilespmem:s3], [sflag:$0x7] =	stream.linear.gather [hbm4b:s0+s3], $0x10, $0x38;
	[tilespmem:$0x1E080] =	vst v63  }
0x12: {  	_ =	swait.ge [sflag:s15], $0x10  }
0x13: {  	[sflag:s15] =	ssyncset.done $0x0  }
0x14: {  	[sflag:s15] =	ssyncadd.s32 $0xFFFFFFF0  }
0x15: {  	v1 =	vld [tilespmem:$0x0];
	[tilespmem:s18], [sflag:$0x1] =	stream.strided.gather [hbm4b:s4+s16], $0x5000, s17, s16, $0x38  }
0x16: {  	_ = 	snop  }
0x17: {  	[tilespmem:s19], [sflag:$0x2] =	stream.strided.gather [hbm4b:s5+s16], $0x5000, s17, s16, $0x38;
	[tilespmem:$0x1E080] =	vst v63  }
0x18: {  	s2 =	simm.s32 $0xA080  }
0x19: {  	[tilespmem:s2], [sflag:$0x3] =	stream.strided.gather [hbm4b:s6+s16], $0x5000, s17, s16, $0x38;
	[tilespmem:$0x1E080] =	vst v63  }
0x1a: {  	_ =	swait.ge [sflag:s21], $0x5000  }
0x1b: {  	s20 =	sand.u32 $0x7000, s3;
	s1 =	sand.u32 $0x380, s3;
	[sflag:s21] =	ssyncset.done $0x0  }
0x1c: {  	s0 =	sor.u32 s1, s20;
	[sflag:s21] =	ssyncadd.s32 $0xFFFFB000  }
0x1d: {  	v2 =	vld [tilespmem:s0+$0xCF0]  }
0x1e: {  	v3 =	vld [tilespmem:s0+$0x80]  }
0x1f: {  	v4 =	vld [tilespmem:s0+$0x90]  }
0x20: {  	v5 =	vld [tilespmem:s0+$0xA0]  }
0x21: {  	v0 =	vbroadcast v1, $0x0;
	v1 =	vbroadcast v1, $0x1;
	v6 =	vld [tilespmem:s0+$0xB0]  }
0x22: {  	v7 =	vld [tilespmem:s0+$0xC0];
	vm0 =	vgt.s32 v2, $0x0  }
0x23: {  	v2 =	vld [tilespmem:s0+$0xD0];
	vm1 =	vgt.s32 v3, $0x0;
	v3 =	vsel vm0, v1, v0  }
0x24: {  	v8 =	vld [tilespmem:s0+$0xE0];
	vm0 =	vgt.s32 v4, $0x0;
	[tilespmem:s0+$0xFCF0] =	vst v3;
	v3 =	vsel vm1, v1, v0  }
0x25: {  	v4 =	vld [tilespmem:s0+$0xF0];
	[tilespmem:s0+$0xF080] =	vst v3;
	v3 =	vsel vm0, v1, v0;
	vm0 =	vgt.s32 v5, $0x0  }
0x26: {  	v5 =	vld [tilespmem:s0+$0x480];
	[tilespmem:s0+$0xF090] =	vst v3;
	v3 =	vsel vm0, v1, v0;
	vm0 =	vgt.s32 v6, $0x0  }
0x27: {  	v6 =	vld [tilespmem:s0+$0x490];
	[tilespmem:s0+$0xF0A0] =	vst v3;
	v3 =	vsel vm0, v1, v0;
	vm0 =	vgt.s32 v7, $0x0  }
0x28: {  	v7 =	vld [tilespmem:s0+$0x4A0];
	[tilespmem:s0+$0xF0B0] =	vst v3;
	v3 =	vsel vm0, v1, v0;
	vm0 =	vgt.s32 v2, $0x0  }
0x29: {  	[tilespmem:s0+$0xF0C0] =	vst v3;
	v2 =	vsel vm0, v1, v0;
	v3 =	vld [tilespmem:s0+$0x4B0];
	vm0 =	vgt.s32 v8, $0x0  }
0x2a: {  	v8 =	vld [tilespmem:s0+$0x4C0];
	[tilespmem:s0+$0xF0D0] =	vst v2;
	v2 =	vsel vm0, v1, v0;
	vm0 =	vgt.s32 v4, $0x0  }
0x2b: {  	v4 =	vld [tilespmem:s0+$0x4D0];
	[tilespmem:s0+$0xF0E0] =	vst v2;
	v2 =	vsel vm0, v1, v0;
	vm0 =	vgt.s32 v5, $0x0  }
0x2c: {  	v5 =	vld [tilespmem:s0+$0x4E0];
	[tilespmem:s0+$0xF0F0] =	vst v2;
	v2 =	vsel vm0, v1, v0;
	vm0 =	vgt.s32 v6, $0x0  }
0x2d: {  	v6 =	vld [tilespmem:s0+$0x4F0];
	[tilespmem:s0+$0xF480] =	vst v2;
	v2 =	vsel vm0, v1, v0;
	vm0 =	vgt.s32 v7, $0x0  }
0x2e: {  	v7 =	vld [tilespmem:s0+$0x880];
	[tilespmem:s0+$0xF490] =	vst v2;
	v2 =	vsel vm0, v1, v0;
	vm0 =	vgt.s32 v3, $0x0  }
0x2f: {  	v3 =	vld [tilespmem:s0+$0x890];
	[tilespmem:s0+$0xF4A0] =	vst v2;
	v2 =	vsel vm0, v1, v0;
	vm0 =	vgt.s32 v8, $0x0  }
0x30: {  	v8 =	vld [tilespmem:s0+$0x8A0];
	[tilespmem:s0+$0xF4B0] =	vst v2;
	v2 =	vsel vm0, v1, v0;
	vm0 =	vgt.s32 v4, $0x0  }
0x31: {  	v4 =	vld [tilespmem:s0+$0x8B0];
	[tilespmem:s0+$0xF4C0] =	vst v2;
	v2 =	vsel vm0, v1, v0;
	vm0 =	vgt.s32 v5, $0x0  }
0x32: {  	v9 =	vld [tilespmem:s0+$0x8C0];
	[tilespmem:s0+$0xF4D0] =	vst v2;
	v2 =	vsel vm0, v1, v0;
	vm0 =	vgt.s32 v6, $0x0  }
0x33: {  	v6 =	vld [tilespmem:s0+$0x8D0];
	[tilespmem:s0+$0xF4E0] =	vst v2;
	v2 =	vsel vm0, v1, v0;
	vm0 =	vgt.s32 v7, $0x0  }
0x34: {  	v7 =	vld [tilespmem:s0+$0x8E0];
	[tilespmem:s0+$0xF4F0] =	vst v2;
	v2 =	vsel vm0, v1, v0;
	vm0 =	vgt.s32 v3, $0x0  }
0x35: {  	v10 =	vld [tilespmem:s0+$0x8F0];
	[tilespmem:s0+$0xF880] =	vst v2;
	v2 =	vsel vm0, v1, v0;
	vm0 =	vgt.s32 v8, $0x0  }
0x36: {  	v8 =	vld [tilespmem:s0+$0xC80];
	[tilespmem:s0+$0xF890] =	vst v2;
	v2 =	vsel vm0, v1, v0;
	vm0 =	vgt.s32 v4, $0x0  }
0x37: {  	v5 =	vld [tilespmem:s0+$0xC90];
	[tilespmem:s0+$0xF8A0] =	vst v2;
	v2 =	vsel vm0, v1, v0;
	vm0 =	vgt.s32 v9, $0x0  }
0x38: {  	[tilespmem:s0+$0xF8B0] =	vst v2;
	v3 =	vsel vm0, v1, v0;
	v2 =	vld [tilespmem:s0+$0xCA0];
	vm0 =	vgt.s32 v6, $0x0  }
0x39: {  	[tilespmem:s0+$0xF8C0] =	vst v3;
	v4 =	vsel vm0, v1, v0;
	v3 =	vld [tilespmem:s0+$0xCB0];
	vm0 =	vgt.s32 v7, $0x0  }
0x3a: {  	s26 =	simm.s32 $0x200;
	s2 =	simm.s32 $0x80;
	[tilespmem:s0+$0xF8D0] =	vst v4;
	v6 =	vsel vm0, v1, v0;
	v4 =	vld [tilespmem:s0+$0xCC0];
	vm0 =	vgt.s32 v10, $0x0  }
0x3b: {  	s20 =	sand.u32 $0x7000, s26;
	s1 =	simm.s32 $0x400;
	s26 =	sand.u32 $0x380, s2;
	[tilespmem:s0+$0xF8E0] =	vst v6;
	v7 =	vsel vm0, v1, v0;
	vm0 =	vgt.s32 v8, $0x0;
	v6 =	vld [tilespmem:s0+$0xCD0]  }
.LBB2_2:
0x3c: {  	p0 =	sne.s32 s1, $0x4E00;
	s20 =	sor.u32 s26, s20;
	[tilespmem:s0+$0xF8F0] =	vst v7;
	v7 =	vsel vm0, v1, v0;
	vm0 =	vgt.s32 v5, $0x0;
	v5 =	vld [tilespmem:s0+$0xCE0]  }
0x3d: {  	v8 =	vld [tilespmem:s20+$0xCF0];
	[tilespmem:s0+$0xFC80] =	vst v7;
	v7 =	vsel vm0, v1, v0;
	vm0 =	vgt.s32 v2, $0x0  }
0x3e: {  	v2 =	vld [tilespmem:s20+$0x80];
	[tilespmem:s0+$0xFC90] =	vst v7;
	v7 =	vsel vm0, v1, v0;
	vm0 =	vgt.s32 v3, $0x0  }
0x3f: {  	v3 =	vld [tilespmem:s20+$0x90];
	[tilespmem:s0+$0xFCA0] =	vst v7;
	v7 =	vsel vm0, v1, v0;
	vm0 =	vgt.s32 v4, $0x0  }
0x40: {  	v4 =	vld [tilespmem:s20+$0xA0];
	[tilespmem:s0+$0xFCB0] =	vst v7;
	v7 =	vsel vm0, v1, v0;
	vm0 =	vgt.s32 v6, $0x0  }
0x41: {  	v6 =	vld [tilespmem:s20+$0xB0];
	[tilespmem:s0+$0xFCC0] =	vst v7;
	v7 =	vsel vm0, v1, v0;
	vm0 =	vgt.s32 v5, $0x0  }
0x42: {  	v5 =	vld [tilespmem:s20+$0xC0];
	vm1 =	vgt.s32 v8, $0x0;
	[tilespmem:s0+$0xFCD0] =	vst v7;
	v7 =	vsel vm0, v1, v0  }
0x43: {  	vm0 =	vgt.s32 v2, $0x0;
	v2 =	vld [tilespmem:s20+$0xD0];
	v8 =	vsel vm1, v1, v0;
	[tilespmem:s0+$0xFCE0] =	vst v7;
	s0 =	smov.u32 s20  }
0x44: {  	v7 =	vsel vm0, v1, v0;
	vm0 =	vgt.s32 v3, $0x0;
	v3 =	vld [tilespmem:s0+$0xE0];
	[tilespmem:s0+$0xFCF0] =	vst v8  }
0x45: {  	[tilespmem:s0+$0xF080] =	vst v7;
	v7 =	vsel vm0, v1, v0;
	vm0 =	vgt.s32 v4, $0x0;
	v4 =	vld [tilespmem:s0+$0xF0]  }
0x46: {  	[tilespmem:s0+$0xF090] =	vst v7;
	v7 =	vsel vm0, v1, v0;
	vm0 =	vgt.s32 v6, $0x0;
	v6 =	vld [tilespmem:s0+$0x480]  }
0x47: {  	[tilespmem:s0+$0xF0A0] =	vst v7;
	v7 =	vsel vm0, v1, v0;
	vm0 =	vgt.s32 v5, $0x0;
	v5 =	vld [tilespmem:s0+$0x490]  }
0x48: {  	[tilespmem:s0+$0xF0B0] =	vst v7;
	v7 =	vsel vm0, v1, v0;
	vm0 =	vgt.s32 v2, $0x0;
	v2 =	vld [tilespmem:s0+$0x4A0]  }
0x49: {  	[tilespmem:s0+$0xF0C0] =	vst v7;
	v7 =	vsel vm0, v1, v0;
	vm0 =	vgt.s32 v3, $0x0;
	v3 =	vld [tilespmem:s0+$0x4B0]  }
0x4a: {  	[tilespmem:s0+$0xF0D0] =	vst v7;
	v7 =	vsel vm0, v1, v0;
	vm0 =	vgt.s32 v4, $0x0;
	v4 =	vld [tilespmem:s0+$0x4C0]  }
0x4b: {  	[tilespmem:s0+$0xF0E0] =	vst v7;
	v7 =	vsel vm0, v1, v0;
	vm0 =	vgt.s32 v6, $0x0;
	v6 =	vld [tilespmem:s0+$0x4D0]  }
0x4c: {  	[tilespmem:s0+$0xF0F0] =	vst v7;
	v7 =	vsel vm0, v1, v0;
	vm0 =	vgt.s32 v5, $0x0;
	v5 =	vld [tilespmem:s0+$0x4E0]  }
0x4d: {  	[tilespmem:s0+$0xF480] =	vst v7;
	v7 =	vsel vm0, v1, v0;
	vm0 =	vgt.s32 v2, $0x0;
	v2 =	vld [tilespmem:s0+$0x4F0]  }
0x4e: {  	[tilespmem:s0+$0xF490] =	vst v7;
	v7 =	vsel vm0, v1, v0;
	vm0 =	vgt.s32 v3, $0x0;
	v3 =	vld [tilespmem:s0+$0x880]  }
0x4f: {  	[tilespmem:s0+$0xF4A0] =	vst v7;
	v7 =	vsel vm0, v1, v0;
	vm0 =	vgt.s32 v4, $0x0;
	v4 =	vld [tilespmem:s0+$0x890]  }
0x50: {  	[tilespmem:s0+$0xF4B0] =	vst v7;
	v7 =	vsel vm0, v1, v0;
	vm0 =	vgt.s32 v6, $0x0;
	v6 =	vld [tilespmem:s0+$0x8A0]  }
0x51: {  	[tilespmem:s0+$0xF4C0] =	vst v7;
	v7 =	vsel vm0, v1, v0;
	vm0 =	vgt.s32 v5, $0x0;
	v5 =	vld [tilespmem:s0+$0x8B0]  }
0x52: {  	[tilespmem:s0+$0xF4D0] =	vst v7;
	v7 =	vsel vm0, v1, v0;
	vm0 =	vgt.s32 v2, $0x0;
	v2 =	vld [tilespmem:s0+$0x8C0]  }
0x53: {  	[tilespmem:s0+$0xF4E0] =	vst v7;
	v7 =	vsel vm0, v1, v0;
	vm0 =	vgt.s32 v3, $0x0;
	v3 =	vld [tilespmem:s0+$0x8D0]  }
0x54: {  	[tilespmem:s0+$0xF4F0] =	vst v7;
	v7 =	vsel vm0, v1, v0;
	vm0 =	vgt.s32 v4, $0x0;
	v4 =	vld [tilespmem:s0+$0x8E0]  }
0x55: {  	[tilespmem:s0+$0xF880] =	vst v7;
	v7 =	vsel vm0, v1, v0;
	vm0 =	vgt.s32 v6, $0x0;
	v6 =	vld [tilespmem:s0+$0x8F0]  }
0x56: {  	[tilespmem:s0+$0xF890] =	vst v7;
	v7 =	vsel vm0, v1, v0;
	vm0 =	vgt.s32 v5, $0x0;
	v8 =	vld [tilespmem:s0+$0xC80]  }
.Ltmp0:
0x57: {  	[tilespmem:s0+$0xF8A0] =	vst v7;
	v7 =	vsel vm0, v1, v0;
	vm0 =	vgt.s32 v2, $0x0;
	v5 =	vld [tilespmem:s0+$0xC90];
	(pc) =	sbr.rel @p0 .LBB2_2-.Ltmp0, $4  }
0x58: {  	[tilespmem:s0+$0xF8B0] =	vst v7;
	v7 =	vsel vm0, v1, v0;
	vm0 =	vgt.s32 v3, $0x0;
	v2 =	vld [tilespmem:s0+$0xCA0]  }
0x59: {  	[tilespmem:s0+$0xF8C0] =	vst v7;
	v7 =	vsel vm0, v1, v0;
	vm0 =	vgt.s32 v4, $0x0;
	v3 =	vld [tilespmem:s0+$0xCB0]  }
0x5a: {  	s2 =	sadd.s32 $0x80, s2;
	[tilespmem:s0+$0xF8D0] =	vst v7;
	v7 =	vsel vm0, v1, v0;
	vm0 =	vgt.s32 v6, $0x0;
	v4 =	vld [tilespmem:s0+$0xCC0]  }
0x5b: {  	s26 =	sand.u32 $0x380, s2;
	s20 =	sand.u32 $0x7000, s1;
	s1 =	sadd.s32 $0x200, s1;
	[tilespmem:s0+$0xF8E0] =	vst v7;
	v7 =	vsel vm0, v1, v0;
	vm0 =	vgt.s32 v8, $0x0;
	v6 =	vld [tilespmem:s0+$0xCD0]  }
0x5c: {  	[tilespmem:s0+$0xF8F0] =	vst v7;
	s1 =	sor.u32 s26, s20;
	v7 =	vsel vm0, v1, v0;
	vm0 =	vgt.s32 v5, $0x0;
	v5 =	vld [tilespmem:s0+$0xCE0]  }
0x5d: {  	v8 =	vld [tilespmem:s1+$0xCF0];
	[tilespmem:s0+$0xFC80] =	vst v7;
	v7 =	vsel vm0, v1, v0;
	vm0 =	vgt.s32 v2, $0x0  }
0x5e: {  	v2 =	vld [tilespmem:s1+$0x80];
	[tilespmem:s0+$0xFC90] =	vst v7;
	v7 =	vsel vm0, v1, v0;
	vm0 =	vgt.s32 v3, $0x0  }
0x5f: {  	v3 =	vld [tilespmem:s1+$0x90];
	[tilespmem:s0+$0xFCA0] =	vst v7;
	v7 =	vsel vm0, v1, v0;
	vm0 =	vgt.s32 v4, $0x0  }
0x60: {  	v4 =	vld [tilespmem:s1+$0xA0];
	[tilespmem:s0+$0xFCB0] =	vst v7;
	v7 =	vsel vm0, v1, v0;
	vm0 =	vgt.s32 v6, $0x0  }
0x61: {  	v6 =	vld [tilespmem:s1+$0xB0];
	[tilespmem:s0+$0xFCC0] =	vst v7;
	v7 =	vsel vm0, v1, v0;
	vm0 =	vgt.s32 v5, $0x0  }
0x62: {  	v5 =	vld [tilespmem:s1+$0xC0];
	vm1 =	vgt.s32 v8, $0x0;
	[tilespmem:s0+$0xFCD0] =	vst v7;
	v7 =	vsel vm0, v1, v0  }
0x63: {  	vm0 =	vgt.s32 v2, $0x0;
	v2 =	vld [tilespmem:s1+$0xD0];
	v8 =	vsel vm1, v1, v0;
	[tilespmem:s0+$0xFCE0] =	vst v7  }
0x64: {  	v7 =	vsel vm0, v1, v0;
	vm0 =	vgt.s32 v3, $0x0;
	v3 =	vld [tilespmem:s1+$0xE0];
	[tilespmem:s1+$0xFCF0] =	vst v8  }
0x65: {  	[tilespmem:s1+$0xF080] =	vst v7;
	v7 =	vsel vm0, v1, v0;
	vm0 =	vgt.s32 v4, $0x0;
	v4 =	vld [tilespmem:s1+$0xF0]  }
0x66: {  	[tilespmem:s1+$0xF090] =	vst v7;
	v7 =	vsel vm0, v1, v0;
	vm0 =	vgt.s32 v6, $0x0;
	v6 =	vld [tilespmem:s1+$0x480]  }
0x67: {  	[tilespmem:s1+$0xF0A0] =	vst v7;
	v7 =	vsel vm0, v1, v0;
	vm0 =	vgt.s32 v5, $0x0;
	v5 =	vld [tilespmem:s1+$0x490]  }
0x68: {  	[tilespmem:s1+$0xF0B0] =	vst v7;
	v7 =	vsel vm0, v1, v0;
	vm0 =	vgt.s32 v2, $0x0;
	v2 =	vld [tilespmem:s1+$0x4A0]  }
0x69: {  	[tilespmem:s1+$0xF0C0] =	vst v7;
	v7 =	vsel vm0, v1, v0;
	vm0 =	vgt.s32 v3, $0x0;
	v3 =	vld [tilespmem:s1+$0x4B0]  }
0x6a: {  	[tilespmem:s1+$0xF0D0] =	vst v7;
	v7 =	vsel vm0, v1, v0;
	vm0 =	vgt.s32 v4, $0x0;
	v4 =	vld [tilespmem:s1+$0x4C0]  }
0x6b: {  	[tilespmem:s1+$0xF0E0] =	vst v7;
	v7 =	vsel vm0, v1, v0;
	vm0 =	vgt.s32 v6, $0x0;
	v6 =	vld [tilespmem:s1+$0x4D0]  }
0x6c: {  	[tilespmem:s1+$0xF0F0] =	vst v7;
	v7 =	vsel vm0, v1, v0;
	vm0 =	vgt.s32 v5, $0x0;
	v5 =	vld [tilespmem:s1+$0x4E0]  }
0x6d: {  	[tilespmem:s1+$0xF480] =	vst v7;
	v7 =	vsel vm0, v1, v0;
	vm0 =	vgt.s32 v2, $0x0;
	v2 =	vld [tilespmem:s1+$0x4F0]  }
0x6e: {  	[tilespmem:s1+$0xF490] =	vst v7;
	v7 =	vsel vm0, v1, v0;
	vm0 =	vgt.s32 v3, $0x0;
	v3 =	vld [tilespmem:s1+$0x880]  }
0x6f: {  	[tilespmem:s1+$0xF4A0] =	vst v7;
	v7 =	vsel vm0, v1, v0;
	vm0 =	vgt.s32 v4, $0x0;
	v4 =	vld [tilespmem:s1+$0x890]  }
0x70: {  	[tilespmem:s1+$0xF4B0] =	vst v7;
	v7 =	vsel vm0, v1, v0;
	vm0 =	vgt.s32 v6, $0x0;
	v6 =	vld [tilespmem:s1+$0x8A0]  }
0x71: {  	[tilespmem:s1+$0xF4C0] =	vst v7;
	v7 =	vsel vm0, v1, v0;
	vm0 =	vgt.s32 v5, $0x0;
	v5 =	vld [tilespmem:s1+$0x8B0]  }
0x72: {  	[tilespmem:s1+$0xF4D0] =	vst v7;
	v7 =	vsel vm0, v1, v0;
	vm0 =	vgt.s32 v2, $0x0;
	v2 =	vld [tilespmem:s1+$0x8C0]  }
0x73: {  	[tilespmem:s1+$0xF4E0] =	vst v7;
	v7 =	vsel vm0, v1, v0;
	vm0 =	vgt.s32 v3, $0x0;
	v3 =	vld [tilespmem:s1+$0x8D0]  }
0x74: {  	[tilespmem:s1+$0xF4F0] =	vst v7;
	v7 =	vsel vm0, v1, v0;
	vm0 =	vgt.s32 v4, $0x0;
	v4 =	vld [tilespmem:s1+$0x8E0]  }
0x75: {  	[tilespmem:s1+$0xF880] =	vst v7;
	v7 =	vsel vm0, v1, v0;
	vm0 =	vgt.s32 v6, $0x0;
	v6 =	vld [tilespmem:s1+$0x8F0]  }
0x76: {  	[tilespmem:s1+$0xF890] =	vst v7;
	v7 =	vsel vm0, v1, v0;
	vm0 =	vgt.s32 v5, $0x0;
	v5 =	vld [tilespmem:s1+$0xC80]  }
0x77: {  	[tilespmem:s1+$0xF8A0] =	vst v7;
	v7 =	vsel vm0, v1, v0;
	vm0 =	vgt.s32 v2, $0x0;
	v2 =	vld [tilespmem:s1+$0xC90]  }
0x78: {  	[tilespmem:s1+$0xF8B0] =	vst v7;
	v7 =	vsel vm0, v1, v0;
	vm0 =	vgt.s32 v3, $0x0;
	v3 =	vld [tilespmem:s1+$0xCA0]  }
0x79: {  	[tilespmem:s1+$0xF8C0] =	vst v7;
	v7 =	vsel vm0, v1, v0;
	vm0 =	vgt.s32 v4, $0x0;
	v4 =	vld [tilespmem:s1+$0xCB0]  }
0x7a: {  	[tilespmem:s1+$0xF8D0] =	vst v7;
	v7 =	vsel vm0, v1, v0;
	vm0 =	vgt.s32 v6, $0x0;
	v6 =	vld [tilespmem:s1+$0xCC0]  }
0x7b: {  	[tilespmem:s1+$0xF8E0] =	vst v7;
	v7 =	vsel vm0, v1, v0;
	vm0 =	vgt.s32 v5, $0x0;
	v5 =	vld [tilespmem:s1+$0xCD0]  }
0x7c: {  	[tilespmem:s1+$0xF8F0] =	vst v7;
	v7 =	vsel vm0, v1, v0;
	vm0 =	vgt.s32 v2, $0x0;
	v2 =	vld [tilespmem:s1+$0xCE0]  }
0x7d: {  	[tilespmem:s1+$0xFC80] =	vst v7;
	v7 =	vsel vm0, v1, v0;
	vm0 =	vgt.s32 v3, $0x0  }
0x7e: {  	[tilespmem:s1+$0xFC90] =	vst v7;
	v3 =	vsel vm0, v1, v0;
	vm0 =	vgt.s32 v4, $0x0  }
0x7f: {  	[tilespmem:s1+$0xFCA0] =	vst v3;
	v3 =	vsel vm0, v1, v0;
	vm0 =	vgt.s32 v6, $0x0  }
0x80: {  	[tilespmem:s1+$0xFCB0] =	vst v3;
	v3 =	vsel vm0, v1, v0;
	vm0 =	vgt.s32 v5, $0x0  }
0x81: {  	[tilespmem:s1+$0xFCC0] =	vst v3;
	v3 =	vsel vm0, v1, v0;
	vm0 =	vgt.s32 v2, $0x0  }
0x82: {  	[tilespmem:s1+$0xFCD0] =	vst v3;
	v2 =	vsel vm0, v1, v0  }
0x83: {  	[tilespmem:s1+$0xFCE0] =	vst v2  }
0x84: {  	[hbm4b:s7+s16] =	stream.strided.scatter [tilespmem:s22], [sflag:$0x4], $0x5000, s17, s16, $0x38;
	[tilespmem:$0x1E080] =	vst v63  }
0x85: {  	_ = 	snop  }
0x86: {  	[tilespmem:s18], [sflag:$0x1] =	stream.strided.gather [hbm4b:s8+s16], $0x5000, s17, s16, $0x38;
	[tilespmem:$0x1E080] =	vst v63  }
0x87: {  	s2 =	simm.s32 $0x0;
	_ =	swait.ge [sflag:s23], $0x5000  }
0x88: {  	s20 =	sand.u32 $0x7000, s2;
	s0 =	sand.u32 $0x380, s2;
	[sflag:s23] =	ssyncset.done $0x0  }
0x89: {  	s0 =	sor.u32 s0, s20;
	[sflag:s23] =	ssyncadd.s32 $0xFFFFB000  }
0x8a: {  	v2 =	vld [tilespmem:s0+$0x5CF0]  }
0x8b: {  	v3 =	vld [tilespmem:s0+$0x5080]  }
0x8c: {  	v4 =	vld [tilespmem:s0+$0x5090]  }
0x8d: {  	v5 =	vld [tilespmem:s0+$0x50A0]  }
0x8e: {  	v6 =	vld [tilespmem:s0+$0x50B0]  }
0x8f: {  	v7 =	vld [tilespmem:s0+$0x50C0];
	vm0 =	vgt.s32 v2, $0x0  }
0x90: {  	v2 =	vld [tilespmem:s0+$0x50D0];
	vm1 =	vgt.s32 v3, $0x0;
	v3 =	vsel vm0, v1, v0  }
0x91: {  	v8 =	vld [tilespmem:s0+$0x50E0];
	vm0 =	vgt.s32 v4, $0x0;
	[tilespmem:s0+$0x14CF0] =	vst v3;
	v3 =	vsel vm1, v1, v0  }
0x92: {  	v4 =	vld [tilespmem:s0+$0x50F0];
	[tilespmem:s0+$0x14080] =	vst v3;
	v3 =	vsel vm0, v1, v0;
	vm0 =	vgt.s32 v5, $0x0  }
0x93: {  	v5 =	vld [tilespmem:s0+$0x5480];
	[tilespmem:s0+$0x14090] =	vst v3;
	v3 =	vsel vm0, v1, v0;
	vm0 =	vgt.s32 v6, $0x0  }
0x94: {  	v6 =	vld [tilespmem:s0+$0x5490];
	[tilespmem:s0+$0x140A0] =	vst v3;
	v3 =	vsel vm0, v1, v0;
	vm0 =	vgt.s32 v7, $0x0  }
0x95: {  	v7 =	vld [tilespmem:s0+$0x54A0];
	[tilespmem:s0+$0x140B0] =	vst v3;
	v3 =	vsel vm0, v1, v0;
	vm0 =	vgt.s32 v2, $0x0  }
0x96: {  	[tilespmem:s0+$0x140C0] =	vst v3;
	v2 =	vsel vm0, v1, v0;
	v3 =	vld [tilespmem:s0+$0x54B0];
	vm0 =	vgt.s32 v8, $0x0  }
0x97: {  	v8 =	vld [tilespmem:s0+$0x54C0];
	[tilespmem:s0+$0x140D0] =	vst v2;
	v2 =	vsel vm0, v1, v0;
	vm0 =	vgt.s32 v4, $0x0  }
0x98: {  	v4 =	vld [tilespmem:s0+$0x54D0];
	[tilespmem:s0+$0x140E0] =	vst v2;
	v2 =	vsel vm0, v1, v0;
	vm0 =	vgt.s32 v5, $0x0  }
0x99: {  	v5 =	vld [tilespmem:s0+$0x54E0];
	[tilespmem:s0+$0x140F0] =	vst v2;
	v2 =	vsel vm0, v1, v0;
	vm0 =	vgt.s32 v6, $0x0  }
0x9a: {  	v6 =	vld [tilespmem:s0+$0x54F0];
	[tilespmem:s0+$0x14480] =	vst v2;
	v2 =	vsel vm0, v1, v0;
	vm0 =	vgt.s32 v7, $0x0  }
0x9b: {  	v7 =	vld [tilespmem:s0+$0x5880];
	[tilespmem:s0+$0x14490] =	vst v2;
	v2 =	vsel vm0, v1, v0;
	vm0 =	vgt.s32 v3, $0x0  }
0x9c: {  	v3 =	vld [tilespmem:s0+$0x5890];
	[tilespmem:s0+$0x144A0] =	vst v2;
	v2 =	vsel vm0, v1, v0;
	vm0 =	vgt.s32 v8, $0x0  }
0x9d: {  	v8 =	vld [tilespmem:s0+$0x58A0];
	[tilespmem:s0+$0x144B0] =	vst v2;
	v2 =	vsel vm0, v1, v0;
	vm0 =	vgt.s32 v4, $0x0  }
0x9e: {  	v4 =	vld [tilespmem:s0+$0x58B0];
	[tilespmem:s0+$0x144C0] =	vst v2;
	v2 =	vsel vm0, v1, v0;
	vm0 =	vgt.s32 v5, $0x0  }
0x9f: {  	v9 =	vld [tilespmem:s0+$0x58C0];
	[tilespmem:s0+$0x144D0] =	vst v2;
	v2 =	vsel vm0, v1, v0;
	vm0 =	vgt.s32 v6, $0x0  }
0xa0: {  	v6 =	vld [tilespmem:s0+$0x58D0];
	[tilespmem:s0+$0x144E0] =	vst v2;
	v2 =	vsel vm0, v1, v0;
	vm0 =	vgt.s32 v7, $0x0  }
0xa1: {  	v7 =	vld [tilespmem:s0+$0x58E0];
	[tilespmem:s0+$0x144F0] =	vst v2;
	v2 =	vsel vm0, v1, v0;
	vm0 =	vgt.s32 v3, $0x0  }
0xa2: {  	v10 =	vld [tilespmem:s0+$0x58F0];
	[tilespmem:s0+$0x14880] =	vst v2;
	v2 =	vsel vm0, v1, v0;
	vm0 =	vgt.s32 v8, $0x0  }
0xa3: {  	v8 =	vld [tilespmem:s0+$0x5C80];
	[tilespmem:s0+$0x14890] =	vst v2;
	v2 =	vsel vm0, v1, v0;
	vm0 =	vgt.s32 v4, $0x0  }
0xa4: {  	v5 =	vld [tilespmem:s0+$0x5C90];
	[tilespmem:s0+$0x148A0] =	vst v2;
	v2 =	vsel vm0, v1, v0;
	vm0 =	vgt.s32 v9, $0x0  }
0xa5: {  	[tilespmem:s0+$0x148B0] =	vst v2;
	v3 =	vsel vm0, v1, v0;
	v2 =	vld [tilespmem:s0+$0x5CA0];
	vm0 =	vgt.s32 v6, $0x0  }
0xa6: {  	[tilespmem:s0+$0x148C0] =	vst v3;
	v4 =	vsel vm0, v1, v0;
	v3 =	vld [tilespmem:s0+$0x5CB0];
	vm0 =	vgt.s32 v7, $0x0  }
0xa7: {  	s26 =	simm.s32 $0x200;
	s2 =	simm.s32 $0x80;
	[tilespmem:s0+$0x148D0] =	vst v4;
	v6 =	vsel vm0, v1, v0;
	v4 =	vld [tilespmem:s0+$0x5CC0];
	vm0 =	vgt.s32 v10, $0x0  }
0xa8: {  	s20 =	sand.u32 $0x7000, s26;
	s26 =	sand.u32 $0x380, s2;
	s1 =	simm.s32 $0x400;
	[tilespmem:s0+$0x148E0] =	vst v6;
	v7 =	vsel vm0, v1, v0;
	vm0 =	vgt.s32 v8, $0x0;
	v6 =	vld [tilespmem:s0+$0x5CD0]  }
.LBB2_4:
0xa9: {  	p0 =	sne.s32 s1, $0x4E00;
	s20 =	sor.u32 s26, s20;
	[tilespmem:s0+$0x148F0] =	vst v7;
	v7 =	vsel vm0, v1, v0;
	vm0 =	vgt.s32 v5, $0x0;
	v5 =	vld [tilespmem:s0+$0x5CE0]  }
0xaa: {  	v8 =	vld [tilespmem:s20+$0x5CF0];
	[tilespmem:s0+$0x14C80] =	vst v7;
	v7 =	vsel vm0, v1, v0;
	vm0 =	vgt.s32 v2, $0x0  }
0xab: {  	v2 =	vld [tilespmem:s20+$0x5080];
	[tilespmem:s0+$0x14C90] =	vst v7;
	v7 =	vsel vm0, v1, v0;
	vm0 =	vgt.s32 v3, $0x0  }
0xac: {  	v3 =	vld [tilespmem:s20+$0x5090];
	[tilespmem:s0+$0x14CA0] =	vst v7;
	v7 =	vsel vm0, v1, v0;
	vm0 =	vgt.s32 v4, $0x0  }
0xad: {  	v4 =	vld [tilespmem:s20+$0x50A0];
	[tilespmem:s0+$0x14CB0] =	vst v7;
	v7 =	vsel vm0, v1, v0;
	vm0 =	vgt.s32 v6, $0x0  }
0xae: {  	v6 =	vld [tilespmem:s20+$0x50B0];
	[tilespmem:s0+$0x14CC0] =	vst v7;
	v7 =	vsel vm0, v1, v0;
	vm0 =	vgt.s32 v5, $0x0  }
0xaf: {  	v5 =	vld [tilespmem:s20+$0x50C0];
	vm1 =	vgt.s32 v8, $0x0;
	[tilespmem:s0+$0x14CD0] =	vst v7;
	v7 =	vsel vm0, v1, v0  }
0xb0: {  	vm0 =	vgt.s32 v2, $0x0;
	v2 =	vld [tilespmem:s20+$0x50D0];
	v8 =	vsel vm1, v1, v0;
	[tilespmem:s0+$0x14CE0] =	vst v7;
	s0 =	smov.u32 s20  }
0xb1: {  	v7 =	vsel vm0, v1, v0;
	vm0 =	vgt.s32 v3, $0x0;
	v3 =	vld [tilespmem:s0+$0x50E0];
	[tilespmem:s0+$0x14CF0] =	vst v8  }
0xb2: {  	[tilespmem:s0+$0x14080] =	vst v7;
	v7 =	vsel vm0, v1, v0;
	vm0 =	vgt.s32 v4, $0x0;
	v4 =	vld [tilespmem:s0+$0x50F0]  }
0xb3: {  	[tilespmem:s0+$0x14090] =	vst v7;
	v7 =	vsel vm0, v1, v0;
	vm0 =	vgt.s32 v6, $0x0;
	v6 =	vld [tilespmem:s0+$0x5480]  }
0xb4: {  	[tilespmem:s0+$0x140A0] =	vst v7;
	v7 =	vsel vm0, v1, v0;
	vm0 =	vgt.s32 v5, $0x0;
	v5 =	vld [tilespmem:s0+$0x5490]  }
0xb5: {  	[tilespmem:s0+$0x140B0] =	vst v7;
	v7 =	vsel vm0, v1, v0;
	vm0 =	vgt.s32 v2, $0x0;
	v2 =	vld [tilespmem:s0+$0x54A0]  }
0xb6: {  	[tilespmem:s0+$0x140C0] =	vst v7;
	v7 =	vsel vm0, v1, v0;
	vm0 =	vgt.s32 v3, $0x0;
	v3 =	vld [tilespmem:s0+$0x54B0]  }
0xb7: {  	[tilespmem:s0+$0x140D0] =	vst v7;
	v7 =	vsel vm0, v1, v0;
	vm0 =	vgt.s32 v4, $0x0;
	v4 =	vld [tilespmem:s0+$0x54C0]  }
0xb8: {  	[tilespmem:s0+$0x140E0] =	vst v7;
	v7 =	vsel vm0, v1, v0;
	vm0 =	vgt.s32 v6, $0x0;
	v6 =	vld [tilespmem:s0+$0x54D0]  }
0xb9: {  	[tilespmem:s0+$0x140F0] =	vst v7;
	v7 =	vsel vm0, v1, v0;
	vm0 =	vgt.s32 v5, $0x0;
	v5 =	vld [tilespmem:s0+$0x54E0]  }
0xba: {  	[tilespmem:s0+$0x14480] =	vst v7;
	v7 =	vsel vm0, v1, v0;
	vm0 =	vgt.s32 v2, $0x0;
	v2 =	vld [tilespmem:s0+$0x54F0]  }
0xbb: {  	[tilespmem:s0+$0x14490] =	vst v7;
	v7 =	vsel vm0, v1, v0;
	vm0 =	vgt.s32 v3, $0x0;
	v3 =	vld [tilespmem:s0+$0x5880]  }
0xbc: {  	[tilespmem:s0+$0x144A0] =	vst v7;
	v7 =	vsel vm0, v1, v0;
	vm0 =	vgt.s32 v4, $0x0;
	v4 =	vld [tilespmem:s0+$0x5890]  }
0xbd: {  	[tilespmem:s0+$0x144B0] =	vst v7;
	v7 =	vsel vm0, v1, v0;
	vm0 =	vgt.s32 v6, $0x0;
	v6 =	vld [tilespmem:s0+$0x58A0]  }
0xbe: {  	[tilespmem:s0+$0x144C0] =	vst v7;
	v7 =	vsel vm0, v1, v0;
	vm0 =	vgt.s32 v5, $0x0;
	v5 =	vld [tilespmem:s0+$0x58B0]  }
0xbf: {  	[tilespmem:s0+$0x144D0] =	vst v7;
	v7 =	vsel vm0, v1, v0;
	vm0 =	vgt.s32 v2, $0x0;
	v2 =	vld [tilespmem:s0+$0x58C0]  }
0xc0: {  	[tilespmem:s0+$0x144E0] =	vst v7;
	v7 =	vsel vm0, v1, v0;
	vm0 =	vgt.s32 v3, $0x0;
	v3 =	vld [tilespmem:s0+$0x58D0]  }
0xc1: {  	[tilespmem:s0+$0x144F0] =	vst v7;
	v7 =	vsel vm0, v1, v0;
	vm0 =	vgt.s32 v4, $0x0;
	v4 =	vld [tilespmem:s0+$0x58E0]  }
0xc2: {  	[tilespmem:s0+$0x14880] =	vst v7;
	v7 =	vsel vm0, v1, v0;
	vm0 =	vgt.s32 v6, $0x0;
	v6 =	vld [tilespmem:s0+$0x58F0]  }
0xc3: {  	[tilespmem:s0+$0x14890] =	vst v7;
	v7 =	vsel vm0, v1, v0;
	vm0 =	vgt.s32 v5, $0x0;
	v8 =	vld [tilespmem:s0+$0x5C80]  }
.Ltmp1:
0xc4: {  	[tilespmem:s0+$0x148A0] =	vst v7;
	v7 =	vsel vm0, v1, v0;
	vm0 =	vgt.s32 v2, $0x0;
	v5 =	vld [tilespmem:s0+$0x5C90];
	(pc) =	sbr.rel @p0 .LBB2_4-.Ltmp1, $4  }
0xc5: {  	[tilespmem:s0+$0x148B0] =	vst v7;
	v7 =	vsel vm0, v1, v0;
	vm0 =	vgt.s32 v3, $0x0;
	v2 =	vld [tilespmem:s0+$0x5CA0]  }
0xc6: {  	[tilespmem:s0+$0x148C0] =	vst v7;
	v7 =	vsel vm0, v1, v0;
	vm0 =	vgt.s32 v4, $0x0;
	v3 =	vld [tilespmem:s0+$0x5CB0]  }
0xc7: {  	s2 =	sadd.s32 $0x80, s2;
	[tilespmem:s0+$0x148D0] =	vst v7;
	v7 =	vsel vm0, v1, v0;
	vm0 =	vgt.s32 v6, $0x0;
	v4 =	vld [tilespmem:s0+$0x5CC0]  }
0xc8: {  	s26 =	sand.u32 $0x380, s2;
	s20 =	sand.u32 $0x7000, s1;
	s1 =	sadd.s32 $0x200, s1;
	[tilespmem:s0+$0x148E0] =	vst v7;
	v7 =	vsel vm0, v1, v0;
	vm0 =	vgt.s32 v8, $0x0;
	v6 =	vld [tilespmem:s0+$0x5CD0]  }
0xc9: {  	[tilespmem:s0+$0x148F0] =	vst v7;
	s1 =	sor.u32 s26, s20;
	v7 =	vsel vm0, v1, v0;
	vm0 =	vgt.s32 v5, $0x0;
	v5 =	vld [tilespmem:s0+$0x5CE0]  }
0xca: {  	v8 =	vld [tilespmem:s1+$0x5CF0];
	[tilespmem:s0+$0x14C80] =	vst v7;
	v7 =	vsel vm0, v1, v0;
	vm0 =	vgt.s32 v2, $0x0  }
0xcb: {  	v2 =	vld [tilespmem:s1+$0x5080];
	[tilespmem:s0+$0x14C90] =	vst v7;
	v7 =	vsel vm0, v1, v0;
	vm0 =	vgt.s32 v3, $0x0  }
0xcc: {  	v3 =	vld [tilespmem:s1+$0x5090];
	[tilespmem:s0+$0x14CA0] =	vst v7;
	v7 =	vsel vm0, v1, v0;
	vm0 =	vgt.s32 v4, $0x0  }
0xcd: {  	v4 =	vld [tilespmem:s1+$0x50A0];
	[tilespmem:s0+$0x14CB0] =	vst v7;
	v7 =	vsel vm0, v1, v0;
	vm0 =	vgt.s32 v6, $0x0  }
0xce: {  	v6 =	vld [tilespmem:s1+$0x50B0];
	[tilespmem:s0+$0x14CC0] =	vst v7;
	v7 =	vsel vm0, v1, v0;
	vm0 =	vgt.s32 v5, $0x0  }
0xcf: {  	v5 =	vld [tilespmem:s1+$0x50C0];
	vm1 =	vgt.s32 v8, $0x0;
	[tilespmem:s0+$0x14CD0] =	vst v7;
	v7 =	vsel vm0, v1, v0  }
0xd0: {  	vm0 =	vgt.s32 v2, $0x0;
	v2 =	vld [tilespmem:s1+$0x50D0];
	v8 =	vsel vm1, v1, v0;
	[tilespmem:s0+$0x14CE0] =	vst v7  }
0xd1: {  	v7 =	vsel vm0, v1, v0;
	vm0 =	vgt.s32 v3, $0x0;
	v3 =	vld [tilespmem:s1+$0x50E0];
	[tilespmem:s1+$0x14CF0] =	vst v8  }
0xd2: {  	[tilespmem:s1+$0x14080] =	vst v7;
	v7 =	vsel vm0, v1, v0;
	vm0 =	vgt.s32 v4, $0x0;
	v4 =	vld [tilespmem:s1+$0x50F0]  }
0xd3: {  	[tilespmem:s1+$0x14090] =	vst v7;
	v7 =	vsel vm0, v1, v0;
	vm0 =	vgt.s32 v6, $0x0;
	v6 =	vld [tilespmem:s1+$0x5480]  }
0xd4: {  	[tilespmem:s1+$0x140A0] =	vst v7;
	v7 =	vsel vm0, v1, v0;
	vm0 =	vgt.s32 v5, $0x0;
	v5 =	vld [tilespmem:s1+$0x5490]  }
0xd5: {  	[tilespmem:s1+$0x140B0] =	vst v7;
	v7 =	vsel vm0, v1, v0;
	vm0 =	vgt.s32 v2, $0x0;
	v2 =	vld [tilespmem:s1+$0x54A0]  }
0xd6: {  	[tilespmem:s1+$0x140C0] =	vst v7;
	v7 =	vsel vm0, v1, v0;
	vm0 =	vgt.s32 v3, $0x0;
	v3 =	vld [tilespmem:s1+$0x54B0]  }
0xd7: {  	[tilespmem:s1+$0x140D0] =	vst v7;
	v7 =	vsel vm0, v1, v0;
	vm0 =	vgt.s32 v4, $0x0;
	v4 =	vld [tilespmem:s1+$0x54C0]  }
0xd8: {  	[tilespmem:s1+$0x140E0] =	vst v7;
	v7 =	vsel vm0, v1, v0;
	vm0 =	vgt.s32 v6, $0x0;
	v6 =	vld [tilespmem:s1+$0x54D0]  }
0xd9: {  	[tilespmem:s1+$0x140F0] =	vst v7;
	v7 =	vsel vm0, v1, v0;
	vm0 =	vgt.s32 v5, $0x0;
	v5 =	vld [tilespmem:s1+$0x54E0]  }
0xda: {  	[tilespmem:s1+$0x14480] =	vst v7;
	v7 =	vsel vm0, v1, v0;
	vm0 =	vgt.s32 v2, $0x0;
	v2 =	vld [tilespmem:s1+$0x54F0]  }
0xdb: {  	[tilespmem:s1+$0x14490] =	vst v7;
	v7 =	vsel vm0, v1, v0;
	vm0 =	vgt.s32 v3, $0x0;
	v3 =	vld [tilespmem:s1+$0x5880]  }
0xdc: {  	[tilespmem:s1+$0x144A0] =	vst v7;
	v7 =	vsel vm0, v1, v0;
	vm0 =	vgt.s32 v4, $0x0;
	v4 =	vld [tilespmem:s1+$0x5890]  }
0xdd: {  	[tilespmem:s1+$0x144B0] =	vst v7;
	v7 =	vsel vm0, v1, v0;
	vm0 =	vgt.s32 v6, $0x0;
	v6 =	vld [tilespmem:s1+$0x58A0]  }
0xde: {  	[tilespmem:s1+$0x144C0] =	vst v7;
	v7 =	vsel vm0, v1, v0;
	vm0 =	vgt.s32 v5, $0x0;
	v5 =	vld [tilespmem:s1+$0x58B0]  }
0xdf: {  	[tilespmem:s1+$0x144D0] =	vst v7;
	v7 =	vsel vm0, v1, v0;
	vm0 =	vgt.s32 v2, $0x0;
	v2 =	vld [tilespmem:s1+$0x58C0]  }
0xe0: {  	[tilespmem:s1+$0x144E0] =	vst v7;
	v7 =	vsel vm0, v1, v0;
	vm0 =	vgt.s32 v3, $0x0;
	v3 =	vld [tilespmem:s1+$0x58D0]  }
0xe1: {  	[tilespmem:s1+$0x144F0] =	vst v7;
	v7 =	vsel vm0, v1, v0;
	vm0 =	vgt.s32 v4, $0x0;
	v4 =	vld [tilespmem:s1+$0x58E0]  }
0xe2: {  	[tilespmem:s1+$0x14880] =	vst v7;
	v7 =	vsel vm0, v1, v0;
	vm0 =	vgt.s32 v6, $0x0;
	v6 =	vld [tilespmem:s1+$0x58F0]  }
0xe3: {  	[tilespmem:s1+$0x14890] =	vst v7;
	v7 =	vsel vm0, v1, v0;
	vm0 =	vgt.s32 v5, $0x0;
	v5 =	vld [tilespmem:s1+$0x5C80]  }
0xe4: {  	[tilespmem:s1+$0x148A0] =	vst v7;
	v7 =	vsel vm0, v1, v0;
	vm0 =	vgt.s32 v2, $0x0;
	v2 =	vld [tilespmem:s1+$0x5C90]  }
0xe5: {  	[tilespmem:s1+$0x148B0] =	vst v7;
	v7 =	vsel vm0, v1, v0;
	vm0 =	vgt.s32 v3, $0x0;
	v3 =	vld [tilespmem:s1+$0x5CA0]  }
0xe6: {  	[tilespmem:s1+$0x148C0] =	vst v7;
	v7 =	vsel vm0, v1, v0;
	vm0 =	vgt.s32 v4, $0x0;
	v4 =	vld [tilespmem:s1+$0x5CB0]  }
0xe7: {  	[tilespmem:s1+$0x148D0] =	vst v7;
	v7 =	vsel vm0, v1, v0;
	vm0 =	vgt.s32 v6, $0x0;
	v6 =	vld [tilespmem:s1+$0x5CC0]  }
0xe8: {  	[tilespmem:s1+$0x148E0] =	vst v7;
	v7 =	vsel vm0, v1, v0;
	vm0 =	vgt.s32 v5, $0x0;
	v5 =	vld [tilespmem:s1+$0x5CD0]  }
0xe9: {  	[tilespmem:s1+$0x148F0] =	vst v7;
	v7 =	vsel vm0, v1, v0;
	vm0 =	vgt.s32 v2, $0x0;
	v2 =	vld [tilespmem:s1+$0x5CE0]  }
0xea: {  	[tilespmem:s1+$0x14C80] =	vst v7;
	v7 =	vsel vm0, v1, v0;
	vm0 =	vgt.s32 v3, $0x0  }
0xeb: {  	[tilespmem:s1+$0x14C90] =	vst v7;
	v3 =	vsel vm0, v1, v0;
	vm0 =	vgt.s32 v4, $0x0  }
0xec: {  	[tilespmem:s1+$0x14CA0] =	vst v3;
	v3 =	vsel vm0, v1, v0;
	vm0 =	vgt.s32 v6, $0x0  }
0xed: {  	[tilespmem:s1+$0x14CB0] =	vst v3;
	v3 =	vsel vm0, v1, v0;
	vm0 =	vgt.s32 v5, $0x0  }
0xee: {  	[tilespmem:s1+$0x14CC0] =	vst v3;
	v3 =	vsel vm0, v1, v0;
	vm0 =	vgt.s32 v2, $0x0  }
0xef: {  	[tilespmem:s1+$0x14CD0] =	vst v3;
	v2 =	vsel vm0, v1, v0  }
0xf0: {  	[tilespmem:s1+$0x14CE0] =	vst v2  }
0xf1: {  	[hbm4b:s9+s16] =	stream.strided.scatter [tilespmem:s24], [sflag:$0x5], $0x5000, s17, s16, $0x38;
	[tilespmem:$0x1E080] =	vst v63  }
0xf2: {  	_ = 	snop  }
0xf3: {  	[tilespmem:s19], [sflag:$0x2] =	stream.strided.gather [hbm4b:s10+s16], $0x5000, s17, s16, $0x38;
	[tilespmem:$0x1E080] =	vst v63  }
0xf4: {  	s2 =	simm.s32 $0x0;
	_ =	swait.ge [sflag:s25], $0x5000  }
0xf5: {  	s20 =	sand.u32 $0x7000, s2;
	s0 =	sand.u32 $0x380, s2;
	[sflag:s25] =	ssyncset.done $0x0  }
0xf6: {  	s0 =	sor.u32 s0, s20;
	[sflag:s25] =	ssyncadd.s32 $0xFFFFB000  }
0xf7: {  	v2 =	vld [tilespmem:s0+$0xACF0]  }
0xf8: {  	v3 =	vld [tilespmem:s0+$0xA080]  }
0xf9: {  	v4 =	vld [tilespmem:s0+$0xA090]  }
0xfa: {  	v5 =	vld [tilespmem:s0+$0xA0A0]  }
0xfb: {  	v6 =	vld [tilespmem:s0+$0xA0B0]  }
0xfc: {  	v7 =	vld [tilespmem:s0+$0xA0C0];
	vm0 =	vgt.s32 v2, $0x0  }
0xfd: {  	v2 =	vld [tilespmem:s0+$0xA0D0];
	vm1 =	vgt.s32 v3, $0x0;
	v3 =	vsel vm0, v1, v0  }
0xfe: {  	v8 =	vld [tilespmem:s0+$0xA0E0];
	vm0 =	vgt.s32 v4, $0x0;
	[tilespmem:s0+$0x19CF0] =	vst v3;
	v3 =	vsel vm1, v1, v0  }
0xff: {  	v4 =	vld [tilespmem:s0+$0xA0F0];
	[tilespmem:s0+$0x19080] =	vst v3;
	v3 =	vsel vm0, v1, v0;
	vm0 =	vgt.s32 v5, $0x0  }
0x100: {  	v5 =	vld [tilespmem:s0+$0xA480];
	[tilespmem:s0+$0x19090] =	vst v3;
	v3 =	vsel vm0, v1, v0;
	vm0 =	vgt.s32 v6, $0x0  }
0x101: {  	v6 =	vld [tilespmem:s0+$0xA490];
	[tilespmem:s0+$0x190A0] =	vst v3;
	v3 =	vsel vm0, v1, v0;
	vm0 =	vgt.s32 v7, $0x0  }
0x102: {  	v7 =	vld [tilespmem:s0+$0xA4A0];
	[tilespmem:s0+$0x190B0] =	vst v3;
	v3 =	vsel vm0, v1, v0;
	vm0 =	vgt.s32 v2, $0x0  }
0x103: {  	[tilespmem:s0+$0x190C0] =	vst v3;
	v2 =	vsel vm0, v1, v0;
	v3 =	vld [tilespmem:s0+$0xA4B0];
	vm0 =	vgt.s32 v8, $0x0  }
0x104: {  	v8 =	vld [tilespmem:s0+$0xA4C0];
	[tilespmem:s0+$0x190D0] =	vst v2;
	v2 =	vsel vm0, v1, v0;
	vm0 =	vgt.s32 v4, $0x0  }
0x105: {  	v4 =	vld [tilespmem:s0+$0xA4D0];
	[tilespmem:s0+$0x190E0] =	vst v2;
	v2 =	vsel vm0, v1, v0;
	vm0 =	vgt.s32 v5, $0x0  }
0x106: {  	v5 =	vld [tilespmem:s0+$0xA4E0];
	[tilespmem:s0+$0x190F0] =	vst v2;
	v2 =	vsel vm0, v1, v0;
	vm0 =	vgt.s32 v6, $0x0  }
0x107: {  	v6 =	vld [tilespmem:s0+$0xA4F0];
	[tilespmem:s0+$0x19480] =	vst v2;
	v2 =	vsel vm0, v1, v0;
	vm0 =	vgt.s32 v7, $0x0  }
0x108: {  	v7 =	vld [tilespmem:s0+$0xA880];
	[tilespmem:s0+$0x19490] =	vst v2;
	v2 =	vsel vm0, v1, v0;
	vm0 =	vgt.s32 v3, $0x0  }
0x109: {  	v3 =	vld [tilespmem:s0+$0xA890];
	[tilespmem:s0+$0x194A0] =	vst v2;
	v2 =	vsel vm0, v1, v0;
	vm0 =	vgt.s32 v8, $0x0  }
0x10a: {  	v8 =	vld [tilespmem:s0+$0xA8A0];
	[tilespmem:s0+$0x194B0] =	vst v2;
	v2 =	vsel vm0, v1, v0;
	vm0 =	vgt.s32 v4, $0x0  }
0x10b: {  	v4 =	vld [tilespmem:s0+$0xA8B0];
	[tilespmem:s0+$0x194C0] =	vst v2;
	v2 =	vsel vm0, v1, v0;
	vm0 =	vgt.s32 v5, $0x0  }
0x10c: {  	v9 =	vld [tilespmem:s0+$0xA8C0];
	[tilespmem:s0+$0x194D0] =	vst v2;
	v2 =	vsel vm0, v1, v0;
	vm0 =	vgt.s32 v6, $0x0  }
0x10d: {  	v6 =	vld [tilespmem:s0+$0xA8D0];
	[tilespmem:s0+$0x194E0] =	vst v2;
	v2 =	vsel vm0, v1, v0;
	vm0 =	vgt.s32 v7, $0x0  }
0x10e: {  	v7 =	vld [tilespmem:s0+$0xA8E0];
	[tilespmem:s0+$0x194F0] =	vst v2;
	v2 =	vsel vm0, v1, v0;
	vm0 =	vgt.s32 v3, $0x0  }
0x10f: {  	v10 =	vld [tilespmem:s0+$0xA8F0];
	[tilespmem:s0+$0x19880] =	vst v2;
	v2 =	vsel vm0, v1, v0;
	vm0 =	vgt.s32 v8, $0x0  }
0x110: {  	v8 =	vld [tilespmem:s0+$0xAC80];
	[tilespmem:s0+$0x19890] =	vst v2;
	v2 =	vsel vm0, v1, v0;
	vm0 =	vgt.s32 v4, $0x0  }
0x111: {  	v5 =	vld [tilespmem:s0+$0xAC90];
	[tilespmem:s0+$0x198A0] =	vst v2;
	v2 =	vsel vm0, v1, v0;
	vm0 =	vgt.s32 v9, $0x0  }
0x112: {  	[tilespmem:s0+$0x198B0] =	vst v2;
	v3 =	vsel vm0, v1, v0;
	v2 =	vld [tilespmem:s0+$0xACA0];
	vm0 =	vgt.s32 v6, $0x0  }
0x113: {  	[tilespmem:s0+$0x198C0] =	vst v3;
	v4 =	vsel vm0, v1, v0;
	v3 =	vld [tilespmem:s0+$0xACB0];
	vm0 =	vgt.s32 v7, $0x0  }
0x114: {  	s26 =	simm.s32 $0x200;
	s2 =	simm.s32 $0x80;
	[tilespmem:s0+$0x198D0] =	vst v4;
	v6 =	vsel vm0, v1, v0;
	v4 =	vld [tilespmem:s0+$0xACC0];
	vm0 =	vgt.s32 v10, $0x0  }
0x115: {  	s20 =	sand.u32 $0x7000, s26;
	s26 =	sand.u32 $0x380, s2;
	s1 =	simm.s32 $0x400;
	[tilespmem:s0+$0x198E0] =	vst v6;
	v7 =	vsel vm0, v1, v0;
	vm0 =	vgt.s32 v8, $0x0;
	v6 =	vld [tilespmem:s0+$0xACD0]  }
.LBB2_6:
0x116: {  	p0 =	sne.s32 s1, $0x4E00;
	s20 =	sor.u32 s26, s20;
	[tilespmem:s0+$0x198F0] =	vst v7;
	v7 =	vsel vm0, v1, v0;
	vm0 =	vgt.s32 v5, $0x0;
	v5 =	vld [tilespmem:s0+$0xACE0]  }
0x117: {  	v8 =	vld [tilespmem:s20+$0xACF0];
	[tilespmem:s0+$0x19C80] =	vst v7;
	v7 =	vsel vm0, v1, v0;
	vm0 =	vgt.s32 v2, $0x0  }
0x118: {  	v2 =	vld [tilespmem:s20+$0xA080];
	[tilespmem:s0+$0x19C90] =	vst v7;
	v7 =	vsel vm0, v1, v0;
	vm0 =	vgt.s32 v3, $0x0  }
0x119: {  	v3 =	vld [tilespmem:s20+$0xA090];
	[tilespmem:s0+$0x19CA0] =	vst v7;
	v7 =	vsel vm0, v1, v0;
	vm0 =	vgt.s32 v4, $0x0  }
0x11a: {  	v4 =	vld [tilespmem:s20+$0xA0A0];
	[tilespmem:s0+$0x19CB0] =	vst v7;
	v7 =	vsel vm0, v1, v0;
	vm0 =	vgt.s32 v6, $0x0  }
0x11b: {  	v6 =	vld [tilespmem:s20+$0xA0B0];
	[tilespmem:s0+$0x19CC0] =	vst v7;
	v7 =	vsel vm0, v1, v0;
	vm0 =	vgt.s32 v5, $0x0  }
0x11c: {  	v5 =	vld [tilespmem:s20+$0xA0C0];
	vm1 =	vgt.s32 v8, $0x0;
	[tilespmem:s0+$0x19CD0] =	vst v7;
	v7 =	vsel vm0, v1, v0  }
0x11d: {  	vm0 =	vgt.s32 v2, $0x0;
	v2 =	vld [tilespmem:s20+$0xA0D0];
	v8 =	vsel vm1, v1, v0;
	[tilespmem:s0+$0x19CE0] =	vst v7;
	s0 =	smov.u32 s20  }
0x11e: {  	v7 =	vsel vm0, v1, v0;
	vm0 =	vgt.s32 v3, $0x0;
	v3 =	vld [tilespmem:s0+$0xA0E0];
	[tilespmem:s0+$0x19CF0] =	vst v8  }
0x11f: {  	[tilespmem:s0+$0x19080] =	vst v7;
	v7 =	vsel vm0, v1, v0;
	vm0 =	vgt.s32 v4, $0x0;
	v4 =	vld [tilespmem:s0+$0xA0F0]  }
0x120: {  	[tilespmem:s0+$0x19090] =	vst v7;
	v7 =	vsel vm0, v1, v0;
	vm0 =	vgt.s32 v6, $0x0;
	v6 =	vld [tilespmem:s0+$0xA480]  }
0x121: {  	[tilespmem:s0+$0x190A0] =	vst v7;
	v7 =	vsel vm0, v1, v0;
	vm0 =	vgt.s32 v5, $0x0;
	v5 =	vld [tilespmem:s0+$0xA490]  }
0x122: {  	[tilespmem:s0+$0x190B0] =	vst v7;
	v7 =	vsel vm0, v1, v0;
	vm0 =	vgt.s32 v2, $0x0;
	v2 =	vld [tilespmem:s0+$0xA4A0]  }
0x123: {  	[tilespmem:s0+$0x190C0] =	vst v7;
	v7 =	vsel vm0, v1, v0;
	vm0 =	vgt.s32 v3, $0x0;
	v3 =	vld [tilespmem:s0+$0xA4B0]  }
0x124: {  	[tilespmem:s0+$0x190D0] =	vst v7;
	v7 =	vsel vm0, v1, v0;
	vm0 =	vgt.s32 v4, $0x0;
	v4 =	vld [tilespmem:s0+$0xA4C0]  }
0x125: {  	[tilespmem:s0+$0x190E0] =	vst v7;
	v7 =	vsel vm0, v1, v0;
	vm0 =	vgt.s32 v6, $0x0;
	v6 =	vld [tilespmem:s0+$0xA4D0]  }
0x126: {  	[tilespmem:s0+$0x190F0] =	vst v7;
	v7 =	vsel vm0, v1, v0;
	vm0 =	vgt.s32 v5, $0x0;
	v5 =	vld [tilespmem:s0+$0xA4E0]  }
0x127: {  	[tilespmem:s0+$0x19480] =	vst v7;
	v7 =	vsel vm0, v1, v0;
	vm0 =	vgt.s32 v2, $0x0;
	v2 =	vld [tilespmem:s0+$0xA4F0]  }
0x128: {  	[tilespmem:s0+$0x19490] =	vst v7;
	v7 =	vsel vm0, v1, v0;
	vm0 =	vgt.s32 v3, $0x0;
	v3 =	vld [tilespmem:s0+$0xA880]  }
0x129: {  	[tilespmem:s0+$0x194A0] =	vst v7;
	v7 =	vsel vm0, v1, v0;
	vm0 =	vgt.s32 v4, $0x0;
	v4 =	vld [tilespmem:s0+$0xA890]  }
0x12a: {  	[tilespmem:s0+$0x194B0] =	vst v7;
	v7 =	vsel vm0, v1, v0;
	vm0 =	vgt.s32 v6, $0x0;
	v6 =	vld [tilespmem:s0+$0xA8A0]  }
0x12b: {  	[tilespmem:s0+$0x194C0] =	vst v7;
	v7 =	vsel vm0, v1, v0;
	vm0 =	vgt.s32 v5, $0x0;
	v5 =	vld [tilespmem:s0+$0xA8B0]  }
0x12c: {  	[tilespmem:s0+$0x194D0] =	vst v7;
	v7 =	vsel vm0, v1, v0;
	vm0 =	vgt.s32 v2, $0x0;
	v2 =	vld [tilespmem:s0+$0xA8C0]  }
0x12d: {  	[tilespmem:s0+$0x194E0] =	vst v7;
	v7 =	vsel vm0, v1, v0;
	vm0 =	vgt.s32 v3, $0x0;
	v3 =	vld [tilespmem:s0+$0xA8D0]  }
0x12e: {  	[tilespmem:s0+$0x194F0] =	vst v7;
	v7 =	vsel vm0, v1, v0;
	vm0 =	vgt.s32 v4, $0x0;
	v4 =	vld [tilespmem:s0+$0xA8E0]  }
0x12f: {  	[tilespmem:s0+$0x19880] =	vst v7;
	v7 =	vsel vm0, v1, v0;
	vm0 =	vgt.s32 v6, $0x0;
	v6 =	vld [tilespmem:s0+$0xA8F0]  }
0x130: {  	[tilespmem:s0+$0x19890] =	vst v7;
	v7 =	vsel vm0, v1, v0;
	vm0 =	vgt.s32 v5, $0x0;
	v8 =	vld [tilespmem:s0+$0xAC80]  }
.Ltmp2:
0x131: {  	[tilespmem:s0+$0x198A0] =	vst v7;
	v7 =	vsel vm0, v1, v0;
	vm0 =	vgt.s32 v2, $0x0;
	v5 =	vld [tilespmem:s0+$0xAC90];
	(pc) =	sbr.rel @p0 .LBB2_6-.Ltmp2, $4  }
0x132: {  	[tilespmem:s0+$0x198B0] =	vst v7;
	v7 =	vsel vm0, v1, v0;
	vm0 =	vgt.s32 v3, $0x0;
	v2 =	vld [tilespmem:s0+$0xACA0]  }
0x133: {  	[tilespmem:s0+$0x198C0] =	vst v7;
	v7 =	vsel vm0, v1, v0;
	vm0 =	vgt.s32 v4, $0x0;
	v3 =	vld [tilespmem:s0+$0xACB0]  }
0x134: {  	s2 =	sadd.s32 $0x80, s2;
	[tilespmem:s0+$0x198D0] =	vst v7;
	v7 =	vsel vm0, v1, v0;
	vm0 =	vgt.s32 v6, $0x0;
	v4 =	vld [tilespmem:s0+$0xACC0]  }
0x135: {  	s26 =	sand.u32 $0x380, s2;
	s20 =	sand.u32 $0x7000, s1;
	s1 =	sadd.s32 $0x200, s1;
	[tilespmem:s0+$0x198E0] =	vst v7;
	v7 =	vsel vm0, v1, v0;
	vm0 =	vgt.s32 v8, $0x0;
	v6 =	vld [tilespmem:s0+$0xACD0]  }
0x136: {  	[tilespmem:s0+$0x198F0] =	vst v7;
	s1 =	sor.u32 s26, s20;
	v7 =	vsel vm0, v1, v0;
	vm0 =	vgt.s32 v5, $0x0;
	v5 =	vld [tilespmem:s0+$0xACE0]  }
0x137: {  	v8 =	vld [tilespmem:s1+$0xACF0];
	[tilespmem:s0+$0x19C80] =	vst v7;
	v7 =	vsel vm0, v1, v0;
	vm0 =	vgt.s32 v2, $0x0  }
0x138: {  	v2 =	vld [tilespmem:s1+$0xA080];
	[tilespmem:s0+$0x19C90] =	vst v7;
	v7 =	vsel vm0, v1, v0;
	vm0 =	vgt.s32 v3, $0x0  }
0x139: {  	v3 =	vld [tilespmem:s1+$0xA090];
	[tilespmem:s0+$0x19CA0] =	vst v7;
	v7 =	vsel vm0, v1, v0;
	vm0 =	vgt.s32 v4, $0x0  }
0x13a: {  	v4 =	vld [tilespmem:s1+$0xA0A0];
	[tilespmem:s0+$0x19CB0] =	vst v7;
	v7 =	vsel vm0, v1, v0;
	vm0 =	vgt.s32 v6, $0x0  }
0x13b: {  	v6 =	vld [tilespmem:s1+$0xA0B0];
	[tilespmem:s0+$0x19CC0] =	vst v7;
	v7 =	vsel vm0, v1, v0;
	vm0 =	vgt.s32 v5, $0x0  }
0x13c: {  	v5 =	vld [tilespmem:s1+$0xA0C0];
	vm1 =	vgt.s32 v8, $0x0;
	[tilespmem:s0+$0x19CD0] =	vst v7;
	v7 =	vsel vm0, v1, v0  }
0x13d: {  	vm0 =	vgt.s32 v2, $0x0;
	v2 =	vld [tilespmem:s1+$0xA0D0];
	v8 =	vsel vm1, v1, v0;
	[tilespmem:s0+$0x19CE0] =	vst v7  }
0x13e: {  	v7 =	vsel vm0, v1, v0;
	vm0 =	vgt.s32 v3, $0x0;
	v3 =	vld [tilespmem:s1+$0xA0E0];
	[tilespmem:s1+$0x19CF0] =	vst v8  }
0x13f: {  	[tilespmem:s1+$0x19080] =	vst v7;
	v7 =	vsel vm0, v1, v0;
	vm0 =	vgt.s32 v4, $0x0;
	v4 =	vld [tilespmem:s1+$0xA0F0]  }
0x140: {  	[tilespmem:s1+$0x19090] =	vst v7;
	v7 =	vsel vm0, v1, v0;
	vm0 =	vgt.s32 v6, $0x0;
	v6 =	vld [tilespmem:s1+$0xA480]  }
0x141: {  	[tilespmem:s1+$0x190A0] =	vst v7;
	v7 =	vsel vm0, v1, v0;
	vm0 =	vgt.s32 v5, $0x0;
	v5 =	vld [tilespmem:s1+$0xA490]  }
0x142: {  	[tilespmem:s1+$0x190B0] =	vst v7;
	v7 =	vsel vm0, v1, v0;
	vm0 =	vgt.s32 v2, $0x0;
	v2 =	vld [tilespmem:s1+$0xA4A0]  }
0x143: {  	[tilespmem:s1+$0x190C0] =	vst v7;
	v7 =	vsel vm0, v1, v0;
	vm0 =	vgt.s32 v3, $0x0;
	v3 =	vld [tilespmem:s1+$0xA4B0]  }
0x144: {  	[tilespmem:s1+$0x190D0] =	vst v7;
	v7 =	vsel vm0, v1, v0;
	vm0 =	vgt.s32 v4, $0x0;
	v4 =	vld [tilespmem:s1+$0xA4C0]  }
0x145: {  	[tilespmem:s1+$0x190E0] =	vst v7;
	v7 =	vsel vm0, v1, v0;
	vm0 =	vgt.s32 v6, $0x0;
	v6 =	vld [tilespmem:s1+$0xA4D0]  }
0x146: {  	[tilespmem:s1+$0x190F0] =	vst v7;
	v7 =	vsel vm0, v1, v0;
	vm0 =	vgt.s32 v5, $0x0;
	v5 =	vld [tilespmem:s1+$0xA4E0]  }
0x147: {  	[tilespmem:s1+$0x19480] =	vst v7;
	v7 =	vsel vm0, v1, v0;
	vm0 =	vgt.s32 v2, $0x0;
	v2 =	vld [tilespmem:s1+$0xA4F0]  }
0x148: {  	[tilespmem:s1+$0x19490] =	vst v7;
	v7 =	vsel vm0, v1, v0;
	vm0 =	vgt.s32 v3, $0x0;
	v3 =	vld [tilespmem:s1+$0xA880]  }
0x149: {  	[tilespmem:s1+$0x194A0] =	vst v7;
	v7 =	vsel vm0, v1, v0;
	vm0 =	vgt.s32 v4, $0x0;
	v4 =	vld [tilespmem:s1+$0xA890]  }
0x14a: {  	[tilespmem:s1+$0x194B0] =	vst v7;
	v7 =	vsel vm0, v1, v0;
	vm0 =	vgt.s32 v6, $0x0;
	v6 =	vld [tilespmem:s1+$0xA8A0]  }
0x14b: {  	[tilespmem:s1+$0x194C0] =	vst v7;
	v7 =	vsel vm0, v1, v0;
	vm0 =	vgt.s32 v5, $0x0;
	v5 =	vld [tilespmem:s1+$0xA8B0]  }
0x14c: {  	[tilespmem:s1+$0x194D0] =	vst v7;
	v7 =	vsel vm0, v1, v0;
	vm0 =	vgt.s32 v2, $0x0;
	v2 =	vld [tilespmem:s1+$0xA8C0]  }
0x14d: {  	[tilespmem:s1+$0x194E0] =	vst v7;
	v7 =	vsel vm0, v1, v0;
	vm0 =	vgt.s32 v3, $0x0;
	v3 =	vld [tilespmem:s1+$0xA8D0]  }
0x14e: {  	[tilespmem:s1+$0x194F0] =	vst v7;
	v7 =	vsel vm0, v1, v0;
	vm0 =	vgt.s32 v4, $0x0;
	v4 =	vld [tilespmem:s1+$0xA8E0]  }
0x14f: {  	[tilespmem:s1+$0x19880] =	vst v7;
	v7 =	vsel vm0, v1, v0;
	vm0 =	vgt.s32 v6, $0x0;
	v6 =	vld [tilespmem:s1+$0xA8F0]  }
0x150: {  	[tilespmem:s1+$0x19890] =	vst v7;
	v7 =	vsel vm0, v1, v0;
	vm0 =	vgt.s32 v5, $0x0;
	v5 =	vld [tilespmem:s1+$0xAC80]  }
0x151: {  	[tilespmem:s1+$0x198A0] =	vst v7;
	v7 =	vsel vm0, v1, v0;
	vm0 =	vgt.s32 v2, $0x0;
	v2 =	vld [tilespmem:s1+$0xAC90]  }
0x152: {  	[tilespmem:s1+$0x198B0] =	vst v7;
	v7 =	vsel vm0, v1, v0;
	vm0 =	vgt.s32 v3, $0x0;
	v3 =	vld [tilespmem:s1+$0xACA0]  }
0x153: {  	[tilespmem:s1+$0x198C0] =	vst v7;
	v7 =	vsel vm0, v1, v0;
	vm0 =	vgt.s32 v4, $0x0;
	v4 =	vld [tilespmem:s1+$0xACB0]  }
0x154: {  	[tilespmem:s1+$0x198D0] =	vst v7;
	v7 =	vsel vm0, v1, v0;
	vm0 =	vgt.s32 v6, $0x0;
	v6 =	vld [tilespmem:s1+$0xACC0]  }
0x155: {  	[tilespmem:s1+$0x198E0] =	vst v7;
	v7 =	vsel vm0, v1, v0;
	vm0 =	vgt.s32 v5, $0x0;
	v5 =	vld [tilespmem:s1+$0xACD0]  }
0x156: {  	[tilespmem:s1+$0x198F0] =	vst v7;
	v7 =	vsel vm0, v1, v0;
	vm0 =	vgt.s32 v2, $0x0;
	v2 =	vld [tilespmem:s1+$0xACE0]  }
0x157: {  	[tilespmem:s1+$0x19C80] =	vst v7;
	v7 =	vsel vm0, v1, v0;
	vm0 =	vgt.s32 v3, $0x0  }
0x158: {  	[tilespmem:s1+$0x19C90] =	vst v7;
	v3 =	vsel vm0, v1, v0;
	vm0 =	vgt.s32 v4, $0x0  }
0x159: {  	[tilespmem:s1+$0x19CA0] =	vst v3;
	v3 =	vsel vm0, v1, v0;
	vm0 =	vgt.s32 v6, $0x0  }
0x15a: {  	[tilespmem:s1+$0x19CB0] =	vst v3;
	v3 =	vsel vm0, v1, v0;
	vm0 =	vgt.s32 v5, $0x0  }
0x15b: {  	[tilespmem:s1+$0x19CC0] =	vst v3;
	v3 =	vsel vm0, v1, v0;
	vm0 =	vgt.s32 v2, $0x0  }
0x15c: {  	[tilespmem:s1+$0x19CD0] =	vst v3;
	v2 =	vsel vm0, v1, v0  }
0x15d: {  	[tilespmem:s1+$0x19CE0] =	vst v2;
	s1 =	simm.s32 $0x19080  }
0x15e: {  	[hbm4b:s11+s16] =	stream.strided.scatter [tilespmem:s1], [sflag:$0x6], $0x5000, s17, s16, $0x38;
	[tilespmem:$0x1E080] =	vst v63  }
0x15f: {  	_ =	swait.ge [sflag:s21], $0x5000  }
0x160: {  	[sflag:s21] =	ssyncset.done $0x0  }
0x161: {  	[sflag:s21] =	ssyncadd.s32 $0xFFFFB000  }
0x162: {  	s2 =	simm.s32 $0x0;
	_ =	swait.ge [sflag:s28], $0x5000  }
0x163: {  	s20 =	sand.u32 $0x7000, s2;
	s0 =	sand.u32 $0x380, s2;
	[sflag:s28] =	ssyncset.done $0x0  }
0x164: {  	s0 =	sor.u32 s0, s20;
	[sflag:s28] =	ssyncadd.s32 $0xFFFFB000  }
0x165: {  	v2 =	vld [tilespmem:s0+$0xCF0]  }
0x166: {  	v3 =	vld [tilespmem:s0+$0x80]  }
0x167: {  	v4 =	vld [tilespmem:s0+$0x90]  }
0x168: {  	v5 =	vld [tilespmem:s0+$0xA0]  }
0x169: {  	v6 =	vld [tilespmem:s0+$0xB0]  }
0x16a: {  	v7 =	vld [tilespmem:s0+$0xC0];
	vm0 =	vgt.s32 v2, $0x0  }
0x16b: {  	v2 =	vld [tilespmem:s0+$0xD0];
	vm1 =	vgt.s32 v3, $0x0;
	v3 =	vsel vm0, v1, v0  }
0x16c: {  	v8 =	vld [tilespmem:s0+$0xE0];
	vm0 =	vgt.s32 v4, $0x0;
	[tilespmem:s0+$0xFCF0] =	vst v3;
	v3 =	vsel vm1, v1, v0  }
0x16d: {  	v4 =	vld [tilespmem:s0+$0xF0];
	[tilespmem:s0+$0xF080] =	vst v3;
	v3 =	vsel vm0, v1, v0;
	vm0 =	vgt.s32 v5, $0x0  }
0x16e: {  	v5 =	vld [tilespmem:s0+$0x480];
	[tilespmem:s0+$0xF090] =	vst v3;
	v3 =	vsel vm0, v1, v0;
	vm0 =	vgt.s32 v6, $0x0  }
0x16f: {  	v6 =	vld [tilespmem:s0+$0x490];
	[tilespmem:s0+$0xF0A0] =	vst v3;
	v3 =	vsel vm0, v1, v0;
	vm0 =	vgt.s32 v7, $0x0  }
0x170: {  	v7 =	vld [tilespmem:s0+$0x4A0];
	[tilespmem:s0+$0xF0B0] =	vst v3;
	v3 =	vsel vm0, v1, v0;
	vm0 =	vgt.s32 v2, $0x0  }
0x171: {  	[tilespmem:s0+$0xF0C0] =	vst v3;
	v2 =	vsel vm0, v1, v0;
	v3 =	vld [tilespmem:s0+$0x4B0];
	vm0 =	vgt.s32 v8, $0x0  }
0x172: {  	v8 =	vld [tilespmem:s0+$0x4C0];
	[tilespmem:s0+$0xF0D0] =	vst v2;
	v2 =	vsel vm0, v1, v0;
	vm0 =	vgt.s32 v4, $0x0  }
0x173: {  	v4 =	vld [tilespmem:s0+$0x4D0];
	[tilespmem:s0+$0xF0E0] =	vst v2;
	v2 =	vsel vm0, v1, v0;
	vm0 =	vgt.s32 v5, $0x0  }
0x174: {  	v5 =	vld [tilespmem:s0+$0x4E0];
	[tilespmem:s0+$0xF0F0] =	vst v2;
	v2 =	vsel vm0, v1, v0;
	vm0 =	vgt.s32 v6, $0x0  }
0x175: {  	v6 =	vld [tilespmem:s0+$0x4F0];
	[tilespmem:s0+$0xF480] =	vst v2;
	v2 =	vsel vm0, v1, v0;
	vm0 =	vgt.s32 v7, $0x0  }
0x176: {  	v7 =	vld [tilespmem:s0+$0x880];
	[tilespmem:s0+$0xF490] =	vst v2;
	v2 =	vsel vm0, v1, v0;
	vm0 =	vgt.s32 v3, $0x0  }
0x177: {  	v3 =	vld [tilespmem:s0+$0x890];
	[tilespmem:s0+$0xF4A0] =	vst v2;
	v2 =	vsel vm0, v1, v0;
	vm0 =	vgt.s32 v8, $0x0  }
0x178: {  	v8 =	vld [tilespmem:s0+$0x8A0];
	[tilespmem:s0+$0xF4B0] =	vst v2;
	v2 =	vsel vm0, v1, v0;
	vm0 =	vgt.s32 v4, $0x0  }
0x179: {  	v4 =	vld [tilespmem:s0+$0x8B0];
	[tilespmem:s0+$0xF4C0] =	vst v2;
	v2 =	vsel vm0, v1, v0;
	vm0 =	vgt.s32 v5, $0x0  }
0x17a: {  	v9 =	vld [tilespmem:s0+$0x8C0];
	[tilespmem:s0+$0xF4D0] =	vst v2;
	v2 =	vsel vm0, v1, v0;
	vm0 =	vgt.s32 v6, $0x0  }
0x17b: {  	v6 =	vld [tilespmem:s0+$0x8D0];
	[tilespmem:s0+$0xF4E0] =	vst v2;
	v2 =	vsel vm0, v1, v0;
	vm0 =	vgt.s32 v7, $0x0  }
0x17c: {  	v7 =	vld [tilespmem:s0+$0x8E0];
	[tilespmem:s0+$0xF4F0] =	vst v2;
	v2 =	vsel vm0, v1, v0;
	vm0 =	vgt.s32 v3, $0x0  }
0x17d: {  	v10 =	vld [tilespmem:s0+$0x8F0];
	[tilespmem:s0+$0xF880] =	vst v2;
	v2 =	vsel vm0, v1, v0;
	vm0 =	vgt.s32 v8, $0x0  }
0x17e: {  	v8 =	vld [tilespmem:s0+$0xC80];
	[tilespmem:s0+$0xF890] =	vst v2;
	v2 =	vsel vm0, v1, v0;
	vm0 =	vgt.s32 v4, $0x0  }
0x17f: {  	v5 =	vld [tilespmem:s0+$0xC90];
	[tilespmem:s0+$0xF8A0] =	vst v2;
	v2 =	vsel vm0, v1, v0;
	vm0 =	vgt.s32 v9, $0x0  }
0x180: {  	[tilespmem:s0+$0xF8B0] =	vst v2;
	v3 =	vsel vm0, v1, v0;
	v2 =	vld [tilespmem:s0+$0xCA0];
	vm0 =	vgt.s32 v6, $0x0  }
0x181: {  	[tilespmem:s0+$0xF8C0] =	vst v3;
	v4 =	vsel vm0, v1, v0;
	v3 =	vld [tilespmem:s0+$0xCB0];
	vm0 =	vgt.s32 v7, $0x0  }
0x182: {  	s26 =	simm.s32 $0x200;
	s2 =	simm.s32 $0x80;
	[tilespmem:s0+$0xF8D0] =	vst v4;
	v6 =	vsel vm0, v1, v0;
	v4 =	vld [tilespmem:s0+$0xCC0];
	vm0 =	vgt.s32 v10, $0x0  }
0x183: {  	s20 =	sand.u32 $0x7000, s26;
	s26 =	sand.u32 $0x380, s2;
	s1 =	simm.s32 $0x400;
	[tilespmem:s0+$0xF8E0] =	vst v6;
	v7 =	vsel vm0, v1, v0;
	vm0 =	vgt.s32 v8, $0x0;
	v6 =	vld [tilespmem:s0+$0xCD0]  }
.LBB2_8:
0x184: {  	p0 =	sne.s32 s1, $0x4E00;
	s20 =	sor.u32 s26, s20;
	[tilespmem:s0+$0xF8F0] =	vst v7;
	v7 =	vsel vm0, v1, v0;
	vm0 =	vgt.s32 v5, $0x0;
	v5 =	vld [tilespmem:s0+$0xCE0]  }
0x185: {  	v8 =	vld [tilespmem:s20+$0xCF0];
	[tilespmem:s0+$0xFC80] =	vst v7;
	v7 =	vsel vm0, v1, v0;
	vm0 =	vgt.s32 v2, $0x0  }
0x186: {  	v2 =	vld [tilespmem:s20+$0x80];
	[tilespmem:s0+$0xFC90] =	vst v7;
	v7 =	vsel vm0, v1, v0;
	vm0 =	vgt.s32 v3, $0x0  }
0x187: {  	v3 =	vld [tilespmem:s20+$0x90];
	[tilespmem:s0+$0xFCA0] =	vst v7;
	v7 =	vsel vm0, v1, v0;
	vm0 =	vgt.s32 v4, $0x0  }
0x188: {  	v4 =	vld [tilespmem:s20+$0xA0];
	[tilespmem:s0+$0xFCB0] =	vst v7;
	v7 =	vsel vm0, v1, v0;
	vm0 =	vgt.s32 v6, $0x0  }
0x189: {  	v6 =	vld [tilespmem:s20+$0xB0];
	[tilespmem:s0+$0xFCC0] =	vst v7;
	v7 =	vsel vm0, v1, v0;
	vm0 =	vgt.s32 v5, $0x0  }
0x18a: {  	v5 =	vld [tilespmem:s20+$0xC0];
	vm1 =	vgt.s32 v8, $0x0;
	[tilespmem:s0+$0xFCD0] =	vst v7;
	v7 =	vsel vm0, v1, v0  }
0x18b: {  	vm0 =	vgt.s32 v2, $0x0;
	v2 =	vld [tilespmem:s20+$0xD0];
	v8 =	vsel vm1, v1, v0;
	[tilespmem:s0+$0xFCE0] =	vst v7;
	s0 =	smov.u32 s20  }
0x18c: {  	v7 =	vsel vm0, v1, v0;
	vm0 =	vgt.s32 v3, $0x0;
	v3 =	vld [tilespmem:s0+$0xE0];
	[tilespmem:s0+$0xFCF0] =	vst v8  }
0x18d: {  	[tilespmem:s0+$0xF080] =	vst v7;
	v7 =	vsel vm0, v1, v0;
	vm0 =	vgt.s32 v4, $0x0;
	v4 =	vld [tilespmem:s0+$0xF0]  }
0x18e: {  	[tilespmem:s0+$0xF090] =	vst v7;
	v7 =	vsel vm0, v1, v0;
	vm0 =	vgt.s32 v6, $0x0;
	v6 =	vld [tilespmem:s0+$0x480]  }
0x18f: {  	[tilespmem:s0+$0xF0A0] =	vst v7;
	v7 =	vsel vm0, v1, v0;
	vm0 =	vgt.s32 v5, $0x0;
	v5 =	vld [tilespmem:s0+$0x490]  }
0x190: {  	[tilespmem:s0+$0xF0B0] =	vst v7;
	v7 =	vsel vm0, v1, v0;
	vm0 =	vgt.s32 v2, $0x0;
	v2 =	vld [tilespmem:s0+$0x4A0]  }
0x191: {  	[tilespmem:s0+$0xF0C0] =	vst v7;
	v7 =	vsel vm0, v1, v0;
	vm0 =	vgt.s32 v3, $0x0;
	v3 =	vld [tilespmem:s0+$0x4B0]  }
0x192: {  	[tilespmem:s0+$0xF0D0] =	vst v7;
	v7 =	vsel vm0, v1, v0;
	vm0 =	vgt.s32 v4, $0x0;
	v4 =	vld [tilespmem:s0+$0x4C0]  }
0x193: {  	[tilespmem:s0+$0xF0E0] =	vst v7;
	v7 =	vsel vm0, v1, v0;
	vm0 =	vgt.s32 v6, $0x0;
	v6 =	vld [tilespmem:s0+$0x4D0]  }
0x194: {  	[tilespmem:s0+$0xF0F0] =	vst v7;
	v7 =	vsel vm0, v1, v0;
	vm0 =	vgt.s32 v5, $0x0;
	v5 =	vld [tilespmem:s0+$0x4E0]  }
0x195: {  	[tilespmem:s0+$0xF480] =	vst v7;
	v7 =	vsel vm0, v1, v0;
	vm0 =	vgt.s32 v2, $0x0;
	v2 =	vld [tilespmem:s0+$0x4F0]  }
0x196: {  	[tilespmem:s0+$0xF490] =	vst v7;
	v7 =	vsel vm0, v1, v0;
	vm0 =	vgt.s32 v3, $0x0;
	v3 =	vld [tilespmem:s0+$0x880]  }
0x197: {  	[tilespmem:s0+$0xF4A0] =	vst v7;
	v7 =	vsel vm0, v1, v0;
	vm0 =	vgt.s32 v4, $0x0;
	v4 =	vld [tilespmem:s0+$0x890]  }
0x198: {  	[tilespmem:s0+$0xF4B0] =	vst v7;
	v7 =	vsel vm0, v1, v0;
	vm0 =	vgt.s32 v6, $0x0;
	v6 =	vld [tilespmem:s0+$0x8A0]  }
0x199: {  	[tilespmem:s0+$0xF4C0] =	vst v7;
	v7 =	vsel vm0, v1, v0;
	vm0 =	vgt.s32 v5, $0x0;
	v5 =	vld [tilespmem:s0+$0x8B0]  }
0x19a: {  	[tilespmem:s0+$0xF4D0] =	vst v7;
	v7 =	vsel vm0, v1, v0;
	vm0 =	vgt.s32 v2, $0x0;
	v2 =	vld [tilespmem:s0+$0x8C0]  }
0x19b: {  	[tilespmem:s0+$0xF4E0] =	vst v7;
	v7 =	vsel vm0, v1, v0;
	vm0 =	vgt.s32 v3, $0x0;
	v3 =	vld [tilespmem:s0+$0x8D0]  }
0x19c: {  	[tilespmem:s0+$0xF4F0] =	vst v7;
	v7 =	vsel vm0, v1, v0;
	vm0 =	vgt.s32 v4, $0x0;
	v4 =	vld [tilespmem:s0+$0x8E0]  }
0x19d: {  	[tilespmem:s0+$0xF880] =	vst v7;
	v7 =	vsel vm0, v1, v0;
	vm0 =	vgt.s32 v6, $0x0;
	v6 =	vld [tilespmem:s0+$0x8F0]  }
0x19e: {  	[tilespmem:s0+$0xF890] =	vst v7;
	v7 =	vsel vm0, v1, v0;
	vm0 =	vgt.s32 v5, $0x0;
	v8 =	vld [tilespmem:s0+$0xC80]  }
.Ltmp3:
0x19f: {  	[tilespmem:s0+$0xF8A0] =	vst v7;
	v7 =	vsel vm0, v1, v0;
	vm0 =	vgt.s32 v2, $0x0;
	v5 =	vld [tilespmem:s0+$0xC90];
	(pc) =	sbr.rel @p0 .LBB2_8-.Ltmp3, $4  }
0x1a0: {  	[tilespmem:s0+$0xF8B0] =	vst v7;
	v7 =	vsel vm0, v1, v0;
	vm0 =	vgt.s32 v3, $0x0;
	v2 =	vld [tilespmem:s0+$0xCA0]  }
0x1a1: {  	[tilespmem:s0+$0xF8C0] =	vst v7;
	v7 =	vsel vm0, v1, v0;
	vm0 =	vgt.s32 v4, $0x0;
	v3 =	vld [tilespmem:s0+$0xCB0]  }
0x1a2: {  	s2 =	sadd.s32 $0x80, s2;
	[tilespmem:s0+$0xF8D0] =	vst v7;
	v7 =	vsel vm0, v1, v0;
	vm0 =	vgt.s32 v6, $0x0;
	v4 =	vld [tilespmem:s0+$0xCC0]  }
0x1a3: {  	s26 =	sand.u32 $0x380, s2;
	s20 =	sand.u32 $0x7000, s1;
	s1 =	sadd.s32 $0x200, s1;
	[tilespmem:s0+$0xF8E0] =	vst v7;
	v7 =	vsel vm0, v1, v0;
	vm0 =	vgt.s32 v8, $0x0;
	v6 =	vld [tilespmem:s0+$0xCD0]  }
0x1a4: {  	[tilespmem:s0+$0xF8F0] =	vst v7;
	s1 =	sor.u32 s26, s20;
	v7 =	vsel vm0, v1, v0;
	vm0 =	vgt.s32 v5, $0x0;
	v5 =	vld [tilespmem:s0+$0xCE0]  }
0x1a5: {  	v8 =	vld [tilespmem:s1+$0xCF0];
	[tilespmem:s0+$0xFC80] =	vst v7;
	v7 =	vsel vm0, v1, v0;
	vm0 =	vgt.s32 v2, $0x0  }
0x1a6: {  	v2 =	vld [tilespmem:s1+$0x80];
	[tilespmem:s0+$0xFC90] =	vst v7;
	v7 =	vsel vm0, v1, v0;
	vm0 =	vgt.s32 v3, $0x0  }
0x1a7: {  	v3 =	vld [tilespmem:s1+$0x90];
	[tilespmem:s0+$0xFCA0] =	vst v7;
	v7 =	vsel vm0, v1, v0;
	vm0 =	vgt.s32 v4, $0x0  }
0x1a8: {  	v4 =	vld [tilespmem:s1+$0xA0];
	[tilespmem:s0+$0xFCB0] =	vst v7;
	v7 =	vsel vm0, v1, v0;
	vm0 =	vgt.s32 v6, $0x0  }
0x1a9: {  	v6 =	vld [tilespmem:s1+$0xB0];
	[tilespmem:s0+$0xFCC0] =	vst v7;
	v7 =	vsel vm0, v1, v0;
	vm0 =	vgt.s32 v5, $0x0  }
0x1aa: {  	v5 =	vld [tilespmem:s1+$0xC0];
	vm1 =	vgt.s32 v8, $0x0;
	[tilespmem:s0+$0xFCD0] =	vst v7;
	v7 =	vsel vm0, v1, v0  }
0x1ab: {  	vm0 =	vgt.s32 v2, $0x0;
	v2 =	vld [tilespmem:s1+$0xD0];
	v8 =	vsel vm1, v1, v0;
	[tilespmem:s0+$0xFCE0] =	vst v7  }
0x1ac: {  	v7 =	vsel vm0, v1, v0;
	vm0 =	vgt.s32 v3, $0x0;
	v3 =	vld [tilespmem:s1+$0xE0];
	[tilespmem:s1+$0xFCF0] =	vst v8  }
0x1ad: {  	[tilespmem:s1+$0xF080] =	vst v7;
	v7 =	vsel vm0, v1, v0;
	vm0 =	vgt.s32 v4, $0x0;
	v4 =	vld [tilespmem:s1+$0xF0]  }
0x1ae: {  	[tilespmem:s1+$0xF090] =	vst v7;
	v7 =	vsel vm0, v1, v0;
	vm0 =	vgt.s32 v6, $0x0;
	v6 =	vld [tilespmem:s1+$0x480]  }
0x1af: {  	[tilespmem:s1+$0xF0A0] =	vst v7;
	v7 =	vsel vm0, v1, v0;
	vm0 =	vgt.s32 v5, $0x0;
	v5 =	vld [tilespmem:s1+$0x490]  }
0x1b0: {  	[tilespmem:s1+$0xF0B0] =	vst v7;
	v7 =	vsel vm0, v1, v0;
	vm0 =	vgt.s32 v2, $0x0;
	v2 =	vld [tilespmem:s1+$0x4A0]  }
0x1b1: {  	[tilespmem:s1+$0xF0C0] =	vst v7;
	v7 =	vsel vm0, v1, v0;
	vm0 =	vgt.s32 v3, $0x0;
	v3 =	vld [tilespmem:s1+$0x4B0]  }
0x1b2: {  	[tilespmem:s1+$0xF0D0] =	vst v7;
	v7 =	vsel vm0, v1, v0;
	vm0 =	vgt.s32 v4, $0x0;
	v4 =	vld [tilespmem:s1+$0x4C0]  }
0x1b3: {  	[tilespmem:s1+$0xF0E0] =	vst v7;
	v7 =	vsel vm0, v1, v0;
	vm0 =	vgt.s32 v6, $0x0;
	v6 =	vld [tilespmem:s1+$0x4D0]  }
0x1b4: {  	[tilespmem:s1+$0xF0F0] =	vst v7;
	v7 =	vsel vm0, v1, v0;
	vm0 =	vgt.s32 v5, $0x0;
	v5 =	vld [tilespmem:s1+$0x4E0]  }
0x1b5: {  	[tilespmem:s1+$0xF480] =	vst v7;
	v7 =	vsel vm0, v1, v0;
	vm0 =	vgt.s32 v2, $0x0;
	v2 =	vld [tilespmem:s1+$0x4F0]  }
0x1b6: {  	[tilespmem:s1+$0xF490] =	vst v7;
	v7 =	vsel vm0, v1, v0;
	vm0 =	vgt.s32 v3, $0x0;
	v3 =	vld [tilespmem:s1+$0x880]  }
0x1b7: {  	[tilespmem:s1+$0xF4A0] =	vst v7;
	v7 =	vsel vm0, v1, v0;
	vm0 =	vgt.s32 v4, $0x0;
	v4 =	vld [tilespmem:s1+$0x890]  }
0x1b8: {  	[tilespmem:s1+$0xF4B0] =	vst v7;
	v7 =	vsel vm0, v1, v0;
	vm0 =	vgt.s32 v6, $0x0;
	v6 =	vld [tilespmem:s1+$0x8A0]  }
0x1b9: {  	[tilespmem:s1+$0xF4C0] =	vst v7;
	v7 =	vsel vm0, v1, v0;
	vm0 =	vgt.s32 v5, $0x0;
	v5 =	vld [tilespmem:s1+$0x8B0]  }
0x1ba: {  	[tilespmem:s1+$0xF4D0] =	vst v7;
	v7 =	vsel vm0, v1, v0;
	vm0 =	vgt.s32 v2, $0x0;
	v2 =	vld [tilespmem:s1+$0x8C0]  }
0x1bb: {  	[tilespmem:s1+$0xF4E0] =	vst v7;
	v7 =	vsel vm0, v1, v0;
	vm0 =	vgt.s32 v3, $0x0;
	v3 =	vld [tilespmem:s1+$0x8D0]  }
0x1bc: {  	[tilespmem:s1+$0xF4F0] =	vst v7;
	v7 =	vsel vm0, v1, v0;
	vm0 =	vgt.s32 v4, $0x0;
	v4 =	vld [tilespmem:s1+$0x8E0]  }
0x1bd: {  	[tilespmem:s1+$0xF880] =	vst v7;
	v7 =	vsel vm0, v1, v0;
	vm0 =	vgt.s32 v6, $0x0;
	v6 =	vld [tilespmem:s1+$0x8F0]  }
0x1be: {  	[tilespmem:s1+$0xF890] =	vst v7;
	v7 =	vsel vm0, v1, v0;
	vm0 =	vgt.s32 v5, $0x0;
	v5 =	vld [tilespmem:s1+$0xC80]  }
0x1bf: {  	[tilespmem:s1+$0xF8A0] =	vst v7;
	v7 =	vsel vm0, v1, v0;
	vm0 =	vgt.s32 v2, $0x0;
	v2 =	vld [tilespmem:s1+$0xC90]  }
0x1c0: {  	[tilespmem:s1+$0xF8B0] =	vst v7;
	v7 =	vsel vm0, v1, v0;
	vm0 =	vgt.s32 v3, $0x0;
	v3 =	vld [tilespmem:s1+$0xCA0]  }
0x1c1: {  	[tilespmem:s1+$0xF8C0] =	vst v7;
	v7 =	vsel vm0, v1, v0;
	vm0 =	vgt.s32 v4, $0x0;
	v4 =	vld [tilespmem:s1+$0xCB0]  }
0x1c2: {  	[tilespmem:s1+$0xF8D0] =	vst v7;
	v7 =	vsel vm0, v1, v0;
	vm0 =	vgt.s32 v6, $0x0;
	v6 =	vld [tilespmem:s1+$0xCC0]  }
0x1c3: {  	[tilespmem:s1+$0xF8E0] =	vst v7;
	v7 =	vsel vm0, v1, v0;
	vm0 =	vgt.s32 v5, $0x0;
	v5 =	vld [tilespmem:s1+$0xCD0]  }
0x1c4: {  	[tilespmem:s1+$0xF8F0] =	vst v7;
	v7 =	vsel vm0, v1, v0;
	vm0 =	vgt.s32 v2, $0x0;
	v2 =	vld [tilespmem:s1+$0xCE0]  }
0x1c5: {  	[tilespmem:s1+$0xFC80] =	vst v7;
	v7 =	vsel vm0, v1, v0;
	vm0 =	vgt.s32 v3, $0x0  }
0x1c6: {  	[tilespmem:s1+$0xFC90] =	vst v7;
	v3 =	vsel vm0, v1, v0;
	vm0 =	vgt.s32 v4, $0x0  }
0x1c7: {  	[tilespmem:s1+$0xFCA0] =	vst v3;
	v3 =	vsel vm0, v1, v0;
	vm0 =	vgt.s32 v6, $0x0  }
0x1c8: {  	[tilespmem:s1+$0xFCB0] =	vst v3;
	v3 =	vsel vm0, v1, v0;
	vm0 =	vgt.s32 v5, $0x0  }
0x1c9: {  	[tilespmem:s1+$0xFCC0] =	vst v3;
	v3 =	vsel vm0, v1, v0;
	vm0 =	vgt.s32 v2, $0x0  }
0x1ca: {  	[tilespmem:s1+$0xFCD0] =	vst v3;
	v2 =	vsel vm0, v1, v0  }
0x1cb: {  	[tilespmem:s1+$0xFCE0] =	vst v2  }
0x1cc: {  	[hbm4b:s12+s16] =	stream.strided.scatter [tilespmem:s22], [sflag:$0x4], $0x5000, s17, s16, $0x38;
	[tilespmem:$0x1E080] =	vst v63  }
0x1cd: {  	_ =	swait.ge [sflag:s23], $0x5000  }
0x1ce: {  	[sflag:s23] =	ssyncset.done $0x0  }
0x1cf: {  	[sflag:s23] =	ssyncadd.s32 $0xFFFFB000  }
0x1d0: {  	s2 =	simm.s32 $0x0;
	_ =	swait.ge [sflag:s29], $0x5000  }
0x1d1: {  	s20 =	sand.u32 $0x7000, s2;
	s0 =	sand.u32 $0x380, s2;
	[sflag:s29] =	ssyncset.done $0x0  }
0x1d2: {  	s0 =	sor.u32 s0, s20;
	[sflag:s29] =	ssyncadd.s32 $0xFFFFB000  }
0x1d3: {  	v2 =	vld [tilespmem:s0+$0x5CF0]  }
0x1d4: {  	v3 =	vld [tilespmem:s0+$0x5080]  }
0x1d5: {  	v4 =	vld [tilespmem:s0+$0x5090]  }
0x1d6: {  	v5 =	vld [tilespmem:s0+$0x50A0]  }
0x1d7: {  	v6 =	vld [tilespmem:s0+$0x50B0]  }
0x1d8: {  	v7 =	vld [tilespmem:s0+$0x50C0];
	vm0 =	vgt.s32 v2, $0x0  }
0x1d9: {  	v2 =	vld [tilespmem:s0+$0x50D0];
	vm1 =	vgt.s32 v3, $0x0;
	v3 =	vsel vm0, v1, v0  }
0x1da: {  	v8 =	vld [tilespmem:s0+$0x50E0];
	vm0 =	vgt.s32 v4, $0x0;
	[tilespmem:s0+$0x14CF0] =	vst v3;
	v3 =	vsel vm1, v1, v0  }
0x1db: {  	v4 =	vld [tilespmem:s0+$0x50F0];
	[tilespmem:s0+$0x14080] =	vst v3;
	v3 =	vsel vm0, v1, v0;
	vm0 =	vgt.s32 v5, $0x0  }
0x1dc: {  	v5 =	vld [tilespmem:s0+$0x5480];
	[tilespmem:s0+$0x14090] =	vst v3;
	v3 =	vsel vm0, v1, v0;
	vm0 =	vgt.s32 v6, $0x0  }
0x1dd: {  	v6 =	vld [tilespmem:s0+$0x5490];
	[tilespmem:s0+$0x140A0] =	vst v3;
	v3 =	vsel vm0, v1, v0;
	vm0 =	vgt.s32 v7, $0x0  }
0x1de: {  	v7 =	vld [tilespmem:s0+$0x54A0];
	[tilespmem:s0+$0x140B0] =	vst v3;
	v3 =	vsel vm0, v1, v0;
	vm0 =	vgt.s32 v2, $0x0  }
0x1df: {  	[tilespmem:s0+$0x140C0] =	vst v3;
	v2 =	vsel vm0, v1, v0;
	v3 =	vld [tilespmem:s0+$0x54B0];
	vm0 =	vgt.s32 v8, $0x0  }
0x1e0: {  	v8 =	vld [tilespmem:s0+$0x54C0];
	[tilespmem:s0+$0x140D0] =	vst v2;
	v2 =	vsel vm0, v1, v0;
	vm0 =	vgt.s32 v4, $0x0  }
0x1e1: {  	v4 =	vld [tilespmem:s0+$0x54D0];
	[tilespmem:s0+$0x140E0] =	vst v2;
	v2 =	vsel vm0, v1, v0;
	vm0 =	vgt.s32 v5, $0x0  }
0x1e2: {  	v5 =	vld [tilespmem:s0+$0x54E0];
	[tilespmem:s0+$0x140F0] =	vst v2;
	v2 =	vsel vm0, v1, v0;
	vm0 =	vgt.s32 v6, $0x0  }
0x1e3: {  	v6 =	vld [tilespmem:s0+$0x54F0];
	[tilespmem:s0+$0x14480] =	vst v2;
	v2 =	vsel vm0, v1, v0;
	vm0 =	vgt.s32 v7, $0x0  }
0x1e4: {  	v7 =	vld [tilespmem:s0+$0x5880];
	[tilespmem:s0+$0x14490] =	vst v2;
	v2 =	vsel vm0, v1, v0;
	vm0 =	vgt.s32 v3, $0x0  }
0x1e5: {  	v3 =	vld [tilespmem:s0+$0x5890];
	[tilespmem:s0+$0x144A0] =	vst v2;
	v2 =	vsel vm0, v1, v0;
	vm0 =	vgt.s32 v8, $0x0  }
0x1e6: {  	v8 =	vld [tilespmem:s0+$0x58A0];
	[tilespmem:s0+$0x144B0] =	vst v2;
	v2 =	vsel vm0, v1, v0;
	vm0 =	vgt.s32 v4, $0x0  }
0x1e7: {  	v4 =	vld [tilespmem:s0+$0x58B0];
	[tilespmem:s0+$0x144C0] =	vst v2;
	v2 =	vsel vm0, v1, v0;
	vm0 =	vgt.s32 v5, $0x0  }
0x1e8: {  	v9 =	vld [tilespmem:s0+$0x58C0];
	[tilespmem:s0+$0x144D0] =	vst v2;
	v2 =	vsel vm0, v1, v0;
	vm0 =	vgt.s32 v6, $0x0  }
0x1e9: {  	v6 =	vld [tilespmem:s0+$0x58D0];
	[tilespmem:s0+$0x144E0] =	vst v2;
	v2 =	vsel vm0, v1, v0;
	vm0 =	vgt.s32 v7, $0x0  }
0x1ea: {  	v7 =	vld [tilespmem:s0+$0x58E0];
	[tilespmem:s0+$0x144F0] =	vst v2;
	v2 =	vsel vm0, v1, v0;
	vm0 =	vgt.s32 v3, $0x0  }
0x1eb: {  	v10 =	vld [tilespmem:s0+$0x58F0];
	[tilespmem:s0+$0x14880] =	vst v2;
	v2 =	vsel vm0, v1, v0;
	vm0 =	vgt.s32 v8, $0x0  }
0x1ec: {  	v8 =	vld [tilespmem:s0+$0x5C80];
	[tilespmem:s0+$0x14890] =	vst v2;
	v2 =	vsel vm0, v1, v0;
	vm0 =	vgt.s32 v4, $0x0  }
0x1ed: {  	v5 =	vld [tilespmem:s0+$0x5C90];
	[tilespmem:s0+$0x148A0] =	vst v2;
	v2 =	vsel vm0, v1, v0;
	vm0 =	vgt.s32 v9, $0x0  }
0x1ee: {  	[tilespmem:s0+$0x148B0] =	vst v2;
	v3 =	vsel vm0, v1, v0;
	v2 =	vld [tilespmem:s0+$0x5CA0];
	vm0 =	vgt.s32 v6, $0x0  }
0x1ef: {  	[tilespmem:s0+$0x148C0] =	vst v3;
	v4 =	vsel vm0, v1, v0;
	v3 =	vld [tilespmem:s0+$0x5CB0];
	vm0 =	vgt.s32 v7, $0x0  }
0x1f0: {  	s26 =	simm.s32 $0x200;
	s2 =	simm.s32 $0x80;
	[tilespmem:s0+$0x148D0] =	vst v4;
	v6 =	vsel vm0, v1, v0;
	v4 =	vld [tilespmem:s0+$0x5CC0];
	vm0 =	vgt.s32 v10, $0x0  }
0x1f1: {  	s20 =	sand.u32 $0x7000, s26;
	s26 =	sand.u32 $0x380, s2;
	s1 =	simm.s32 $0x400;
	[tilespmem:s0+$0x148E0] =	vst v6;
	v7 =	vsel vm0, v1, v0;
	vm0 =	vgt.s32 v8, $0x0;
	v6 =	vld [tilespmem:s0+$0x5CD0]  }
.LBB2_10:
0x1f2: {  	p0 =	sne.s32 s1, $0x4E00;
	s20 =	sor.u32 s26, s20;
	[tilespmem:s0+$0x148F0] =	vst v7;
	v7 =	vsel vm0, v1, v0;
	vm0 =	vgt.s32 v5, $0x0;
	v5 =	vld [tilespmem:s0+$0x5CE0]  }
0x1f3: {  	v8 =	vld [tilespmem:s20+$0x5CF0];
	[tilespmem:s0+$0x14C80] =	vst v7;
	v7 =	vsel vm0, v1, v0;
	vm0 =	vgt.s32 v2, $0x0  }
0x1f4: {  	v2 =	vld [tilespmem:s20+$0x5080];
	[tilespmem:s0+$0x14C90] =	vst v7;
	v7 =	vsel vm0, v1, v0;
	vm0 =	vgt.s32 v3, $0x0  }
0x1f5: {  	v3 =	vld [tilespmem:s20+$0x5090];
	[tilespmem:s0+$0x14CA0] =	vst v7;
	v7 =	vsel vm0, v1, v0;
	vm0 =	vgt.s32 v4, $0x0  }
0x1f6: {  	v4 =	vld [tilespmem:s20+$0x50A0];
	[tilespmem:s0+$0x14CB0] =	vst v7;
	v7 =	vsel vm0, v1, v0;
	vm0 =	vgt.s32 v6, $0x0  }
0x1f7: {  	v6 =	vld [tilespmem:s20+$0x50B0];
	[tilespmem:s0+$0x14CC0] =	vst v7;
	v7 =	vsel vm0, v1, v0;
	vm0 =	vgt.s32 v5, $0x0  }
0x1f8: {  	v5 =	vld [tilespmem:s20+$0x50C0];
	vm1 =	vgt.s32 v8, $0x0;
	[tilespmem:s0+$0x14CD0] =	vst v7;
	v7 =	vsel vm0, v1, v0  }
0x1f9: {  	vm0 =	vgt.s32 v2, $0x0;
	v2 =	vld [tilespmem:s20+$0x50D0];
	v8 =	vsel vm1, v1, v0;
	[tilespmem:s0+$0x14CE0] =	vst v7;
	s0 =	smov.u32 s20  }
0x1fa: {  	v7 =	vsel vm0, v1, v0;
	vm0 =	vgt.s32 v3, $0x0;
	v3 =	vld [tilespmem:s0+$0x50E0];
	[tilespmem:s0+$0x14CF0] =	vst v8  }
0x1fb: {  	[tilespmem:s0+$0x14080] =	vst v7;
	v7 =	vsel vm0, v1, v0;
	vm0 =	vgt.s32 v4, $0x0;
	v4 =	vld [tilespmem:s0+$0x50F0]  }
0x1fc: {  	[tilespmem:s0+$0x14090] =	vst v7;
	v7 =	vsel vm0, v1, v0;
	vm0 =	vgt.s32 v6, $0x0;
	v6 =	vld [tilespmem:s0+$0x5480]  }
0x1fd: {  	[tilespmem:s0+$0x140A0] =	vst v7;
	v7 =	vsel vm0, v1, v0;
	vm0 =	vgt.s32 v5, $0x0;
	v5 =	vld [tilespmem:s0+$0x5490]  }
0x1fe: {  	[tilespmem:s0+$0x140B0] =	vst v7;
	v7 =	vsel vm0, v1, v0;
	vm0 =	vgt.s32 v2, $0x0;
	v2 =	vld [tilespmem:s0+$0x54A0]  }
0x1ff: {  	[tilespmem:s0+$0x140C0] =	vst v7;
	v7 =	vsel vm0, v1, v0;
	vm0 =	vgt.s32 v3, $0x0;
	v3 =	vld [tilespmem:s0+$0x54B0]  }
0x200: {  	[tilespmem:s0+$0x140D0] =	vst v7;
	v7 =	vsel vm0, v1, v0;
	vm0 =	vgt.s32 v4, $0x0;
	v4 =	vld [tilespmem:s0+$0x54C0]  }
0x201: {  	[tilespmem:s0+$0x140E0] =	vst v7;
	v7 =	vsel vm0, v1, v0;
	vm0 =	vgt.s32 v6, $0x0;
	v6 =	vld [tilespmem:s0+$0x54D0]  }
0x202: {  	[tilespmem:s0+$0x140F0] =	vst v7;
	v7 =	vsel vm0, v1, v0;
	vm0 =	vgt.s32 v5, $0x0;
	v5 =	vld [tilespmem:s0+$0x54E0]  }
0x203: {  	[tilespmem:s0+$0x14480] =	vst v7;
	v7 =	vsel vm0, v1, v0;
	vm0 =	vgt.s32 v2, $0x0;
	v2 =	vld [tilespmem:s0+$0x54F0]  }
0x204: {  	[tilespmem:s0+$0x14490] =	vst v7;
	v7 =	vsel vm0, v1, v0;
	vm0 =	vgt.s32 v3, $0x0;
	v3 =	vld [tilespmem:s0+$0x5880]  }
0x205: {  	[tilespmem:s0+$0x144A0] =	vst v7;
	v7 =	vsel vm0, v1, v0;
	vm0 =	vgt.s32 v4, $0x0;
	v4 =	vld [tilespmem:s0+$0x5890]  }
0x206: {  	[tilespmem:s0+$0x144B0] =	vst v7;
	v7 =	vsel vm0, v1, v0;
	vm0 =	vgt.s32 v6, $0x0;
	v6 =	vld [tilespmem:s0+$0x58A0]  }
0x207: {  	[tilespmem:s0+$0x144C0] =	vst v7;
	v7 =	vsel vm0, v1, v0;
	vm0 =	vgt.s32 v5, $0x0;
	v5 =	vld [tilespmem:s0+$0x58B0]  }
0x208: {  	[tilespmem:s0+$0x144D0] =	vst v7;
	v7 =	vsel vm0, v1, v0;
	vm0 =	vgt.s32 v2, $0x0;
	v2 =	vld [tilespmem:s0+$0x58C0]  }
0x209: {  	[tilespmem:s0+$0x144E0] =	vst v7;
	v7 =	vsel vm0, v1, v0;
	vm0 =	vgt.s32 v3, $0x0;
	v3 =	vld [tilespmem:s0+$0x58D0]  }
0x20a: {  	[tilespmem:s0+$0x144F0] =	vst v7;
	v7 =	vsel vm0, v1, v0;
	vm0 =	vgt.s32 v4, $0x0;
	v4 =	vld [tilespmem:s0+$0x58E0]  }
0x20b: {  	[tilespmem:s0+$0x14880] =	vst v7;
	v7 =	vsel vm0, v1, v0;
	vm0 =	vgt.s32 v6, $0x0;
	v6 =	vld [tilespmem:s0+$0x58F0]  }
0x20c: {  	[tilespmem:s0+$0x14890] =	vst v7;
	v7 =	vsel vm0, v1, v0;
	vm0 =	vgt.s32 v5, $0x0;
	v8 =	vld [tilespmem:s0+$0x5C80]  }
.Ltmp4:
0x20d: {  	[tilespmem:s0+$0x148A0] =	vst v7;
	v7 =	vsel vm0, v1, v0;
	vm0 =	vgt.s32 v2, $0x0;
	v5 =	vld [tilespmem:s0+$0x5C90];
	(pc) =	sbr.rel @p0 .LBB2_10-.Ltmp4, $4  }
0x20e: {  	[tilespmem:s0+$0x148B0] =	vst v7;
	v7 =	vsel vm0, v1, v0;
	vm0 =	vgt.s32 v3, $0x0;
	v2 =	vld [tilespmem:s0+$0x5CA0]  }
0x20f: {  	[tilespmem:s0+$0x148C0] =	vst v7;
	v7 =	vsel vm0, v1, v0;
	vm0 =	vgt.s32 v4, $0x0;
	v3 =	vld [tilespmem:s0+$0x5CB0]  }
0x210: {  	s2 =	sadd.s32 $0x80, s2;
	[tilespmem:s0+$0x148D0] =	vst v7;
	v7 =	vsel vm0, v1, v0;
	vm0 =	vgt.s32 v6, $0x0;
	v4 =	vld [tilespmem:s0+$0x5CC0]  }
0x211: {  	s26 =	sand.u32 $0x380, s2;
	s20 =	sand.u32 $0x7000, s1;
	s1 =	sadd.s32 $0x200, s1;
	[tilespmem:s0+$0x148E0] =	vst v7;
	v7 =	vsel vm0, v1, v0;
	vm0 =	vgt.s32 v8, $0x0;
	v6 =	vld [tilespmem:s0+$0x5CD0]  }
0x212: {  	[tilespmem:s0+$0x148F0] =	vst v7;
	s1 =	sor.u32 s26, s20;
	v50 =	vsel vm0, v1, v0;
	vm15 =	vgt.s32 v5, $0x0;
	v51 =	vld [tilespmem:s0+$0x5CE0]  }
0x213: {  	v8 =	vld [tilespmem:s1+$0x5CF0];
	[tilespmem:s0+$0x14C80] =	vst v50;
	v52 =	vsel vm15, v1, v0;
	vm4 =	vgt.s32 v2, $0x0  }
0x214: {  	v53 =	vld [tilespmem:s1+$0x5080];
	[tilespmem:s0+$0x14C90] =	vst v52;
	v54 =	vsel vm4, v1, v0;
	vm5 =	vgt.s32 v3, $0x0  }
0x215: {  	v55 =	vld [tilespmem:s1+$0x5090];
	[tilespmem:s0+$0x14CA0] =	vst v54;
	v56 =	vsel vm5, v1, v0;
	vm6 =	vgt.s32 v4, $0x0  }
0x216: {  	v57 =	vld [tilespmem:s1+$0x50A0];
	[tilespmem:s0+$0x14CB0] =	vst v56;
	v58 =	vsel vm6, v1, v0;
	vm7 =	vgt.s32 v6, $0x0  }
0x217: {  	v59 =	vld [tilespmem:s1+$0x50B0];
	[tilespmem:s0+$0x14CC0] =	vst v58;
	v60 =	vsel vm7, v1, v0;
	vm8 =	vgt.s32 v51, $0x0  }
0x218: {  	v61 =	vld [tilespmem:s1+$0x50C0];
	vm1 =	vgt.s32 v8, $0x0;
	[tilespmem:s0+$0x14CD0] =	vst v60;
	v62 =	vsel vm8, v1, v0  }
0x219: {  	v63 =	vld [tilespmem:s1+$0x50D0];
	vm9 =	vgt.s32 v53, $0x0;
	v8 =	vsel vm1, v1, v0;
	[tilespmem:s0+$0x14CE0] =	vst v62  }
0x21a: {  	v10 =	vld [tilespmem:s1+$0x50E0];
	vm10 =	vgt.s32 v55, $0x0;
	v9 =	vsel vm9, v1, v0;
	[tilespmem:s1+$0x14CF0] =	vst v8  }
0x21b: {  	v12 =	vld [tilespmem:s1+$0x50F0];
	vm11 =	vgt.s32 v57, $0x0;
	v11 =	vsel vm10, v1, v0;
	[tilespmem:s1+$0x14080] =	vst v9  }
0x21c: {  	v14 =	vld [tilespmem:s1+$0x5480];
	vm12 =	vgt.s32 v59, $0x0;
	v13 =	vsel vm11, v1, v0;
	[tilespmem:s1+$0x14090] =	vst v11  }
0x21d: {  	v16 =	vld [tilespmem:s1+$0x5490];
	vm13 =	vgt.s32 v61, $0x0;
	v15 =	vsel vm12, v1, v0;
	[tilespmem:s1+$0x140A0] =	vst v13  }
0x21e: {  	v18 =	vld [tilespmem:s1+$0x54A0];
	vm14 =	vgt.s32 v63, $0x0;
	v17 =	vsel vm13, v1, v0;
	[tilespmem:s1+$0x140B0] =	vst v15  }
0x21f: {  	v20 =	vld [tilespmem:s1+$0x54B0];
	vm15 =	vgt.s32 v10, $0x0;
	v19 =	vsel vm14, v1, v0;
	[tilespmem:s1+$0x140C0] =	vst v17  }
0x220: {  	v22 =	vld [tilespmem:s1+$0x54C0];
	vm4 =	vgt.s32 v12, $0x0;
	v21 =	vsel vm15, v1, v0;
	[tilespmem:s1+$0x140D0] =	vst v19  }
0x221: {  	v24 =	vld [tilespmem:s1+$0x54D0];
	vm5 =	vgt.s32 v14, $0x0;
	v23 =	vsel vm4, v1, v0;
	[tilespmem:s1+$0x140E0] =	vst v21  }
0x222: {  	v26 =	vld [tilespmem:s1+$0x54E0];
	vm6 =	vgt.s32 v16, $0x0;
	v25 =	vsel vm5, v1, v0;
	[tilespmem:s1+$0x140F0] =	vst v23  }
0x223: {  	v28 =	vld [tilespmem:s1+$0x54F0];
	vm7 =	vgt.s32 v18, $0x0;
	v27 =	vsel vm6, v1, v0;
	[tilespmem:s1+$0x14480] =	vst v25  }
0x224: {  	v30 =	vld [tilespmem:s1+$0x5880];
	vm8 =	vgt.s32 v20, $0x0;
	v29 =	vsel vm7, v1, v0;
	[tilespmem:s1+$0x14490] =	vst v27  }
0x225: {  	v32 =	vld [tilespmem:s1+$0x5890];
	v31 =	vsel vm8, v1, v0;
	vm9 =	vgt.s32 v22, $0x0;
	[tilespmem:s1+$0x144A0] =	vst v29  }
0x226: {  	v34 =	vld [tilespmem:s1+$0x58A0];
	vm10 =	vgt.s32 v24, $0x0;
	[tilespmem:s1+$0x144B0] =	vst v31;
	v33 =	vsel vm9, v1, v0  }
0x227: {  	v36 =	vld [tilespmem:s1+$0x58B0];
	vm11 =	vgt.s32 v26, $0x0;
	v35 =	vsel vm10, v1, v0;
	[tilespmem:s1+$0x144C0] =	vst v33  }
0x228: {  	v38 =	vld [tilespmem:s1+$0x58C0];
	vm12 =	vgt.s32 v28, $0x0;
	v37 =	vsel vm11, v1, v0;
	[tilespmem:s1+$0x144D0] =	vst v35  }
0x229: {  	v40 =	vld [tilespmem:s1+$0x58D0];
	vm13 =	vgt.s32 v30, $0x0;
	v39 =	vsel vm12, v1, v0;
	[tilespmem:s1+$0x144E0] =	vst v37  }
0x22a: {  	v42 =	vld [tilespmem:s1+$0x58E0];
	vm14 =	vgt.s32 v32, $0x0;
	v41 =	vsel vm13, v1, v0;
	[tilespmem:s1+$0x144F0] =	vst v39  }
0x22b: {  	v44 =	vld [tilespmem:s1+$0x58F0];
	vm15 =	vgt.s32 v34, $0x0;
	v43 =	vsel vm14, v1, v0;
	[tilespmem:s1+$0x14880] =	vst v41  }
0x22c: {  	v46 =	vld [tilespmem:s1+$0x5C80];
	vm4 =	vgt.s32 v36, $0x0;
	v45 =	vsel vm15, v1, v0;
	[tilespmem:s1+$0x14890] =	vst v43  }
0x22d: {  	v48 =	vld [tilespmem:s1+$0x5C90];
	vm5 =	vgt.s32 v38, $0x0;
	v47 =	vsel vm4, v1, v0;
	[tilespmem:s1+$0x148A0] =	vst v45  }
0x22e: {  	v50 =	vld [tilespmem:s1+$0x5CA0];
	vm6 =	vgt.s32 v40, $0x0;
	v49 =	vsel vm5, v1, v0;
	[tilespmem:s1+$0x148B0] =	vst v47  }
0x22f: {  	v52 =	vld [tilespmem:s1+$0x5CB0];
	vm7 =	vgt.s32 v42, $0x0;
	v51 =	vsel vm6, v1, v0;
	[tilespmem:s1+$0x148C0] =	vst v49  }
0x230: {  	v54 =	vld [tilespmem:s1+$0x5CC0];
	vm8 =	vgt.s32 v44, $0x0;
	v53 =	vsel vm7, v1, v0;
	[tilespmem:s1+$0x148D0] =	vst v51  }
0x231: {  	v56 =	vld [tilespmem:s1+$0x5CD0];
	v55 =	vsel vm8, v1, v0;
	vm9 =	vgt.s32 v46, $0x0;
	[tilespmem:s1+$0x148E0] =	vst v53  }
0x232: {  	v58 =	vld [tilespmem:s1+$0x5CE0];
	vm10 =	vgt.s32 v48, $0x0;
	[tilespmem:s1+$0x148F0] =	vst v55;
	v57 =	vsel vm9, v1, v0  }
0x233: {  	vm11 =	vgt.s32 v50, $0x0;
	v59 =	vsel vm10, v1, v0;
	[tilespmem:s1+$0x14C80] =	vst v57  }
0x234: {  	vm12 =	vgt.s32 v52, $0x0;
	v3 =	vsel vm11, v1, v0;
	[tilespmem:s1+$0x14C90] =	vst v59  }
0x235: {  	vm13 =	vgt.s32 v54, $0x0;
	v60 =	vsel vm12, v1, v0;
	[tilespmem:s1+$0x14CA0] =	vst v3  }
0x236: {  	v61 =	vsel vm13, v1, v0;
	vm14 =	vgt.s32 v56, $0x0;
	[tilespmem:s1+$0x14CB0] =	vst v60  }
0x237: {  	[tilespmem:s1+$0x14CC0] =	vst v61;
	v62 =	vsel vm14, v1, v0;
	vm15 =	vgt.s32 v58, $0x0  }
0x238: {  	[tilespmem:s1+$0x14CD0] =	vst v62;
	v63 =	vsel vm15, v1, v0  }
0x239: {  	[tilespmem:s1+$0x14CE0] =	vst v63  }
0x23a: {  	[hbm4b:s13+s16] =	stream.strided.scatter [tilespmem:s24], [sflag:$0x5], $0x5000, s17, s16, $0x38;
	[tilespmem:$0x1E080] =	vst v63  }
0x23b: {  	_ =	swait.ge [sflag:s30], $0x5000  }
0x23c: {  	[sflag:s30] =	ssyncset.done $0x0  }
0x23d: {  	s31 =	sadd.s32 $0x1, s31;
	[sflag:s30] =	ssyncadd.s32 $0xFFFFB000  }
0x23e: {  	p0 =	sne.s32 s31, s14;
	_ =	swait.ge [sflag:s28], $0x5000  }
.Ltmp5:
0x23f: {  	[sflag:s28] =	ssyncset.done $0x0;
	(pc) =	sbr.rel @p0 .LBB2_1-.Ltmp5, $4  }
0x240: {  	[sflag:s28] =	ssyncadd.s32 $0xFFFFB000  }
0x241: {  	_ =	swait.ge [sflag:s29], $0x5000  }
0x242: {  	[sflag:s29] =	ssyncset.done $0x0  }
0x243: {  	[sflag:s29] =	ssyncadd.s32 $0xFFFFB000  }
0x244: {  	_ =	sfence.sel $0x180000  }
0x245: {  	[bflag:$0x0] =	sbarrier.arrive $0xFFFF  }
0x246: {  	_ =	strace $0x90000047  }
0x247: {  	s0 =	stileid.u32;
	[bflag:$0x2] =	sbarrier.arrive $0xFFFF  }
0x248: {  	p0 =	sne.s32 s0, $0x0;
	s0 =	rddreg [dreg:$0x3]  }
0x249: {  	s0 =	sadd.s32 @!p0 $0x100000, s0  }
0x24a: {  	[sflag:s0] =	ssyncadd.tile.s32 @!p0 $0x1;
	_ =	shalt  }
.Lfunc_end2:
_tile_overlayer_lowered:
.L_overlay_start_2:
0x24b: {  	(tag) =	ssettag $0x2  }
0x24c: {  	s0 =	rddreg [dreg:$0x0];
	s2 =	stileid.u32  }
0x24d: {  	s1 =	rddreg [dreg:$0x1];
	p0 =	sne.s32 s2, $0x0  }
0x24e: {  	s3 =	rddreg [dreg:$0x2];
	[bflag:$0x3] =	sbarrier.arrive $0xFFFF;
	s2 =	simm.s32 @!p0 $0x1C07  }
0x24f: {  	[timem:s3], [sflag:s2] =	dma.local @!p0 [hbm:s0], s1  }
0x250: {  	s0 =	simm.s32 @!p0 $0x7  }
0x251: {  	_ =	swait.ge @!p0 [sflag:s0], s1  }
0x252: {  	s1 =	ssub.s32 @!p0 $0x0, s1;
	[sflag:s0] =	ssyncset.done @!p0 $0x0  }
0x253: {  	[sflag:s0] =	ssyncadd.s32 @!p0 s1  }
0x254: {  	[bflag:$0x3] =	sbarrier.arrive $0xFFFF  }
0x255: {  	_ =	shalt  }

</sc_bundles>
